<compile_context>
chip_gen: v7x
topology: tpu7x:2x2x1
jax: 0.10.2.dev20260603
libtpu: 0.0.44.dev20260713+nightly
codegen_flags: <defaults>
</compile_context>

<pallas_src>
import jax
import jax.numpy as jnp
from jax import lax
from jax.experimental import pallas as pl
from jax.experimental.pallas import tpu as pltpu
from jax.experimental.pallas import tpu_sc as plsc

N = 5000
LANES = 16
NSUB = 16
TPW = 320
PAD = NSUB * TPW
VPT = TPW // LANES
NOUT = 100
IMG_SIZE = 1000.0
SCORE_THRESH = 0.05
NMS_THRESH = 0.5
ALIVE = 0x40000000
BIGI = 1 << 30
K = 8


def _body(bxh, sch, clh, outh, commh,
          vbox, vsc0, vcl0,
          cx1, cy1, cx2, cy2, vcf,
          ox1, oy1, ox2, oy2, var, vef,
          kful, fful,
          skey, sfil, sx1, sy1, sx2, sy2, sar,
          vrow, vtmp, vall, vout):
    cid = lax.axis_index("c")
    sid = lax.axis_index("s")

    @pl.when(cid == 0)
    def _run():
        iota = lax.broadcasted_iota(jnp.int32, (LANES,), 0)
        base = sid * TPW

        pltpu.sync_copy(bxh, vbox)
        pltpu.sync_copy(sch, vsc0)
        pltpu.sync_copy(clh, vcl0)

        def setup(i, _):
            s = i * LANES
            idxv = s + iota
            real = idxv < N
            idc = jnp.minimum(idxv, N - 1)
            id4 = idc * 4
            a1 = plsc.load_gather(vbox, [id4])
            b1 = plsc.load_gather(vbox, [id4 + 1])
            a2 = plsc.load_gather(vbox, [id4 + 2])
            b2 = plsc.load_gather(vbox, [id4 + 3])
            sv = plsc.load_gather(vsc0, [idc])
            cv = plsc.load_gather(vcl0, [idc]).astype(jnp.float32)
            a1 = jnp.minimum(jnp.maximum(a1, 0.0), IMG_SIZE)
            b1 = jnp.minimum(jnp.maximum(b1, 0.0), IMG_SIZE)
            a2 = jnp.minimum(jnp.maximum(a2, 0.0), IMG_SIZE)
            b2 = jnp.minimum(jnp.maximum(b2, 0.0), IMG_SIZE)
            plsc.store_scatter(cx1, [idxv], a1)
            plsc.store_scatter(cy1, [idxv], b1)
            plsc.store_scatter(cx2, [idxv], a2)
            plsc.store_scatter(cy2, [idxv], b2)
            plsc.store_scatter(vcf, [idxv], cv)
            valid = ((a2 - a1 >= 0.01) & (b2 - b1 >= 0.01)
                     & (sv > SCORE_THRESH) & real)
            ef = jnp.where(valid, sv, -1.0)
            plsc.store_scatter(vef, [idxv], ef)
            off = cv * (IMG_SIZE + 1.0)
            o1 = a1 + off
            p1 = b1 + off
            o2 = a2 + off
            p2 = b2 + off
            plsc.store_scatter(ox1, [idxv], o1)
            plsc.store_scatter(oy1, [idxv], p1)
            plsc.store_scatter(ox2, [idxv], o2)
            plsc.store_scatter(oy2, [idxv], p2)
            plsc.store_scatter(var, [idxv], (o2 - o1) * (p2 - p1))
            bits = plsc.bitcast(ef, jnp.int32)
            fill = jnp.where(ef > 0.0, bits, 0)
            fill = jnp.where(real, fill, -1)
            key = jnp.where(valid, bits + ALIVE, fill)
            plsc.store_scatter(kful, [idxv], key)
            plsc.store_scatter(fful, [idxv], fill)
            return 0

        lax.fori_loop(0, PAD // LANES, setup, 0)

        def mkslice(j, _):
            idxv = base + j * LANES + iota
            dst = [j * LANES + iota]
            plsc.store_scatter(skey, dst, plsc.load_gather(kful, [idxv]))
            plsc.store_scatter(sfil, dst, plsc.load_gather(fful, [idxv]))
            plsc.store_scatter(sx1, dst, plsc.load_gather(ox1, [idxv]))
            plsc.store_scatter(sy1, dst, plsc.load_gather(oy1, [idxv]))
            plsc.store_scatter(sx2, dst, plsc.load_gather(ox2, [idxv]))
            plsc.store_scatter(sy2, dst, plsc.load_gather(oy2, [idxv]))
            plsc.store_scatter(sar, dst, plsc.load_gather(var, [idxv]))
            return 0

        lax.fori_loop(0, VPT, mkslice, 0)

        neg5 = jnp.full((LANES,), -5, jnp.int32)
        lane0 = iota == 0

        def round_body(carry):
            t0, r = carry
            pkv = jnp.full((LANES,), 0, jnp.int32)
            piv = jnp.full((LANES,), 0, jnp.int32)
            for kk in range(K):
                m = jnp.full((LANES,), -(2 ** 31 - 1) - 1, jnp.int32)
                mi = jnp.full((LANES,), 0, jnp.int32)
                for j in range(VPT):
                    k = skey[pl.ds(j * LANES, LANES)]
                    pred = k > m
                    m = jnp.where(pred, k, m)
                    mi = jnp.where(pred, iota + (j * LANES), mi)
                mm = jnp.max(m)
                li = jnp.min(jnp.where(m == mm, mi, BIGI))
                pkv = jnp.where(iota == kk, mm, pkv)
                piv = jnp.where(iota == kk, li, piv)
                plsc.store_scatter(skey, [jnp.broadcast_to(li, (LANES,))],
                                   neg5, mask=lane0)
            plsc.store_scatter(skey, [piv], pkv, mask=iota < K)
            vtmp[...] = piv
            pish = plsc.load_gather(vtmp, [jnp.maximum(iota - K, 0)]) + base
            vrow[...] = jnp.where(iota < K, pkv, pish)
            par = lax.rem(r, 2)
            pltpu.sync_copy(vrow, commh.at[par, sid])
            plsc.subcore_barrier()
            pltpu.sync_copy(commh.at[par], vall)
            pk = [plsc.load_gather(vall, [iota, jnp.full((LANES,), j, jnp.int32)])
                  for j in range(K)]
            pi = [plsc.load_gather(vall, [iota, jnp.full((LANES,), j + K, jnp.int32)])
                  for j in range(K)]
            pf = [plsc.load_gather(fful, [pi[j]]) for j in range(K)]
            px1 = [plsc.load_gather(ox1, [pi[j]]) for j in range(K)]
            py1 = [plsc.load_gather(oy1, [pi[j]]) for j in range(K)]
            px2 = [plsc.load_gather(ox2, [pi[j]]) for j in range(K)]
            py2 = [plsc.load_gather(oy2, [pi[j]]) for j in range(K)]
            par_ = [plsc.load_gather(var, [pi[j]]) for j in range(K)]
            bound = jnp.max(pk[K - 1])

            def sim_cond(c):
                return c[2]

            def sim_body(c):
                t, it, go = c[0], c[1], c[2]
                kcur = list(c[3:])
                m = kcur[0]
                for j in range(1, K):
                    m = jnp.maximum(m, kcur[j])
                mm = jnp.max(m)
                cand = jnp.full((LANES,), BIGI, jnp.int32)
                for j in range(K):
                    cand = jnp.minimum(cand,
                                       jnp.where(kcur[j] == mm, pi[j], BIGI))
                gw = jnp.min(cand)
                safe = (it == 0) | (mm > bound)
                kept = mm >= ALIVE
                safev = jnp.broadcast_to(safe, (LANES,))
                keptv = jnp.broadcast_to(kept, (LANES,)) & safev
                gwv = jnp.broadcast_to(gw, (LANES,))

                bx1 = plsc.load_gather(ox1, [gwv])
                by1 = plsc.load_gather(oy1, [gwv])
                bx2 = plsc.load_gather(ox2, [gwv])
                by2 = plsc.load_gather(oy2, [gwv])
                aw = plsc.load_gather(var, [gwv])

                knew = []
                for j in range(K):
                    xx1 = jnp.maximum(bx1, px1[j])
                    yy1 = jnp.maximum(by1, py1[j])
                    xx2 = jnp.minimum(bx2, px2[j])
                    yy2 = jnp.minimum(by2, py2[j])
                    w = jnp.maximum(xx2 - xx1, 0.0)
                    h = jnp.maximum(yy2 - yy1, 0.0)
                    inter = w * h
                    iou = inter / (aw + par_[j] - inter + 1e-9)
                    sup = keptv & (iou > NMS_THRESH) & (kcur[j] >= ALIVE)
                    kj = jnp.where(sup, pf[j], kcur[j])
                    kj = jnp.where(safev & (pi[j] == gw), -5, kj)
                    knew.append(kj)

                loc = gw - base
                owned = (loc >= 0) & (loc < TPW) & safe
                locc = jnp.minimum(jnp.maximum(loc, 0), TPW - 1)
                plsc.store_scatter(skey, [jnp.broadcast_to(locc, (LANES,))],
                                   neg5, mask=lane0 & owned)

                for j in range(VPT):
                    sl = pl.ds(j * LANES, LANES)
                    k = skey[sl]
                    xx1 = jnp.maximum(bx1, sx1[sl])
                    yy1 = jnp.maximum(by1, sy1[sl])
                    xx2 = jnp.minimum(bx2, sx2[sl])
                    yy2 = jnp.minimum(by2, sy2[sl])
                    w = jnp.maximum(xx2 - xx1, 0.0)
                    h = jnp.maximum(yy2 - yy1, 0.0)
                    inter = w * h
                    iou = inter / (aw + sar[sl] - inter + 1e-9)
                    sup = keptv & (iou > NMS_THRESH) & (k >= ALIVE)
                    skey[sl] = jnp.where(sup, sfil[sl], k)

                @pl.when(sid == 0)
                def _emit():
                    wx1 = plsc.load_gather(cx1, [gwv])
                    wy1 = plsc.load_gather(cy1, [gwv])
                    wx2 = plsc.load_gather(cx2, [gwv])
                    wy2 = plsc.load_gather(cy2, [gwv])
                    wef = plsc.load_gather(vef, [gwv])
                    wcl = plsc.load_gather(vcf, [gwv])
                    scv = jnp.where(keptv, wef, -1.0)
                    w6 = jnp.where(iota == 0, wx1,
                         jnp.where(iota == 1, wy1,
                         jnp.where(iota == 2, wx2,
                         jnp.where(iota == 3, wy2,
                         jnp.where(iota == 4, scv, wcl)))))
                    plsc.store_scatter(vout,
                                       [jnp.broadcast_to(t, (LANES,)), iota],
                                       w6, mask=(iota < 6) & safev)

                t1 = jnp.where(safe, t + 1, t)
                go1 = safe & (t1 < NOUT)
                return (t1, it + 1, go1) + tuple(knew)

            fin = lax.while_loop(sim_cond, sim_body,
                                 (t0, jnp.int32(0), t0 < NOUT) + tuple(pk))
            return (fin[0], r + 1)

        lax.while_loop(lambda c: c[0] < NOUT, round_body,
                       (jnp.int32(0), jnp.int32(0)))

        @pl.when(sid == 0)
        def _flush():
            pltpu.sync_copy(vout, outh)


def _make_call():
    mesh = plsc.VectorSubcoreMesh(core_axis_name="c", subcore_axis_name="s",
                                  num_cores=1)
    f32 = jnp.float32
    i32 = jnp.int32
    return pl.kernel(
        _body,
        mesh=mesh,
        compiler_params=pltpu.CompilerParams(needs_layout_passes=False),
        out_type=(jax.ShapeDtypeStruct((NOUT, LANES), f32),
                  jax.ShapeDtypeStruct((2, LANES, LANES), i32)),
        scratch_types=[
            pltpu.VMEM((4 * N,), f32),
            pltpu.VMEM((N,), f32),
            pltpu.VMEM((N,), i32),
            pltpu.VMEM((PAD,), f32),
            pltpu.VMEM((PAD,), f32),
            pltpu.VMEM((PAD,), f32),
            pltpu.VMEM((PAD,), f32),
            pltpu.VMEM((PAD,), f32),
            pltpu.VMEM((PAD,), f32),
            pltpu.VMEM((PAD,), f32),
            pltpu.VMEM((PAD,), f32),
            pltpu.VMEM((PAD,), f32),
            pltpu.VMEM((PAD,), f32),
            pltpu.VMEM((PAD,), f32),
            pltpu.VMEM((PAD,), i32),
            pltpu.VMEM((PAD,), i32),
            pltpu.VMEM((TPW,), i32),
            pltpu.VMEM((TPW,), i32),
            pltpu.VMEM((TPW,), f32),
            pltpu.VMEM((TPW,), f32),
            pltpu.VMEM((TPW,), f32),
            pltpu.VMEM((TPW,), f32),
            pltpu.VMEM((TPW,), f32),
            pltpu.VMEM((LANES,), i32),
            pltpu.VMEM((LANES,), i32),
            pltpu.VMEM((LANES, LANES), i32),
            pltpu.VMEM((NOUT, LANES), f32),
        ],
    )


_sc_nms = _make_call()


@jax.jit
def kernel(boxes, scores, classes):
    out, _ = _sc_nms(boxes.reshape(-1), scores, classes.astype(jnp.int32))
    return out[:, :6]

# --- scband reference (transcript-rebuilt; emitter-appended) ---
"""Pipeline reference for scband-diff-ps-15564961481544 (READ-ONLY COPY).

The authoritative reference and input builder live on the scoring server;
editing this copy changes nothing except your own understanding.
"""

import jax, jax.numpy as jnp
import numpy as np

SCORE_THRESH = 0.05
NMS_THRESH = 0.5
DETECTIONS_PER_IMG = 100
IMG_SIZE = 1000.0
NUM_CLASSES = 80


def setup_inputs(seed: int = 0) -> dict:
    key = jax.random.key(seed)
    k1, k2, k3, k4 = jax.random.split(key, 4)
    N = 5000
    xy = jax.random.uniform(k1, (N, 2), dtype=jnp.float32) * (IMG_SIZE - 150.0)
    wh = jax.random.uniform(k2, (N, 2), dtype=jnp.float32) * 120.0 + 4.0
    boxes = jnp.concatenate([xy, xy + wh], axis=-1)
    scores = jax.random.uniform(k3, (N,), dtype=jnp.float32)
    classes = jax.random.randint(k4, (N,), 0, NUM_CLASSES)
    return {"boxes": boxes, "scores": scores, "classes": classes}


def _nms_keep(b, keep_init):
    n = b.shape[0]
    areas = (b[:, 2] - b[:, 0]) * (b[:, 3] - b[:, 1])
    idx = jnp.arange(n)

    def body(i, keep):
        xx1 = jnp.maximum(b[i, 0], b[:, 0])
        yy1 = jnp.maximum(b[i, 1], b[:, 1])
        xx2 = jnp.minimum(b[i, 2], b[:, 2])
        yy2 = jnp.minimum(b[i, 3], b[:, 3])
        w = jnp.maximum(xx2 - xx1, 0.0)
        h = jnp.maximum(yy2 - yy1, 0.0)
        inter = w * h
        iou = inter / (areas[i] + areas - inter + 1e-9)
        suppress = (iou > NMS_THRESH) & (idx > i) & keep[i]
        return keep & (~suppress)

    return jax.lax.fori_loop(0, n, body, keep_init)


def reference(boxes, scores, classes):
    # clip_boxes_to_image
    boxes = jnp.clip(boxes, 0.0, IMG_SIZE)
    # remove_small_boxes + score threshold (evaluation path of postprocess)
    ws = boxes[:, 2] - boxes[:, 0]
    hs = boxes[:, 3] - boxes[:, 1]
    valid = (ws >= 0.01) & (hs >= 0.01) & (scores > SCORE_THRESH)
    eff = jnp.where(valid, scores, -1.0)
    # sort by descending score
    order = jnp.argsort(-eff)
    b_sorted = boxes[order]
    s_sorted = eff[order]
    c_sorted = classes[order]
    # batched (class-aware) NMS via per-class coordinate offset
    offs = c_sorted.astype(boxes.dtype)[:, None] * (IMG_SIZE + 1.0)
    b_off = b_sorted + offs
    keep_init = s_sorted > 0.0
    keep = _nms_keep(b_off, keep_init)
    final = jnp.where(keep, s_sorted, -1.0)
    # keep = keep[:detections_per_img]
    top_scores, top_idx = jax.lax.top_k(final, DETECTIONS_PER_IMG)
    top_boxes = b_sorted[top_idx]
    top_classes = c_sorted[top_idx]
    out = jnp.concatenate([top_boxes, top_scores[:, None], top_classes.astype(boxes.dtype)[:, None]], axis=-1)
    return out

if __name__ == "__main__":
    import jax
    _d = setup_inputs()
    print(jax.jit(kernel)(*tuple(_d.values())))

</pallas_src>

<mosaic_0001>
#map = affine_map<(d0, d1) -> (0)>
#map1 = affine_map<(d0, d1) -> (0, 0)>
#map2 = affine_map<(d0, d1) -> (0, 0, 0)>
module attributes {stable_mosaic.version = 14 : i64} {
  func.func @_body(%arg0: i32, %arg1: i32, %arg2: memref<20000xf32, #tpu.memory_space<hbm>>, %arg3: memref<5000xf32, #tpu.memory_space<hbm>>, %arg4: memref<5000xi32, #tpu.memory_space<hbm>>, %arg5: memref<100x16xf32, #tpu.memory_space<hbm>>, %arg6: memref<2x16x16xi32, #tpu.memory_space<hbm>>, %arg7: memref<20000xf32, #tpu.memory_space<vmem>>, %arg8: memref<5000xf32, #tpu.memory_space<vmem>>, %arg9: memref<5000xi32, #tpu.memory_space<vmem>>, %arg10: memref<5120xf32, #tpu.memory_space<vmem>>, %arg11: memref<5120xf32, #tpu.memory_space<vmem>>, %arg12: memref<5120xf32, #tpu.memory_space<vmem>>, %arg13: memref<5120xf32, #tpu.memory_space<vmem>>, %arg14: memref<5120xf32, #tpu.memory_space<vmem>>, %arg15: memref<5120xf32, #tpu.memory_space<vmem>>, %arg16: memref<5120xf32, #tpu.memory_space<vmem>>, %arg17: memref<5120xf32, #tpu.memory_space<vmem>>, %arg18: memref<5120xf32, #tpu.memory_space<vmem>>, %arg19: memref<5120xf32, #tpu.memory_space<vmem>>, %arg20: memref<5120xf32, #tpu.memory_space<vmem>>, %arg21: memref<5120xi32, #tpu.memory_space<vmem>>, %arg22: memref<5120xi32, #tpu.memory_space<vmem>>, %arg23: memref<320xi32, #tpu.memory_space<vmem>>, %arg24: memref<320xi32, #tpu.memory_space<vmem>>, %arg25: memref<320xf32, #tpu.memory_space<vmem>>, %arg26: memref<320xf32, #tpu.memory_space<vmem>>, %arg27: memref<320xf32, #tpu.memory_space<vmem>>, %arg28: memref<320xf32, #tpu.memory_space<vmem>>, %arg29: memref<320xf32, #tpu.memory_space<vmem>>, %arg30: memref<16xi32, #tpu.memory_space<vmem>>, %arg31: memref<16xi32, #tpu.memory_space<vmem>>, %arg32: memref<16x16xi32, #tpu.memory_space<vmem>>, %arg33: memref<100x16xf32, #tpu.memory_space<vmem>>) attributes {dimension_semantics = [#tpu.dimension_semantics<core_parallel>, #tpu.dimension_semantics<subcore_parallel>], iteration_bounds = array<i64: 1, 16>, scalar_prefetch = 0 : i64, scratch_operands = 27 : i64, tpu.core_type = #tpu.core_type<sc_vector_subcore>, window_params = [{transform_indices = #map}, {transform_indices = #map}, {transform_indices = #map}, {transform_indices = #map1}, {transform_indices = #map2}]} {
    %eq3A = arith.constant 0 : i32
    %eq3A_0 = arith.cmpi eq, %arg0, %eq3A : i32
    %convert_element_type3A = arith.extui %eq3A_0 : i1 to i32
    %cond3A = arith.constant 0 : i32
    %cond3A_1 = arith.cmpi ne, %convert_element_type3A, %cond3A : i32
    scf.if %cond3A_1 {
      %iota3A = tpu.iota {dimensions = array<i32: 0>} : vector<16xi32>
      %mul3A = arith.constant 320 : i32
      %mul3A_2 = arith.muli %arg1, %mul3A : i32
      "tpu.region"() ({
        %run_scoped3A = tpu.sem_alloc : memref<!tpu.dma_semaphore, #tpu.memory_space<semaphore_mem>>
        tpu.enqueue_dma source(%arg2 : memref<20000xf32, #tpu.memory_space<hbm>>) target(%arg7 : memref<20000xf32, #tpu.memory_space<vmem>>) target_semaphore(%run_scoped3A : memref<!tpu.dma_semaphore, #tpu.memory_space<semaphore_mem>>)
        tpu.wait_dma2 semaphore(%run_scoped3A : memref<!tpu.dma_semaphore, #tpu.memory_space<semaphore_mem>>) src(%arg2 : memref<20000xf32, #tpu.memory_space<hbm>>) dst(%arg7 : memref<20000xf32, #tpu.memory_space<vmem>>)
        tpu.yield
      }) : () -> ()
      "tpu.region"() ({
        %run_scoped3A = tpu.sem_alloc : memref<!tpu.dma_semaphore, #tpu.memory_space<semaphore_mem>>
        tpu.enqueue_dma source(%arg3 : memref<5000xf32, #tpu.memory_space<hbm>>) target(%arg8 : memref<5000xf32, #tpu.memory_space<vmem>>) target_semaphore(%run_scoped3A : memref<!tpu.dma_semaphore, #tpu.memory_space<semaphore_mem>>)
        tpu.wait_dma2 semaphore(%run_scoped3A : memref<!tpu.dma_semaphore, #tpu.memory_space<semaphore_mem>>) src(%arg3 : memref<5000xf32, #tpu.memory_space<hbm>>) dst(%arg8 : memref<5000xf32, #tpu.memory_space<vmem>>)
        tpu.yield
      }) : () -> ()
      "tpu.region"() ({
        %run_scoped3A = tpu.sem_alloc : memref<!tpu.dma_semaphore, #tpu.memory_space<semaphore_mem>>
        tpu.enqueue_dma source(%arg4 : memref<5000xi32, #tpu.memory_space<hbm>>) target(%arg9 : memref<5000xi32, #tpu.memory_space<vmem>>) target_semaphore(%run_scoped3A : memref<!tpu.dma_semaphore, #tpu.memory_space<semaphore_mem>>)
        tpu.wait_dma2 semaphore(%run_scoped3A : memref<!tpu.dma_semaphore, #tpu.memory_space<semaphore_mem>>) src(%arg4 : memref<5000xi32, #tpu.memory_space<hbm>>) dst(%arg9 : memref<5000xi32, #tpu.memory_space<vmem>>)
        tpu.yield
      }) : () -> ()
      %scan3A = arith.constant 0 : i32
      %scan3A_3 = arith.constant 0 : i32
      %scan3A_4 = arith.constant 320 : i32
      %scan3A_5 = arith.addi %scan3A_3, %scan3A_4 : i32
      %scan3A_6 = arith.constant 1 : i32
      %scan3A_7 = scf.for %scan3A_27 = %scan3A_3 to %scan3A_5 step %scan3A_6 iter_args(%scan3A_28 = %scan3A) -> (i32)  : i32 {
        %mul3A_29 = arith.constant 16 : i32
        %mul3A_30 = arith.muli %scan3A_27, %mul3A_29 : i32
        %add3A = vector.broadcast %mul3A_30 : i32 to vector<16xi32>
        %add3A_31 = arith.addi %add3A, %iota3A : vector<16xi32>
        %lt3A = arith.constant 5000 : i32
        %lt3A_32 = vector.broadcast %lt3A : i32 to vector<16xi32>
        %lt3A_33 = arith.cmpi slt, %add3A_31, %lt3A_32 : vector<16xi32>
        %min3A = arith.constant 4999 : i32
        %min3A_34 = vector.broadcast %min3A : i32 to vector<16xi32>
        %min3A_35 = arith.minsi %add3A_31, %min3A_34 : vector<16xi32>
        %mul3A_36 = arith.constant 4 : i32
        %mul3A_37 = vector.broadcast %mul3A_36 : i32 to vector<16xi32>
        %mul3A_38 = arith.muli %min3A_35, %mul3A_37 : vector<16xi32>
        %gather3A = tpu.vector_load_idx %arg7[%mul3A_38] : memref<20000xf32, #tpu.memory_space<vmem>>[vector<16xi32>], vector<16xf32>,
        %add3A_39 = arith.constant 1 : i32
        %add3A_40 = vector.broadcast %add3A_39 : i32 to vector<16xi32>
        %add3A_41 = arith.addi %mul3A_38, %add3A_40 : vector<16xi32>
        %gather3A_42 = tpu.vector_load_idx %arg7[%add3A_41] : memref<20000xf32, #tpu.memory_space<vmem>>[vector<16xi32>], vector<16xf32>,
        %add3A_43 = arith.constant 2 : i32
        %add3A_44 = vector.broadcast %add3A_43 : i32 to vector<16xi32>
        %add3A_45 = arith.addi %mul3A_38, %add3A_44 : vector<16xi32>
        %gather3A_46 = tpu.vector_load_idx %arg7[%add3A_45] : memref<20000xf32, #tpu.memory_space<vmem>>[vector<16xi32>], vector<16xf32>,
        %add3A_47 = arith.constant 3 : i32
        %add3A_48 = vector.broadcast %add3A_47 : i32 to vector<16xi32>
        %add3A_49 = arith.addi %mul3A_38, %add3A_48 : vector<16xi32>
        %gather3A_50 = tpu.vector_load_idx %arg7[%add3A_49] : memref<20000xf32, #tpu.memory_space<vmem>>[vector<16xi32>], vector<16xf32>,
        %gather3A_51 = tpu.vector_load_idx %arg8[%min3A_35] : memref<5000xf32, #tpu.memory_space<vmem>>[vector<16xi32>], vector<16xf32>,
        %gather3A_52 = tpu.vector_load_idx %arg9[%min3A_35] : memref<5000xi32, #tpu.memory_space<vmem>>[vector<16xi32>], vector<16xi32>,
        %convert_element_type3A_53 = arith.sitofp %gather3A_52 : vector<16xi32> to vector<16xf32>
        %max3A = arith.constant 0.000000e+00 : f32
        %max3A_54 = vector.broadcast %max3A : f32 to vector<16xf32>
        %max3A_55 = arith.maximumf %gather3A, %max3A_54 : vector<16xf32>
        %min3A_56 = arith.constant 1.000000e+03 : f32
        %min3A_57 = vector.broadcast %min3A_56 : f32 to vector<16xf32>
        %min3A_58 = arith.minimumf %max3A_55, %min3A_57 : vector<16xf32>
        %max3A_59 = arith.constant 0.000000e+00 : f32
        %max3A_60 = vector.broadcast %max3A_59 : f32 to vector<16xf32>
        %max3A_61 = arith.maximumf %gather3A_42, %max3A_60 : vector<16xf32>
        %min3A_62 = arith.constant 1.000000e+03 : f32
        %min3A_63 = vector.broadcast %min3A_62 : f32 to vector<16xf32>
        %min3A_64 = arith.minimumf %max3A_61, %min3A_63 : vector<16xf32>
        %max3A_65 = arith.constant 0.000000e+00 : f32
        %max3A_66 = vector.broadcast %max3A_65 : f32 to vector<16xf32>
        %max3A_67 = arith.maximumf %gather3A_46, %max3A_66 : vector<16xf32>
        %min3A_68 = arith.constant 1.000000e+03 : f32
        %min3A_69 = vector.broadcast %min3A_68 : f32 to vector<16xf32>
        %min3A_70 = arith.minimumf %max3A_67, %min3A_69 : vector<16xf32>
        %max3A_71 = arith.constant 0.000000e+00 : f32
        %max3A_72 = vector.broadcast %max3A_71 : f32 to vector<16xf32>
        %max3A_73 = arith.maximumf %gather3A_50, %max3A_72 : vector<16xf32>
        %min3A_74 = arith.constant 1.000000e+03 : f32
        %min3A_75 = vector.broadcast %min3A_74 : f32 to vector<16xf32>
        %min3A_76 = arith.minimumf %max3A_73, %min3A_75 : vector<16xf32>
        tpu.vector_store_idx %arg10[%add3A_31], %min3A_58 : memref<5120xf32, #tpu.memory_space<vmem>>[vector<16xi32>], vector<16xf32>,
        tpu.vector_store_idx %arg11[%add3A_31], %min3A_64 : memref<5120xf32, #tpu.memory_space<vmem>>[vector<16xi32>], vector<16xf32>,
        tpu.vector_store_idx %arg12[%add3A_31], %min3A_70 : memref<5120xf32, #tpu.memory_space<vmem>>[vector<16xi32>], vector<16xf32>,
        tpu.vector_store_idx %arg13[%add3A_31], %min3A_76 : memref<5120xf32, #tpu.memory_space<vmem>>[vector<16xi32>], vector<16xf32>,
        tpu.vector_store_idx %arg14[%add3A_31], %convert_element_type3A_53 : memref<5120xf32, #tpu.memory_space<vmem>>[vector<16xi32>], vector<16xf32>,
        %sub3A = arith.subf %min3A_70, %min3A_58 : vector<16xf32>
        %ge3A = arith.constant 0.00999999977 : f32
        %ge3A_77 = vector.broadcast %ge3A : f32 to vector<16xf32>
        %ge3A_78 = arith.cmpf oge, %sub3A, %ge3A_77 : vector<16xf32>
        %sub3A_79 = arith.subf %min3A_76, %min3A_64 : vector<16xf32>
        %ge3A_80 = arith.constant 0.00999999977 : f32
        %ge3A_81 = vector.broadcast %ge3A_80 : f32 to vector<16xf32>
        %ge3A_82 = arith.cmpf oge, %sub3A_79, %ge3A_81 : vector<16xf32>
        %and3A = arith.andi %ge3A_78, %ge3A_82 : vector<16xi1>
        %gt3A = arith.constant 5.000000e-02 : f32
        %gt3A_83 = vector.broadcast %gt3A : f32 to vector<16xf32>
        %gt3A_84 = arith.cmpf ogt, %gather3A_51, %gt3A_83 : vector<16xf32>
        %and3A_85 = arith.andi %and3A, %gt3A_84 : vector<16xi1>
        %and3A_86 = arith.andi %and3A_85, %lt3A_33 : vector<16xi1>
        %jit3A = arith.constant -1.000000e+00 : f32
        %broadcast_in_dim3A_87 = vector.broadcast %jit3A : f32 to vector<16xf32>
        %select_n3A = arith.select %and3A_86, %gather3A_51, %broadcast_in_dim3A_87 : vector<16xi1>, vector<16xf32>
        tpu.vector_store_idx %arg20[%add3A_31], %select_n3A : memref<5120xf32, #tpu.memory_space<vmem>>[vector<16xi32>], vector<16xf32>,
        %mul3A_88 = arith.constant 1.001000e+03 : f32
        %mul3A_89 = vector.broadcast %mul3A_88 : f32 to vector<16xf32>
        %mul3A_90 = arith.mulf %convert_element_type3A_53, %mul3A_89 : vector<16xf32>
        %add3A_91 = arith.addf %min3A_58, %mul3A_90 : vector<16xf32>
        %add3A_92 = arith.addf %min3A_64, %mul3A_90 : vector<16xf32>
        %add3A_93 = arith.addf %min3A_70, %mul3A_90 : vector<16xf32>
        %add3A_94 = arith.addf %min3A_76, %mul3A_90 : vector<16xf32>
        tpu.vector_store_idx %arg15[%add3A_31], %add3A_91 : memref<5120xf32, #tpu.memory_space<vmem>>[vector<16xi32>], vector<16xf32>,
        tpu.vector_store_idx %arg16[%add3A_31], %add3A_92 : memref<5120xf32, #tpu.memory_space<vmem>>[vector<16xi32>], vector<16xf32>,
        tpu.vector_store_idx %arg17[%add3A_31], %add3A_93 : memref<5120xf32, #tpu.memory_space<vmem>>[vector<16xi32>], vector<16xf32>,
        tpu.vector_store_idx %arg18[%add3A_31], %add3A_94 : memref<5120xf32, #tpu.memory_space<vmem>>[vector<16xi32>], vector<16xf32>,
        %sub3A_95 = arith.subf %add3A_93, %add3A_91 : vector<16xf32>
        %sub3A_96 = arith.subf %add3A_94, %add3A_92 : vector<16xf32>
        %mul3A_97 = arith.mulf %sub3A_95, %sub3A_96 : vector<16xf32>
        tpu.vector_store_idx %arg19[%add3A_31], %mul3A_97 : memref<5120xf32, #tpu.memory_space<vmem>>[vector<16xi32>], vector<16xf32>,
        %bitcast3A = vector.bitcast %select_n3A : vector<16xf32> to vector<16xi32>
        %gt3A_98 = arith.constant 0.000000e+00 : f32
        %gt3A_99 = vector.broadcast %gt3A_98 : f32 to vector<16xf32>
        %gt3A_100 = arith.cmpf ogt, %select_n3A, %gt3A_99 : vector<16xf32>
        %jit3A_101 = arith.constant 0 : i32
        %broadcast_in_dim3A_102 = vector.broadcast %jit3A_101 : i32 to vector<16xi32>
        %select_n3A_103 = arith.select %gt3A_100, %bitcast3A, %broadcast_in_dim3A_102 : vector<16xi1>, vector<16xi32>
        %jit3A_104 = arith.constant -1 : i32
        %broadcast_in_dim3A_105 = vector.broadcast %jit3A_104 : i32 to vector<16xi32>
        %select_n3A_106 = arith.select %lt3A_33, %select_n3A_103, %broadcast_in_dim3A_105 : vector<16xi1>, vector<16xi32>
        %add3A_107 = arith.constant 1073741824 : i32
        %add3A_108 = vector.broadcast %add3A_107 : i32 to vector<16xi32>
        %add3A_109 = arith.addi %bitcast3A, %add3A_108 : vector<16xi32>
        %select_n3A_110 = arith.select %and3A_86, %add3A_109, %select_n3A_106 : vector<16xi1>, vector<16xi32>
        tpu.vector_store_idx %arg21[%add3A_31], %select_n3A_110 : memref<5120xi32, #tpu.memory_space<vmem>>[vector<16xi32>], vector<16xi32>,
        tpu.vector_store_idx %arg22[%add3A_31], %select_n3A_106 : memref<5120xi32, #tpu.memory_space<vmem>>[vector<16xi32>], vector<16xi32>,
        %scan3A_111 = arith.constant 0 : i32
        scf.yield %scan3A_111 : i32
      }
      %scan3A_8 = arith.constant 320 : i32
      %scan3A_9 = arith.constant 0 : i32
      %scan3A_10 = arith.constant 0 : i32
      %scan3A_11 = arith.constant 20 : i32
      %scan3A_12 = arith.addi %scan3A_10, %scan3A_11 : i32
      %scan3A_13 = arith.constant 1 : i32
      %scan3A_14 = scf.for %scan3A_27 = %scan3A_10 to %scan3A_12 step %scan3A_13 iter_args(%scan3A_28 = %scan3A_9) -> (i32)  : i32 {
        %mul3A_29 = arith.constant 16 : i32
        %mul3A_30 = arith.muli %scan3A_27, %mul3A_29 : i32
        %add3A = arith.addi %mul3A_2, %mul3A_30 : i32
        %add3A_31 = vector.broadcast %add3A : i32 to vector<16xi32>
        %add3A_32 = arith.addi %add3A_31, %iota3A : vector<16xi32>
        %mul3A_33 = arith.constant 16 : i32
        %mul3A_34 = arith.muli %scan3A_27, %mul3A_33 : i32
        %add3A_35 = vector.broadcast %mul3A_34 : i32 to vector<16xi32>
        %add3A_36 = arith.addi %add3A_35, %iota3A : vector<16xi32>
        %gather3A = tpu.vector_load_idx %arg21[%add3A_32] : memref<5120xi32, #tpu.memory_space<vmem>>[vector<16xi32>], vector<16xi32>,
        tpu.vector_store_idx %arg23[%add3A_36], %gather3A : memref<320xi32, #tpu.memory_space<vmem>>[vector<16xi32>], vector<16xi32>,
        %gather3A_37 = tpu.vector_load_idx %arg22[%add3A_32] : memref<5120xi32, #tpu.memory_space<vmem>>[vector<16xi32>], vector<16xi32>,
        tpu.vector_store_idx %arg24[%add3A_36], %gather3A_37 : memref<320xi32, #tpu.memory_space<vmem>>[vector<16xi32>], vector<16xi32>,
        %gather3A_38 = tpu.vector_load_idx %arg15[%add3A_32] : memref<5120xf32, #tpu.memory_space<vmem>>[vector<16xi32>], vector<16xf32>,
        tpu.vector_store_idx %arg25[%add3A_36], %gather3A_38 : memref<320xf32, #tpu.memory_space<vmem>>[vector<16xi32>], vector<16xf32>,
        %gather3A_39 = tpu.vector_load_idx %arg16[%add3A_32] : memref<5120xf32, #tpu.memory_space<vmem>>[vector<16xi32>], vector<16xf32>,
        tpu.vector_store_idx %arg26[%add3A_36], %gather3A_39 : memref<320xf32, #tpu.memory_space<vmem>>[vector<16xi32>], vector<16xf32>,
        %gather3A_40 = tpu.vector_load_idx %arg17[%add3A_32] : memref<5120xf32, #tpu.memory_space<vmem>>[vector<16xi32>], vector<16xf32>,
        tpu.vector_store_idx %arg27[%add3A_36], %gather3A_40 : memref<320xf32, #tpu.memory_space<vmem>>[vector<16xi32>], vector<16xf32>,
        %gather3A_41 = tpu.vector_load_idx %arg18[%add3A_32] : memref<5120xf32, #tpu.memory_space<vmem>>[vector<16xi32>], vector<16xf32>,
        tpu.vector_store_idx %arg28[%add3A_36], %gather3A_41 : memref<320xf32, #tpu.memory_space<vmem>>[vector<16xi32>], vector<16xf32>,
        %gather3A_42 = tpu.vector_load_idx %arg19[%add3A_32] : memref<5120xf32, #tpu.memory_space<vmem>>[vector<16xi32>], vector<16xf32>,
        tpu.vector_store_idx %arg29[%add3A_36], %gather3A_42 : memref<320xf32, #tpu.memory_space<vmem>>[vector<16xi32>], vector<16xf32>,
        %scan3A_43 = arith.constant 0 : i32
        scf.yield %scan3A_43 : i32
      }
      %scan3A_15 = arith.constant 20 : i32
      %broadcast_in_dim3A = arith.constant -5 : i32
      %broadcast_in_dim3A_16 = vector.broadcast %broadcast_in_dim3A : i32 to vector<16xi32>
      %eq3A_17 = arith.constant 0 : i32
      %eq3A_18 = vector.broadcast %eq3A_17 : i32 to vector<16xi32>
      %eq3A_19 = arith.cmpi eq, %iota3A, %eq3A_18 : vector<16xi32>
      %while3A = arith.constant 0 : i32
      %while3A_20 = arith.constant 0 : i32
      %while3A_21:2 = scf.while (%while3A_27 = %while3A, %while3A_28 = %while3A_20) : (i32, i32) -> (i32, i32) {
        %lt3A = arith.constant 100 : i32
        %lt3A_29 = arith.cmpi slt, %while3A_27, %lt3A : i32
        scf.condition(%lt3A_29) %while3A_27, %while3A_28 : i32, i32
      } do {
      ^bb0(%while3A_27: i32, %while3A_28: i32):
        %broadcast_in_dim3A_29 = arith.constant 0 : i32
        %broadcast_in_dim3A_30 = vector.broadcast %broadcast_in_dim3A_29 : i32 to vector<16xi32>
        %broadcast_in_dim3A_31 = arith.constant 0 : i32
        %broadcast_in_dim3A_32 = vector.broadcast %broadcast_in_dim3A_31 : i32 to vector<16xi32>
        %broadcast_in_dim3A_33 = arith.constant -2147483648 : i32
        %broadcast_in_dim3A_34 = vector.broadcast %broadcast_in_dim3A_33 : i32 to vector<16xi32>
        %broadcast_in_dim3A_35 = arith.constant 0 : i32
        %broadcast_in_dim3A_36 = vector.broadcast %broadcast_in_dim3A_35 : i32 to vector<16xi32>
        %get3A = arith.constant 0 : index
        %get3A_37 = tpu.vector_load %arg23[%get3A] {strides = array<i32>} : memref<320xi32, #tpu.memory_space<vmem>>, vector<16xi32>,
        %gt3A = arith.cmpi sgt, %get3A_37, %broadcast_in_dim3A_34 : vector<16xi32>
        %select_n3A = arith.select %gt3A, %get3A_37, %broadcast_in_dim3A_34 : vector<16xi1>, vector<16xi32>
        %add3A = arith.constant 0 : i32
        %add3A_38 = vector.broadcast %add3A : i32 to vector<16xi32>
        %add3A_39 = arith.addi %iota3A, %add3A_38 : vector<16xi32>
        %select_n3A_40 = arith.select %gt3A, %add3A_39, %broadcast_in_dim3A_36 : vector<16xi1>, vector<16xi32>
        %get3A_41 = arith.constant 16 : index
        %get3A_42 = tpu.vector_load %arg23[%get3A_41] {strides = array<i32>} : memref<320xi32, #tpu.memory_space<vmem>>, vector<16xi32>,
        %gt3A_43 = arith.cmpi sgt, %get3A_42, %select_n3A : vector<16xi32>
        %select_n3A_44 = arith.select %gt3A_43, %get3A_42, %select_n3A : vector<16xi1>, vector<16xi32>
        %add3A_45 = arith.constant 16 : i32
        %add3A_46 = vector.broadcast %add3A_45 : i32 to vector<16xi32>
        %add3A_47 = arith.addi %iota3A, %add3A_46 : vector<16xi32>
        %select_n3A_48 = arith.select %gt3A_43, %add3A_47, %select_n3A_40 : vector<16xi1>, vector<16xi32>
        %get3A_49 = arith.constant 32 : index
        %get3A_50 = tpu.vector_load %arg23[%get3A_49] {strides = array<i32>} : memref<320xi32, #tpu.memory_space<vmem>>, vector<16xi32>,
        %gt3A_51 = arith.cmpi sgt, %get3A_50, %select_n3A_44 : vector<16xi32>
        %select_n3A_52 = arith.select %gt3A_51, %get3A_50, %select_n3A_44 : vector<16xi1>, vector<16xi32>
        %add3A_53 = arith.constant 32 : i32
        %add3A_54 = vector.broadcast %add3A_53 : i32 to vector<16xi32>
        %add3A_55 = arith.addi %iota3A, %add3A_54 : vector<16xi32>
        %select_n3A_56 = arith.select %gt3A_51, %add3A_55, %select_n3A_48 : vector<16xi1>, vector<16xi32>
        %get3A_57 = arith.constant 48 : index
        %get3A_58 = tpu.vector_load %arg23[%get3A_57] {strides = array<i32>} : memref<320xi32, #tpu.memory_space<vmem>>, vector<16xi32>,
        %gt3A_59 = arith.cmpi sgt, %get3A_58, %select_n3A_52 : vector<16xi32>
        %select_n3A_60 = arith.select %gt3A_59, %get3A_58, %select_n3A_52 : vector<16xi1>, vector<16xi32>
        %add3A_61 = arith.constant 48 : i32
        %add3A_62 = vector.broadcast %add3A_61 : i32 to vector<16xi32>
        %add3A_63 = arith.addi %iota3A, %add3A_62 : vector<16xi32>
        %select_n3A_64 = arith.select %gt3A_59, %add3A_63, %select_n3A_56 : vector<16xi1>, vector<16xi32>
        %get3A_65 = arith.constant 64 : index
        %get3A_66 = tpu.vector_load %arg23[%get3A_65] {strides = array<i32>} : memref<320xi32, #tpu.memory_space<vmem>>, vector<16xi32>,
        %gt3A_67 = arith.cmpi sgt, %get3A_66, %select_n3A_60 : vector<16xi32>
        %select_n3A_68 = arith.select %gt3A_67, %get3A_66, %select_n3A_60 : vector<16xi1>, vector<16xi32>
        %add3A_69 = arith.constant 64 : i32
        %add3A_70 = vector.broadcast %add3A_69 : i32 to vector<16xi32>
        %add3A_71 = arith.addi %iota3A, %add3A_70 : vector<16xi32>
        %select_n3A_72 = arith.select %gt3A_67, %add3A_71, %select_n3A_64 : vector<16xi1>, vector<16xi32>
        %get3A_73 = arith.constant 80 : index
        %get3A_74 = tpu.vector_load %arg23[%get3A_73] {strides = array<i32>} : memref<320xi32, #tpu.memory_space<vmem>>, vector<16xi32>,
        %gt3A_75 = arith.cmpi sgt, %get3A_74, %select_n3A_68 : vector<16xi32>
        %select_n3A_76 = arith.select %gt3A_75, %get3A_74, %select_n3A_68 : vector<16xi1>, vector<16xi32>
        %add3A_77 = arith.constant 80 : i32
        %add3A_78 = vector.broadcast %add3A_77 : i32 to vector<16xi32>
        %add3A_79 = arith.addi %iota3A, %add3A_78 : vector<16xi32>
        %select_n3A_80 = arith.select %gt3A_75, %add3A_79, %select_n3A_72 : vector<16xi1>, vector<16xi32>
        %get3A_81 = arith.constant 96 : index
        %get3A_82 = tpu.vector_load %arg23[%get3A_81] {strides = array<i32>} : memref<320xi32, #tpu.memory_space<vmem>>, vector<16xi32>,
        %gt3A_83 = arith.cmpi sgt, %get3A_82, %select_n3A_76 : vector<16xi32>
        %select_n3A_84 = arith.select %gt3A_83, %get3A_82, %select_n3A_76 : vector<16xi1>, vector<16xi32>
        %add3A_85 = arith.constant 96 : i32
        %add3A_86 = vector.broadcast %add3A_85 : i32 to vector<16xi32>
        %add3A_87 = arith.addi %iota3A, %add3A_86 : vector<16xi32>
        %select_n3A_88 = arith.select %gt3A_83, %add3A_87, %select_n3A_80 : vector<16xi1>, vector<16xi32>
        %get3A_89 = arith.constant 112 : index
        %get3A_90 = tpu.vector_load %arg23[%get3A_89] {strides = array<i32>} : memref<320xi32, #tpu.memory_space<vmem>>, vector<16xi32>,
        %gt3A_91 = arith.cmpi sgt, %get3A_90, %select_n3A_84 : vector<16xi32>
        %select_n3A_92 = arith.select %gt3A_91, %get3A_90, %select_n3A_84 : vector<16xi1>, vector<16xi32>
        %add3A_93 = arith.constant 112 : i32
        %add3A_94 = vector.broadcast %add3A_93 : i32 to vector<16xi32>
        %add3A_95 = arith.addi %iota3A, %add3A_94 : vector<16xi32>
        %select_n3A_96 = arith.select %gt3A_91, %add3A_95, %select_n3A_88 : vector<16xi1>, vector<16xi32>
        %get3A_97 = arith.constant 128 : index
        %get3A_98 = tpu.vector_load %arg23[%get3A_97] {strides = array<i32>} : memref<320xi32, #tpu.memory_space<vmem>>, vector<16xi32>,
        %gt3A_99 = arith.cmpi sgt, %get3A_98, %select_n3A_92 : vector<16xi32>
        %select_n3A_100 = arith.select %gt3A_99, %get3A_98, %select_n3A_92 : vector<16xi1>, vector<16xi32>
        %add3A_101 = arith.constant 128 : i32
        %add3A_102 = vector.broadcast %add3A_101 : i32 to vector<16xi32>
        %add3A_103 = arith.addi %iota3A, %add3A_102 : vector<16xi32>
        %select_n3A_104 = arith.select %gt3A_99, %add3A_103, %select_n3A_96 : vector<16xi1>, vector<16xi32>
        %get3A_105 = arith.constant 144 : index
        %get3A_106 = tpu.vector_load %arg23[%get3A_105] {strides = array<i32>} : memref<320xi32, #tpu.memory_space<vmem>>, vector<16xi32>,
        %gt3A_107 = arith.cmpi sgt, %get3A_106, %select_n3A_100 : vector<16xi32>
        %select_n3A_108 = arith.select %gt3A_107, %get3A_106, %select_n3A_100 : vector<16xi1>, vector<16xi32>
        %add3A_109 = arith.constant 144 : i32
        %add3A_110 = vector.broadcast %add3A_109 : i32 to vector<16xi32>
        %add3A_111 = arith.addi %iota3A, %add3A_110 : vector<16xi32>
        %select_n3A_112 = arith.select %gt3A_107, %add3A_111, %select_n3A_104 : vector<16xi1>, vector<16xi32>
        %get3A_113 = arith.constant 160 : index
        %get3A_114 = tpu.vector_load %arg23[%get3A_113] {strides = array<i32>} : memref<320xi32, #tpu.memory_space<vmem>>, vector<16xi32>,
        %gt3A_115 = arith.cmpi sgt, %get3A_114, %select_n3A_108 : vector<16xi32>
        %select_n3A_116 = arith.select %gt3A_115, %get3A_114, %select_n3A_108 : vector<16xi1>, vector<16xi32>
        %add3A_117 = arith.constant 160 : i32
        %add3A_118 = vector.broadcast %add3A_117 : i32 to vector<16xi32>
        %add3A_119 = arith.addi %iota3A, %add3A_118 : vector<16xi32>
        %select_n3A_120 = arith.select %gt3A_115, %add3A_119, %select_n3A_112 : vector<16xi1>, vector<16xi32>
        %get3A_121 = arith.constant 176 : index
        %get3A_122 = tpu.vector_load %arg23[%get3A_121] {strides = array<i32>} : memref<320xi32, #tpu.memory_space<vmem>>, vector<16xi32>,
        %gt3A_123 = arith.cmpi sgt, %get3A_122, %select_n3A_116 : vector<16xi32>
        %select_n3A_124 = arith.select %gt3A_123, %get3A_122, %select_n3A_116 : vector<16xi1>, vector<16xi32>
        %add3A_125 = arith.constant 176 : i32
        %add3A_126 = vector.broadcast %add3A_125 : i32 to vector<16xi32>
        %add3A_127 = arith.addi %iota3A, %add3A_126 : vector<16xi32>
        %select_n3A_128 = arith.select %gt3A_123, %add3A_127, %select_n3A_120 : vector<16xi1>, vector<16xi32>
        %get3A_129 = arith.constant 192 : index
        %get3A_130 = tpu.vector_load %arg23[%get3A_129] {strides = array<i32>} : memref<320xi32, #tpu.memory_space<vmem>>, vector<16xi32>,
        %gt3A_131 = arith.cmpi sgt, %get3A_130, %select_n3A_124 : vector<16xi32>
        %select_n3A_132 = arith.select %gt3A_131, %get3A_130, %select_n3A_124 : vector<16xi1>, vector<16xi32>
        %add3A_133 = arith.constant 192 : i32
        %add3A_134 = vector.broadcast %add3A_133 : i32 to vector<16xi32>
        %add3A_135 = arith.addi %iota3A, %add3A_134 : vector<16xi32>
        %select_n3A_136 = arith.select %gt3A_131, %add3A_135, %select_n3A_128 : vector<16xi1>, vector<16xi32>
        %get3A_137 = arith.constant 208 : index
        %get3A_138 = tpu.vector_load %arg23[%get3A_137] {strides = array<i32>} : memref<320xi32, #tpu.memory_space<vmem>>, vector<16xi32>,
        %gt3A_139 = arith.cmpi sgt, %get3A_138, %select_n3A_132 : vector<16xi32>
        %select_n3A_140 = arith.select %gt3A_139, %get3A_138, %select_n3A_132 : vector<16xi1>, vector<16xi32>
        %add3A_141 = arith.constant 208 : i32
        %add3A_142 = vector.broadcast %add3A_141 : i32 to vector<16xi32>
        %add3A_143 = arith.addi %iota3A, %add3A_142 : vector<16xi32>
        %select_n3A_144 = arith.select %gt3A_139, %add3A_143, %select_n3A_136 : vector<16xi1>, vector<16xi32>
        %get3A_145 = arith.constant 224 : index
        %get3A_146 = tpu.vector_load %arg23[%get3A_145] {strides = array<i32>} : memref<320xi32, #tpu.memory_space<vmem>>, vector<16xi32>,
        %gt3A_147 = arith.cmpi sgt, %get3A_146, %select_n3A_140 : vector<16xi32>
        %select_n3A_148 = arith.select %gt3A_147, %get3A_146, %select_n3A_140 : vector<16xi1>, vector<16xi32>
        %add3A_149 = arith.constant 224 : i32
        %add3A_150 = vector.broadcast %add3A_149 : i32 to vector<16xi32>
        %add3A_151 = arith.addi %iota3A, %add3A_150 : vector<16xi32>
        %select_n3A_152 = arith.select %gt3A_147, %add3A_151, %select_n3A_144 : vector<16xi1>, vector<16xi32>
        %get3A_153 = arith.constant 240 : index
        %get3A_154 = tpu.vector_load %arg23[%get3A_153] {strides = array<i32>} : memref<320xi32, #tpu.memory_space<vmem>>, vector<16xi32>,
        %gt3A_155 = arith.cmpi sgt, %get3A_154, %select_n3A_148 : vector<16xi32>
        %select_n3A_156 = arith.select %gt3A_155, %get3A_154, %select_n3A_148 : vector<16xi1>, vector<16xi32>
        %add3A_157 = arith.constant 240 : i32
        %add3A_158 = vector.broadcast %add3A_157 : i32 to vector<16xi32>
        %add3A_159 = arith.addi %iota3A, %add3A_158 : vector<16xi32>
        %select_n3A_160 = arith.select %gt3A_155, %add3A_159, %select_n3A_152 : vector<16xi1>, vector<16xi32>
        %get3A_161 = arith.constant 256 : index
        %get3A_162 = tpu.vector_load %arg23[%get3A_161] {strides = array<i32>} : memref<320xi32, #tpu.memory_space<vmem>>, vector<16xi32>,
        %gt3A_163 = arith.cmpi sgt, %get3A_162, %select_n3A_156 : vector<16xi32>
        %select_n3A_164 = arith.select %gt3A_163, %get3A_162, %select_n3A_156 : vector<16xi1>, vector<16xi32>
        %add3A_165 = arith.constant 256 : i32
        %add3A_166 = vector.broadcast %add3A_165 : i32 to vector<16xi32>
        %add3A_167 = arith.addi %iota3A, %add3A_166 : vector<16xi32>
        %select_n3A_168 = arith.select %gt3A_163, %add3A_167, %select_n3A_160 : vector<16xi1>, vector<16xi32>
        %get3A_169 = arith.constant 272 : index
        %get3A_170 = tpu.vector_load %arg23[%get3A_169] {strides = array<i32>} : memref<320xi32, #tpu.memory_space<vmem>>, vector<16xi32>,
        %gt3A_171 = arith.cmpi sgt, %get3A_170, %select_n3A_164 : vector<16xi32>
        %select_n3A_172 = arith.select %gt3A_171, %get3A_170, %select_n3A_164 : vector<16xi1>, vector<16xi32>
        %add3A_173 = arith.constant 272 : i32
        %add3A_174 = vector.broadcast %add3A_173 : i32 to vector<16xi32>
        %add3A_175 = arith.addi %iota3A, %add3A_174 : vector<16xi32>
        %select_n3A_176 = arith.select %gt3A_171, %add3A_175, %select_n3A_168 : vector<16xi1>, vector<16xi32>
        %get3A_177 = arith.constant 288 : index
        %get3A_178 = tpu.vector_load %arg23[%get3A_177] {strides = array<i32>} : memref<320xi32, #tpu.memory_space<vmem>>, vector<16xi32>,
        %gt3A_179 = arith.cmpi sgt, %get3A_178, %select_n3A_172 : vector<16xi32>
        %select_n3A_180 = arith.select %gt3A_179, %get3A_178, %select_n3A_172 : vector<16xi1>, vector<16xi32>
        %add3A_181 = arith.constant 288 : i32
        %add3A_182 = vector.broadcast %add3A_181 : i32 to vector<16xi32>
        %add3A_183 = arith.addi %iota3A, %add3A_182 : vector<16xi32>
        %select_n3A_184 = arith.select %gt3A_179, %add3A_183, %select_n3A_176 : vector<16xi1>, vector<16xi32>
        %get3A_185 = arith.constant 304 : index
        %get3A_186 = tpu.vector_load %arg23[%get3A_185] {strides = array<i32>} : memref<320xi32, #tpu.memory_space<vmem>>, vector<16xi32>,
        %gt3A_187 = arith.cmpi sgt, %get3A_186, %select_n3A_180 : vector<16xi32>
        %select_n3A_188 = arith.select %gt3A_187, %get3A_186, %select_n3A_180 : vector<16xi1>, vector<16xi32>
        %add3A_189 = arith.constant 304 : i32
        %add3A_190 = vector.broadcast %add3A_189 : i32 to vector<16xi32>
        %add3A_191 = arith.addi %iota3A, %add3A_190 : vector<16xi32>
        %select_n3A_192 = arith.select %gt3A_187, %add3A_191, %select_n3A_184 : vector<16xi1>, vector<16xi32>
        %reduce_max3A = arith.constant true
        %reduce_max3A_193 = vector.broadcast %reduce_max3A : i1 to vector<16xi1>
        %reduce_max3A_194 = arith.constant -2147483648 : i32
        %reduce_max3A_195 = vector.broadcast %reduce_max3A_194 : i32 to vector<16xi32>
        %reduce_max3A_196 = arith.xori %select_n3A_188, %reduce_max3A_195 : vector<16xi32>
        %reduce_max3A_197 = tpu.scan <max>, %reduce_max3A_196 masked %reduce_max3A_193 : vector<16xi32>, vector<16xi1> -> vector<16xi32>
        %reduce_max3A_198 = arith.xori %reduce_max3A_197, %reduce_max3A_195 : vector<16xi32>
        %reduce_max3A_199 = vector.extract %reduce_max3A_198[15] : i32 from vector<16xi32>
        %eq3A_200 = vector.broadcast %reduce_max3A_199 : i32 to vector<16xi32>
        %eq3A_201 = arith.cmpi eq, %select_n3A_188, %eq3A_200 : vector<16xi32>
        %jit3A = arith.constant 1073741824 : i32
        %broadcast_in_dim3A_202 = vector.broadcast %jit3A : i32 to vector<16xi32>
        %select_n3A_203 = arith.select %eq3A_201, %select_n3A_192, %broadcast_in_dim3A_202 : vector<16xi1>, vector<16xi32>
        %reduce_min3A = arith.constant true
        %reduce_min3A_204 = vector.broadcast %reduce_min3A : i1 to vector<16xi1>
        %reduce_min3A_205 = arith.constant -2147483648 : i32
        %reduce_min3A_206 = vector.broadcast %reduce_min3A_205 : i32 to vector<16xi32>
        %reduce_min3A_207 = arith.xori %select_n3A_203, %reduce_min3A_206 : vector<16xi32>
        %reduce_min3A_208 = tpu.scan <min>, %reduce_min3A_207 masked %reduce_min3A_204 : vector<16xi32>, vector<16xi1> -> vector<16xi32>
        %reduce_min3A_209 = arith.xori %reduce_min3A_208, %reduce_min3A_206 : vector<16xi32>
        %reduce_min3A_210 = vector.extract %reduce_min3A_209[15] : i32 from vector<16xi32>
        %eq3A_211 = arith.constant 0 : i32
        %eq3A_212 = vector.broadcast %eq3A_211 : i32 to vector<16xi32>
        %eq3A_213 = arith.cmpi eq, %iota3A, %eq3A_212 : vector<16xi32>
        %broadcast_in_dim3A_214 = vector.broadcast %reduce_max3A_199 : i32 to vector<16xi32>
        %select_n3A_215 = arith.select %eq3A_213, %broadcast_in_dim3A_214, %broadcast_in_dim3A_30 : vector<16xi1>, vector<16xi32>
        %eq3A_216 = arith.constant 0 : i32
        %eq3A_217 = vector.broadcast %eq3A_216 : i32 to vector<16xi32>
        %eq3A_218 = arith.cmpi eq, %iota3A, %eq3A_217 : vector<16xi32>
        %broadcast_in_dim3A_219 = vector.broadcast %reduce_min3A_210 : i32 to vector<16xi32>
        %select_n3A_220 = arith.select %eq3A_218, %broadcast_in_dim3A_219, %broadcast_in_dim3A_32 : vector<16xi1>, vector<16xi32>
        %broadcast_in_dim3A_221 = vector.broadcast %reduce_min3A_210 : i32 to vector<16xi32>
        tpu.vector_store_idx %arg23[%broadcast_in_dim3A_221], %broadcast_in_dim3A_16 masked %eq3A_19 : memref<320xi32, #tpu.memory_space<vmem>>[vector<16xi32>], vector<16xi32>, vector<16xi1>
        %broadcast_in_dim3A_222 = arith.constant -2147483648 : i32
        %broadcast_in_dim3A_223 = vector.broadcast %broadcast_in_dim3A_222 : i32 to vector<16xi32>
        %broadcast_in_dim3A_224 = arith.constant 0 : i32
        %broadcast_in_dim3A_225 = vector.broadcast %broadcast_in_dim3A_224 : i32 to vector<16xi32>
        %get3A_226 = arith.constant 0 : index
        %get3A_227 = tpu.vector_load %arg23[%get3A_226] {strides = array<i32>} : memref<320xi32, #tpu.memory_space<vmem>>, vector<16xi32>,
        %gt3A_228 = arith.cmpi sgt, %get3A_227, %broadcast_in_dim3A_223 : vector<16xi32>
        %select_n3A_229 = arith.select %gt3A_228, %get3A_227, %broadcast_in_dim3A_223 : vector<16xi1>, vector<16xi32>
        %add3A_230 = arith.constant 0 : i32
        %add3A_231 = vector.broadcast %add3A_230 : i32 to vector<16xi32>
        %add3A_232 = arith.addi %iota3A, %add3A_231 : vector<16xi32>
        %select_n3A_233 = arith.select %gt3A_228, %add3A_232, %broadcast_in_dim3A_225 : vector<16xi1>, vector<16xi32>
        %get3A_234 = arith.constant 16 : index
        %get3A_235 = tpu.vector_load %arg23[%get3A_234] {strides = array<i32>} : memref<320xi32, #tpu.memory_space<vmem>>, vector<16xi32>,
        %gt3A_236 = arith.cmpi sgt, %get3A_235, %select_n3A_229 : vector<16xi32>
        %select_n3A_237 = arith.select %gt3A_236, %get3A_235, %select_n3A_229 : vector<16xi1>, vector<16xi32>
        %add3A_238 = arith.constant 16 : i32
        %add3A_239 = vector.broadcast %add3A_238 : i32 to vector<16xi32>
        %add3A_240 = arith.addi %iota3A, %add3A_239 : vector<16xi32>
        %select_n3A_241 = arith.select %gt3A_236, %add3A_240, %select_n3A_233 : vector<16xi1>, vector<16xi32>
        %get3A_242 = arith.constant 32 : index
        %get3A_243 = tpu.vector_load %arg23[%get3A_242] {strides = array<i32>} : memref<320xi32, #tpu.memory_space<vmem>>, vector<16xi32>,
        %gt3A_244 = arith.cmpi sgt, %get3A_243, %select_n3A_237 : vector<16xi32>
        %select_n3A_245 = arith.select %gt3A_244, %get3A_243, %select_n3A_237 : vector<16xi1>, vector<16xi32>
        %add3A_246 = arith.constant 32 : i32
        %add3A_247 = vector.broadcast %add3A_246 : i32 to vector<16xi32>
        %add3A_248 = arith.addi %iota3A, %add3A_247 : vector<16xi32>
        %select_n3A_249 = arith.select %gt3A_244, %add3A_248, %select_n3A_241 : vector<16xi1>, vector<16xi32>
        %get3A_250 = arith.constant 48 : index
        %get3A_251 = tpu.vector_load %arg23[%get3A_250] {strides = array<i32>} : memref<320xi32, #tpu.memory_space<vmem>>, vector<16xi32>,
        %gt3A_252 = arith.cmpi sgt, %get3A_251, %select_n3A_245 : vector<16xi32>
        %select_n3A_253 = arith.select %gt3A_252, %get3A_251, %select_n3A_245 : vector<16xi1>, vector<16xi32>
        %add3A_254 = arith.constant 48 : i32
        %add3A_255 = vector.broadcast %add3A_254 : i32 to vector<16xi32>
        %add3A_256 = arith.addi %iota3A, %add3A_255 : vector<16xi32>
        %select_n3A_257 = arith.select %gt3A_252, %add3A_256, %select_n3A_249 : vector<16xi1>, vector<16xi32>
        %get3A_258 = arith.constant 64 : index
        %get3A_259 = tpu.vector_load %arg23[%get3A_258] {strides = array<i32>} : memref<320xi32, #tpu.memory_space<vmem>>, vector<16xi32>,
        %gt3A_260 = arith.cmpi sgt, %get3A_259, %select_n3A_253 : vector<16xi32>
        %select_n3A_261 = arith.select %gt3A_260, %get3A_259, %select_n3A_253 : vector<16xi1>, vector<16xi32>
        %add3A_262 = arith.constant 64 : i32
        %add3A_263 = vector.broadcast %add3A_262 : i32 to vector<16xi32>
        %add3A_264 = arith.addi %iota3A, %add3A_263 : vector<16xi32>
        %select_n3A_265 = arith.select %gt3A_260, %add3A_264, %select_n3A_257 : vector<16xi1>, vector<16xi32>
        %get3A_266 = arith.constant 80 : index
        %get3A_267 = tpu.vector_load %arg23[%get3A_266] {strides = array<i32>} : memref<320xi32, #tpu.memory_space<vmem>>, vector<16xi32>,
        %gt3A_268 = arith.cmpi sgt, %get3A_267, %select_n3A_261 : vector<16xi32>
        %select_n3A_269 = arith.select %gt3A_268, %get3A_267, %select_n3A_261 : vector<16xi1>, vector<16xi32>
        %add3A_270 = arith.constant 80 : i32
        %add3A_271 = vector.broadcast %add3A_270 : i32 to vector<16xi32>
        %add3A_272 = arith.addi %iota3A, %add3A_271 : vector<16xi32>
        %select_n3A_273 = arith.select %gt3A_268, %add3A_272, %select_n3A_265 : vector<16xi1>, vector<16xi32>
        %get3A_274 = arith.constant 96 : index
        %get3A_275 = tpu.vector_load %arg23[%get3A_274] {strides = array<i32>} : memref<320xi32, #tpu.memory_space<vmem>>, vector<16xi32>,
        %gt3A_276 = arith.cmpi sgt, %get3A_275, %select_n3A_269 : vector<16xi32>
        %select_n3A_277 = arith.select %gt3A_276, %get3A_275, %select_n3A_269 : vector<16xi1>, vector<16xi32>
        %add3A_278 = arith.constant 96 : i32
        %add3A_279 = vector.broadcast %add3A_278 : i32 to vector<16xi32>
        %add3A_280 = arith.addi %iota3A, %add3A_279 : vector<16xi32>
        %select_n3A_281 = arith.select %gt3A_276, %add3A_280, %select_n3A_273 : vector<16xi1>, vector<16xi32>
        %get3A_282 = arith.constant 112 : index
        %get3A_283 = tpu.vector_load %arg23[%get3A_282] {strides = array<i32>} : memref<320xi32, #tpu.memory_space<vmem>>, vector<16xi32>,
        %gt3A_284 = arith.cmpi sgt, %get3A_283, %select_n3A_277 : vector<16xi32>
        %select_n3A_285 = arith.select %gt3A_284, %get3A_283, %select_n3A_277 : vector<16xi1>, vector<16xi32>
        %add3A_286 = arith.constant 112 : i32
        %add3A_287 = vector.broadcast %add3A_286 : i32 to vector<16xi32>
        %add3A_288 = arith.addi %iota3A, %add3A_287 : vector<16xi32>
        %select_n3A_289 = arith.select %gt3A_284, %add3A_288, %select_n3A_281 : vector<16xi1>, vector<16xi32>
        %get3A_290 = arith.constant 128 : index
        %get3A_291 = tpu.vector_load %arg23[%get3A_290] {strides = array<i32>} : memref<320xi32, #tpu.memory_space<vmem>>, vector<16xi32>,
        %gt3A_292 = arith.cmpi sgt, %get3A_291, %select_n3A_285 : vector<16xi32>
        %select_n3A_293 = arith.select %gt3A_292, %get3A_291, %select_n3A_285 : vector<16xi1>, vector<16xi32>
        %add3A_294 = arith.constant 128 : i32
        %add3A_295 = vector.broadcast %add3A_294 : i32 to vector<16xi32>
        %add3A_296 = arith.addi %iota3A, %add3A_295 : vector<16xi32>
        %select_n3A_297 = arith.select %gt3A_292, %add3A_296, %select_n3A_289 : vector<16xi1>, vector<16xi32>
        %get3A_298 = arith.constant 144 : index
        %get3A_299 = tpu.vector_load %arg23[%get3A_298] {strides = array<i32>} : memref<320xi32, #tpu.memory_space<vmem>>, vector<16xi32>,
        %gt3A_300 = arith.cmpi sgt, %get3A_299, %select_n3A_293 : vector<16xi32>
        %select_n3A_301 = arith.select %gt3A_300, %get3A_299, %select_n3A_293 : vector<16xi1>, vector<16xi32>
        %add3A_302 = arith.constant 144 : i32
        %add3A_303 = vector.broadcast %add3A_302 : i32 to vector<16xi32>
        %add3A_304 = arith.addi %iota3A, %add3A_303 : vector<16xi32>
        %select_n3A_305 = arith.select %gt3A_300, %add3A_304, %select_n3A_297 : vector<16xi1>, vector<16xi32>
        %get3A_306 = arith.constant 160 : index
        %get3A_307 = tpu.vector_load %arg23[%get3A_306] {strides = array<i32>} : memref<320xi32, #tpu.memory_space<vmem>>, vector<16xi32>,
        %gt3A_308 = arith.cmpi sgt, %get3A_307, %select_n3A_301 : vector<16xi32>
        %select_n3A_309 = arith.select %gt3A_308, %get3A_307, %select_n3A_301 : vector<16xi1>, vector<16xi32>
        %add3A_310 = arith.constant 160 : i32
        %add3A_311 = vector.broadcast %add3A_310 : i32 to vector<16xi32>
        %add3A_312 = arith.addi %iota3A, %add3A_311 : vector<16xi32>
        %select_n3A_313 = arith.select %gt3A_308, %add3A_312, %select_n3A_305 : vector<16xi1>, vector<16xi32>
        %get3A_314 = arith.constant 176 : index
        %get3A_315 = tpu.vector_load %arg23[%get3A_314] {strides = array<i32>} : memref<320xi32, #tpu.memory_space<vmem>>, vector<16xi32>,
        %gt3A_316 = arith.cmpi sgt, %get3A_315, %select_n3A_309 : vector<16xi32>
        %select_n3A_317 = arith.select %gt3A_316, %get3A_315, %select_n3A_309 : vector<16xi1>, vector<16xi32>
        %add3A_318 = arith.constant 176 : i32
        %add3A_319 = vector.broadcast %add3A_318 : i32 to vector<16xi32>
        %add3A_320 = arith.addi %iota3A, %add3A_319 : vector<16xi32>
        %select_n3A_321 = arith.select %gt3A_316, %add3A_320, %select_n3A_313 : vector<16xi1>, vector<16xi32>
        %get3A_322 = arith.constant 192 : index
        %get3A_323 = tpu.vector_load %arg23[%get3A_322] {strides = array<i32>} : memref<320xi32, #tpu.memory_space<vmem>>, vector<16xi32>,
        %gt3A_324 = arith.cmpi sgt, %get3A_323, %select_n3A_317 : vector<16xi32>
        %select_n3A_325 = arith.select %gt3A_324, %get3A_323, %select_n3A_317 : vector<16xi1>, vector<16xi32>
        %add3A_326 = arith.constant 192 : i32
        %add3A_327 = vector.broadcast %add3A_326 : i32 to vector<16xi32>
        %add3A_328 = arith.addi %iota3A, %add3A_327 : vector<16xi32>
        %select_n3A_329 = arith.select %gt3A_324, %add3A_328, %select_n3A_321 : vector<16xi1>, vector<16xi32>
        %get3A_330 = arith.constant 208 : index
        %get3A_331 = tpu.vector_load %arg23[%get3A_330] {strides = array<i32>} : memref<320xi32, #tpu.memory_space<vmem>>, vector<16xi32>,
        %gt3A_332 = arith.cmpi sgt, %get3A_331, %select_n3A_325 : vector<16xi32>
        %select_n3A_333 = arith.select %gt3A_332, %get3A_331, %select_n3A_325 : vector<16xi1>, vector<16xi32>
        %add3A_334 = arith.constant 208 : i32
        %add3A_335 = vector.broadcast %add3A_334 : i32 to vector<16xi32>
        %add3A_336 = arith.addi %iota3A, %add3A_335 : vector<16xi32>
        %select_n3A_337 = arith.select %gt3A_332, %add3A_336, %select_n3A_329 : vector<16xi1>, vector<16xi32>
        %get3A_338 = arith.constant 224 : index
        %get3A_339 = tpu.vector_load %arg23[%get3A_338] {strides = array<i32>} : memref<320xi32, #tpu.memory_space<vmem>>, vector<16xi32>,
        %gt3A_340 = arith.cmpi sgt, %get3A_339, %select_n3A_333 : vector<16xi32>
        %select_n3A_341 = arith.select %gt3A_340, %get3A_339, %select_n3A_333 : vector<16xi1>, vector<16xi32>
        %add3A_342 = arith.constant 224 : i32
        %add3A_343 = vector.broadcast %add3A_342 : i32 to vector<16xi32>
        %add3A_344 = arith.addi %iota3A, %add3A_343 : vector<16xi32>
        %select_n3A_345 = arith.select %gt3A_340, %add3A_344, %select_n3A_337 : vector<16xi1>, vector<16xi32>
        %get3A_346 = arith.constant 240 : index
        %get3A_347 = tpu.vector_load %arg23[%get3A_346] {strides = array<i32>} : memref<320xi32, #tpu.memory_space<vmem>>, vector<16xi32>,
        %gt3A_348 = arith.cmpi sgt, %get3A_347, %select_n3A_341 : vector<16xi32>
        %select_n3A_349 = arith.select %gt3A_348, %get3A_347, %select_n3A_341 : vector<16xi1>, vector<16xi32>
        %add3A_350 = arith.constant 240 : i32
        %add3A_351 = vector.broadcast %add3A_350 : i32 to vector<16xi32>
        %add3A_352 = arith.addi %iota3A, %add3A_351 : vector<16xi32>
        %select_n3A_353 = arith.select %gt3A_348, %add3A_352, %select_n3A_345 : vector<16xi1>, vector<16xi32>
        %get3A_354 = arith.constant 256 : index
        %get3A_355 = tpu.vector_load %arg23[%get3A_354] {strides = array<i32>} : memref<320xi32, #tpu.memory_space<vmem>>, vector<16xi32>,
        %gt3A_356 = arith.cmpi sgt, %get3A_355, %select_n3A_349 : vector<16xi32>
        %select_n3A_357 = arith.select %gt3A_356, %get3A_355, %select_n3A_349 : vector<16xi1>, vector<16xi32>
        %add3A_358 = arith.constant 256 : i32
        %add3A_359 = vector.broadcast %add3A_358 : i32 to vector<16xi32>
        %add3A_360 = arith.addi %iota3A, %add3A_359 : vector<16xi32>
        %select_n3A_361 = arith.select %gt3A_356, %add3A_360, %select_n3A_353 : vector<16xi1>, vector<16xi32>
        %get3A_362 = arith.constant 272 : index
        %get3A_363 = tpu.vector_load %arg23[%get3A_362] {strides = array<i32>} : memref<320xi32, #tpu.memory_space<vmem>>, vector<16xi32>,
        %gt3A_364 = arith.cmpi sgt, %get3A_363, %select_n3A_357 : vector<16xi32>
        %select_n3A_365 = arith.select %gt3A_364, %get3A_363, %select_n3A_357 : vector<16xi1>, vector<16xi32>
        %add3A_366 = arith.constant 272 : i32
        %add3A_367 = vector.broadcast %add3A_366 : i32 to vector<16xi32>
        %add3A_368 = arith.addi %iota3A, %add3A_367 : vector<16xi32>
        %select_n3A_369 = arith.select %gt3A_364, %add3A_368, %select_n3A_361 : vector<16xi1>, vector<16xi32>
        %get3A_370 = arith.constant 288 : index
        %get3A_371 = tpu.vector_load %arg23[%get3A_370] {strides = array<i32>} : memref<320xi32, #tpu.memory_space<vmem>>, vector<16xi32>,
        %gt3A_372 = arith.cmpi sgt, %get3A_371, %select_n3A_365 : vector<16xi32>
        %select_n3A_373 = arith.select %gt3A_372, %get3A_371, %select_n3A_365 : vector<16xi1>, vector<16xi32>
        %add3A_374 = arith.constant 288 : i32
        %add3A_375 = vector.broadcast %add3A_374 : i32 to vector<16xi32>
        %add3A_376 = arith.addi %iota3A, %add3A_375 : vector<16xi32>
        %select_n3A_377 = arith.select %gt3A_372, %add3A_376, %select_n3A_369 : vector<16xi1>, vector<16xi32>
        %get3A_378 = arith.constant 304 : index
        %get3A_379 = tpu.vector_load %arg23[%get3A_378] {strides = array<i32>} : memref<320xi32, #tpu.memory_space<vmem>>, vector<16xi32>,
        %gt3A_380 = arith.cmpi sgt, %get3A_379, %select_n3A_373 : vector<16xi32>
        %select_n3A_381 = arith.select %gt3A_380, %get3A_379, %select_n3A_373 : vector<16xi1>, vector<16xi32>
        %add3A_382 = arith.constant 304 : i32
        %add3A_383 = vector.broadcast %add3A_382 : i32 to vector<16xi32>
        %add3A_384 = arith.addi %iota3A, %add3A_383 : vector<16xi32>
        %select_n3A_385 = arith.select %gt3A_380, %add3A_384, %select_n3A_377 : vector<16xi1>, vector<16xi32>
        %reduce_max3A_386 = arith.constant true
        %reduce_max3A_387 = vector.broadcast %reduce_max3A_386 : i1 to vector<16xi1>
        %reduce_max3A_388 = arith.constant -2147483648 : i32
        %reduce_max3A_389 = vector.broadcast %reduce_max3A_388 : i32 to vector<16xi32>
        %reduce_max3A_390 = arith.xori %select_n3A_381, %reduce_max3A_389 : vector<16xi32>
        %reduce_max3A_391 = tpu.scan <max>, %reduce_max3A_390 masked %reduce_max3A_387 : vector<16xi32>, vector<16xi1> -> vector<16xi32>
        %reduce_max3A_392 = arith.xori %reduce_max3A_391, %reduce_max3A_389 : vector<16xi32>
        %reduce_max3A_393 = vector.extract %reduce_max3A_392[15] : i32 from vector<16xi32>
        %eq3A_394 = vector.broadcast %reduce_max3A_393 : i32 to vector<16xi32>
        %eq3A_395 = arith.cmpi eq, %select_n3A_381, %eq3A_394 : vector<16xi32>
        %jit3A_396 = arith.constant 1073741824 : i32
        %broadcast_in_dim3A_397 = vector.broadcast %jit3A_396 : i32 to vector<16xi32>
        %select_n3A_398 = arith.select %eq3A_395, %select_n3A_385, %broadcast_in_dim3A_397 : vector<16xi1>, vector<16xi32>
        %reduce_min3A_399 = arith.constant true
        %reduce_min3A_400 = vector.broadcast %reduce_min3A_399 : i1 to vector<16xi1>
        %reduce_min3A_401 = arith.constant -2147483648 : i32
        %reduce_min3A_402 = vector.broadcast %reduce_min3A_401 : i32 to vector<16xi32>
        %reduce_min3A_403 = arith.xori %select_n3A_398, %reduce_min3A_402 : vector<16xi32>
        %reduce_min3A_404 = tpu.scan <min>, %reduce_min3A_403 masked %reduce_min3A_400 : vector<16xi32>, vector<16xi1> -> vector<16xi32>
        %reduce_min3A_405 = arith.xori %reduce_min3A_404, %reduce_min3A_402 : vector<16xi32>
        %reduce_min3A_406 = vector.extract %reduce_min3A_405[15] : i32 from vector<16xi32>
        %eq3A_407 = arith.constant 1 : i32
        %eq3A_408 = vector.broadcast %eq3A_407 : i32 to vector<16xi32>
        %eq3A_409 = arith.cmpi eq, %iota3A, %eq3A_408 : vector<16xi32>
        %broadcast_in_dim3A_410 = vector.broadcast %reduce_max3A_393 : i32 to vector<16xi32>
        %select_n3A_411 = arith.select %eq3A_409, %broadcast_in_dim3A_410, %select_n3A_215 : vector<16xi1>, vector<16xi32>
        %eq3A_412 = arith.constant 1 : i32
        %eq3A_413 = vector.broadcast %eq3A_412 : i32 to vector<16xi32>
        %eq3A_414 = arith.cmpi eq, %iota3A, %eq3A_413 : vector<16xi32>
        %broadcast_in_dim3A_415 = vector.broadcast %reduce_min3A_406 : i32 to vector<16xi32>
        %select_n3A_416 = arith.select %eq3A_414, %broadcast_in_dim3A_415, %select_n3A_220 : vector<16xi1>, vector<16xi32>
        %broadcast_in_dim3A_417 = vector.broadcast %reduce_min3A_406 : i32 to vector<16xi32>
        tpu.vector_store_idx %arg23[%broadcast_in_dim3A_417], %broadcast_in_dim3A_16 masked %eq3A_19 : memref<320xi32, #tpu.memory_space<vmem>>[vector<16xi32>], vector<16xi32>, vector<16xi1>
        %broadcast_in_dim3A_418 = arith.constant -2147483648 : i32
        %broadcast_in_dim3A_419 = vector.broadcast %broadcast_in_dim3A_418 : i32 to vector<16xi32>
        %broadcast_in_dim3A_420 = arith.constant 0 : i32
        %broadcast_in_dim3A_421 = vector.broadcast %broadcast_in_dim3A_420 : i32 to vector<16xi32>
        %get3A_422 = arith.constant 0 : index
        %get3A_423 = tpu.vector_load %arg23[%get3A_422] {strides = array<i32>} : memref<320xi32, #tpu.memory_space<vmem>>, vector<16xi32>,
        %gt3A_424 = arith.cmpi sgt, %get3A_423, %broadcast_in_dim3A_419 : vector<16xi32>
        %select_n3A_425 = arith.select %gt3A_424, %get3A_423, %broadcast_in_dim3A_419 : vector<16xi1>, vector<16xi32>
        %add3A_426 = arith.constant 0 : i32
        %add3A_427 = vector.broadcast %add3A_426 : i32 to vector<16xi32>
        %add3A_428 = arith.addi %iota3A, %add3A_427 : vector<16xi32>
        %select_n3A_429 = arith.select %gt3A_424, %add3A_428, %broadcast_in_dim3A_421 : vector<16xi1>, vector<16xi32>
        %get3A_430 = arith.constant 16 : index
        %get3A_431 = tpu.vector_load %arg23[%get3A_430] {strides = array<i32>} : memref<320xi32, #tpu.memory_space<vmem>>, vector<16xi32>,
        %gt3A_432 = arith.cmpi sgt, %get3A_431, %select_n3A_425 : vector<16xi32>
        %select_n3A_433 = arith.select %gt3A_432, %get3A_431, %select_n3A_425 : vector<16xi1>, vector<16xi32>
        %add3A_434 = arith.constant 16 : i32
        %add3A_435 = vector.broadcast %add3A_434 : i32 to vector<16xi32>
        %add3A_436 = arith.addi %iota3A, %add3A_435 : vector<16xi32>
        %select_n3A_437 = arith.select %gt3A_432, %add3A_436, %select_n3A_429 : vector<16xi1>, vector<16xi32>
        %get3A_438 = arith.constant 32 : index
        %get3A_439 = tpu.vector_load %arg23[%get3A_438] {strides = array<i32>} : memref<320xi32, #tpu.memory_space<vmem>>, vector<16xi32>,
        %gt3A_440 = arith.cmpi sgt, %get3A_439, %select_n3A_433 : vector<16xi32>
        %select_n3A_441 = arith.select %gt3A_440, %get3A_439, %select_n3A_433 : vector<16xi1>, vector<16xi32>
        %add3A_442 = arith.constant 32 : i32
        %add3A_443 = vector.broadcast %add3A_442 : i32 to vector<16xi32>
        %add3A_444 = arith.addi %iota3A, %add3A_443 : vector<16xi32>
        %select_n3A_445 = arith.select %gt3A_440, %add3A_444, %select_n3A_437 : vector<16xi1>, vector<16xi32>
        %get3A_446 = arith.constant 48 : index
        %get3A_447 = tpu.vector_load %arg23[%get3A_446] {strides = array<i32>} : memref<320xi32, #tpu.memory_space<vmem>>, vector<16xi32>,
        %gt3A_448 = arith.cmpi sgt, %get3A_447, %select_n3A_441 : vector<16xi32>
        %select_n3A_449 = arith.select %gt3A_448, %get3A_447, %select_n3A_441 : vector<16xi1>, vector<16xi32>
        %add3A_450 = arith.constant 48 : i32
        %add3A_451 = vector.broadcast %add3A_450 : i32 to vector<16xi32>
        %add3A_452 = arith.addi %iota3A, %add3A_451 : vector<16xi32>
        %select_n3A_453 = arith.select %gt3A_448, %add3A_452, %select_n3A_445 : vector<16xi1>, vector<16xi32>
        %get3A_454 = arith.constant 64 : index
        %get3A_455 = tpu.vector_load %arg23[%get3A_454] {strides = array<i32>} : memref<320xi32, #tpu.memory_space<vmem>>, vector<16xi32>,
        %gt3A_456 = arith.cmpi sgt, %get3A_455, %select_n3A_449 : vector<16xi32>
        %select_n3A_457 = arith.select %gt3A_456, %get3A_455, %select_n3A_449 : vector<16xi1>, vector<16xi32>
        %add3A_458 = arith.constant 64 : i32
        %add3A_459 = vector.broadcast %add3A_458 : i32 to vector<16xi32>
        %add3A_460 = arith.addi %iota3A, %add3A_459 : vector<16xi32>
        %select_n3A_461 = arith.select %gt3A_456, %add3A_460, %select_n3A_453 : vector<16xi1>, vector<16xi32>
        %get3A_462 = arith.constant 80 : index
        %get3A_463 = tpu.vector_load %arg23[%get3A_462] {strides = array<i32>} : memref<320xi32, #tpu.memory_space<vmem>>, vector<16xi32>,
        %gt3A_464 = arith.cmpi sgt, %get3A_463, %select_n3A_457 : vector<16xi32>
        %select_n3A_465 = arith.select %gt3A_464, %get3A_463, %select_n3A_457 : vector<16xi1>, vector<16xi32>
        %add3A_466 = arith.constant 80 : i32
        %add3A_467 = vector.broadcast %add3A_466 : i32 to vector<16xi32>
        %add3A_468 = arith.addi %iota3A, %add3A_467 : vector<16xi32>
        %select_n3A_469 = arith.select %gt3A_464, %add3A_468, %select_n3A_461 : vector<16xi1>, vector<16xi32>
        %get3A_470 = arith.constant 96 : index
        %get3A_471 = tpu.vector_load %arg23[%get3A_470] {strides = array<i32>} : memref<320xi32, #tpu.memory_space<vmem>>, vector<16xi32>,
        %gt3A_472 = arith.cmpi sgt, %get3A_471, %select_n3A_465 : vector<16xi32>
        %select_n3A_473 = arith.select %gt3A_472, %get3A_471, %select_n3A_465 : vector<16xi1>, vector<16xi32>
        %add3A_474 = arith.constant 96 : i32
        %add3A_475 = vector.broadcast %add3A_474 : i32 to vector<16xi32>
        %add3A_476 = arith.addi %iota3A, %add3A_475 : vector<16xi32>
        %select_n3A_477 = arith.select %gt3A_472, %add3A_476, %select_n3A_469 : vector<16xi1>, vector<16xi32>
        %get3A_478 = arith.constant 112 : index
        %get3A_479 = tpu.vector_load %arg23[%get3A_478] {strides = array<i32>} : memref<320xi32, #tpu.memory_space<vmem>>, vector<16xi32>,
        %gt3A_480 = arith.cmpi sgt, %get3A_479, %select_n3A_473 : vector<16xi32>
        %select_n3A_481 = arith.select %gt3A_480, %get3A_479, %select_n3A_473 : vector<16xi1>, vector<16xi32>
        %add3A_482 = arith.constant 112 : i32
        %add3A_483 = vector.broadcast %add3A_482 : i32 to vector<16xi32>
        %add3A_484 = arith.addi %iota3A, %add3A_483 : vector<16xi32>
        %select_n3A_485 = arith.select %gt3A_480, %add3A_484, %select_n3A_477 : vector<16xi1>, vector<16xi32>
        %get3A_486 = arith.constant 128 : index
        %get3A_487 = tpu.vector_load %arg23[%get3A_486] {strides = array<i32>} : memref<320xi32, #tpu.memory_space<vmem>>, vector<16xi32>,
        %gt3A_488 = arith.cmpi sgt, %get3A_487, %select_n3A_481 : vector<16xi32>
        %select_n3A_489 = arith.select %gt3A_488, %get3A_487, %select_n3A_481 : vector<16xi1>, vector<16xi32>
        %add3A_490 = arith.constant 128 : i32
        %add3A_491 = vector.broadcast %add3A_490 : i32 to vector<16xi32>
        %add3A_492 = arith.addi %iota3A, %add3A_491 : vector<16xi32>
        %select_n3A_493 = arith.select %gt3A_488, %add3A_492, %select_n3A_485 : vector<16xi1>, vector<16xi32>
        %get3A_494 = arith.constant 144 : index
        %get3A_495 = tpu.vector_load %arg23[%get3A_494] {strides = array<i32>} : memref<320xi32, #tpu.memory_space<vmem>>, vector<16xi32>,
        %gt3A_496 = arith.cmpi sgt, %get3A_495, %select_n3A_489 : vector<16xi32>
        %select_n3A_497 = arith.select %gt3A_496, %get3A_495, %select_n3A_489 : vector<16xi1>, vector<16xi32>
        %add3A_498 = arith.constant 144 : i32
        %add3A_499 = vector.broadcast %add3A_498 : i32 to vector<16xi32>
        %add3A_500 = arith.addi %iota3A, %add3A_499 : vector<16xi32>
        %select_n3A_501 = arith.select %gt3A_496, %add3A_500, %select_n3A_493 : vector<16xi1>, vector<16xi32>
        %get3A_502 = arith.constant 160 : index
        %get3A_503 = tpu.vector_load %arg23[%get3A_502] {strides = array<i32>} : memref<320xi32, #tpu.memory_space<vmem>>, vector<16xi32>,
        %gt3A_504 = arith.cmpi sgt, %get3A_503, %select_n3A_497 : vector<16xi32>
        %select_n3A_505 = arith.select %gt3A_504, %get3A_503, %select_n3A_497 : vector<16xi1>, vector<16xi32>
        %add3A_506 = arith.constant 160 : i32
        %add3A_507 = vector.broadcast %add3A_506 : i32 to vector<16xi32>
        %add3A_508 = arith.addi %iota3A, %add3A_507 : vector<16xi32>
        %select_n3A_509 = arith.select %gt3A_504, %add3A_508, %select_n3A_501 : vector<16xi1>, vector<16xi32>
        %get3A_510 = arith.constant 176 : index
        %get3A_511 = tpu.vector_load %arg23[%get3A_510] {strides = array<i32>} : memref<320xi32, #tpu.memory_space<vmem>>, vector<16xi32>,
        %gt3A_512 = arith.cmpi sgt, %get3A_511, %select_n3A_505 : vector<16xi32>
        %select_n3A_513 = arith.select %gt3A_512, %get3A_511, %select_n3A_505 : vector<16xi1>, vector<16xi32>
        %add3A_514 = arith.constant 176 : i32
        %add3A_515 = vector.broadcast %add3A_514 : i32 to vector<16xi32>
        %add3A_516 = arith.addi %iota3A, %add3A_515 : vector<16xi32>
        %select_n3A_517 = arith.select %gt3A_512, %add3A_516, %select_n3A_509 : vector<16xi1>, vector<16xi32>
        %get3A_518 = arith.constant 192 : index
        %get3A_519 = tpu.vector_load %arg23[%get3A_518] {strides = array<i32>} : memref<320xi32, #tpu.memory_space<vmem>>, vector<16xi32>,
        %gt3A_520 = arith.cmpi sgt, %get3A_519, %select_n3A_513 : vector<16xi32>
        %select_n3A_521 = arith.select %gt3A_520, %get3A_519, %select_n3A_513 : vector<16xi1>, vector<16xi32>
        %add3A_522 = arith.constant 192 : i32
        %add3A_523 = vector.broadcast %add3A_522 : i32 to vector<16xi32>
        %add3A_524 = arith.addi %iota3A, %add3A_523 : vector<16xi32>
        %select_n3A_525 = arith.select %gt3A_520, %add3A_524, %select_n3A_517 : vector<16xi1>, vector<16xi32>
        %get3A_526 = arith.constant 208 : index
        %get3A_527 = tpu.vector_load %arg23[%get3A_526] {strides = array<i32>} : memref<320xi32, #tpu.memory_space<vmem>>, vector<16xi32>,
        %gt3A_528 = arith.cmpi sgt, %get3A_527, %select_n3A_521 : vector<16xi32>
        %select_n3A_529 = arith.select %gt3A_528, %get3A_527, %select_n3A_521 : vector<16xi1>, vector<16xi32>
        %add3A_530 = arith.constant 208 : i32
        %add3A_531 = vector.broadcast %add3A_530 : i32 to vector<16xi32>
        %add3A_532 = arith.addi %iota3A, %add3A_531 : vector<16xi32>
        %select_n3A_533 = arith.select %gt3A_528, %add3A_532, %select_n3A_525 : vector<16xi1>, vector<16xi32>
        %get3A_534 = arith.constant 224 : index
        %get3A_535 = tpu.vector_load %arg23[%get3A_534] {strides = array<i32>} : memref<320xi32, #tpu.memory_space<vmem>>, vector<16xi32>,
        %gt3A_536 = arith.cmpi sgt, %get3A_535, %select_n3A_529 : vector<16xi32>
        %select_n3A_537 = arith.select %gt3A_536, %get3A_535, %select_n3A_529 : vector<16xi1>, vector<16xi32>
        %add3A_538 = arith.constant 224 : i32
        %add3A_539 = vector.broadcast %add3A_538 : i32 to vector<16xi32>
        %add3A_540 = arith.addi %iota3A, %add3A_539 : vector<16xi32>
        %select_n3A_541 = arith.select %gt3A_536, %add3A_540, %select_n3A_533 : vector<16xi1>, vector<16xi32>
        %get3A_542 = arith.constant 240 : index
        %get3A_543 = tpu.vector_load %arg23[%get3A_542] {strides = array<i32>} : memref<320xi32, #tpu.memory_space<vmem>>, vector<16xi32>,
        %gt3A_544 = arith.cmpi sgt, %get3A_543, %select_n3A_537 : vector<16xi32>
        %select_n3A_545 = arith.select %gt3A_544, %get3A_543, %select_n3A_537 : vector<16xi1>, vector<16xi32>
        %add3A_546 = arith.constant 240 : i32
        %add3A_547 = vector.broadcast %add3A_546 : i32 to vector<16xi32>
        %add3A_548 = arith.addi %iota3A, %add3A_547 : vector<16xi32>
        %select_n3A_549 = arith.select %gt3A_544, %add3A_548, %select_n3A_541 : vector<16xi1>, vector<16xi32>
        %get3A_550 = arith.constant 256 : index
        %get3A_551 = tpu.vector_load %arg23[%get3A_550] {strides = array<i32>} : memref<320xi32, #tpu.memory_space<vmem>>, vector<16xi32>,
        %gt3A_552 = arith.cmpi sgt, %get3A_551, %select_n3A_545 : vector<16xi32>
        %select_n3A_553 = arith.select %gt3A_552, %get3A_551, %select_n3A_545 : vector<16xi1>, vector<16xi32>
        %add3A_554 = arith.constant 256 : i32
        %add3A_555 = vector.broadcast %add3A_554 : i32 to vector<16xi32>
        %add3A_556 = arith.addi %iota3A, %add3A_555 : vector<16xi32>
        %select_n3A_557 = arith.select %gt3A_552, %add3A_556, %select_n3A_549 : vector<16xi1>, vector<16xi32>
        %get3A_558 = arith.constant 272 : index
        %get3A_559 = tpu.vector_load %arg23[%get3A_558] {strides = array<i32>} : memref<320xi32, #tpu.memory_space<vmem>>, vector<16xi32>,
        %gt3A_560 = arith.cmpi sgt, %get3A_559, %select_n3A_553 : vector<16xi32>
        %select_n3A_561 = arith.select %gt3A_560, %get3A_559, %select_n3A_553 : vector<16xi1>, vector<16xi32>
        %add3A_562 = arith.constant 272 : i32
        %add3A_563 = vector.broadcast %add3A_562 : i32 to vector<16xi32>
        %add3A_564 = arith.addi %iota3A, %add3A_563 : vector<16xi32>
        %select_n3A_565 = arith.select %gt3A_560, %add3A_564, %select_n3A_557 : vector<16xi1>, vector<16xi32>
        %get3A_566 = arith.constant 288 : index
        %get3A_567 = tpu.vector_load %arg23[%get3A_566] {strides = array<i32>} : memref<320xi32, #tpu.memory_space<vmem>>, vector<16xi32>,
        %gt3A_568 = arith.cmpi sgt, %get3A_567, %select_n3A_561 : vector<16xi32>
        %select_n3A_569 = arith.select %gt3A_568, %get3A_567, %select_n3A_561 : vector<16xi1>, vector<16xi32>
        %add3A_570 = arith.constant 288 : i32
        %add3A_571 = vector.broadcast %add3A_570 : i32 to vector<16xi32>
        %add3A_572 = arith.addi %iota3A, %add3A_571 : vector<16xi32>
        %select_n3A_573 = arith.select %gt3A_568, %add3A_572, %select_n3A_565 : vector<16xi1>, vector<16xi32>
        %get3A_574 = arith.constant 304 : index
        %get3A_575 = tpu.vector_load %arg23[%get3A_574] {strides = array<i32>} : memref<320xi32, #tpu.memory_space<vmem>>, vector<16xi32>,
        %gt3A_576 = arith.cmpi sgt, %get3A_575, %select_n3A_569 : vector<16xi32>
        %select_n3A_577 = arith.select %gt3A_576, %get3A_575, %select_n3A_569 : vector<16xi1>, vector<16xi32>
        %add3A_578 = arith.constant 304 : i32
        %add3A_579 = vector.broadcast %add3A_578 : i32 to vector<16xi32>
        %add3A_580 = arith.addi %iota3A, %add3A_579 : vector<16xi32>
        %select_n3A_581 = arith.select %gt3A_576, %add3A_580, %select_n3A_573 : vector<16xi1>, vector<16xi32>
        %reduce_max3A_582 = arith.constant true
        %reduce_max3A_583 = vector.broadcast %reduce_max3A_582 : i1 to vector<16xi1>
        %reduce_max3A_584 = arith.constant -2147483648 : i32
        %reduce_max3A_585 = vector.broadcast %reduce_max3A_584 : i32 to vector<16xi32>
        %reduce_max3A_586 = arith.xori %select_n3A_577, %reduce_max3A_585 : vector<16xi32>
        %reduce_max3A_587 = tpu.scan <max>, %reduce_max3A_586 masked %reduce_max3A_583 : vector<16xi32>, vector<16xi1> -> vector<16xi32>
        %reduce_max3A_588 = arith.xori %reduce_max3A_587, %reduce_max3A_585 : vector<16xi32>
        %reduce_max3A_589 = vector.extract %reduce_max3A_588[15] : i32 from vector<16xi32>
        %eq3A_590 = vector.broadcast %reduce_max3A_589 : i32 to vector<16xi32>
        %eq3A_591 = arith.cmpi eq, %select_n3A_577, %eq3A_590 : vector<16xi32>
        %jit3A_592 = arith.constant 1073741824 : i32
        %broadcast_in_dim3A_593 = vector.broadcast %jit3A_592 : i32 to vector<16xi32>
        %select_n3A_594 = arith.select %eq3A_591, %select_n3A_581, %broadcast_in_dim3A_593 : vector<16xi1>, vector<16xi32>
        %reduce_min3A_595 = arith.constant true
        %reduce_min3A_596 = vector.broadcast %reduce_min3A_595 : i1 to vector<16xi1>
        %reduce_min3A_597 = arith.constant -2147483648 : i32
        %reduce_min3A_598 = vector.broadcast %reduce_min3A_597 : i32 to vector<16xi32>
        %reduce_min3A_599 = arith.xori %select_n3A_594, %reduce_min3A_598 : vector<16xi32>
        %reduce_min3A_600 = tpu.scan <min>, %reduce_min3A_599 masked %reduce_min3A_596 : vector<16xi32>, vector<16xi1> -> vector<16xi32>
        %reduce_min3A_601 = arith.xori %reduce_min3A_600, %reduce_min3A_598 : vector<16xi32>
        %reduce_min3A_602 = vector.extract %reduce_min3A_601[15] : i32 from vector<16xi32>
        %eq3A_603 = arith.constant 2 : i32
        %eq3A_604 = vector.broadcast %eq3A_603 : i32 to vector<16xi32>
        %eq3A_605 = arith.cmpi eq, %iota3A, %eq3A_604 : vector<16xi32>
        %broadcast_in_dim3A_606 = vector.broadcast %reduce_max3A_589 : i32 to vector<16xi32>
        %select_n3A_607 = arith.select %eq3A_605, %broadcast_in_dim3A_606, %select_n3A_411 : vector<16xi1>, vector<16xi32>
        %eq3A_608 = arith.constant 2 : i32
        %eq3A_609 = vector.broadcast %eq3A_608 : i32 to vector<16xi32>
        %eq3A_610 = arith.cmpi eq, %iota3A, %eq3A_609 : vector<16xi32>
        %broadcast_in_dim3A_611 = vector.broadcast %reduce_min3A_602 : i32 to vector<16xi32>
        %select_n3A_612 = arith.select %eq3A_610, %broadcast_in_dim3A_611, %select_n3A_416 : vector<16xi1>, vector<16xi32>
        %broadcast_in_dim3A_613 = vector.broadcast %reduce_min3A_602 : i32 to vector<16xi32>
        tpu.vector_store_idx %arg23[%broadcast_in_dim3A_613], %broadcast_in_dim3A_16 masked %eq3A_19 : memref<320xi32, #tpu.memory_space<vmem>>[vector<16xi32>], vector<16xi32>, vector<16xi1>
        %broadcast_in_dim3A_614 = arith.constant -2147483648 : i32
        %broadcast_in_dim3A_615 = vector.broadcast %broadcast_in_dim3A_614 : i32 to vector<16xi32>
        %broadcast_in_dim3A_616 = arith.constant 0 : i32
        %broadcast_in_dim3A_617 = vector.broadcast %broadcast_in_dim3A_616 : i32 to vector<16xi32>
        %get3A_618 = arith.constant 0 : index
        %get3A_619 = tpu.vector_load %arg23[%get3A_618] {strides = array<i32>} : memref<320xi32, #tpu.memory_space<vmem>>, vector<16xi32>,
        %gt3A_620 = arith.cmpi sgt, %get3A_619, %broadcast_in_dim3A_615 : vector<16xi32>
        %select_n3A_621 = arith.select %gt3A_620, %get3A_619, %broadcast_in_dim3A_615 : vector<16xi1>, vector<16xi32>
        %add3A_622 = arith.constant 0 : i32
        %add3A_623 = vector.broadcast %add3A_622 : i32 to vector<16xi32>
        %add3A_624 = arith.addi %iota3A, %add3A_623 : vector<16xi32>
        %select_n3A_625 = arith.select %gt3A_620, %add3A_624, %broadcast_in_dim3A_617 : vector<16xi1>, vector<16xi32>
        %get3A_626 = arith.constant 16 : index
        %get3A_627 = tpu.vector_load %arg23[%get3A_626] {strides = array<i32>} : memref<320xi32, #tpu.memory_space<vmem>>, vector<16xi32>,
        %gt3A_628 = arith.cmpi sgt, %get3A_627, %select_n3A_621 : vector<16xi32>
        %select_n3A_629 = arith.select %gt3A_628, %get3A_627, %select_n3A_621 : vector<16xi1>, vector<16xi32>
        %add3A_630 = arith.constant 16 : i32
        %add3A_631 = vector.broadcast %add3A_630 : i32 to vector<16xi32>
        %add3A_632 = arith.addi %iota3A, %add3A_631 : vector<16xi32>
        %select_n3A_633 = arith.select %gt3A_628, %add3A_632, %select_n3A_625 : vector<16xi1>, vector<16xi32>
        %get3A_634 = arith.constant 32 : index
        %get3A_635 = tpu.vector_load %arg23[%get3A_634] {strides = array<i32>} : memref<320xi32, #tpu.memory_space<vmem>>, vector<16xi32>,
        %gt3A_636 = arith.cmpi sgt, %get3A_635, %select_n3A_629 : vector<16xi32>
        %select_n3A_637 = arith.select %gt3A_636, %get3A_635, %select_n3A_629 : vector<16xi1>, vector<16xi32>
        %add3A_638 = arith.constant 32 : i32
        %add3A_639 = vector.broadcast %add3A_638 : i32 to vector<16xi32>
        %add3A_640 = arith.addi %iota3A, %add3A_639 : vector<16xi32>
        %select_n3A_641 = arith.select %gt3A_636, %add3A_640, %select_n3A_633 : vector<16xi1>, vector<16xi32>
        %get3A_642 = arith.constant 48 : index
        %get3A_643 = tpu.vector_load %arg23[%get3A_642] {strides = array<i32>} : memref<320xi32, #tpu.memory_space<vmem>>, vector<16xi32>,
        %gt3A_644 = arith.cmpi sgt, %get3A_643, %select_n3A_637 : vector<16xi32>
        %select_n3A_645 = arith.select %gt3A_644, %get3A_643, %select_n3A_637 : vector<16xi1>, vector<16xi32>
        %add3A_646 = arith.constant 48 : i32
        %add3A_647 = vector.broadcast %add3A_646 : i32 to vector<16xi32>
        %add3A_648 = arith.addi %iota3A, %add3A_647 : vector<16xi32>
        %select_n3A_649 = arith.select %gt3A_644, %add3A_648, %select_n3A_641 : vector<16xi1>, vector<16xi32>
        %get3A_650 = arith.constant 64 : index
        %get3A_651 = tpu.vector_load %arg23[%get3A_650] {strides = array<i32>} : memref<320xi32, #tpu.memory_space<vmem>>, vector<16xi32>,
        %gt3A_652 = arith.cmpi sgt, %get3A_651, %select_n3A_645 : vector<16xi32>
        %select_n3A_653 = arith.select %gt3A_652, %get3A_651, %select_n3A_645 : vector<16xi1>, vector<16xi32>
        %add3A_654 = arith.constant 64 : i32
        %add3A_655 = vector.broadcast %add3A_654 : i32 to vector<16xi32>
        %add3A_656 = arith.addi %iota3A, %add3A_655 : vector<16xi32>
        %select_n3A_657 = arith.select %gt3A_652, %add3A_656, %select_n3A_649 : vector<16xi1>, vector<16xi32>
        %get3A_658 = arith.constant 80 : index
        %get3A_659 = tpu.vector_load %arg23[%get3A_658] {strides = array<i32>} : memref<320xi32, #tpu.memory_space<vmem>>, vector<16xi32>,
        %gt3A_660 = arith.cmpi sgt, %get3A_659, %select_n3A_653 : vector<16xi32>
        %select_n3A_661 = arith.select %gt3A_660, %get3A_659, %select_n3A_653 : vector<16xi1>, vector<16xi32>
        %add3A_662 = arith.constant 80 : i32
        %add3A_663 = vector.broadcast %add3A_662 : i32 to vector<16xi32>
        %add3A_664 = arith.addi %iota3A, %add3A_663 : vector<16xi32>
        %select_n3A_665 = arith.select %gt3A_660, %add3A_664, %select_n3A_657 : vector<16xi1>, vector<16xi32>
        %get3A_666 = arith.constant 96 : index
        %get3A_667 = tpu.vector_load %arg23[%get3A_666] {strides = array<i32>} : memref<320xi32, #tpu.memory_space<vmem>>, vector<16xi32>,
        %gt3A_668 = arith.cmpi sgt, %get3A_667, %select_n3A_661 : vector<16xi32>
        %select_n3A_669 = arith.select %gt3A_668, %get3A_667, %select_n3A_661 : vector<16xi1>, vector<16xi32>
        %add3A_670 = arith.constant 96 : i32
        %add3A_671 = vector.broadcast %add3A_670 : i32 to vector<16xi32>
        %add3A_672 = arith.addi %iota3A, %add3A_671 : vector<16xi32>
        %select_n3A_673 = arith.select %gt3A_668, %add3A_672, %select_n3A_665 : vector<16xi1>, vector<16xi32>
        %get3A_674 = arith.constant 112 : index
        %get3A_675 = tpu.vector_load %arg23[%get3A_674] {strides = array<i32>} : memref<320xi32, #tpu.memory_space<vmem>>, vector<16xi32>,
        %gt3A_676 = arith.cmpi sgt, %get3A_675, %select_n3A_669 : vector<16xi32>
        %select_n3A_677 = arith.select %gt3A_676, %get3A_675, %select_n3A_669 : vector<16xi1>, vector<16xi32>
        %add3A_678 = arith.constant 112 : i32
        %add3A_679 = vector.broadcast %add3A_678 : i32 to vector<16xi32>
        %add3A_680 = arith.addi %iota3A, %add3A_679 : vector<16xi32>
        %select_n3A_681 = arith.select %gt3A_676, %add3A_680, %select_n3A_673 : vector<16xi1>, vector<16xi32>
        %get3A_682 = arith.constant 128 : index
        %get3A_683 = tpu.vector_load %arg23[%get3A_682] {strides = array<i32>} : memref<320xi32, #tpu.memory_space<vmem>>, vector<16xi32>,
        %gt3A_684 = arith.cmpi sgt, %get3A_683, %select_n3A_677 : vector<16xi32>
        %select_n3A_685 = arith.select %gt3A_684, %get3A_683, %select_n3A_677 : vector<16xi1>, vector<16xi32>
        %add3A_686 = arith.constant 128 : i32
        %add3A_687 = vector.broadcast %add3A_686 : i32 to vector<16xi32>
        %add3A_688 = arith.addi %iota3A, %add3A_687 : vector<16xi32>
        %select_n3A_689 = arith.select %gt3A_684, %add3A_688, %select_n3A_681 : vector<16xi1>, vector<16xi32>
        %get3A_690 = arith.constant 144 : index
        %get3A_691 = tpu.vector_load %arg23[%get3A_690] {strides = array<i32>} : memref<320xi32, #tpu.memory_space<vmem>>, vector<16xi32>,
        %gt3A_692 = arith.cmpi sgt, %get3A_691, %select_n3A_685 : vector<16xi32>
        %select_n3A_693 = arith.select %gt3A_692, %get3A_691, %select_n3A_685 : vector<16xi1>, vector<16xi32>
        %add3A_694 = arith.constant 144 : i32
        %add3A_695 = vector.broadcast %add3A_694 : i32 to vector<16xi32>
        %add3A_696 = arith.addi %iota3A, %add3A_695 : vector<16xi32>
        %select_n3A_697 = arith.select %gt3A_692, %add3A_696, %select_n3A_689 : vector<16xi1>, vector<16xi32>
        %get3A_698 = arith.constant 160 : index
        %get3A_699 = tpu.vector_load %arg23[%get3A_698] {strides = array<i32>} : memref<320xi32, #tpu.memory_space<vmem>>, vector<16xi32>,
        %gt3A_700 = arith.cmpi sgt, %get3A_699, %select_n3A_693 : vector<16xi32>
        %select_n3A_701 = arith.select %gt3A_700, %get3A_699, %select_n3A_693 : vector<16xi1>, vector<16xi32>
        %add3A_702 = arith.constant 160 : i32
        %add3A_703 = vector.broadcast %add3A_702 : i32 to vector<16xi32>
        %add3A_704 = arith.addi %iota3A, %add3A_703 : vector<16xi32>
        %select_n3A_705 = arith.select %gt3A_700, %add3A_704, %select_n3A_697 : vector<16xi1>, vector<16xi32>
        %get3A_706 = arith.constant 176 : index
        %get3A_707 = tpu.vector_load %arg23[%get3A_706] {strides = array<i32>} : memref<320xi32, #tpu.memory_space<vmem>>, vector<16xi32>,
        %gt3A_708 = arith.cmpi sgt, %get3A_707, %select_n3A_701 : vector<16xi32>
        %select_n3A_709 = arith.select %gt3A_708, %get3A_707, %select_n3A_701 : vector<16xi1>, vector<16xi32>
        %add3A_710 = arith.constant 176 : i32
        %add3A_711 = vector.broadcast %add3A_710 : i32 to vector<16xi32>
        %add3A_712 = arith.addi %iota3A, %add3A_711 : vector<16xi32>
        %select_n3A_713 = arith.select %gt3A_708, %add3A_712, %select_n3A_705 : vector<16xi1>, vector<16xi32>
        %get3A_714 = arith.constant 192 : index
        %get3A_715 = tpu.vector_load %arg23[%get3A_714] {strides = array<i32>} : memref<320xi32, #tpu.memory_space<vmem>>, vector<16xi32>,
        %gt3A_716 = arith.cmpi sgt, %get3A_715, %select_n3A_709 : vector<16xi32>
        %select_n3A_717 = arith.select %gt3A_716, %get3A_715, %select_n3A_709 : vector<16xi1>, vector<16xi32>
        %add3A_718 = arith.constant 192 : i32
        %add3A_719 = vector.broadcast %add3A_718 : i32 to vector<16xi32>
        %add3A_720 = arith.addi %iota3A, %add3A_719 : vector<16xi32>
        %select_n3A_721 = arith.select %gt3A_716, %add3A_720, %select_n3A_713 : vector<16xi1>, vector<16xi32>
        %get3A_722 = arith.constant 208 : index
        %get3A_723 = tpu.vector_load %arg23[%get3A_722] {strides = array<i32>} : memref<320xi32, #tpu.memory_space<vmem>>, vector<16xi32>,
        %gt3A_724 = arith.cmpi sgt, %get3A_723, %select_n3A_717 : vector<16xi32>
        %select_n3A_725 = arith.select %gt3A_724, %get3A_723, %select_n3A_717 : vector<16xi1>, vector<16xi32>
        %add3A_726 = arith.constant 208 : i32
        %add3A_727 = vector.broadcast %add3A_726 : i32 to vector<16xi32>
        %add3A_728 = arith.addi %iota3A, %add3A_727 : vector<16xi32>
        %select_n3A_729 = arith.select %gt3A_724, %add3A_728, %select_n3A_721 : vector<16xi1>, vector<16xi32>
        %get3A_730 = arith.constant 224 : index
        %get3A_731 = tpu.vector_load %arg23[%get3A_730] {strides = array<i32>} : memref<320xi32, #tpu.memory_space<vmem>>, vector<16xi32>,
        %gt3A_732 = arith.cmpi sgt, %get3A_731, %select_n3A_725 : vector<16xi32>
        %select_n3A_733 = arith.select %gt3A_732, %get3A_731, %select_n3A_725 : vector<16xi1>, vector<16xi32>
        %add3A_734 = arith.constant 224 : i32
        %add3A_735 = vector.broadcast %add3A_734 : i32 to vector<16xi32>
        %add3A_736 = arith.addi %iota3A, %add3A_735 : vector<16xi32>
        %select_n3A_737 = arith.select %gt3A_732, %add3A_736, %select_n3A_729 : vector<16xi1>, vector<16xi32>
        %get3A_738 = arith.constant 240 : index
        %get3A_739 = tpu.vector_load %arg23[%get3A_738] {strides = array<i32>} : memref<320xi32, #tpu.memory_space<vmem>>, vector<16xi32>,
        %gt3A_740 = arith.cmpi sgt, %get3A_739, %select_n3A_733 : vector<16xi32>
        %select_n3A_741 = arith.select %gt3A_740, %get3A_739, %select_n3A_733 : vector<16xi1>, vector<16xi32>
        %add3A_742 = arith.constant 240 : i32
        %add3A_743 = vector.broadcast %add3A_742 : i32 to vector<16xi32>
        %add3A_744 = arith.addi %iota3A, %add3A_743 : vector<16xi32>
        %select_n3A_745 = arith.select %gt3A_740, %add3A_744, %select_n3A_737 : vector<16xi1>, vector<16xi32>
        %get3A_746 = arith.constant 256 : index
        %get3A_747 = tpu.vector_load %arg23[%get3A_746] {strides = array<i32>} : memref<320xi32, #tpu.memory_space<vmem>>, vector<16xi32>,
        %gt3A_748 = arith.cmpi sgt, %get3A_747, %select_n3A_741 : vector<16xi32>
        %select_n3A_749 = arith.select %gt3A_748, %get3A_747, %select_n3A_741 : vector<16xi1>, vector<16xi32>
        %add3A_750 = arith.constant 256 : i32
        %add3A_751 = vector.broadcast %add3A_750 : i32 to vector<16xi32>
        %add3A_752 = arith.addi %iota3A, %add3A_751 : vector<16xi32>
        %select_n3A_753 = arith.select %gt3A_748, %add3A_752, %select_n3A_745 : vector<16xi1>, vector<16xi32>
        %get3A_754 = arith.constant 272 : index
        %get3A_755 = tpu.vector_load %arg23[%get3A_754] {strides = array<i32>} : memref<320xi32, #tpu.memory_space<vmem>>, vector<16xi32>,
        %gt3A_756 = arith.cmpi sgt, %get3A_755, %select_n3A_749 : vector<16xi32>
        %select_n3A_757 = arith.select %gt3A_756, %get3A_755, %select_n3A_749 : vector<16xi1>, vector<16xi32>
        %add3A_758 = arith.constant 272 : i32
        %add3A_759 = vector.broadcast %add3A_758 : i32 to vector<16xi32>
        %add3A_760 = arith.addi %iota3A, %add3A_759 : vector<16xi32>
        %select_n3A_761 = arith.select %gt3A_756, %add3A_760, %select_n3A_753 : vector<16xi1>, vector<16xi32>
        %get3A_762 = arith.constant 288 : index
        %get3A_763 = tpu.vector_load %arg23[%get3A_762] {strides = array<i32>} : memref<320xi32, #tpu.memory_space<vmem>>, vector<16xi32>,
        %gt3A_764 = arith.cmpi sgt, %get3A_763, %select_n3A_757 : vector<16xi32>
        %select_n3A_765 = arith.select %gt3A_764, %get3A_763, %select_n3A_757 : vector<16xi1>, vector<16xi32>
        %add3A_766 = arith.constant 288 : i32
        %add3A_767 = vector.broadcast %add3A_766 : i32 to vector<16xi32>
        %add3A_768 = arith.addi %iota3A, %add3A_767 : vector<16xi32>
        %select_n3A_769 = arith.select %gt3A_764, %add3A_768, %select_n3A_761 : vector<16xi1>, vector<16xi32>
        %get3A_770 = arith.constant 304 : index
        %get3A_771 = tpu.vector_load %arg23[%get3A_770] {strides = array<i32>} : memref<320xi32, #tpu.memory_space<vmem>>, vector<16xi32>,
        %gt3A_772 = arith.cmpi sgt, %get3A_771, %select_n3A_765 : vector<16xi32>
        %select_n3A_773 = arith.select %gt3A_772, %get3A_771, %select_n3A_765 : vector<16xi1>, vector<16xi32>
        %add3A_774 = arith.constant 304 : i32
        %add3A_775 = vector.broadcast %add3A_774 : i32 to vector<16xi32>
        %add3A_776 = arith.addi %iota3A, %add3A_775 : vector<16xi32>
        %select_n3A_777 = arith.select %gt3A_772, %add3A_776, %select_n3A_769 : vector<16xi1>, vector<16xi32>
        %reduce_max3A_778 = arith.constant true
        %reduce_max3A_779 = vector.broadcast %reduce_max3A_778 : i1 to vector<16xi1>
        %reduce_max3A_780 = arith.constant -2147483648 : i32
        %reduce_max3A_781 = vector.broadcast %reduce_max3A_780 : i32 to vector<16xi32>
        %reduce_max3A_782 = arith.xori %select_n3A_773, %reduce_max3A_781 : vector<16xi32>
        %reduce_max3A_783 = tpu.scan <max>, %reduce_max3A_782 masked %reduce_max3A_779 : vector<16xi32>, vector<16xi1> -> vector<16xi32>
        %reduce_max3A_784 = arith.xori %reduce_max3A_783, %reduce_max3A_781 : vector<16xi32>
        %reduce_max3A_785 = vector.extract %reduce_max3A_784[15] : i32 from vector<16xi32>
        %eq3A_786 = vector.broadcast %reduce_max3A_785 : i32 to vector<16xi32>
        %eq3A_787 = arith.cmpi eq, %select_n3A_773, %eq3A_786 : vector<16xi32>
        %jit3A_788 = arith.constant 1073741824 : i32
        %broadcast_in_dim3A_789 = vector.broadcast %jit3A_788 : i32 to vector<16xi32>
        %select_n3A_790 = arith.select %eq3A_787, %select_n3A_777, %broadcast_in_dim3A_789 : vector<16xi1>, vector<16xi32>
        %reduce_min3A_791 = arith.constant true
        %reduce_min3A_792 = vector.broadcast %reduce_min3A_791 : i1 to vector<16xi1>
        %reduce_min3A_793 = arith.constant -2147483648 : i32
        %reduce_min3A_794 = vector.broadcast %reduce_min3A_793 : i32 to vector<16xi32>
        %reduce_min3A_795 = arith.xori %select_n3A_790, %reduce_min3A_794 : vector<16xi32>
        %reduce_min3A_796 = tpu.scan <min>, %reduce_min3A_795 masked %reduce_min3A_792 : vector<16xi32>, vector<16xi1> -> vector<16xi32>
        %reduce_min3A_797 = arith.xori %reduce_min3A_796, %reduce_min3A_794 : vector<16xi32>
        %reduce_min3A_798 = vector.extract %reduce_min3A_797[15] : i32 from vector<16xi32>
        %eq3A_799 = arith.constant 3 : i32
        %eq3A_800 = vector.broadcast %eq3A_799 : i32 to vector<16xi32>
        %eq3A_801 = arith.cmpi eq, %iota3A, %eq3A_800 : vector<16xi32>
        %broadcast_in_dim3A_802 = vector.broadcast %reduce_max3A_785 : i32 to vector<16xi32>
        %select_n3A_803 = arith.select %eq3A_801, %broadcast_in_dim3A_802, %select_n3A_607 : vector<16xi1>, vector<16xi32>
        %eq3A_804 = arith.constant 3 : i32
        %eq3A_805 = vector.broadcast %eq3A_804 : i32 to vector<16xi32>
        %eq3A_806 = arith.cmpi eq, %iota3A, %eq3A_805 : vector<16xi32>
        %broadcast_in_dim3A_807 = vector.broadcast %reduce_min3A_798 : i32 to vector<16xi32>
        %select_n3A_808 = arith.select %eq3A_806, %broadcast_in_dim3A_807, %select_n3A_612 : vector<16xi1>, vector<16xi32>
        %broadcast_in_dim3A_809 = vector.broadcast %reduce_min3A_798 : i32 to vector<16xi32>
        tpu.vector_store_idx %arg23[%broadcast_in_dim3A_809], %broadcast_in_dim3A_16 masked %eq3A_19 : memref<320xi32, #tpu.memory_space<vmem>>[vector<16xi32>], vector<16xi32>, vector<16xi1>
        %broadcast_in_dim3A_810 = arith.constant -2147483648 : i32
        %broadcast_in_dim3A_811 = vector.broadcast %broadcast_in_dim3A_810 : i32 to vector<16xi32>
        %broadcast_in_dim3A_812 = arith.constant 0 : i32
        %broadcast_in_dim3A_813 = vector.broadcast %broadcast_in_dim3A_812 : i32 to vector<16xi32>
        %get3A_814 = arith.constant 0 : index
        %get3A_815 = tpu.vector_load %arg23[%get3A_814] {strides = array<i32>} : memref<320xi32, #tpu.memory_space<vmem>>, vector<16xi32>,
        %gt3A_816 = arith.cmpi sgt, %get3A_815, %broadcast_in_dim3A_811 : vector<16xi32>
        %select_n3A_817 = arith.select %gt3A_816, %get3A_815, %broadcast_in_dim3A_811 : vector<16xi1>, vector<16xi32>
        %add3A_818 = arith.constant 0 : i32
        %add3A_819 = vector.broadcast %add3A_818 : i32 to vector<16xi32>
        %add3A_820 = arith.addi %iota3A, %add3A_819 : vector<16xi32>
        %select_n3A_821 = arith.select %gt3A_816, %add3A_820, %broadcast_in_dim3A_813 : vector<16xi1>, vector<16xi32>
        %get3A_822 = arith.constant 16 : index
        %get3A_823 = tpu.vector_load %arg23[%get3A_822] {strides = array<i32>} : memref<320xi32, #tpu.memory_space<vmem>>, vector<16xi32>,
        %gt3A_824 = arith.cmpi sgt, %get3A_823, %select_n3A_817 : vector<16xi32>
        %select_n3A_825 = arith.select %gt3A_824, %get3A_823, %select_n3A_817 : vector<16xi1>, vector<16xi32>
        %add3A_826 = arith.constant 16 : i32
        %add3A_827 = vector.broadcast %add3A_826 : i32 to vector<16xi32>
        %add3A_828 = arith.addi %iota3A, %add3A_827 : vector<16xi32>
        %select_n3A_829 = arith.select %gt3A_824, %add3A_828, %select_n3A_821 : vector<16xi1>, vector<16xi32>
        %get3A_830 = arith.constant 32 : index
        %get3A_831 = tpu.vector_load %arg23[%get3A_830] {strides = array<i32>} : memref<320xi32, #tpu.memory_space<vmem>>, vector<16xi32>,
        %gt3A_832 = arith.cmpi sgt, %get3A_831, %select_n3A_825 : vector<16xi32>
        %select_n3A_833 = arith.select %gt3A_832, %get3A_831, %select_n3A_825 : vector<16xi1>, vector<16xi32>
        %add3A_834 = arith.constant 32 : i32
        %add3A_835 = vector.broadcast %add3A_834 : i32 to vector<16xi32>
        %add3A_836 = arith.addi %iota3A, %add3A_835 : vector<16xi32>
        %select_n3A_837 = arith.select %gt3A_832, %add3A_836, %select_n3A_829 : vector<16xi1>, vector<16xi32>
        %get3A_838 = arith.constant 48 : index
        %get3A_839 = tpu.vector_load %arg23[%get3A_838] {strides = array<i32>} : memref<320xi32, #tpu.memory_space<vmem>>, vector<16xi32>,
        %gt3A_840 = arith.cmpi sgt, %get3A_839, %select_n3A_833 : vector<16xi32>
        %select_n3A_841 = arith.select %gt3A_840, %get3A_839, %select_n3A_833 : vector<16xi1>, vector<16xi32>
        %add3A_842 = arith.constant 48 : i32
        %add3A_843 = vector.broadcast %add3A_842 : i32 to vector<16xi32>
        %add3A_844 = arith.addi %iota3A, %add3A_843 : vector<16xi32>
        %select_n3A_845 = arith.select %gt3A_840, %add3A_844, %select_n3A_837 : vector<16xi1>, vector<16xi32>
        %get3A_846 = arith.constant 64 : index
        %get3A_847 = tpu.vector_load %arg23[%get3A_846] {strides = array<i32>} : memref<320xi32, #tpu.memory_space<vmem>>, vector<16xi32>,
        %gt3A_848 = arith.cmpi sgt, %get3A_847, %select_n3A_841 : vector<16xi32>
        %select_n3A_849 = arith.select %gt3A_848, %get3A_847, %select_n3A_841 : vector<16xi1>, vector<16xi32>
        %add3A_850 = arith.constant 64 : i32
        %add3A_851 = vector.broadcast %add3A_850 : i32 to vector<16xi32>
        %add3A_852 = arith.addi %iota3A, %add3A_851 : vector<16xi32>
        %select_n3A_853 = arith.select %gt3A_848, %add3A_852, %select_n3A_845 : vector<16xi1>, vector<16xi32>
        %get3A_854 = arith.constant 80 : index
        %get3A_855 = tpu.vector_load %arg23[%get3A_854] {strides = array<i32>} : memref<320xi32, #tpu.memory_space<vmem>>, vector<16xi32>,
        %gt3A_856 = arith.cmpi sgt, %get3A_855, %select_n3A_849 : vector<16xi32>
        %select_n3A_857 = arith.select %gt3A_856, %get3A_855, %select_n3A_849 : vector<16xi1>, vector<16xi32>
        %add3A_858 = arith.constant 80 : i32
        %add3A_859 = vector.broadcast %add3A_858 : i32 to vector<16xi32>
        %add3A_860 = arith.addi %iota3A, %add3A_859 : vector<16xi32>
        %select_n3A_861 = arith.select %gt3A_856, %add3A_860, %select_n3A_853 : vector<16xi1>, vector<16xi32>
        %get3A_862 = arith.constant 96 : index
        %get3A_863 = tpu.vector_load %arg23[%get3A_862] {strides = array<i32>} : memref<320xi32, #tpu.memory_space<vmem>>, vector<16xi32>,
        %gt3A_864 = arith.cmpi sgt, %get3A_863, %select_n3A_857 : vector<16xi32>
        %select_n3A_865 = arith.select %gt3A_864, %get3A_863, %select_n3A_857 : vector<16xi1>, vector<16xi32>
        %add3A_866 = arith.constant 96 : i32
        %add3A_867 = vector.broadcast %add3A_866 : i32 to vector<16xi32>
        %add3A_868 = arith.addi %iota3A, %add3A_867 : vector<16xi32>
        %select_n3A_869 = arith.select %gt3A_864, %add3A_868, %select_n3A_861 : vector<16xi1>, vector<16xi32>
        %get3A_870 = arith.constant 112 : index
        %get3A_871 = tpu.vector_load %arg23[%get3A_870] {strides = array<i32>} : memref<320xi32, #tpu.memory_space<vmem>>, vector<16xi32>,
        %gt3A_872 = arith.cmpi sgt, %get3A_871, %select_n3A_865 : vector<16xi32>
        %select_n3A_873 = arith.select %gt3A_872, %get3A_871, %select_n3A_865 : vector<16xi1>, vector<16xi32>
        %add3A_874 = arith.constant 112 : i32
        %add3A_875 = vector.broadcast %add3A_874 : i32 to vector<16xi32>
        %add3A_876 = arith.addi %iota3A, %add3A_875 : vector<16xi32>
        %select_n3A_877 = arith.select %gt3A_872, %add3A_876, %select_n3A_869 : vector<16xi1>, vector<16xi32>
        %get3A_878 = arith.constant 128 : index
        %get3A_879 = tpu.vector_load %arg23[%get3A_878] {strides = array<i32>} : memref<320xi32, #tpu.memory_space<vmem>>, vector<16xi32>,
        %gt3A_880 = arith.cmpi sgt, %get3A_879, %select_n3A_873 : vector<16xi32>
        %select_n3A_881 = arith.select %gt3A_880, %get3A_879, %select_n3A_873 : vector<16xi1>, vector<16xi32>
        %add3A_882 = arith.constant 128 : i32
        %add3A_883 = vector.broadcast %add3A_882 : i32 to vector<16xi32>
        %add3A_884 = arith.addi %iota3A, %add3A_883 : vector<16xi32>
        %select_n3A_885 = arith.select %gt3A_880, %add3A_884, %select_n3A_877 : vector<16xi1>, vector<16xi32>
        %get3A_886 = arith.constant 144 : index
        %get3A_887 = tpu.vector_load %arg23[%get3A_886] {strides = array<i32>} : memref<320xi32, #tpu.memory_space<vmem>>, vector<16xi32>,
        %gt3A_888 = arith.cmpi sgt, %get3A_887, %select_n3A_881 : vector<16xi32>
        %select_n3A_889 = arith.select %gt3A_888, %get3A_887, %select_n3A_881 : vector<16xi1>, vector<16xi32>
        %add3A_890 = arith.constant 144 : i32
        %add3A_891 = vector.broadcast %add3A_890 : i32 to vector<16xi32>
        %add3A_892 = arith.addi %iota3A, %add3A_891 : vector<16xi32>
        %select_n3A_893 = arith.select %gt3A_888, %add3A_892, %select_n3A_885 : vector<16xi1>, vector<16xi32>
        %get3A_894 = arith.constant 160 : index
        %get3A_895 = tpu.vector_load %arg23[%get3A_894] {strides = array<i32>} : memref<320xi32, #tpu.memory_space<vmem>>, vector<16xi32>,
        %gt3A_896 = arith.cmpi sgt, %get3A_895, %select_n3A_889 : vector<16xi32>
        %select_n3A_897 = arith.select %gt3A_896, %get3A_895, %select_n3A_889 : vector<16xi1>, vector<16xi32>
        %add3A_898 = arith.constant 160 : i32
        %add3A_899 = vector.broadcast %add3A_898 : i32 to vector<16xi32>
        %add3A_900 = arith.addi %iota3A, %add3A_899 : vector<16xi32>
        %select_n3A_901 = arith.select %gt3A_896, %add3A_900, %select_n3A_893 : vector<16xi1>, vector<16xi32>
        %get3A_902 = arith.constant 176 : index
        %get3A_903 = tpu.vector_load %arg23[%get3A_902] {strides = array<i32>} : memref<320xi32, #tpu.memory_space<vmem>>, vector<16xi32>,
        %gt3A_904 = arith.cmpi sgt, %get3A_903, %select_n3A_897 : vector<16xi32>
        %select_n3A_905 = arith.select %gt3A_904, %get3A_903, %select_n3A_897 : vector<16xi1>, vector<16xi32>
        %add3A_906 = arith.constant 176 : i32
        %add3A_907 = vector.broadcast %add3A_906 : i32 to vector<16xi32>
        %add3A_908 = arith.addi %iota3A, %add3A_907 : vector<16xi32>
        %select_n3A_909 = arith.select %gt3A_904, %add3A_908, %select_n3A_901 : vector<16xi1>, vector<16xi32>
        %get3A_910 = arith.constant 192 : index
        %get3A_911 = tpu.vector_load %arg23[%get3A_910] {strides = array<i32>} : memref<320xi32, #tpu.memory_space<vmem>>, vector<16xi32>,
        %gt3A_912 = arith.cmpi sgt, %get3A_911, %select_n3A_905 : vector<16xi32>
        %select_n3A_913 = arith.select %gt3A_912, %get3A_911, %select_n3A_905 : vector<16xi1>, vector<16xi32>
        %add3A_914 = arith.constant 192 : i32
        %add3A_915 = vector.broadcast %add3A_914 : i32 to vector<16xi32>
        %add3A_916 = arith.addi %iota3A, %add3A_915 : vector<16xi32>
        %select_n3A_917 = arith.select %gt3A_912, %add3A_916, %select_n3A_909 : vector<16xi1>, vector<16xi32>
        %get3A_918 = arith.constant 208 : index
        %get3A_919 = tpu.vector_load %arg23[%get3A_918] {strides = array<i32>} : memref<320xi32, #tpu.memory_space<vmem>>, vector<16xi32>,
        %gt3A_920 = arith.cmpi sgt, %get3A_919, %select_n3A_913 : vector<16xi32>
        %select_n3A_921 = arith.select %gt3A_920, %get3A_919, %select_n3A_913 : vector<16xi1>, vector<16xi32>
        %add3A_922 = arith.constant 208 : i32
        %add3A_923 = vector.broadcast %add3A_922 : i32 to vector<16xi32>
        %add3A_924 = arith.addi %iota3A, %add3A_923 : vector<16xi32>
        %select_n3A_925 = arith.select %gt3A_920, %add3A_924, %select_n3A_917 : vector<16xi1>, vector<16xi32>
        %get3A_926 = arith.constant 224 : index
        %get3A_927 = tpu.vector_load %arg23[%get3A_926] {strides = array<i32>} : memref<320xi32, #tpu.memory_space<vmem>>, vector<16xi32>,
        %gt3A_928 = arith.cmpi sgt, %get3A_927, %select_n3A_921 : vector<16xi32>
        %select_n3A_929 = arith.select %gt3A_928, %get3A_927, %select_n3A_921 : vector<16xi1>, vector<16xi32>
        %add3A_930 = arith.constant 224 : i32
        %add3A_931 = vector.broadcast %add3A_930 : i32 to vector<16xi32>
        %add3A_932 = arith.addi %iota3A, %add3A_931 : vector<16xi32>
        %select_n3A_933 = arith.select %gt3A_928, %add3A_932, %select_n3A_925 : vector<16xi1>, vector<16xi32>
        %get3A_934 = arith.constant 240 : index
        %get3A_935 = tpu.vector_load %arg23[%get3A_934] {strides = array<i32>} : memref<320xi32, #tpu.memory_space<vmem>>, vector<16xi32>,
        %gt3A_936 = arith.cmpi sgt, %get3A_935, %select_n3A_929 : vector<16xi32>
        %select_n3A_937 = arith.select %gt3A_936, %get3A_935, %select_n3A_929 : vector<16xi1>, vector<16xi32>
        %add3A_938 = arith.constant 240 : i32
        %add3A_939 = vector.broadcast %add3A_938 : i32 to vector<16xi32>
        %add3A_940 = arith.addi %iota3A, %add3A_939 : vector<16xi32>
        %select_n3A_941 = arith.select %gt3A_936, %add3A_940, %select_n3A_933 : vector<16xi1>, vector<16xi32>
        %get3A_942 = arith.constant 256 : index
        %get3A_943 = tpu.vector_load %arg23[%get3A_942] {strides = array<i32>} : memref<320xi32, #tpu.memory_space<vmem>>, vector<16xi32>,
        %gt3A_944 = arith.cmpi sgt, %get3A_943, %select_n3A_937 : vector<16xi32>
        %select_n3A_945 = arith.select %gt3A_944, %get3A_943, %select_n3A_937 : vector<16xi1>, vector<16xi32>
        %add3A_946 = arith.constant 256 : i32
        %add3A_947 = vector.broadcast %add3A_946 : i32 to vector<16xi32>
        %add3A_948 = arith.addi %iota3A, %add3A_947 : vector<16xi32>
        %select_n3A_949 = arith.select %gt3A_944, %add3A_948, %select_n3A_941 : vector<16xi1>, vector<16xi32>
        %get3A_950 = arith.constant 272 : index
        %get3A_951 = tpu.vector_load %arg23[%get3A_950] {strides = array<i32>} : memref<320xi32, #tpu.memory_space<vmem>>, vector<16xi32>,
        %gt3A_952 = arith.cmpi sgt, %get3A_951, %select_n3A_945 : vector<16xi32>
        %select_n3A_953 = arith.select %gt3A_952, %get3A_951, %select_n3A_945 : vector<16xi1>, vector<16xi32>
        %add3A_954 = arith.constant 272 : i32
        %add3A_955 = vector.broadcast %add3A_954 : i32 to vector<16xi32>
        %add3A_956 = arith.addi %iota3A, %add3A_955 : vector<16xi32>
        %select_n3A_957 = arith.select %gt3A_952, %add3A_956, %select_n3A_949 : vector<16xi1>, vector<16xi32>
        %get3A_958 = arith.constant 288 : index
        %get3A_959 = tpu.vector_load %arg23[%get3A_958] {strides = array<i32>} : memref<320xi32, #tpu.memory_space<vmem>>, vector<16xi32>,
        %gt3A_960 = arith.cmpi sgt, %get3A_959, %select_n3A_953 : vector<16xi32>
        %select_n3A_961 = arith.select %gt3A_960, %get3A_959, %select_n3A_953 : vector<16xi1>, vector<16xi32>
        %add3A_962 = arith.constant 288 : i32
        %add3A_963 = vector.broadcast %add3A_962 : i32 to vector<16xi32>
        %add3A_964 = arith.addi %iota3A, %add3A_963 : vector<16xi32>
        %select_n3A_965 = arith.select %gt3A_960, %add3A_964, %select_n3A_957 : vector<16xi1>, vector<16xi32>
        %get3A_966 = arith.constant 304 : index
        %get3A_967 = tpu.vector_load %arg23[%get3A_966] {strides = array<i32>} : memref<320xi32, #tpu.memory_space<vmem>>, vector<16xi32>,
        %gt3A_968 = arith.cmpi sgt, %get3A_967, %select_n3A_961 : vector<16xi32>
        %select_n3A_969 = arith.select %gt3A_968, %get3A_967, %select_n3A_961 : vector<16xi1>, vector<16xi32>
        %add3A_970 = arith.constant 304 : i32
        %add3A_971 = vector.broadcast %add3A_970 : i32 to vector<16xi32>
        %add3A_972 = arith.addi %iota3A, %add3A_971 : vector<16xi32>
        %select_n3A_973 = arith.select %gt3A_968, %add3A_972, %select_n3A_965 : vector<16xi1>, vector<16xi32>
        %reduce_max3A_974 = arith.constant true
        %reduce_max3A_975 = vector.broadcast %reduce_max3A_974 : i1 to vector<16xi1>
        %reduce_max3A_976 = arith.constant -2147483648 : i32
        %reduce_max3A_977 = vector.broadcast %reduce_max3A_976 : i32 to vector<16xi32>
        %reduce_max3A_978 = arith.xori %select_n3A_969, %reduce_max3A_977 : vector<16xi32>
        %reduce_max3A_979 = tpu.scan <max>, %reduce_max3A_978 masked %reduce_max3A_975 : vector<16xi32>, vector<16xi1> -> vector<16xi32>
        %reduce_max3A_980 = arith.xori %reduce_max3A_979, %reduce_max3A_977 : vector<16xi32>
        %reduce_max3A_981 = vector.extract %reduce_max3A_980[15] : i32 from vector<16xi32>
        %eq3A_982 = vector.broadcast %reduce_max3A_981 : i32 to vector<16xi32>
        %eq3A_983 = arith.cmpi eq, %select_n3A_969, %eq3A_982 : vector<16xi32>
        %jit3A_984 = arith.constant 1073741824 : i32
        %broadcast_in_dim3A_985 = vector.broadcast %jit3A_984 : i32 to vector<16xi32>
        %select_n3A_986 = arith.select %eq3A_983, %select_n3A_973, %broadcast_in_dim3A_985 : vector<16xi1>, vector<16xi32>
        %reduce_min3A_987 = arith.constant true
        %reduce_min3A_988 = vector.broadcast %reduce_min3A_987 : i1 to vector<16xi1>
        %reduce_min3A_989 = arith.constant -2147483648 : i32
        %reduce_min3A_990 = vector.broadcast %reduce_min3A_989 : i32 to vector<16xi32>
        %reduce_min3A_991 = arith.xori %select_n3A_986, %reduce_min3A_990 : vector<16xi32>
        %reduce_min3A_992 = tpu.scan <min>, %reduce_min3A_991 masked %reduce_min3A_988 : vector<16xi32>, vector<16xi1> -> vector<16xi32>
        %reduce_min3A_993 = arith.xori %reduce_min3A_992, %reduce_min3A_990 : vector<16xi32>
        %reduce_min3A_994 = vector.extract %reduce_min3A_993[15] : i32 from vector<16xi32>
        %eq3A_995 = arith.constant 4 : i32
        %eq3A_996 = vector.broadcast %eq3A_995 : i32 to vector<16xi32>
        %eq3A_997 = arith.cmpi eq, %iota3A, %eq3A_996 : vector<16xi32>
        %broadcast_in_dim3A_998 = vector.broadcast %reduce_max3A_981 : i32 to vector<16xi32>
        %select_n3A_999 = arith.select %eq3A_997, %broadcast_in_dim3A_998, %select_n3A_803 : vector<16xi1>, vector<16xi32>
        %eq3A_1000 = arith.constant 4 : i32
        %eq3A_1001 = vector.broadcast %eq3A_1000 : i32 to vector<16xi32>
        %eq3A_1002 = arith.cmpi eq, %iota3A, %eq3A_1001 : vector<16xi32>
        %broadcast_in_dim3A_1003 = vector.broadcast %reduce_min3A_994 : i32 to vector<16xi32>
        %select_n3A_1004 = arith.select %eq3A_1002, %broadcast_in_dim3A_1003, %select_n3A_808 : vector<16xi1>, vector<16xi32>
        %broadcast_in_dim3A_1005 = vector.broadcast %reduce_min3A_994 : i32 to vector<16xi32>
        tpu.vector_store_idx %arg23[%broadcast_in_dim3A_1005], %broadcast_in_dim3A_16 masked %eq3A_19 : memref<320xi32, #tpu.memory_space<vmem>>[vector<16xi32>], vector<16xi32>, vector<16xi1>
        %broadcast_in_dim3A_1006 = arith.constant -2147483648 : i32
        %broadcast_in_dim3A_1007 = vector.broadcast %broadcast_in_dim3A_1006 : i32 to vector<16xi32>
        %broadcast_in_dim3A_1008 = arith.constant 0 : i32
        %broadcast_in_dim3A_1009 = vector.broadcast %broadcast_in_dim3A_1008 : i32 to vector<16xi32>
        %get3A_1010 = arith.constant 0 : index
        %get3A_1011 = tpu.vector_load %arg23[%get3A_1010] {strides = array<i32>} : memref<320xi32, #tpu.memory_space<vmem>>, vector<16xi32>,
        %gt3A_1012 = arith.cmpi sgt, %get3A_1011, %broadcast_in_dim3A_1007 : vector<16xi32>
        %select_n3A_1013 = arith.select %gt3A_1012, %get3A_1011, %broadcast_in_dim3A_1007 : vector<16xi1>, vector<16xi32>
        %add3A_1014 = arith.constant 0 : i32
        %add3A_1015 = vector.broadcast %add3A_1014 : i32 to vector<16xi32>
        %add3A_1016 = arith.addi %iota3A, %add3A_1015 : vector<16xi32>
        %select_n3A_1017 = arith.select %gt3A_1012, %add3A_1016, %broadcast_in_dim3A_1009 : vector<16xi1>, vector<16xi32>
        %get3A_1018 = arith.constant 16 : index
        %get3A_1019 = tpu.vector_load %arg23[%get3A_1018] {strides = array<i32>} : memref<320xi32, #tpu.memory_space<vmem>>, vector<16xi32>,
        %gt3A_1020 = arith.cmpi sgt, %get3A_1019, %select_n3A_1013 : vector<16xi32>
        %select_n3A_1021 = arith.select %gt3A_1020, %get3A_1019, %select_n3A_1013 : vector<16xi1>, vector<16xi32>
        %add3A_1022 = arith.constant 16 : i32
        %add3A_1023 = vector.broadcast %add3A_1022 : i32 to vector<16xi32>
        %add3A_1024 = arith.addi %iota3A, %add3A_1023 : vector<16xi32>
        %select_n3A_1025 = arith.select %gt3A_1020, %add3A_1024, %select_n3A_1017 : vector<16xi1>, vector<16xi32>
        %get3A_1026 = arith.constant 32 : index
        %get3A_1027 = tpu.vector_load %arg23[%get3A_1026] {strides = array<i32>} : memref<320xi32, #tpu.memory_space<vmem>>, vector<16xi32>,
        %gt3A_1028 = arith.cmpi sgt, %get3A_1027, %select_n3A_1021 : vector<16xi32>
        %select_n3A_1029 = arith.select %gt3A_1028, %get3A_1027, %select_n3A_1021 : vector<16xi1>, vector<16xi32>
        %add3A_1030 = arith.constant 32 : i32
        %add3A_1031 = vector.broadcast %add3A_1030 : i32 to vector<16xi32>
        %add3A_1032 = arith.addi %iota3A, %add3A_1031 : vector<16xi32>
        %select_n3A_1033 = arith.select %gt3A_1028, %add3A_1032, %select_n3A_1025 : vector<16xi1>, vector<16xi32>
        %get3A_1034 = arith.constant 48 : index
        %get3A_1035 = tpu.vector_load %arg23[%get3A_1034] {strides = array<i32>} : memref<320xi32, #tpu.memory_space<vmem>>, vector<16xi32>,
        %gt3A_1036 = arith.cmpi sgt, %get3A_1035, %select_n3A_1029 : vector<16xi32>
        %select_n3A_1037 = arith.select %gt3A_1036, %get3A_1035, %select_n3A_1029 : vector<16xi1>, vector<16xi32>
        %add3A_1038 = arith.constant 48 : i32
        %add3A_1039 = vector.broadcast %add3A_1038 : i32 to vector<16xi32>
        %add3A_1040 = arith.addi %iota3A, %add3A_1039 : vector<16xi32>
        %select_n3A_1041 = arith.select %gt3A_1036, %add3A_1040, %select_n3A_1033 : vector<16xi1>, vector<16xi32>
        %get3A_1042 = arith.constant 64 : index
        %get3A_1043 = tpu.vector_load %arg23[%get3A_1042] {strides = array<i32>} : memref<320xi32, #tpu.memory_space<vmem>>, vector<16xi32>,
        %gt3A_1044 = arith.cmpi sgt, %get3A_1043, %select_n3A_1037 : vector<16xi32>
        %select_n3A_1045 = arith.select %gt3A_1044, %get3A_1043, %select_n3A_1037 : vector<16xi1>, vector<16xi32>
        %add3A_1046 = arith.constant 64 : i32
        %add3A_1047 = vector.broadcast %add3A_1046 : i32 to vector<16xi32>
        %add3A_1048 = arith.addi %iota3A, %add3A_1047 : vector<16xi32>
        %select_n3A_1049 = arith.select %gt3A_1044, %add3A_1048, %select_n3A_1041 : vector<16xi1>, vector<16xi32>
        %get3A_1050 = arith.constant 80 : index
        %get3A_1051 = tpu.vector_load %arg23[%get3A_1050] {strides = array<i32>} : memref<320xi32, #tpu.memory_space<vmem>>, vector<16xi32>,
        %gt3A_1052 = arith.cmpi sgt, %get3A_1051, %select_n3A_1045 : vector<16xi32>
        %select_n3A_1053 = arith.select %gt3A_1052, %get3A_1051, %select_n3A_1045 : vector<16xi1>, vector<16xi32>
        %add3A_1054 = arith.constant 80 : i32
        %add3A_1055 = vector.broadcast %add3A_1054 : i32 to vector<16xi32>
        %add3A_1056 = arith.addi %iota3A, %add3A_1055 : vector<16xi32>
        %select_n3A_1057 = arith.select %gt3A_1052, %add3A_1056, %select_n3A_1049 : vector<16xi1>, vector<16xi32>
        %get3A_1058 = arith.constant 96 : index
        %get3A_1059 = tpu.vector_load %arg23[%get3A_1058] {strides = array<i32>} : memref<320xi32, #tpu.memory_space<vmem>>, vector<16xi32>,
        %gt3A_1060 = arith.cmpi sgt, %get3A_1059, %select_n3A_1053 : vector<16xi32>
        %select_n3A_1061 = arith.select %gt3A_1060, %get3A_1059, %select_n3A_1053 : vector<16xi1>, vector<16xi32>
        %add3A_1062 = arith.constant 96 : i32
        %add3A_1063 = vector.broadcast %add3A_1062 : i32 to vector<16xi32>
        %add3A_1064 = arith.addi %iota3A, %add3A_1063 : vector<16xi32>
        %select_n3A_1065 = arith.select %gt3A_1060, %add3A_1064, %select_n3A_1057 : vector<16xi1>, vector<16xi32>
        %get3A_1066 = arith.constant 112 : index
        %get3A_1067 = tpu.vector_load %arg23[%get3A_1066] {strides = array<i32>} : memref<320xi32, #tpu.memory_space<vmem>>, vector<16xi32>,
        %gt3A_1068 = arith.cmpi sgt, %get3A_1067, %select_n3A_1061 : vector<16xi32>
        %select_n3A_1069 = arith.select %gt3A_1068, %get3A_1067, %select_n3A_1061 : vector<16xi1>, vector<16xi32>
        %add3A_1070 = arith.constant 112 : i32
        %add3A_1071 = vector.broadcast %add3A_1070 : i32 to vector<16xi32>
        %add3A_1072 = arith.addi %iota3A, %add3A_1071 : vector<16xi32>
        %select_n3A_1073 = arith.select %gt3A_1068, %add3A_1072, %select_n3A_1065 : vector<16xi1>, vector<16xi32>
        %get3A_1074 = arith.constant 128 : index
        %get3A_1075 = tpu.vector_load %arg23[%get3A_1074] {strides = array<i32>} : memref<320xi32, #tpu.memory_space<vmem>>, vector<16xi32>,
        %gt3A_1076 = arith.cmpi sgt, %get3A_1075, %select_n3A_1069 : vector<16xi32>
        %select_n3A_1077 = arith.select %gt3A_1076, %get3A_1075, %select_n3A_1069 : vector<16xi1>, vector<16xi32>
        %add3A_1078 = arith.constant 128 : i32
        %add3A_1079 = vector.broadcast %add3A_1078 : i32 to vector<16xi32>
        %add3A_1080 = arith.addi %iota3A, %add3A_1079 : vector<16xi32>
        %select_n3A_1081 = arith.select %gt3A_1076, %add3A_1080, %select_n3A_1073 : vector<16xi1>, vector<16xi32>
        %get3A_1082 = arith.constant 144 : index
        %get3A_1083 = tpu.vector_load %arg23[%get3A_1082] {strides = array<i32>} : memref<320xi32, #tpu.memory_space<vmem>>, vector<16xi32>,
        %gt3A_1084 = arith.cmpi sgt, %get3A_1083, %select_n3A_1077 : vector<16xi32>
        %select_n3A_1085 = arith.select %gt3A_1084, %get3A_1083, %select_n3A_1077 : vector<16xi1>, vector<16xi32>
        %add3A_1086 = arith.constant 144 : i32
        %add3A_1087 = vector.broadcast %add3A_1086 : i32 to vector<16xi32>
        %add3A_1088 = arith.addi %iota3A, %add3A_1087 : vector<16xi32>
        %select_n3A_1089 = arith.select %gt3A_1084, %add3A_1088, %select_n3A_1081 : vector<16xi1>, vector<16xi32>
        %get3A_1090 = arith.constant 160 : index
        %get3A_1091 = tpu.vector_load %arg23[%get3A_1090] {strides = array<i32>} : memref<320xi32, #tpu.memory_space<vmem>>, vector<16xi32>,
        %gt3A_1092 = arith.cmpi sgt, %get3A_1091, %select_n3A_1085 : vector<16xi32>
        %select_n3A_1093 = arith.select %gt3A_1092, %get3A_1091, %select_n3A_1085 : vector<16xi1>, vector<16xi32>
        %add3A_1094 = arith.constant 160 : i32
        %add3A_1095 = vector.broadcast %add3A_1094 : i32 to vector<16xi32>
        %add3A_1096 = arith.addi %iota3A, %add3A_1095 : vector<16xi32>
        %select_n3A_1097 = arith.select %gt3A_1092, %add3A_1096, %select_n3A_1089 : vector<16xi1>, vector<16xi32>
        %get3A_1098 = arith.constant 176 : index
        %get3A_1099 = tpu.vector_load %arg23[%get3A_1098] {strides = array<i32>} : memref<320xi32, #tpu.memory_space<vmem>>, vector<16xi32>,
        %gt3A_1100 = arith.cmpi sgt, %get3A_1099, %select_n3A_1093 : vector<16xi32>
        %select_n3A_1101 = arith.select %gt3A_1100, %get3A_1099, %select_n3A_1093 : vector<16xi1>, vector<16xi32>
        %add3A_1102 = arith.constant 176 : i32
        %add3A_1103 = vector.broadcast %add3A_1102 : i32 to vector<16xi32>
        %add3A_1104 = arith.addi %iota3A, %add3A_1103 : vector<16xi32>
        %select_n3A_1105 = arith.select %gt3A_1100, %add3A_1104, %select_n3A_1097 : vector<16xi1>, vector<16xi32>
        %get3A_1106 = arith.constant 192 : index
        %get3A_1107 = tpu.vector_load %arg23[%get3A_1106] {strides = array<i32>} : memref<320xi32, #tpu.memory_space<vmem>>, vector<16xi32>,
        %gt3A_1108 = arith.cmpi sgt, %get3A_1107, %select_n3A_1101 : vector<16xi32>
        %select_n3A_1109 = arith.select %gt3A_1108, %get3A_1107, %select_n3A_1101 : vector<16xi1>, vector<16xi32>
        %add3A_1110 = arith.constant 192 : i32
        %add3A_1111 = vector.broadcast %add3A_1110 : i32 to vector<16xi32>
        %add3A_1112 = arith.addi %iota3A, %add3A_1111 : vector<16xi32>
        %select_n3A_1113 = arith.select %gt3A_1108, %add3A_1112, %select_n3A_1105 : vector<16xi1>, vector<16xi32>
        %get3A_1114 = arith.constant 208 : index
        %get3A_1115 = tpu.vector_load %arg23[%get3A_1114] {strides = array<i32>} : memref<320xi32, #tpu.memory_space<vmem>>, vector<16xi32>,
        %gt3A_1116 = arith.cmpi sgt, %get3A_1115, %select_n3A_1109 : vector<16xi32>
        %select_n3A_1117 = arith.select %gt3A_1116, %get3A_1115, %select_n3A_1109 : vector<16xi1>, vector<16xi32>
        %add3A_1118 = arith.constant 208 : i32
        %add3A_1119 = vector.broadcast %add3A_1118 : i32 to vector<16xi32>
        %add3A_1120 = arith.addi %iota3A, %add3A_1119 : vector<16xi32>
        %select_n3A_1121 = arith.select %gt3A_1116, %add3A_1120, %select_n3A_1113 : vector<16xi1>, vector<16xi32>
        %get3A_1122 = arith.constant 224 : index
        %get3A_1123 = tpu.vector_load %arg23[%get3A_1122] {strides = array<i32>} : memref<320xi32, #tpu.memory_space<vmem>>, vector<16xi32>,
        %gt3A_1124 = arith.cmpi sgt, %get3A_1123, %select_n3A_1117 : vector<16xi32>
        %select_n3A_1125 = arith.select %gt3A_1124, %get3A_1123, %select_n3A_1117 : vector<16xi1>, vector<16xi32>
        %add3A_1126 = arith.constant 224 : i32
        %add3A_1127 = vector.broadcast %add3A_1126 : i32 to vector<16xi32>
        %add3A_1128 = arith.addi %iota3A, %add3A_1127 : vector<16xi32>
        %select_n3A_1129 = arith.select %gt3A_1124, %add3A_1128, %select_n3A_1121 : vector<16xi1>, vector<16xi32>
        %get3A_1130 = arith.constant 240 : index
        %get3A_1131 = tpu.vector_load %arg23[%get3A_1130] {strides = array<i32>} : memref<320xi32, #tpu.memory_space<vmem>>, vector<16xi32>,
        %gt3A_1132 = arith.cmpi sgt, %get3A_1131, %select_n3A_1125 : vector<16xi32>
        %select_n3A_1133 = arith.select %gt3A_1132, %get3A_1131, %select_n3A_1125 : vector<16xi1>, vector<16xi32>
        %add3A_1134 = arith.constant 240 : i32
        %add3A_1135 = vector.broadcast %add3A_1134 : i32 to vector<16xi32>
        %add3A_1136 = arith.addi %iota3A, %add3A_1135 : vector<16xi32>
        %select_n3A_1137 = arith.select %gt3A_1132, %add3A_1136, %select_n3A_1129 : vector<16xi1>, vector<16xi32>
        %get3A_1138 = arith.constant 256 : index
        %get3A_1139 = tpu.vector_load %arg23[%get3A_1138] {strides = array<i32>} : memref<320xi32, #tpu.memory_space<vmem>>, vector<16xi32>,
        %gt3A_1140 = arith.cmpi sgt, %get3A_1139, %select_n3A_1133 : vector<16xi32>
        %select_n3A_1141 = arith.select %gt3A_1140, %get3A_1139, %select_n3A_1133 : vector<16xi1>, vector<16xi32>
        %add3A_1142 = arith.constant 256 : i32
        %add3A_1143 = vector.broadcast %add3A_1142 : i32 to vector<16xi32>
        %add3A_1144 = arith.addi %iota3A, %add3A_1143 : vector<16xi32>
        %select_n3A_1145 = arith.select %gt3A_1140, %add3A_1144, %select_n3A_1137 : vector<16xi1>, vector<16xi32>
        %get3A_1146 = arith.constant 272 : index
        %get3A_1147 = tpu.vector_load %arg23[%get3A_1146] {strides = array<i32>} : memref<320xi32, #tpu.memory_space<vmem>>, vector<16xi32>,
        %gt3A_1148 = arith.cmpi sgt, %get3A_1147, %select_n3A_1141 : vector<16xi32>
        %select_n3A_1149 = arith.select %gt3A_1148, %get3A_1147, %select_n3A_1141 : vector<16xi1>, vector<16xi32>
        %add3A_1150 = arith.constant 272 : i32
        %add3A_1151 = vector.broadcast %add3A_1150 : i32 to vector<16xi32>
        %add3A_1152 = arith.addi %iota3A, %add3A_1151 : vector<16xi32>
        %select_n3A_1153 = arith.select %gt3A_1148, %add3A_1152, %select_n3A_1145 : vector<16xi1>, vector<16xi32>
        %get3A_1154 = arith.constant 288 : index
        %get3A_1155 = tpu.vector_load %arg23[%get3A_1154] {strides = array<i32>} : memref<320xi32, #tpu.memory_space<vmem>>, vector<16xi32>,
        %gt3A_1156 = arith.cmpi sgt, %get3A_1155, %select_n3A_1149 : vector<16xi32>
        %select_n3A_1157 = arith.select %gt3A_1156, %get3A_1155, %select_n3A_1149 : vector<16xi1>, vector<16xi32>
        %add3A_1158 = arith.constant 288 : i32
        %add3A_1159 = vector.broadcast %add3A_1158 : i32 to vector<16xi32>
        %add3A_1160 = arith.addi %iota3A, %add3A_1159 : vector<16xi32>
        %select_n3A_1161 = arith.select %gt3A_1156, %add3A_1160, %select_n3A_1153 : vector<16xi1>, vector<16xi32>
        %get3A_1162 = arith.constant 304 : index
        %get3A_1163 = tpu.vector_load %arg23[%get3A_1162] {strides = array<i32>} : memref<320xi32, #tpu.memory_space<vmem>>, vector<16xi32>,
        %gt3A_1164 = arith.cmpi sgt, %get3A_1163, %select_n3A_1157 : vector<16xi32>
        %select_n3A_1165 = arith.select %gt3A_1164, %get3A_1163, %select_n3A_1157 : vector<16xi1>, vector<16xi32>
        %add3A_1166 = arith.constant 304 : i32
        %add3A_1167 = vector.broadcast %add3A_1166 : i32 to vector<16xi32>
        %add3A_1168 = arith.addi %iota3A, %add3A_1167 : vector<16xi32>
        %select_n3A_1169 = arith.select %gt3A_1164, %add3A_1168, %select_n3A_1161 : vector<16xi1>, vector<16xi32>
        %reduce_max3A_1170 = arith.constant true
        %reduce_max3A_1171 = vector.broadcast %reduce_max3A_1170 : i1 to vector<16xi1>
        %reduce_max3A_1172 = arith.constant -2147483648 : i32
        %reduce_max3A_1173 = vector.broadcast %reduce_max3A_1172 : i32 to vector<16xi32>
        %reduce_max3A_1174 = arith.xori %select_n3A_1165, %reduce_max3A_1173 : vector<16xi32>
        %reduce_max3A_1175 = tpu.scan <max>, %reduce_max3A_1174 masked %reduce_max3A_1171 : vector<16xi32>, vector<16xi1> -> vector<16xi32>
        %reduce_max3A_1176 = arith.xori %reduce_max3A_1175, %reduce_max3A_1173 : vector<16xi32>
        %reduce_max3A_1177 = vector.extract %reduce_max3A_1176[15] : i32 from vector<16xi32>
        %eq3A_1178 = vector.broadcast %reduce_max3A_1177 : i32 to vector<16xi32>
        %eq3A_1179 = arith.cmpi eq, %select_n3A_1165, %eq3A_1178 : vector<16xi32>
        %jit3A_1180 = arith.constant 1073741824 : i32
        %broadcast_in_dim3A_1181 = vector.broadcast %jit3A_1180 : i32 to vector<16xi32>
        %select_n3A_1182 = arith.select %eq3A_1179, %select_n3A_1169, %broadcast_in_dim3A_1181 : vector<16xi1>, vector<16xi32>
        %reduce_min3A_1183 = arith.constant true
        %reduce_min3A_1184 = vector.broadcast %reduce_min3A_1183 : i1 to vector<16xi1>
        %reduce_min3A_1185 = arith.constant -2147483648 : i32
        %reduce_min3A_1186 = vector.broadcast %reduce_min3A_1185 : i32 to vector<16xi32>
        %reduce_min3A_1187 = arith.xori %select_n3A_1182, %reduce_min3A_1186 : vector<16xi32>
        %reduce_min3A_1188 = tpu.scan <min>, %reduce_min3A_1187 masked %reduce_min3A_1184 : vector<16xi32>, vector<16xi1> -> vector<16xi32>
        %reduce_min3A_1189 = arith.xori %reduce_min3A_1188, %reduce_min3A_1186 : vector<16xi32>
        %reduce_min3A_1190 = vector.extract %reduce_min3A_1189[15] : i32 from vector<16xi32>
        %eq3A_1191 = arith.constant 5 : i32
        %eq3A_1192 = vector.broadcast %eq3A_1191 : i32 to vector<16xi32>
        %eq3A_1193 = arith.cmpi eq, %iota3A, %eq3A_1192 : vector<16xi32>
        %broadcast_in_dim3A_1194 = vector.broadcast %reduce_max3A_1177 : i32 to vector<16xi32>
        %select_n3A_1195 = arith.select %eq3A_1193, %broadcast_in_dim3A_1194, %select_n3A_999 : vector<16xi1>, vector<16xi32>
        %eq3A_1196 = arith.constant 5 : i32
        %eq3A_1197 = vector.broadcast %eq3A_1196 : i32 to vector<16xi32>
        %eq3A_1198 = arith.cmpi eq, %iota3A, %eq3A_1197 : vector<16xi32>
        %broadcast_in_dim3A_1199 = vector.broadcast %reduce_min3A_1190 : i32 to vector<16xi32>
        %select_n3A_1200 = arith.select %eq3A_1198, %broadcast_in_dim3A_1199, %select_n3A_1004 : vector<16xi1>, vector<16xi32>
        %broadcast_in_dim3A_1201 = vector.broadcast %reduce_min3A_1190 : i32 to vector<16xi32>
        tpu.vector_store_idx %arg23[%broadcast_in_dim3A_1201], %broadcast_in_dim3A_16 masked %eq3A_19 : memref<320xi32, #tpu.memory_space<vmem>>[vector<16xi32>], vector<16xi32>, vector<16xi1>
        %broadcast_in_dim3A_1202 = arith.constant -2147483648 : i32
        %broadcast_in_dim3A_1203 = vector.broadcast %broadcast_in_dim3A_1202 : i32 to vector<16xi32>
        %broadcast_in_dim3A_1204 = arith.constant 0 : i32
        %broadcast_in_dim3A_1205 = vector.broadcast %broadcast_in_dim3A_1204 : i32 to vector<16xi32>
        %get3A_1206 = arith.constant 0 : index
        %get3A_1207 = tpu.vector_load %arg23[%get3A_1206] {strides = array<i32>} : memref<320xi32, #tpu.memory_space<vmem>>, vector<16xi32>,
        %gt3A_1208 = arith.cmpi sgt, %get3A_1207, %broadcast_in_dim3A_1203 : vector<16xi32>
        %select_n3A_1209 = arith.select %gt3A_1208, %get3A_1207, %broadcast_in_dim3A_1203 : vector<16xi1>, vector<16xi32>
        %add3A_1210 = arith.constant 0 : i32
        %add3A_1211 = vector.broadcast %add3A_1210 : i32 to vector<16xi32>
        %add3A_1212 = arith.addi %iota3A, %add3A_1211 : vector<16xi32>
        %select_n3A_1213 = arith.select %gt3A_1208, %add3A_1212, %broadcast_in_dim3A_1205 : vector<16xi1>, vector<16xi32>
        %get3A_1214 = arith.constant 16 : index
        %get3A_1215 = tpu.vector_load %arg23[%get3A_1214] {strides = array<i32>} : memref<320xi32, #tpu.memory_space<vmem>>, vector<16xi32>,
        %gt3A_1216 = arith.cmpi sgt, %get3A_1215, %select_n3A_1209 : vector<16xi32>
        %select_n3A_1217 = arith.select %gt3A_1216, %get3A_1215, %select_n3A_1209 : vector<16xi1>, vector<16xi32>
        %add3A_1218 = arith.constant 16 : i32
        %add3A_1219 = vector.broadcast %add3A_1218 : i32 to vector<16xi32>
        %add3A_1220 = arith.addi %iota3A, %add3A_1219 : vector<16xi32>
        %select_n3A_1221 = arith.select %gt3A_1216, %add3A_1220, %select_n3A_1213 : vector<16xi1>, vector<16xi32>
        %get3A_1222 = arith.constant 32 : index
        %get3A_1223 = tpu.vector_load %arg23[%get3A_1222] {strides = array<i32>} : memref<320xi32, #tpu.memory_space<vmem>>, vector<16xi32>,
        %gt3A_1224 = arith.cmpi sgt, %get3A_1223, %select_n3A_1217 : vector<16xi32>
        %select_n3A_1225 = arith.select %gt3A_1224, %get3A_1223, %select_n3A_1217 : vector<16xi1>, vector<16xi32>
        %add3A_1226 = arith.constant 32 : i32
        %add3A_1227 = vector.broadcast %add3A_1226 : i32 to vector<16xi32>
        %add3A_1228 = arith.addi %iota3A, %add3A_1227 : vector<16xi32>
        %select_n3A_1229 = arith.select %gt3A_1224, %add3A_1228, %select_n3A_1221 : vector<16xi1>, vector<16xi32>
        %get3A_1230 = arith.constant 48 : index
        %get3A_1231 = tpu.vector_load %arg23[%get3A_1230] {strides = array<i32>} : memref<320xi32, #tpu.memory_space<vmem>>, vector<16xi32>,
        %gt3A_1232 = arith.cmpi sgt, %get3A_1231, %select_n3A_1225 : vector<16xi32>
        %select_n3A_1233 = arith.select %gt3A_1232, %get3A_1231, %select_n3A_1225 : vector<16xi1>, vector<16xi32>
        %add3A_1234 = arith.constant 48 : i32
        %add3A_1235 = vector.broadcast %add3A_1234 : i32 to vector<16xi32>
        %add3A_1236 = arith.addi %iota3A, %add3A_1235 : vector<16xi32>
        %select_n3A_1237 = arith.select %gt3A_1232, %add3A_1236, %select_n3A_1229 : vector<16xi1>, vector<16xi32>
        %get3A_1238 = arith.constant 64 : index
        %get3A_1239 = tpu.vector_load %arg23[%get3A_1238] {strides = array<i32>} : memref<320xi32, #tpu.memory_space<vmem>>, vector<16xi32>,
        %gt3A_1240 = arith.cmpi sgt, %get3A_1239, %select_n3A_1233 : vector<16xi32>
        %select_n3A_1241 = arith.select %gt3A_1240, %get3A_1239, %select_n3A_1233 : vector<16xi1>, vector<16xi32>
        %add3A_1242 = arith.constant 64 : i32
        %add3A_1243 = vector.broadcast %add3A_1242 : i32 to vector<16xi32>
        %add3A_1244 = arith.addi %iota3A, %add3A_1243 : vector<16xi32>
        %select_n3A_1245 = arith.select %gt3A_1240, %add3A_1244, %select_n3A_1237 : vector<16xi1>, vector<16xi32>
        %get3A_1246 = arith.constant 80 : index
        %get3A_1247 = tpu.vector_load %arg23[%get3A_1246] {strides = array<i32>} : memref<320xi32, #tpu.memory_space<vmem>>, vector<16xi32>,
        %gt3A_1248 = arith.cmpi sgt, %get3A_1247, %select_n3A_1241 : vector<16xi32>
        %select_n3A_1249 = arith.select %gt3A_1248, %get3A_1247, %select_n3A_1241 : vector<16xi1>, vector<16xi32>
        %add3A_1250 = arith.constant 80 : i32
        %add3A_1251 = vector.broadcast %add3A_1250 : i32 to vector<16xi32>
        %add3A_1252 = arith.addi %iota3A, %add3A_1251 : vector<16xi32>
        %select_n3A_1253 = arith.select %gt3A_1248, %add3A_1252, %select_n3A_1245 : vector<16xi1>, vector<16xi32>
        %get3A_1254 = arith.constant 96 : index
        %get3A_1255 = tpu.vector_load %arg23[%get3A_1254] {strides = array<i32>} : memref<320xi32, #tpu.memory_space<vmem>>, vector<16xi32>,
        %gt3A_1256 = arith.cmpi sgt, %get3A_1255, %select_n3A_1249 : vector<16xi32>
        %select_n3A_1257 = arith.select %gt3A_1256, %get3A_1255, %select_n3A_1249 : vector<16xi1>, vector<16xi32>
        %add3A_1258 = arith.constant 96 : i32
        %add3A_1259 = vector.broadcast %add3A_1258 : i32 to vector<16xi32>
        %add3A_1260 = arith.addi %iota3A, %add3A_1259 : vector<16xi32>
        %select_n3A_1261 = arith.select %gt3A_1256, %add3A_1260, %select_n3A_1253 : vector<16xi1>, vector<16xi32>
        %get3A_1262 = arith.constant 112 : index
        %get3A_1263 = tpu.vector_load %arg23[%get3A_1262] {strides = array<i32>} : memref<320xi32, #tpu.memory_space<vmem>>, vector<16xi32>,
        %gt3A_1264 = arith.cmpi sgt, %get3A_1263, %select_n3A_1257 : vector<16xi32>
        %select_n3A_1265 = arith.select %gt3A_1264, %get3A_1263, %select_n3A_1257 : vector<16xi1>, vector<16xi32>
        %add3A_1266 = arith.constant 112 : i32
        %add3A_1267 = vector.broadcast %add3A_1266 : i32 to vector<16xi32>
        %add3A_1268 = arith.addi %iota3A, %add3A_1267 : vector<16xi32>
        %select_n3A_1269 = arith.select %gt3A_1264, %add3A_1268, %select_n3A_1261 : vector<16xi1>, vector<16xi32>
        %get3A_1270 = arith.constant 128 : index
        %get3A_1271 = tpu.vector_load %arg23[%get3A_1270] {strides = array<i32>} : memref<320xi32, #tpu.memory_space<vmem>>, vector<16xi32>,
        %gt3A_1272 = arith.cmpi sgt, %get3A_1271, %select_n3A_1265 : vector<16xi32>
        %select_n3A_1273 = arith.select %gt3A_1272, %get3A_1271, %select_n3A_1265 : vector<16xi1>, vector<16xi32>
        %add3A_1274 = arith.constant 128 : i32
        %add3A_1275 = vector.broadcast %add3A_1274 : i32 to vector<16xi32>
        %add3A_1276 = arith.addi %iota3A, %add3A_1275 : vector<16xi32>
        %select_n3A_1277 = arith.select %gt3A_1272, %add3A_1276, %select_n3A_1269 : vector<16xi1>, vector<16xi32>
        %get3A_1278 = arith.constant 144 : index
        %get3A_1279 = tpu.vector_load %arg23[%get3A_1278] {strides = array<i32>} : memref<320xi32, #tpu.memory_space<vmem>>, vector<16xi32>,
        %gt3A_1280 = arith.cmpi sgt, %get3A_1279, %select_n3A_1273 : vector<16xi32>
        %select_n3A_1281 = arith.select %gt3A_1280, %get3A_1279, %select_n3A_1273 : vector<16xi1>, vector<16xi32>
        %add3A_1282 = arith.constant 144 : i32
        %add3A_1283 = vector.broadcast %add3A_1282 : i32 to vector<16xi32>
        %add3A_1284 = arith.addi %iota3A, %add3A_1283 : vector<16xi32>
        %select_n3A_1285 = arith.select %gt3A_1280, %add3A_1284, %select_n3A_1277 : vector<16xi1>, vector<16xi32>
        %get3A_1286 = arith.constant 160 : index
        %get3A_1287 = tpu.vector_load %arg23[%get3A_1286] {strides = array<i32>} : memref<320xi32, #tpu.memory_space<vmem>>, vector<16xi32>,
        %gt3A_1288 = arith.cmpi sgt, %get3A_1287, %select_n3A_1281 : vector<16xi32>
        %select_n3A_1289 = arith.select %gt3A_1288, %get3A_1287, %select_n3A_1281 : vector<16xi1>, vector<16xi32>
        %add3A_1290 = arith.constant 160 : i32
        %add3A_1291 = vector.broadcast %add3A_1290 : i32 to vector<16xi32>
        %add3A_1292 = arith.addi %iota3A, %add3A_1291 : vector<16xi32>
        %select_n3A_1293 = arith.select %gt3A_1288, %add3A_1292, %select_n3A_1285 : vector<16xi1>, vector<16xi32>
        %get3A_1294 = arith.constant 176 : index
        %get3A_1295 = tpu.vector_load %arg23[%get3A_1294] {strides = array<i32>} : memref<320xi32, #tpu.memory_space<vmem>>, vector<16xi32>,
        %gt3A_1296 = arith.cmpi sgt, %get3A_1295, %select_n3A_1289 : vector<16xi32>
        %select_n3A_1297 = arith.select %gt3A_1296, %get3A_1295, %select_n3A_1289 : vector<16xi1>, vector<16xi32>
        %add3A_1298 = arith.constant 176 : i32
        %add3A_1299 = vector.broadcast %add3A_1298 : i32 to vector<16xi32>
        %add3A_1300 = arith.addi %iota3A, %add3A_1299 : vector<16xi32>
        %select_n3A_1301 = arith.select %gt3A_1296, %add3A_1300, %select_n3A_1293 : vector<16xi1>, vector<16xi32>
        %get3A_1302 = arith.constant 192 : index
        %get3A_1303 = tpu.vector_load %arg23[%get3A_1302] {strides = array<i32>} : memref<320xi32, #tpu.memory_space<vmem>>, vector<16xi32>,
        %gt3A_1304 = arith.cmpi sgt, %get3A_1303, %select_n3A_1297 : vector<16xi32>
        %select_n3A_1305 = arith.select %gt3A_1304, %get3A_1303, %select_n3A_1297 : vector<16xi1>, vector<16xi32>
        %add3A_1306 = arith.constant 192 : i32
        %add3A_1307 = vector.broadcast %add3A_1306 : i32 to vector<16xi32>
        %add3A_1308 = arith.addi %iota3A, %add3A_1307 : vector<16xi32>
        %select_n3A_1309 = arith.select %gt3A_1304, %add3A_1308, %select_n3A_1301 : vector<16xi1>, vector<16xi32>
        %get3A_1310 = arith.constant 208 : index
        %get3A_1311 = tpu.vector_load %arg23[%get3A_1310] {strides = array<i32>} : memref<320xi32, #tpu.memory_space<vmem>>, vector<16xi32>,
        %gt3A_1312 = arith.cmpi sgt, %get3A_1311, %select_n3A_1305 : vector<16xi32>
        %select_n3A_1313 = arith.select %gt3A_1312, %get3A_1311, %select_n3A_1305 : vector<16xi1>, vector<16xi32>
        %add3A_1314 = arith.constant 208 : i32
        %add3A_1315 = vector.broadcast %add3A_1314 : i32 to vector<16xi32>
        %add3A_1316 = arith.addi %iota3A, %add3A_1315 : vector<16xi32>
        %select_n3A_1317 = arith.select %gt3A_1312, %add3A_1316, %select_n3A_1309 : vector<16xi1>, vector<16xi32>
        %get3A_1318 = arith.constant 224 : index
        %get3A_1319 = tpu.vector_load %arg23[%get3A_1318] {strides = array<i32>} : memref<320xi32, #tpu.memory_space<vmem>>, vector<16xi32>,
        %gt3A_1320 = arith.cmpi sgt, %get3A_1319, %select_n3A_1313 : vector<16xi32>
        %select_n3A_1321 = arith.select %gt3A_1320, %get3A_1319, %select_n3A_1313 : vector<16xi1>, vector<16xi32>
        %add3A_1322 = arith.constant 224 : i32
        %add3A_1323 = vector.broadcast %add3A_1322 : i32 to vector<16xi32>
        %add3A_1324 = arith.addi %iota3A, %add3A_1323 : vector<16xi32>
        %select_n3A_1325 = arith.select %gt3A_1320, %add3A_1324, %select_n3A_1317 : vector<16xi1>, vector<16xi32>
        %get3A_1326 = arith.constant 240 : index
        %get3A_1327 = tpu.vector_load %arg23[%get3A_1326] {strides = array<i32>} : memref<320xi32, #tpu.memory_space<vmem>>, vector<16xi32>,
        %gt3A_1328 = arith.cmpi sgt, %get3A_1327, %select_n3A_1321 : vector<16xi32>
        %select_n3A_1329 = arith.select %gt3A_1328, %get3A_1327, %select_n3A_1321 : vector<16xi1>, vector<16xi32>
        %add3A_1330 = arith.constant 240 : i32
        %add3A_1331 = vector.broadcast %add3A_1330 : i32 to vector<16xi32>
        %add3A_1332 = arith.addi %iota3A, %add3A_1331 : vector<16xi32>
        %select_n3A_1333 = arith.select %gt3A_1328, %add3A_1332, %select_n3A_1325 : vector<16xi1>, vector<16xi32>
        %get3A_1334 = arith.constant 256 : index
        %get3A_1335 = tpu.vector_load %arg23[%get3A_1334] {strides = array<i32>} : memref<320xi32, #tpu.memory_space<vmem>>, vector<16xi32>,
        %gt3A_1336 = arith.cmpi sgt, %get3A_1335, %select_n3A_1329 : vector<16xi32>
        %select_n3A_1337 = arith.select %gt3A_1336, %get3A_1335, %select_n3A_1329 : vector<16xi1>, vector<16xi32>
        %add3A_1338 = arith.constant 256 : i32
        %add3A_1339 = vector.broadcast %add3A_1338 : i32 to vector<16xi32>
        %add3A_1340 = arith.addi %iota3A, %add3A_1339 : vector<16xi32>
        %select_n3A_1341 = arith.select %gt3A_1336, %add3A_1340, %select_n3A_1333 : vector<16xi1>, vector<16xi32>
        %get3A_1342 = arith.constant 272 : index
        %get3A_1343 = tpu.vector_load %arg23[%get3A_1342] {strides = array<i32>} : memref<320xi32, #tpu.memory_space<vmem>>, vector<16xi32>,
        %gt3A_1344 = arith.cmpi sgt, %get3A_1343, %select_n3A_1337 : vector<16xi32>
        %select_n3A_1345 = arith.select %gt3A_1344, %get3A_1343, %select_n3A_1337 : vector<16xi1>, vector<16xi32>
        %add3A_1346 = arith.constant 272 : i32
        %add3A_1347 = vector.broadcast %add3A_1346 : i32 to vector<16xi32>
        %add3A_1348 = arith.addi %iota3A, %add3A_1347 : vector<16xi32>
        %select_n3A_1349 = arith.select %gt3A_1344, %add3A_1348, %select_n3A_1341 : vector<16xi1>, vector<16xi32>
        %get3A_1350 = arith.constant 288 : index
        %get3A_1351 = tpu.vector_load %arg23[%get3A_1350] {strides = array<i32>} : memref<320xi32, #tpu.memory_space<vmem>>, vector<16xi32>,
        %gt3A_1352 = arith.cmpi sgt, %get3A_1351, %select_n3A_1345 : vector<16xi32>
        %select_n3A_1353 = arith.select %gt3A_1352, %get3A_1351, %select_n3A_1345 : vector<16xi1>, vector<16xi32>
        %add3A_1354 = arith.constant 288 : i32
        %add3A_1355 = vector.broadcast %add3A_1354 : i32 to vector<16xi32>
        %add3A_1356 = arith.addi %iota3A, %add3A_1355 : vector<16xi32>
        %select_n3A_1357 = arith.select %gt3A_1352, %add3A_1356, %select_n3A_1349 : vector<16xi1>, vector<16xi32>
        %get3A_1358 = arith.constant 304 : index
        %get3A_1359 = tpu.vector_load %arg23[%get3A_1358] {strides = array<i32>} : memref<320xi32, #tpu.memory_space<vmem>>, vector<16xi32>,
        %gt3A_1360 = arith.cmpi sgt, %get3A_1359, %select_n3A_1353 : vector<16xi32>
        %select_n3A_1361 = arith.select %gt3A_1360, %get3A_1359, %select_n3A_1353 : vector<16xi1>, vector<16xi32>
        %add3A_1362 = arith.constant 304 : i32
        %add3A_1363 = vector.broadcast %add3A_1362 : i32 to vector<16xi32>
        %add3A_1364 = arith.addi %iota3A, %add3A_1363 : vector<16xi32>
        %select_n3A_1365 = arith.select %gt3A_1360, %add3A_1364, %select_n3A_1357 : vector<16xi1>, vector<16xi32>
        %reduce_max3A_1366 = arith.constant true
        %reduce_max3A_1367 = vector.broadcast %reduce_max3A_1366 : i1 to vector<16xi1>
        %reduce_max3A_1368 = arith.constant -2147483648 : i32
        %reduce_max3A_1369 = vector.broadcast %reduce_max3A_1368 : i32 to vector<16xi32>
        %reduce_max3A_1370 = arith.xori %select_n3A_1361, %reduce_max3A_1369 : vector<16xi32>
        %reduce_max3A_1371 = tpu.scan <max>, %reduce_max3A_1370 masked %reduce_max3A_1367 : vector<16xi32>, vector<16xi1> -> vector<16xi32>
        %reduce_max3A_1372 = arith.xori %reduce_max3A_1371, %reduce_max3A_1369 : vector<16xi32>
        %reduce_max3A_1373 = vector.extract %reduce_max3A_1372[15] : i32 from vector<16xi32>
        %eq3A_1374 = vector.broadcast %reduce_max3A_1373 : i32 to vector<16xi32>
        %eq3A_1375 = arith.cmpi eq, %select_n3A_1361, %eq3A_1374 : vector<16xi32>
        %jit3A_1376 = arith.constant 1073741824 : i32
        %broadcast_in_dim3A_1377 = vector.broadcast %jit3A_1376 : i32 to vector<16xi32>
        %select_n3A_1378 = arith.select %eq3A_1375, %select_n3A_1365, %broadcast_in_dim3A_1377 : vector<16xi1>, vector<16xi32>
        %reduce_min3A_1379 = arith.constant true
        %reduce_min3A_1380 = vector.broadcast %reduce_min3A_1379 : i1 to vector<16xi1>
        %reduce_min3A_1381 = arith.constant -2147483648 : i32
        %reduce_min3A_1382 = vector.broadcast %reduce_min3A_1381 : i32 to vector<16xi32>
        %reduce_min3A_1383 = arith.xori %select_n3A_1378, %reduce_min3A_1382 : vector<16xi32>
        %reduce_min3A_1384 = tpu.scan <min>, %reduce_min3A_1383 masked %reduce_min3A_1380 : vector<16xi32>, vector<16xi1> -> vector<16xi32>
        %reduce_min3A_1385 = arith.xori %reduce_min3A_1384, %reduce_min3A_1382 : vector<16xi32>
        %reduce_min3A_1386 = vector.extract %reduce_min3A_1385[15] : i32 from vector<16xi32>
        %eq3A_1387 = arith.constant 6 : i32
        %eq3A_1388 = vector.broadcast %eq3A_1387 : i32 to vector<16xi32>
        %eq3A_1389 = arith.cmpi eq, %iota3A, %eq3A_1388 : vector<16xi32>
        %broadcast_in_dim3A_1390 = vector.broadcast %reduce_max3A_1373 : i32 to vector<16xi32>
        %select_n3A_1391 = arith.select %eq3A_1389, %broadcast_in_dim3A_1390, %select_n3A_1195 : vector<16xi1>, vector<16xi32>
        %eq3A_1392 = arith.constant 6 : i32
        %eq3A_1393 = vector.broadcast %eq3A_1392 : i32 to vector<16xi32>
        %eq3A_1394 = arith.cmpi eq, %iota3A, %eq3A_1393 : vector<16xi32>
        %broadcast_in_dim3A_1395 = vector.broadcast %reduce_min3A_1386 : i32 to vector<16xi32>
        %select_n3A_1396 = arith.select %eq3A_1394, %broadcast_in_dim3A_1395, %select_n3A_1200 : vector<16xi1>, vector<16xi32>
        %broadcast_in_dim3A_1397 = vector.broadcast %reduce_min3A_1386 : i32 to vector<16xi32>
        tpu.vector_store_idx %arg23[%broadcast_in_dim3A_1397], %broadcast_in_dim3A_16 masked %eq3A_19 : memref<320xi32, #tpu.memory_space<vmem>>[vector<16xi32>], vector<16xi32>, vector<16xi1>
        %broadcast_in_dim3A_1398 = arith.constant -2147483648 : i32
        %broadcast_in_dim3A_1399 = vector.broadcast %broadcast_in_dim3A_1398 : i32 to vector<16xi32>
        %broadcast_in_dim3A_1400 = arith.constant 0 : i32
        %broadcast_in_dim3A_1401 = vector.broadcast %broadcast_in_dim3A_1400 : i32 to vector<16xi32>
        %get3A_1402 = arith.constant 0 : index
        %get3A_1403 = tpu.vector_load %arg23[%get3A_1402] {strides = array<i32>} : memref<320xi32, #tpu.memory_space<vmem>>, vector<16xi32>,
        %gt3A_1404 = arith.cmpi sgt, %get3A_1403, %broadcast_in_dim3A_1399 : vector<16xi32>
        %select_n3A_1405 = arith.select %gt3A_1404, %get3A_1403, %broadcast_in_dim3A_1399 : vector<16xi1>, vector<16xi32>
        %add3A_1406 = arith.constant 0 : i32
        %add3A_1407 = vector.broadcast %add3A_1406 : i32 to vector<16xi32>
        %add3A_1408 = arith.addi %iota3A, %add3A_1407 : vector<16xi32>
        %select_n3A_1409 = arith.select %gt3A_1404, %add3A_1408, %broadcast_in_dim3A_1401 : vector<16xi1>, vector<16xi32>
        %get3A_1410 = arith.constant 16 : index
        %get3A_1411 = tpu.vector_load %arg23[%get3A_1410] {strides = array<i32>} : memref<320xi32, #tpu.memory_space<vmem>>, vector<16xi32>,
        %gt3A_1412 = arith.cmpi sgt, %get3A_1411, %select_n3A_1405 : vector<16xi32>
        %select_n3A_1413 = arith.select %gt3A_1412, %get3A_1411, %select_n3A_1405 : vector<16xi1>, vector<16xi32>
        %add3A_1414 = arith.constant 16 : i32
        %add3A_1415 = vector.broadcast %add3A_1414 : i32 to vector<16xi32>
        %add3A_1416 = arith.addi %iota3A, %add3A_1415 : vector<16xi32>
        %select_n3A_1417 = arith.select %gt3A_1412, %add3A_1416, %select_n3A_1409 : vector<16xi1>, vector<16xi32>
        %get3A_1418 = arith.constant 32 : index
        %get3A_1419 = tpu.vector_load %arg23[%get3A_1418] {strides = array<i32>} : memref<320xi32, #tpu.memory_space<vmem>>, vector<16xi32>,
        %gt3A_1420 = arith.cmpi sgt, %get3A_1419, %select_n3A_1413 : vector<16xi32>
        %select_n3A_1421 = arith.select %gt3A_1420, %get3A_1419, %select_n3A_1413 : vector<16xi1>, vector<16xi32>
        %add3A_1422 = arith.constant 32 : i32
        %add3A_1423 = vector.broadcast %add3A_1422 : i32 to vector<16xi32>
        %add3A_1424 = arith.addi %iota3A, %add3A_1423 : vector<16xi32>
        %select_n3A_1425 = arith.select %gt3A_1420, %add3A_1424, %select_n3A_1417 : vector<16xi1>, vector<16xi32>
        %get3A_1426 = arith.constant 48 : index
        %get3A_1427 = tpu.vector_load %arg23[%get3A_1426] {strides = array<i32>} : memref<320xi32, #tpu.memory_space<vmem>>, vector<16xi32>,
        %gt3A_1428 = arith.cmpi sgt, %get3A_1427, %select_n3A_1421 : vector<16xi32>
        %select_n3A_1429 = arith.select %gt3A_1428, %get3A_1427, %select_n3A_1421 : vector<16xi1>, vector<16xi32>
        %add3A_1430 = arith.constant 48 : i32
        %add3A_1431 = vector.broadcast %add3A_1430 : i32 to vector<16xi32>
        %add3A_1432 = arith.addi %iota3A, %add3A_1431 : vector<16xi32>
        %select_n3A_1433 = arith.select %gt3A_1428, %add3A_1432, %select_n3A_1425 : vector<16xi1>, vector<16xi32>
        %get3A_1434 = arith.constant 64 : index
        %get3A_1435 = tpu.vector_load %arg23[%get3A_1434] {strides = array<i32>} : memref<320xi32, #tpu.memory_space<vmem>>, vector<16xi32>,
        %gt3A_1436 = arith.cmpi sgt, %get3A_1435, %select_n3A_1429 : vector<16xi32>
        %select_n3A_1437 = arith.select %gt3A_1436, %get3A_1435, %select_n3A_1429 : vector<16xi1>, vector<16xi32>
        %add3A_1438 = arith.constant 64 : i32
        %add3A_1439 = vector.broadcast %add3A_1438 : i32 to vector<16xi32>
        %add3A_1440 = arith.addi %iota3A, %add3A_1439 : vector<16xi32>
        %select_n3A_1441 = arith.select %gt3A_1436, %add3A_1440, %select_n3A_1433 : vector<16xi1>, vector<16xi32>
        %get3A_1442 = arith.constant 80 : index
        %get3A_1443 = tpu.vector_load %arg23[%get3A_1442] {strides = array<i32>} : memref<320xi32, #tpu.memory_space<vmem>>, vector<16xi32>,
        %gt3A_1444 = arith.cmpi sgt, %get3A_1443, %select_n3A_1437 : vector<16xi32>
        %select_n3A_1445 = arith.select %gt3A_1444, %get3A_1443, %select_n3A_1437 : vector<16xi1>, vector<16xi32>
        %add3A_1446 = arith.constant 80 : i32
        %add3A_1447 = vector.broadcast %add3A_1446 : i32 to vector<16xi32>
        %add3A_1448 = arith.addi %iota3A, %add3A_1447 : vector<16xi32>
        %select_n3A_1449 = arith.select %gt3A_1444, %add3A_1448, %select_n3A_1441 : vector<16xi1>, vector<16xi32>
        %get3A_1450 = arith.constant 96 : index
        %get3A_1451 = tpu.vector_load %arg23[%get3A_1450] {strides = array<i32>} : memref<320xi32, #tpu.memory_space<vmem>>, vector<16xi32>,
        %gt3A_1452 = arith.cmpi sgt, %get3A_1451, %select_n3A_1445 : vector<16xi32>
        %select_n3A_1453 = arith.select %gt3A_1452, %get3A_1451, %select_n3A_1445 : vector<16xi1>, vector<16xi32>
        %add3A_1454 = arith.constant 96 : i32
        %add3A_1455 = vector.broadcast %add3A_1454 : i32 to vector<16xi32>
        %add3A_1456 = arith.addi %iota3A, %add3A_1455 : vector<16xi32>
        %select_n3A_1457 = arith.select %gt3A_1452, %add3A_1456, %select_n3A_1449 : vector<16xi1>, vector<16xi32>
        %get3A_1458 = arith.constant 112 : index
        %get3A_1459 = tpu.vector_load %arg23[%get3A_1458] {strides = array<i32>} : memref<320xi32, #tpu.memory_space<vmem>>, vector<16xi32>,
        %gt3A_1460 = arith.cmpi sgt, %get3A_1459, %select_n3A_1453 : vector<16xi32>
        %select_n3A_1461 = arith.select %gt3A_1460, %get3A_1459, %select_n3A_1453 : vector<16xi1>, vector<16xi32>
        %add3A_1462 = arith.constant 112 : i32
        %add3A_1463 = vector.broadcast %add3A_1462 : i32 to vector<16xi32>
        %add3A_1464 = arith.addi %iota3A, %add3A_1463 : vector<16xi32>
        %select_n3A_1465 = arith.select %gt3A_1460, %add3A_1464, %select_n3A_1457 : vector<16xi1>, vector<16xi32>
        %get3A_1466 = arith.constant 128 : index
        %get3A_1467 = tpu.vector_load %arg23[%get3A_1466] {strides = array<i32>} : memref<320xi32, #tpu.memory_space<vmem>>, vector<16xi32>,
        %gt3A_1468 = arith.cmpi sgt, %get3A_1467, %select_n3A_1461 : vector<16xi32>
        %select_n3A_1469 = arith.select %gt3A_1468, %get3A_1467, %select_n3A_1461 : vector<16xi1>, vector<16xi32>
        %add3A_1470 = arith.constant 128 : i32
        %add3A_1471 = vector.broadcast %add3A_1470 : i32 to vector<16xi32>
        %add3A_1472 = arith.addi %iota3A, %add3A_1471 : vector<16xi32>
        %select_n3A_1473 = arith.select %gt3A_1468, %add3A_1472, %select_n3A_1465 : vector<16xi1>, vector<16xi32>
        %get3A_1474 = arith.constant 144 : index
        %get3A_1475 = tpu.vector_load %arg23[%get3A_1474] {strides = array<i32>} : memref<320xi32, #tpu.memory_space<vmem>>, vector<16xi32>,
        %gt3A_1476 = arith.cmpi sgt, %get3A_1475, %select_n3A_1469 : vector<16xi32>
        %select_n3A_1477 = arith.select %gt3A_1476, %get3A_1475, %select_n3A_1469 : vector<16xi1>, vector<16xi32>
        %add3A_1478 = arith.constant 144 : i32
        %add3A_1479 = vector.broadcast %add3A_1478 : i32 to vector<16xi32>
        %add3A_1480 = arith.addi %iota3A, %add3A_1479 : vector<16xi32>
        %select_n3A_1481 = arith.select %gt3A_1476, %add3A_1480, %select_n3A_1473 : vector<16xi1>, vector<16xi32>
        %get3A_1482 = arith.constant 160 : index
        %get3A_1483 = tpu.vector_load %arg23[%get3A_1482] {strides = array<i32>} : memref<320xi32, #tpu.memory_space<vmem>>, vector<16xi32>,
        %gt3A_1484 = arith.cmpi sgt, %get3A_1483, %select_n3A_1477 : vector<16xi32>
        %select_n3A_1485 = arith.select %gt3A_1484, %get3A_1483, %select_n3A_1477 : vector<16xi1>, vector<16xi32>
        %add3A_1486 = arith.constant 160 : i32
        %add3A_1487 = vector.broadcast %add3A_1486 : i32 to vector<16xi32>
        %add3A_1488 = arith.addi %iota3A, %add3A_1487 : vector<16xi32>
        %select_n3A_1489 = arith.select %gt3A_1484, %add3A_1488, %select_n3A_1481 : vector<16xi1>, vector<16xi32>
        %get3A_1490 = arith.constant 176 : index
        %get3A_1491 = tpu.vector_load %arg23[%get3A_1490] {strides = array<i32>} : memref<320xi32, #tpu.memory_space<vmem>>, vector<16xi32>,
        %gt3A_1492 = arith.cmpi sgt, %get3A_1491, %select_n3A_1485 : vector<16xi32>
        %select_n3A_1493 = arith.select %gt3A_1492, %get3A_1491, %select_n3A_1485 : vector<16xi1>, vector<16xi32>
        %add3A_1494 = arith.constant 176 : i32
        %add3A_1495 = vector.broadcast %add3A_1494 : i32 to vector<16xi32>
        %add3A_1496 = arith.addi %iota3A, %add3A_1495 : vector<16xi32>
        %select_n3A_1497 = arith.select %gt3A_1492, %add3A_1496, %select_n3A_1489 : vector<16xi1>, vector<16xi32>
        %get3A_1498 = arith.constant 192 : index
        %get3A_1499 = tpu.vector_load %arg23[%get3A_1498] {strides = array<i32>} : memref<320xi32, #tpu.memory_space<vmem>>, vector<16xi32>,
        %gt3A_1500 = arith.cmpi sgt, %get3A_1499, %select_n3A_1493 : vector<16xi32>
        %select_n3A_1501 = arith.select %gt3A_1500, %get3A_1499, %select_n3A_1493 : vector<16xi1>, vector<16xi32>
        %add3A_1502 = arith.constant 192 : i32
        %add3A_1503 = vector.broadcast %add3A_1502 : i32 to vector<16xi32>
        %add3A_1504 = arith.addi %iota3A, %add3A_1503 : vector<16xi32>
        %select_n3A_1505 = arith.select %gt3A_1500, %add3A_1504, %select_n3A_1497 : vector<16xi1>, vector<16xi32>
        %get3A_1506 = arith.constant 208 : index
        %get3A_1507 = tpu.vector_load %arg23[%get3A_1506] {strides = array<i32>} : memref<320xi32, #tpu.memory_space<vmem>>, vector<16xi32>,
        %gt3A_1508 = arith.cmpi sgt, %get3A_1507, %select_n3A_1501 : vector<16xi32>
        %select_n3A_1509 = arith.select %gt3A_1508, %get3A_1507, %select_n3A_1501 : vector<16xi1>, vector<16xi32>
        %add3A_1510 = arith.constant 208 : i32
        %add3A_1511 = vector.broadcast %add3A_1510 : i32 to vector<16xi32>
        %add3A_1512 = arith.addi %iota3A, %add3A_1511 : vector<16xi32>
        %select_n3A_1513 = arith.select %gt3A_1508, %add3A_1512, %select_n3A_1505 : vector<16xi1>, vector<16xi32>
        %get3A_1514 = arith.constant 224 : index
        %get3A_1515 = tpu.vector_load %arg23[%get3A_1514] {strides = array<i32>} : memref<320xi32, #tpu.memory_space<vmem>>, vector<16xi32>,
        %gt3A_1516 = arith.cmpi sgt, %get3A_1515, %select_n3A_1509 : vector<16xi32>
        %select_n3A_1517 = arith.select %gt3A_1516, %get3A_1515, %select_n3A_1509 : vector<16xi1>, vector<16xi32>
        %add3A_1518 = arith.constant 224 : i32
        %add3A_1519 = vector.broadcast %add3A_1518 : i32 to vector<16xi32>
        %add3A_1520 = arith.addi %iota3A, %add3A_1519 : vector<16xi32>
        %select_n3A_1521 = arith.select %gt3A_1516, %add3A_1520, %select_n3A_1513 : vector<16xi1>, vector<16xi32>
        %get3A_1522 = arith.constant 240 : index
        %get3A_1523 = tpu.vector_load %arg23[%get3A_1522] {strides = array<i32>} : memref<320xi32, #tpu.memory_space<vmem>>, vector<16xi32>,
        %gt3A_1524 = arith.cmpi sgt, %get3A_1523, %select_n3A_1517 : vector<16xi32>
        %select_n3A_1525 = arith.select %gt3A_1524, %get3A_1523, %select_n3A_1517 : vector<16xi1>, vector<16xi32>
        %add3A_1526 = arith.constant 240 : i32
        %add3A_1527 = vector.broadcast %add3A_1526 : i32 to vector<16xi32>
        %add3A_1528 = arith.addi %iota3A, %add3A_1527 : vector<16xi32>
        %select_n3A_1529 = arith.select %gt3A_1524, %add3A_1528, %select_n3A_1521 : vector<16xi1>, vector<16xi32>
        %get3A_1530 = arith.constant 256 : index
        %get3A_1531 = tpu.vector_load %arg23[%get3A_1530] {strides = array<i32>} : memref<320xi32, #tpu.memory_space<vmem>>, vector<16xi32>,
        %gt3A_1532 = arith.cmpi sgt, %get3A_1531, %select_n3A_1525 : vector<16xi32>
        %select_n3A_1533 = arith.select %gt3A_1532, %get3A_1531, %select_n3A_1525 : vector<16xi1>, vector<16xi32>
        %add3A_1534 = arith.constant 256 : i32
        %add3A_1535 = vector.broadcast %add3A_1534 : i32 to vector<16xi32>
        %add3A_1536 = arith.addi %iota3A, %add3A_1535 : vector<16xi32>
        %select_n3A_1537 = arith.select %gt3A_1532, %add3A_1536, %select_n3A_1529 : vector<16xi1>, vector<16xi32>
        %get3A_1538 = arith.constant 272 : index
        %get3A_1539 = tpu.vector_load %arg23[%get3A_1538] {strides = array<i32>} : memref<320xi32, #tpu.memory_space<vmem>>, vector<16xi32>,
        %gt3A_1540 = arith.cmpi sgt, %get3A_1539, %select_n3A_1533 : vector<16xi32>
        %select_n3A_1541 = arith.select %gt3A_1540, %get3A_1539, %select_n3A_1533 : vector<16xi1>, vector<16xi32>
        %add3A_1542 = arith.constant 272 : i32
        %add3A_1543 = vector.broadcast %add3A_1542 : i32 to vector<16xi32>
        %add3A_1544 = arith.addi %iota3A, %add3A_1543 : vector<16xi32>
        %select_n3A_1545 = arith.select %gt3A_1540, %add3A_1544, %select_n3A_1537 : vector<16xi1>, vector<16xi32>
        %get3A_1546 = arith.constant 288 : index
        %get3A_1547 = tpu.vector_load %arg23[%get3A_1546] {strides = array<i32>} : memref<320xi32, #tpu.memory_space<vmem>>, vector<16xi32>,
        %gt3A_1548 = arith.cmpi sgt, %get3A_1547, %select_n3A_1541 : vector<16xi32>
        %select_n3A_1549 = arith.select %gt3A_1548, %get3A_1547, %select_n3A_1541 : vector<16xi1>, vector<16xi32>
        %add3A_1550 = arith.constant 288 : i32
        %add3A_1551 = vector.broadcast %add3A_1550 : i32 to vector<16xi32>
        %add3A_1552 = arith.addi %iota3A, %add3A_1551 : vector<16xi32>
        %select_n3A_1553 = arith.select %gt3A_1548, %add3A_1552, %select_n3A_1545 : vector<16xi1>, vector<16xi32>
        %get3A_1554 = arith.constant 304 : index
        %get3A_1555 = tpu.vector_load %arg23[%get3A_1554] {strides = array<i32>} : memref<320xi32, #tpu.memory_space<vmem>>, vector<16xi32>,
        %gt3A_1556 = arith.cmpi sgt, %get3A_1555, %select_n3A_1549 : vector<16xi32>
        %select_n3A_1557 = arith.select %gt3A_1556, %get3A_1555, %select_n3A_1549 : vector<16xi1>, vector<16xi32>
        %add3A_1558 = arith.constant 304 : i32
        %add3A_1559 = vector.broadcast %add3A_1558 : i32 to vector<16xi32>
        %add3A_1560 = arith.addi %iota3A, %add3A_1559 : vector<16xi32>
        %select_n3A_1561 = arith.select %gt3A_1556, %add3A_1560, %select_n3A_1553 : vector<16xi1>, vector<16xi32>
        %reduce_max3A_1562 = arith.constant true
        %reduce_max3A_1563 = vector.broadcast %reduce_max3A_1562 : i1 to vector<16xi1>
        %reduce_max3A_1564 = arith.constant -2147483648 : i32
        %reduce_max3A_1565 = vector.broadcast %reduce_max3A_1564 : i32 to vector<16xi32>
        %reduce_max3A_1566 = arith.xori %select_n3A_1557, %reduce_max3A_1565 : vector<16xi32>
        %reduce_max3A_1567 = tpu.scan <max>, %reduce_max3A_1566 masked %reduce_max3A_1563 : vector<16xi32>, vector<16xi1> -> vector<16xi32>
        %reduce_max3A_1568 = arith.xori %reduce_max3A_1567, %reduce_max3A_1565 : vector<16xi32>
        %reduce_max3A_1569 = vector.extract %reduce_max3A_1568[15] : i32 from vector<16xi32>
        %eq3A_1570 = vector.broadcast %reduce_max3A_1569 : i32 to vector<16xi32>
        %eq3A_1571 = arith.cmpi eq, %select_n3A_1557, %eq3A_1570 : vector<16xi32>
        %jit3A_1572 = arith.constant 1073741824 : i32
        %broadcast_in_dim3A_1573 = vector.broadcast %jit3A_1572 : i32 to vector<16xi32>
        %select_n3A_1574 = arith.select %eq3A_1571, %select_n3A_1561, %broadcast_in_dim3A_1573 : vector<16xi1>, vector<16xi32>
        %reduce_min3A_1575 = arith.constant true
        %reduce_min3A_1576 = vector.broadcast %reduce_min3A_1575 : i1 to vector<16xi1>
        %reduce_min3A_1577 = arith.constant -2147483648 : i32
        %reduce_min3A_1578 = vector.broadcast %reduce_min3A_1577 : i32 to vector<16xi32>
        %reduce_min3A_1579 = arith.xori %select_n3A_1574, %reduce_min3A_1578 : vector<16xi32>
        %reduce_min3A_1580 = tpu.scan <min>, %reduce_min3A_1579 masked %reduce_min3A_1576 : vector<16xi32>, vector<16xi1> -> vector<16xi32>
        %reduce_min3A_1581 = arith.xori %reduce_min3A_1580, %reduce_min3A_1578 : vector<16xi32>
        %reduce_min3A_1582 = vector.extract %reduce_min3A_1581[15] : i32 from vector<16xi32>
        %eq3A_1583 = arith.constant 7 : i32
        %eq3A_1584 = vector.broadcast %eq3A_1583 : i32 to vector<16xi32>
        %eq3A_1585 = arith.cmpi eq, %iota3A, %eq3A_1584 : vector<16xi32>
        %broadcast_in_dim3A_1586 = vector.broadcast %reduce_max3A_1569 : i32 to vector<16xi32>
        %select_n3A_1587 = arith.select %eq3A_1585, %broadcast_in_dim3A_1586, %select_n3A_1391 : vector<16xi1>, vector<16xi32>
        %eq3A_1588 = arith.constant 7 : i32
        %eq3A_1589 = vector.broadcast %eq3A_1588 : i32 to vector<16xi32>
        %eq3A_1590 = arith.cmpi eq, %iota3A, %eq3A_1589 : vector<16xi32>
        %broadcast_in_dim3A_1591 = vector.broadcast %reduce_min3A_1582 : i32 to vector<16xi32>
        %select_n3A_1592 = arith.select %eq3A_1590, %broadcast_in_dim3A_1591, %select_n3A_1396 : vector<16xi1>, vector<16xi32>
        %broadcast_in_dim3A_1593 = vector.broadcast %reduce_min3A_1582 : i32 to vector<16xi32>
        tpu.vector_store_idx %arg23[%broadcast_in_dim3A_1593], %broadcast_in_dim3A_16 masked %eq3A_19 : memref<320xi32, #tpu.memory_space<vmem>>[vector<16xi32>], vector<16xi32>, vector<16xi1>
        %lt3A = arith.constant 8 : i32
        %lt3A_1594 = vector.broadcast %lt3A : i32 to vector<16xi32>
        %lt3A_1595 = arith.cmpi slt, %iota3A, %lt3A_1594 : vector<16xi32>
        tpu.vector_store_idx %arg23[%select_n3A_1592], %select_n3A_1587 masked %lt3A_1595 : memref<320xi32, #tpu.memory_space<vmem>>[vector<16xi32>], vector<16xi32>, vector<16xi1>
        %swap3A = arith.constant 0 : index
        %swap3A_1596 = tpu.vector_load %arg31[%swap3A] {strides = array<i32>} : memref<16xi32, #tpu.memory_space<vmem>>, vector<16xi32>,
        tpu.vector_store %arg31[%swap3A], %select_n3A_1592 {strides = array<i32>} : memref<16xi32, #tpu.memory_space<vmem>>, vector<16xi32>,
        %sub3A = arith.constant 8 : i32
        %sub3A_1597 = vector.broadcast %sub3A : i32 to vector<16xi32>
        %sub3A_1598 = arith.subi %iota3A, %sub3A_1597 : vector<16xi32>
        %max3A = arith.constant 0 : i32
        %max3A_1599 = vector.broadcast %max3A : i32 to vector<16xi32>
        %max3A_1600 = arith.maxsi %sub3A_1598, %max3A_1599 : vector<16xi32>
        %gather3A = tpu.vector_load_idx %arg31[%max3A_1600] : memref<16xi32, #tpu.memory_space<vmem>>[vector<16xi32>], vector<16xi32>,
        %add3A_1601 = vector.broadcast %mul3A_2 : i32 to vector<16xi32>
        %add3A_1602 = arith.addi %gather3A, %add3A_1601 : vector<16xi32>
        %lt3A_1603 = arith.constant 8 : i32
        %lt3A_1604 = vector.broadcast %lt3A_1603 : i32 to vector<16xi32>
        %lt3A_1605 = arith.cmpi slt, %iota3A, %lt3A_1604 : vector<16xi32>
        %select_n3A_1606 = arith.select %lt3A_1605, %select_n3A_1587, %add3A_1602 : vector<16xi1>, vector<16xi32>
        %swap3A_1607 = arith.constant 0 : index
        %swap3A_1608 = tpu.vector_load %arg30[%swap3A_1607] {strides = array<i32>} : memref<16xi32, #tpu.memory_space<vmem>>, vector<16xi32>,
        tpu.vector_store %arg30[%swap3A_1607], %select_n3A_1606 {strides = array<i32>} : memref<16xi32, #tpu.memory_space<vmem>>, vector<16xi32>,
        %rem3A = arith.constant 2 : i32
        %rem3A_1609 = arith.remsi %while3A_28, %rem3A : i32
        "tpu.region"() ({
          %run_scoped3A = tpu.sem_alloc : memref<!tpu.dma_semaphore, #tpu.memory_space<semaphore_mem>>
          %dma_start3A = arith.constant 0 : i32
          %dma_start3A_1720 = tpu.memref_slice %arg6[%rem3A_1609, %arg1, %dma_start3A] : memref<2x16x16xi32, #tpu.memory_space<hbm>> -> memref<1x1x16xi32, #tpu.memory_space<hbm>>
          %dma_start3A_1721 = tpu.memref_squeeze %dma_start3A_1720 : memref<1x1x16xi32, #tpu.memory_space<hbm>> -> memref<16xi32, #tpu.memory_space<hbm>>
          %dma_start3A_1722 = arith.constant 0 : i32
          %dma_start3A_1723 = tpu.memref_slice %arg6[%rem3A_1609, %arg1, %dma_start3A_1722] : memref<2x16x16xi32, #tpu.memory_space<hbm>> -> memref<1x1x16xi32, #tpu.memory_space<hbm>>
          %dma_start3A_1724 = tpu.memref_squeeze %dma_start3A_1723 : memref<1x1x16xi32, #tpu.memory_space<hbm>> -> memref<16xi32, #tpu.memory_space<hbm>>
          tpu.enqueue_dma source(%arg30 : memref<16xi32, #tpu.memory_space<vmem>>) target(%dma_start3A_1724 : memref<16xi32, #tpu.memory_space<hbm>>) target_semaphore(%run_scoped3A : memref<!tpu.dma_semaphore, #tpu.memory_space<semaphore_mem>>)
          %dma_wait3A = arith.constant 0 : i32
          %dma_wait3A_1725 = tpu.memref_slice %arg6[%rem3A_1609, %arg1, %dma_wait3A] : memref<2x16x16xi32, #tpu.memory_space<hbm>> -> memref<1x1x16xi32, #tpu.memory_space<hbm>>
          %dma_wait3A_1726 = tpu.memref_squeeze %dma_wait3A_1725 : memref<1x1x16xi32, #tpu.memory_space<hbm>> -> memref<16xi32, #tpu.memory_space<hbm>>
          %dma_wait3A_1727 = arith.constant 0 : i32
          %dma_wait3A_1728 = tpu.memref_slice %arg6[%rem3A_1609, %arg1, %dma_wait3A_1727] : memref<2x16x16xi32, #tpu.memory_space<hbm>> -> memref<1x1x16xi32, #tpu.memory_space<hbm>>
          %dma_wait3A_1729 = tpu.memref_squeeze %dma_wait3A_1728 : memref<1x1x16xi32, #tpu.memory_space<hbm>> -> memref<16xi32, #tpu.memory_space<hbm>>
          tpu.wait_dma2 semaphore(%run_scoped3A : memref<!tpu.dma_semaphore, #tpu.memory_space<semaphore_mem>>) src(%arg30 : memref<16xi32, #tpu.memory_space<vmem>>) dst(%dma_wait3A_1729 : memref<16xi32, #tpu.memory_space<hbm>>)
          tpu.yield
        }) : () -> ()
        %barrier3A = arith.constant 0 : index
        tpu.barrier barrier_id(%barrier3A)
        "tpu.region"() ({
          %run_scoped3A = tpu.sem_alloc : memref<!tpu.dma_semaphore, #tpu.memory_space<semaphore_mem>>
          %dma_start3A = arith.constant 0 : i32
          %dma_start3A_1720 = arith.constant 0 : i32
          %dma_start3A_1721 = tpu.memref_slice %arg6[%rem3A_1609, %dma_start3A, %dma_start3A_1720] : memref<2x16x16xi32, #tpu.memory_space<hbm>> -> memref<1x16x16xi32, #tpu.memory_space<hbm>>
          %dma_start3A_1722 = tpu.memref_squeeze %dma_start3A_1721 : memref<1x16x16xi32, #tpu.memory_space<hbm>> -> memref<16x16xi32, #tpu.memory_space<hbm>>
          %dma_start3A_1723 = arith.constant 0 : i32
          %dma_start3A_1724 = arith.constant 0 : i32
          %dma_start3A_1725 = tpu.memref_slice %arg6[%rem3A_1609, %dma_start3A_1723, %dma_start3A_1724] : memref<2x16x16xi32, #tpu.memory_space<hbm>> -> memref<1x16x16xi32, #tpu.memory_space<hbm>>
          %dma_start3A_1726 = tpu.memref_squeeze %dma_start3A_1725 : memref<1x16x16xi32, #tpu.memory_space<hbm>> -> memref<16x16xi32, #tpu.memory_space<hbm>>
          tpu.enqueue_dma source(%dma_start3A_1726 : memref<16x16xi32, #tpu.memory_space<hbm>>) target(%arg32 : memref<16x16xi32, #tpu.memory_space<vmem>>) target_semaphore(%run_scoped3A : memref<!tpu.dma_semaphore, #tpu.memory_space<semaphore_mem>>)
          %dma_wait3A = arith.constant 0 : i32
          %dma_wait3A_1727 = arith.constant 0 : i32
          %dma_wait3A_1728 = tpu.memref_slice %arg6[%rem3A_1609, %dma_wait3A, %dma_wait3A_1727] : memref<2x16x16xi32, #tpu.memory_space<hbm>> -> memref<1x16x16xi32, #tpu.memory_space<hbm>>
          %dma_wait3A_1729 = tpu.memref_squeeze %dma_wait3A_1728 : memref<1x16x16xi32, #tpu.memory_space<hbm>> -> memref<16x16xi32, #tpu.memory_space<hbm>>
          %dma_wait3A_1730 = arith.constant 0 : i32
          %dma_wait3A_1731 = arith.constant 0 : i32
          %dma_wait3A_1732 = tpu.memref_slice %arg6[%rem3A_1609, %dma_wait3A_1730, %dma_wait3A_1731] : memref<2x16x16xi32, #tpu.memory_space<hbm>> -> memref<1x16x16xi32, #tpu.memory_space<hbm>>
          %dma_wait3A_1733 = tpu.memref_squeeze %dma_wait3A_1732 : memref<1x16x16xi32, #tpu.memory_space<hbm>> -> memref<16x16xi32, #tpu.memory_space<hbm>>
          tpu.wait_dma2 semaphore(%run_scoped3A : memref<!tpu.dma_semaphore, #tpu.memory_space<semaphore_mem>>) src(%dma_wait3A_1733 : memref<16x16xi32, #tpu.memory_space<hbm>>) dst(%arg32 : memref<16x16xi32, #tpu.memory_space<vmem>>)
          tpu.yield
        }) : () -> ()
        %broadcast_in_dim3A_1610 = arith.constant 0 : i32
        %broadcast_in_dim3A_1611 = vector.broadcast %broadcast_in_dim3A_1610 : i32 to vector<16xi32>
        %gather3A_1612 = tpu.vector_load_idx %arg32[%iota3A, %broadcast_in_dim3A_1611] : memref<16x16xi32, #tpu.memory_space<vmem>>[vector<16xi32>, vector<16xi32>], vector<16xi32>,
        %broadcast_in_dim3A_1613 = arith.constant 1 : i32
        %broadcast_in_dim3A_1614 = vector.broadcast %broadcast_in_dim3A_1613 : i32 to vector<16xi32>
        %gather3A_1615 = tpu.vector_load_idx %arg32[%iota3A, %broadcast_in_dim3A_1614] : memref<16x16xi32, #tpu.memory_space<vmem>>[vector<16xi32>, vector<16xi32>], vector<16xi32>,
        %broadcast_in_dim3A_1616 = arith.constant 2 : i32
        %broadcast_in_dim3A_1617 = vector.broadcast %broadcast_in_dim3A_1616 : i32 to vector<16xi32>
        %gather3A_1618 = tpu.vector_load_idx %arg32[%iota3A, %broadcast_in_dim3A_1617] : memref<16x16xi32, #tpu.memory_space<vmem>>[vector<16xi32>, vector<16xi32>], vector<16xi32>,
        %broadcast_in_dim3A_1619 = arith.constant 3 : i32
        %broadcast_in_dim3A_1620 = vector.broadcast %broadcast_in_dim3A_1619 : i32 to vector<16xi32>
        %gather3A_1621 = tpu.vector_load_idx %arg32[%iota3A, %broadcast_in_dim3A_1620] : memref<16x16xi32, #tpu.memory_space<vmem>>[vector<16xi32>, vector<16xi32>], vector<16xi32>,
        %broadcast_in_dim3A_1622 = arith.constant 4 : i32
        %broadcast_in_dim3A_1623 = vector.broadcast %broadcast_in_dim3A_1622 : i32 to vector<16xi32>
        %gather3A_1624 = tpu.vector_load_idx %arg32[%iota3A, %broadcast_in_dim3A_1623] : memref<16x16xi32, #tpu.memory_space<vmem>>[vector<16xi32>, vector<16xi32>], vector<16xi32>,
        %broadcast_in_dim3A_1625 = arith.constant 5 : i32
        %broadcast_in_dim3A_1626 = vector.broadcast %broadcast_in_dim3A_1625 : i32 to vector<16xi32>
        %gather3A_1627 = tpu.vector_load_idx %arg32[%iota3A, %broadcast_in_dim3A_1626] : memref<16x16xi32, #tpu.memory_space<vmem>>[vector<16xi32>, vector<16xi32>], vector<16xi32>,
        %broadcast_in_dim3A_1628 = arith.constant 6 : i32
        %broadcast_in_dim3A_1629 = vector.broadcast %broadcast_in_dim3A_1628 : i32 to vector<16xi32>
        %gather3A_1630 = tpu.vector_load_idx %arg32[%iota3A, %broadcast_in_dim3A_1629] : memref<16x16xi32, #tpu.memory_space<vmem>>[vector<16xi32>, vector<16xi32>], vector<16xi32>,
        %broadcast_in_dim3A_1631 = arith.constant 7 : i32
        %broadcast_in_dim3A_1632 = vector.broadcast %broadcast_in_dim3A_1631 : i32 to vector<16xi32>
        %gather3A_1633 = tpu.vector_load_idx %arg32[%iota3A, %broadcast_in_dim3A_1632] : memref<16x16xi32, #tpu.memory_space<vmem>>[vector<16xi32>, vector<16xi32>], vector<16xi32>,
        %broadcast_in_dim3A_1634 = arith.constant 8 : i32
        %broadcast_in_dim3A_1635 = vector.broadcast %broadcast_in_dim3A_1634 : i32 to vector<16xi32>
        %gather3A_1636 = tpu.vector_load_idx %arg32[%iota3A, %broadcast_in_dim3A_1635] : memref<16x16xi32, #tpu.memory_space<vmem>>[vector<16xi32>, vector<16xi32>], vector<16xi32>,
        %broadcast_in_dim3A_1637 = arith.constant 9 : i32
        %broadcast_in_dim3A_1638 = vector.broadcast %broadcast_in_dim3A_1637 : i32 to vector<16xi32>
        %gather3A_1639 = tpu.vector_load_idx %arg32[%iota3A, %broadcast_in_dim3A_1638] : memref<16x16xi32, #tpu.memory_space<vmem>>[vector<16xi32>, vector<16xi32>], vector<16xi32>,
        %broadcast_in_dim3A_1640 = arith.constant 10 : i32
        %broadcast_in_dim3A_1641 = vector.broadcast %broadcast_in_dim3A_1640 : i32 to vector<16xi32>
        %gather3A_1642 = tpu.vector_load_idx %arg32[%iota3A, %broadcast_in_dim3A_1641] : memref<16x16xi32, #tpu.memory_space<vmem>>[vector<16xi32>, vector<16xi32>], vector<16xi32>,
        %broadcast_in_dim3A_1643 = arith.constant 11 : i32
        %broadcast_in_dim3A_1644 = vector.broadcast %broadcast_in_dim3A_1643 : i32 to vector<16xi32>
        %gather3A_1645 = tpu.vector_load_idx %arg32[%iota3A, %broadcast_in_dim3A_1644] : memref<16x16xi32, #tpu.memory_space<vmem>>[vector<16xi32>, vector<16xi32>], vector<16xi32>,
        %broadcast_in_dim3A_1646 = arith.constant 12 : i32
        %broadcast_in_dim3A_1647 = vector.broadcast %broadcast_in_dim3A_1646 : i32 to vector<16xi32>
        %gather3A_1648 = tpu.vector_load_idx %arg32[%iota3A, %broadcast_in_dim3A_1647] : memref<16x16xi32, #tpu.memory_space<vmem>>[vector<16xi32>, vector<16xi32>], vector<16xi32>,
        %broadcast_in_dim3A_1649 = arith.constant 13 : i32
        %broadcast_in_dim3A_1650 = vector.broadcast %broadcast_in_dim3A_1649 : i32 to vector<16xi32>
        %gather3A_1651 = tpu.vector_load_idx %arg32[%iota3A, %broadcast_in_dim3A_1650] : memref<16x16xi32, #tpu.memory_space<vmem>>[vector<16xi32>, vector<16xi32>], vector<16xi32>,
        %broadcast_in_dim3A_1652 = arith.constant 14 : i32
        %broadcast_in_dim3A_1653 = vector.broadcast %broadcast_in_dim3A_1652 : i32 to vector<16xi32>
        %gather3A_1654 = tpu.vector_load_idx %arg32[%iota3A, %broadcast_in_dim3A_1653] : memref<16x16xi32, #tpu.memory_space<vmem>>[vector<16xi32>, vector<16xi32>], vector<16xi32>,
        %broadcast_in_dim3A_1655 = arith.constant 15 : i32
        %broadcast_in_dim3A_1656 = vector.broadcast %broadcast_in_dim3A_1655 : i32 to vector<16xi32>
        %gather3A_1657 = tpu.vector_load_idx %arg32[%iota3A, %broadcast_in_dim3A_1656] : memref<16x16xi32, #tpu.memory_space<vmem>>[vector<16xi32>, vector<16xi32>], vector<16xi32>,
        %gather3A_1658 = tpu.vector_load_idx %arg22[%gather3A_1636] : memref<5120xi32, #tpu.memory_space<vmem>>[vector<16xi32>], vector<16xi32>,
        %gather3A_1659 = tpu.vector_load_idx %arg22[%gather3A_1639] : memref<5120xi32, #tpu.memory_space<vmem>>[vector<16xi32>], vector<16xi32>,
        %gather3A_1660 = tpu.vector_load_idx %arg22[%gather3A_1642] : memref<5120xi32, #tpu.memory_space<vmem>>[vector<16xi32>], vector<16xi32>,
        %gather3A_1661 = tpu.vector_load_idx %arg22[%gather3A_1645] : memref<5120xi32, #tpu.memory_space<vmem>>[vector<16xi32>], vector<16xi32>,
        %gather3A_1662 = tpu.vector_load_idx %arg22[%gather3A_1648] : memref<5120xi32, #tpu.memory_space<vmem>>[vector<16xi32>], vector<16xi32>,
        %gather3A_1663 = tpu.vector_load_idx %arg22[%gather3A_1651] : memref<5120xi32, #tpu.memory_space<vmem>>[vector<16xi32>], vector<16xi32>,
        %gather3A_1664 = tpu.vector_load_idx %arg22[%gather3A_1654] : memref<5120xi32, #tpu.memory_space<vmem>>[vector<16xi32>], vector<16xi32>,
        %gather3A_1665 = tpu.vector_load_idx %arg22[%gather3A_1657] : memref<5120xi32, #tpu.memory_space<vmem>>[vector<16xi32>], vector<16xi32>,
        %gather3A_1666 = tpu.vector_load_idx %arg15[%gather3A_1636] : memref<5120xf32, #tpu.memory_space<vmem>>[vector<16xi32>], vector<16xf32>,
        %gather3A_1667 = tpu.vector_load_idx %arg15[%gather3A_1639] : memref<5120xf32, #tpu.memory_space<vmem>>[vector<16xi32>], vector<16xf32>,
        %gather3A_1668 = tpu.vector_load_idx %arg15[%gather3A_1642] : memref<5120xf32, #tpu.memory_space<vmem>>[vector<16xi32>], vector<16xf32>,
        %gather3A_1669 = tpu.vector_load_idx %arg15[%gather3A_1645] : memref<5120xf32, #tpu.memory_space<vmem>>[vector<16xi32>], vector<16xf32>,
        %gather3A_1670 = tpu.vector_load_idx %arg15[%gather3A_1648] : memref<5120xf32, #tpu.memory_space<vmem>>[vector<16xi32>], vector<16xf32>,
        %gather3A_1671 = tpu.vector_load_idx %arg15[%gather3A_1651] : memref<5120xf32, #tpu.memory_space<vmem>>[vector<16xi32>], vector<16xf32>,
        %gather3A_1672 = tpu.vector_load_idx %arg15[%gather3A_1654] : memref<5120xf32, #tpu.memory_space<vmem>>[vector<16xi32>], vector<16xf32>,
        %gather3A_1673 = tpu.vector_load_idx %arg15[%gather3A_1657] : memref<5120xf32, #tpu.memory_space<vmem>>[vector<16xi32>], vector<16xf32>,
        %gather3A_1674 = tpu.vector_load_idx %arg16[%gather3A_1636] : memref<5120xf32, #tpu.memory_space<vmem>>[vector<16xi32>], vector<16xf32>,
        %gather3A_1675 = tpu.vector_load_idx %arg16[%gather3A_1639] : memref<5120xf32, #tpu.memory_space<vmem>>[vector<16xi32>], vector<16xf32>,
        %gather3A_1676 = tpu.vector_load_idx %arg16[%gather3A_1642] : memref<5120xf32, #tpu.memory_space<vmem>>[vector<16xi32>], vector<16xf32>,
        %gather3A_1677 = tpu.vector_load_idx %arg16[%gather3A_1645] : memref<5120xf32, #tpu.memory_space<vmem>>[vector<16xi32>], vector<16xf32>,
        %gather3A_1678 = tpu.vector_load_idx %arg16[%gather3A_1648] : memref<5120xf32, #tpu.memory_space<vmem>>[vector<16xi32>], vector<16xf32>,
        %gather3A_1679 = tpu.vector_load_idx %arg16[%gather3A_1651] : memref<5120xf32, #tpu.memory_space<vmem>>[vector<16xi32>], vector<16xf32>,
        %gather3A_1680 = tpu.vector_load_idx %arg16[%gather3A_1654] : memref<5120xf32, #tpu.memory_space<vmem>>[vector<16xi32>], vector<16xf32>,
        %gather3A_1681 = tpu.vector_load_idx %arg16[%gather3A_1657] : memref<5120xf32, #tpu.memory_space<vmem>>[vector<16xi32>], vector<16xf32>,
        %gather3A_1682 = tpu.vector_load_idx %arg17[%gather3A_1636] : memref<5120xf32, #tpu.memory_space<vmem>>[vector<16xi32>], vector<16xf32>,
        %gather3A_1683 = tpu.vector_load_idx %arg17[%gather3A_1639] : memref<5120xf32, #tpu.memory_space<vmem>>[vector<16xi32>], vector<16xf32>,
        %gather3A_1684 = tpu.vector_load_idx %arg17[%gather3A_1642] : memref<5120xf32, #tpu.memory_space<vmem>>[vector<16xi32>], vector<16xf32>,
        %gather3A_1685 = tpu.vector_load_idx %arg17[%gather3A_1645] : memref<5120xf32, #tpu.memory_space<vmem>>[vector<16xi32>], vector<16xf32>,
        %gather3A_1686 = tpu.vector_load_idx %arg17[%gather3A_1648] : memref<5120xf32, #tpu.memory_space<vmem>>[vector<16xi32>], vector<16xf32>,
        %gather3A_1687 = tpu.vector_load_idx %arg17[%gather3A_1651] : memref<5120xf32, #tpu.memory_space<vmem>>[vector<16xi32>], vector<16xf32>,
        %gather3A_1688 = tpu.vector_load_idx %arg17[%gather3A_1654] : memref<5120xf32, #tpu.memory_space<vmem>>[vector<16xi32>], vector<16xf32>,
        %gather3A_1689 = tpu.vector_load_idx %arg17[%gather3A_1657] : memref<5120xf32, #tpu.memory_space<vmem>>[vector<16xi32>], vector<16xf32>,
        %gather3A_1690 = tpu.vector_load_idx %arg18[%gather3A_1636] : memref<5120xf32, #tpu.memory_space<vmem>>[vector<16xi32>], vector<16xf32>,
        %gather3A_1691 = tpu.vector_load_idx %arg18[%gather3A_1639] : memref<5120xf32, #tpu.memory_space<vmem>>[vector<16xi32>], vector<16xf32>,
        %gather3A_1692 = tpu.vector_load_idx %arg18[%gather3A_1642] : memref<5120xf32, #tpu.memory_space<vmem>>[vector<16xi32>], vector<16xf32>,
        %gather3A_1693 = tpu.vector_load_idx %arg18[%gather3A_1645] : memref<5120xf32, #tpu.memory_space<vmem>>[vector<16xi32>], vector<16xf32>,
        %gather3A_1694 = tpu.vector_load_idx %arg18[%gather3A_1648] : memref<5120xf32, #tpu.memory_space<vmem>>[vector<16xi32>], vector<16xf32>,
        %gather3A_1695 = tpu.vector_load_idx %arg18[%gather3A_1651] : memref<5120xf32, #tpu.memory_space<vmem>>[vector<16xi32>], vector<16xf32>,
        %gather3A_1696 = tpu.vector_load_idx %arg18[%gather3A_1654] : memref<5120xf32, #tpu.memory_space<vmem>>[vector<16xi32>], vector<16xf32>,
        %gather3A_1697 = tpu.vector_load_idx %arg18[%gather3A_1657] : memref<5120xf32, #tpu.memory_space<vmem>>[vector<16xi32>], vector<16xf32>,
        %gather3A_1698 = tpu.vector_load_idx %arg19[%gather3A_1636] : memref<5120xf32, #tpu.memory_space<vmem>>[vector<16xi32>], vector<16xf32>,
        %gather3A_1699 = tpu.vector_load_idx %arg19[%gather3A_1639] : memref<5120xf32, #tpu.memory_space<vmem>>[vector<16xi32>], vector<16xf32>,
        %gather3A_1700 = tpu.vector_load_idx %arg19[%gather3A_1642] : memref<5120xf32, #tpu.memory_space<vmem>>[vector<16xi32>], vector<16xf32>,
        %gather3A_1701 = tpu.vector_load_idx %arg19[%gather3A_1645] : memref<5120xf32, #tpu.memory_space<vmem>>[vector<16xi32>], vector<16xf32>,
        %gather3A_1702 = tpu.vector_load_idx %arg19[%gather3A_1648] : memref<5120xf32, #tpu.memory_space<vmem>>[vector<16xi32>], vector<16xf32>,
        %gather3A_1703 = tpu.vector_load_idx %arg19[%gather3A_1651] : memref<5120xf32, #tpu.memory_space<vmem>>[vector<16xi32>], vector<16xf32>,
        %gather3A_1704 = tpu.vector_load_idx %arg19[%gather3A_1654] : memref<5120xf32, #tpu.memory_space<vmem>>[vector<16xi32>], vector<16xf32>,
        %gather3A_1705 = tpu.vector_load_idx %arg19[%gather3A_1657] : memref<5120xf32, #tpu.memory_space<vmem>>[vector<16xi32>], vector<16xf32>,
        %reduce_max3A_1706 = arith.constant true
        %reduce_max3A_1707 = vector.broadcast %reduce_max3A_1706 : i1 to vector<16xi1>
        %reduce_max3A_1708 = arith.constant -2147483648 : i32
        %reduce_max3A_1709 = vector.broadcast %reduce_max3A_1708 : i32 to vector<16xi32>
        %reduce_max3A_1710 = arith.xori %gather3A_1633, %reduce_max3A_1709 : vector<16xi32>
        %reduce_max3A_1711 = tpu.scan <max>, %reduce_max3A_1710 masked %reduce_max3A_1707 : vector<16xi32>, vector<16xi1> -> vector<16xi32>
        %reduce_max3A_1712 = arith.xori %reduce_max3A_1711, %reduce_max3A_1709 : vector<16xi32>
        %reduce_max3A_1713 = vector.extract %reduce_max3A_1712[15] : i32 from vector<16xi32>
        %lt3A_1714 = arith.constant 100 : i32
        %lt3A_1715 = arith.cmpi slt, %while3A_27, %lt3A_1714 : i32
        %while3A_1716 = arith.constant 0 : i32
        %while3A_1717:11 = scf.while (%while3A_1720 = %while3A_27, %while3A_1721 = %while3A_1716, %while3A_1722 = %lt3A_1715, %while3A_1723 = %gather3A_1612, %while3A_1724 = %gather3A_1615, %while3A_1725 = %gather3A_1618, %while3A_1726 = %gather3A_1621, %while3A_1727 = %gather3A_1624, %while3A_1728 = %gather3A_1627, %while3A_1729 = %gather3A_1630, %while3A_1730 = %gather3A_1633) : (i32, i32, i1, vector<16xi32>, vector<16xi32>, vector<16xi32>, vector<16xi32>, vector<16xi32>, vector<16xi32>, vector<16xi32>, vector<16xi32>) -> (i32, i32, i1, vector<16xi32>, vector<16xi32>, vector<16xi32>, vector<16xi32>, vector<16xi32>, vector<16xi32>, vector<16xi32>, vector<16xi32>) {
          scf.condition(%while3A_1722) %while3A_1720, %while3A_1721, %while3A_1722, %while3A_1723, %while3A_1724, %while3A_1725, %while3A_1726, %while3A_1727, %while3A_1728, %while3A_1729, %while3A_1730 : i32, i32, i1, vector<16xi32>, vector<16xi32>, vector<16xi32>, vector<16xi32>, vector<16xi32>, vector<16xi32>, vector<16xi32>, vector<16xi32>
        } do {
        ^bb0(%while3A_1720: i32, %while3A_1721: i32, %while3A_1722: i1, %while3A_1723: vector<16xi32>, %while3A_1724: vector<16xi32>, %while3A_1725: vector<16xi32>, %while3A_1726: vector<16xi32>, %while3A_1727: vector<16xi32>, %while3A_1728: vector<16xi32>, %while3A_1729: vector<16xi32>, %while3A_1730: vector<16xi32>):
          %max3A_1731 = arith.maxsi %while3A_1723, %while3A_1724 : vector<16xi32>
          %max3A_1732 = arith.maxsi %max3A_1731, %while3A_1725 : vector<16xi32>
          %max3A_1733 = arith.maxsi %max3A_1732, %while3A_1726 : vector<16xi32>
          %max3A_1734 = arith.maxsi %max3A_1733, %while3A_1727 : vector<16xi32>
          %max3A_1735 = arith.maxsi %max3A_1734, %while3A_1728 : vector<16xi32>
          %max3A_1736 = arith.maxsi %max3A_1735, %while3A_1729 : vector<16xi32>
          %max3A_1737 = arith.maxsi %max3A_1736, %while3A_1730 : vector<16xi32>
          %reduce_max3A_1738 = arith.constant true
          %reduce_max3A_1739 = vector.broadcast %reduce_max3A_1738 : i1 to vector<16xi1>
          %reduce_max3A_1740 = arith.constant -2147483648 : i32
          %reduce_max3A_1741 = vector.broadcast %reduce_max3A_1740 : i32 to vector<16xi32>
          %reduce_max3A_1742 = arith.xori %max3A_1737, %reduce_max3A_1741 : vector<16xi32>
          %reduce_max3A_1743 = tpu.scan <max>, %reduce_max3A_1742 masked %reduce_max3A_1739 : vector<16xi32>, vector<16xi1> -> vector<16xi32>
          %reduce_max3A_1744 = arith.xori %reduce_max3A_1743, %reduce_max3A_1741 : vector<16xi32>
          %reduce_max3A_1745 = vector.extract %reduce_max3A_1744[15] : i32 from vector<16xi32>
          %broadcast_in_dim3A_1746 = arith.constant 1073741824 : i32
          %broadcast_in_dim3A_1747 = vector.broadcast %broadcast_in_dim3A_1746 : i32 to vector<16xi32>
          %eq3A_1748 = vector.broadcast %reduce_max3A_1745 : i32 to vector<16xi32>
          %eq3A_1749 = arith.cmpi eq, %while3A_1723, %eq3A_1748 : vector<16xi32>
          %jit3A_1750 = arith.constant 1073741824 : i32
          %broadcast_in_dim3A_1751 = vector.broadcast %jit3A_1750 : i32 to vector<16xi32>
          %select_n3A_1752 = arith.select %eq3A_1749, %gather3A_1636, %broadcast_in_dim3A_1751 : vector<16xi1>, vector<16xi32>
          %min3A = arith.minsi %broadcast_in_dim3A_1747, %select_n3A_1752 : vector<16xi32>
          %eq3A_1753 = vector.broadcast %reduce_max3A_1745 : i32 to vector<16xi32>
          %eq3A_1754 = arith.cmpi eq, %while3A_1724, %eq3A_1753 : vector<16xi32>
          %jit3A_1755 = arith.constant 1073741824 : i32
          %broadcast_in_dim3A_1756 = vector.broadcast %jit3A_1755 : i32 to vector<16xi32>
          %select_n3A_1757 = arith.select %eq3A_1754, %gather3A_1639, %broadcast_in_dim3A_1756 : vector<16xi1>, vector<16xi32>
          %min3A_1758 = arith.minsi %min3A, %select_n3A_1757 : vector<16xi32>
          %eq3A_1759 = vector.broadcast %reduce_max3A_1745 : i32 to vector<16xi32>
          %eq3A_1760 = arith.cmpi eq, %while3A_1725, %eq3A_1759 : vector<16xi32>
          %jit3A_1761 = arith.constant 1073741824 : i32
          %broadcast_in_dim3A_1762 = vector.broadcast %jit3A_1761 : i32 to vector<16xi32>
          %select_n3A_1763 = arith.select %eq3A_1760, %gather3A_1642, %broadcast_in_dim3A_1762 : vector<16xi1>, vector<16xi32>
          %min3A_1764 = arith.minsi %min3A_1758, %select_n3A_1763 : vector<16xi32>
          %eq3A_1765 = vector.broadcast %reduce_max3A_1745 : i32 to vector<16xi32>
          %eq3A_1766 = arith.cmpi eq, %while3A_1726, %eq3A_1765 : vector<16xi32>
          %jit3A_1767 = arith.constant 1073741824 : i32
          %broadcast_in_dim3A_1768 = vector.broadcast %jit3A_1767 : i32 to vector<16xi32>
          %select_n3A_1769 = arith.select %eq3A_1766, %gather3A_1645, %broadcast_in_dim3A_1768 : vector<16xi1>, vector<16xi32>
          %min3A_1770 = arith.minsi %min3A_1764, %select_n3A_1769 : vector<16xi32>
          %eq3A_1771 = vector.broadcast %reduce_max3A_1745 : i32 to vector<16xi32>
          %eq3A_1772 = arith.cmpi eq, %while3A_1727, %eq3A_1771 : vector<16xi32>
          %jit3A_1773 = arith.constant 1073741824 : i32
          %broadcast_in_dim3A_1774 = vector.broadcast %jit3A_1773 : i32 to vector<16xi32>
          %select_n3A_1775 = arith.select %eq3A_1772, %gather3A_1648, %broadcast_in_dim3A_1774 : vector<16xi1>, vector<16xi32>
          %min3A_1776 = arith.minsi %min3A_1770, %select_n3A_1775 : vector<16xi32>
          %eq3A_1777 = vector.broadcast %reduce_max3A_1745 : i32 to vector<16xi32>
          %eq3A_1778 = arith.cmpi eq, %while3A_1728, %eq3A_1777 : vector<16xi32>
          %jit3A_1779 = arith.constant 1073741824 : i32
          %broadcast_in_dim3A_1780 = vector.broadcast %jit3A_1779 : i32 to vector<16xi32>
          %select_n3A_1781 = arith.select %eq3A_1778, %gather3A_1651, %broadcast_in_dim3A_1780 : vector<16xi1>, vector<16xi32>
          %min3A_1782 = arith.minsi %min3A_1776, %select_n3A_1781 : vector<16xi32>
          %eq3A_1783 = vector.broadcast %reduce_max3A_1745 : i32 to vector<16xi32>
          %eq3A_1784 = arith.cmpi eq, %while3A_1729, %eq3A_1783 : vector<16xi32>
          %jit3A_1785 = arith.constant 1073741824 : i32
          %broadcast_in_dim3A_1786 = vector.broadcast %jit3A_1785 : i32 to vector<16xi32>
          %select_n3A_1787 = arith.select %eq3A_1784, %gather3A_1654, %broadcast_in_dim3A_1786 : vector<16xi1>, vector<16xi32>
          %min3A_1788 = arith.minsi %min3A_1782, %select_n3A_1787 : vector<16xi32>
          %eq3A_1789 = vector.broadcast %reduce_max3A_1745 : i32 to vector<16xi32>
          %eq3A_1790 = arith.cmpi eq, %while3A_1730, %eq3A_1789 : vector<16xi32>
          %jit3A_1791 = arith.constant 1073741824 : i32
          %broadcast_in_dim3A_1792 = vector.broadcast %jit3A_1791 : i32 to vector<16xi32>
          %select_n3A_1793 = arith.select %eq3A_1790, %gather3A_1657, %broadcast_in_dim3A_1792 : vector<16xi1>, vector<16xi32>
          %min3A_1794 = arith.minsi %min3A_1788, %select_n3A_1793 : vector<16xi32>
          %reduce_min3A_1795 = arith.constant true
          %reduce_min3A_1796 = vector.broadcast %reduce_min3A_1795 : i1 to vector<16xi1>
          %reduce_min3A_1797 = arith.constant -2147483648 : i32
          %reduce_min3A_1798 = vector.broadcast %reduce_min3A_1797 : i32 to vector<16xi32>
          %reduce_min3A_1799 = arith.xori %min3A_1794, %reduce_min3A_1798 : vector<16xi32>
          %reduce_min3A_1800 = tpu.scan <min>, %reduce_min3A_1799 masked %reduce_min3A_1796 : vector<16xi32>, vector<16xi1> -> vector<16xi32>
          %reduce_min3A_1801 = arith.xori %reduce_min3A_1800, %reduce_min3A_1798 : vector<16xi32>
          %reduce_min3A_1802 = vector.extract %reduce_min3A_1801[15] : i32 from vector<16xi32>
          %eq3A_1803 = arith.constant 0 : i32
          %eq3A_1804 = arith.cmpi eq, %while3A_1721, %eq3A_1803 : i32
          %gt3A_1805 = arith.cmpi sgt, %reduce_max3A_1745, %reduce_max3A_1713 : i32
          %or3A = arith.ori %eq3A_1804, %gt3A_1805 : i1
          %ge3A = arith.constant 1073741824 : i32
          %ge3A_1806 = arith.cmpi sge, %reduce_max3A_1745, %ge3A : i32
          %broadcast_in_dim3A_1807 = vector.broadcast %or3A : i1 to vector<16xi1>
          %broadcast_in_dim3A_1808 = vector.broadcast %ge3A_1806 : i1 to vector<16xi1>
          %and3A = arith.andi %broadcast_in_dim3A_1808, %broadcast_in_dim3A_1807 : vector<16xi1>
          %broadcast_in_dim3A_1809 = vector.broadcast %reduce_min3A_1802 : i32 to vector<16xi32>
          %gather3A_1810 = tpu.vector_load_idx %arg15[%broadcast_in_dim3A_1809] : memref<5120xf32, #tpu.memory_space<vmem>>[vector<16xi32>], vector<16xf32>,
          %gather3A_1811 = tpu.vector_load_idx %arg16[%broadcast_in_dim3A_1809] : memref<5120xf32, #tpu.memory_space<vmem>>[vector<16xi32>], vector<16xf32>,
          %gather3A_1812 = tpu.vector_load_idx %arg17[%broadcast_in_dim3A_1809] : memref<5120xf32, #tpu.memory_space<vmem>>[vector<16xi32>], vector<16xf32>,
          %gather3A_1813 = tpu.vector_load_idx %arg18[%broadcast_in_dim3A_1809] : memref<5120xf32, #tpu.memory_space<vmem>>[vector<16xi32>], vector<16xf32>,
          %gather3A_1814 = tpu.vector_load_idx %arg19[%broadcast_in_dim3A_1809] : memref<5120xf32, #tpu.memory_space<vmem>>[vector<16xi32>], vector<16xf32>,
          %max3A_1815 = arith.maximumf %gather3A_1810, %gather3A_1666 : vector<16xf32>
          %max3A_1816 = arith.maximumf %gather3A_1811, %gather3A_1674 : vector<16xf32>
          %min3A_1817 = arith.minimumf %gather3A_1812, %gather3A_1682 : vector<16xf32>
          %min3A_1818 = arith.minimumf %gather3A_1813, %gather3A_1690 : vector<16xf32>
          %sub3A_1819 = arith.subf %min3A_1817, %max3A_1815 : vector<16xf32>
          %max3A_1820 = arith.constant 0.000000e+00 : f32
          %max3A_1821 = vector.broadcast %max3A_1820 : f32 to vector<16xf32>
          %max3A_1822 = arith.maximumf %sub3A_1819, %max3A_1821 : vector<16xf32>
          %sub3A_1823 = arith.subf %min3A_1818, %max3A_1816 : vector<16xf32>
          %max3A_1824 = arith.constant 0.000000e+00 : f32
          %max3A_1825 = vector.broadcast %max3A_1824 : f32 to vector<16xf32>
          %max3A_1826 = arith.maximumf %sub3A_1823, %max3A_1825 : vector<16xf32>
          %mul3A_1827 = arith.mulf %max3A_1822, %max3A_1826 : vector<16xf32>
          %add3A_1828 = arith.addf %gather3A_1814, %gather3A_1698 : vector<16xf32>
          %sub3A_1829 = arith.subf %add3A_1828, %mul3A_1827 : vector<16xf32>
          %add3A_1830 = arith.constant 9.99999971E-10 : f32
          %add3A_1831 = vector.broadcast %add3A_1830 : f32 to vector<16xf32>
          %add3A_1832 = arith.addf %sub3A_1829, %add3A_1831 : vector<16xf32>
          %div3A = arith.divf %mul3A_1827, %add3A_1832 : vector<16xf32>
          %gt3A_1833 = arith.constant 5.000000e-01 : f32
          %gt3A_1834 = vector.broadcast %gt3A_1833 : f32 to vector<16xf32>
          %gt3A_1835 = arith.cmpf ogt, %div3A, %gt3A_1834 : vector<16xf32>
          %and3A_1836 = arith.andi %and3A, %gt3A_1835 : vector<16xi1>
          %ge3A_1837 = arith.constant 1073741824 : i32
          %ge3A_1838 = vector.broadcast %ge3A_1837 : i32 to vector<16xi32>
          %ge3A_1839 = arith.cmpi sge, %while3A_1723, %ge3A_1838 : vector<16xi32>
          %and3A_1840 = arith.andi %and3A_1836, %ge3A_1839 : vector<16xi1>
          %select_n3A_1841 = arith.select %and3A_1840, %gather3A_1658, %while3A_1723 : vector<16xi1>, vector<16xi32>
          %eq3A_1842 = vector.broadcast %reduce_min3A_1802 : i32 to vector<16xi32>
          %eq3A_1843 = arith.cmpi eq, %gather3A_1636, %eq3A_1842 : vector<16xi32>
          %and3A_1844 = arith.andi %broadcast_in_dim3A_1807, %eq3A_1843 : vector<16xi1>
          %jit3A_1845 = arith.constant -5 : i32
          %broadcast_in_dim3A_1846 = vector.broadcast %jit3A_1845 : i32 to vector<16xi32>
          %select_n3A_1847 = arith.select %and3A_1844, %broadcast_in_dim3A_1846, %select_n3A_1841 : vector<16xi1>, vector<16xi32>
          %max3A_1848 = arith.maximumf %gather3A_1810, %gather3A_1667 : vector<16xf32>
          %max3A_1849 = arith.maximumf %gather3A_1811, %gather3A_1675 : vector<16xf32>
          %min3A_1850 = arith.minimumf %gather3A_1812, %gather3A_1683 : vector<16xf32>
          %min3A_1851 = arith.minimumf %gather3A_1813, %gather3A_1691 : vector<16xf32>
          %sub3A_1852 = arith.subf %min3A_1850, %max3A_1848 : vector<16xf32>
          %max3A_1853 = arith.constant 0.000000e+00 : f32
          %max3A_1854 = vector.broadcast %max3A_1853 : f32 to vector<16xf32>
          %max3A_1855 = arith.maximumf %sub3A_1852, %max3A_1854 : vector<16xf32>
          %sub3A_1856 = arith.subf %min3A_1851, %max3A_1849 : vector<16xf32>
          %max3A_1857 = arith.constant 0.000000e+00 : f32
          %max3A_1858 = vector.broadcast %max3A_1857 : f32 to vector<16xf32>
          %max3A_1859 = arith.maximumf %sub3A_1856, %max3A_1858 : vector<16xf32>
          %mul3A_1860 = arith.mulf %max3A_1855, %max3A_1859 : vector<16xf32>
          %add3A_1861 = arith.addf %gather3A_1814, %gather3A_1699 : vector<16xf32>
          %sub3A_1862 = arith.subf %add3A_1861, %mul3A_1860 : vector<16xf32>
          %add3A_1863 = arith.constant 9.99999971E-10 : f32
          %add3A_1864 = vector.broadcast %add3A_1863 : f32 to vector<16xf32>
          %add3A_1865 = arith.addf %sub3A_1862, %add3A_1864 : vector<16xf32>
          %div3A_1866 = arith.divf %mul3A_1860, %add3A_1865 : vector<16xf32>
          %gt3A_1867 = arith.constant 5.000000e-01 : f32
          %gt3A_1868 = vector.broadcast %gt3A_1867 : f32 to vector<16xf32>
          %gt3A_1869 = arith.cmpf ogt, %div3A_1866, %gt3A_1868 : vector<16xf32>
          %and3A_1870 = arith.andi %and3A, %gt3A_1869 : vector<16xi1>
          %ge3A_1871 = arith.constant 1073741824 : i32
          %ge3A_1872 = vector.broadcast %ge3A_1871 : i32 to vector<16xi32>
          %ge3A_1873 = arith.cmpi sge, %while3A_1724, %ge3A_1872 : vector<16xi32>
          %and3A_1874 = arith.andi %and3A_1870, %ge3A_1873 : vector<16xi1>
          %select_n3A_1875 = arith.select %and3A_1874, %gather3A_1659, %while3A_1724 : vector<16xi1>, vector<16xi32>
          %eq3A_1876 = vector.broadcast %reduce_min3A_1802 : i32 to vector<16xi32>
          %eq3A_1877 = arith.cmpi eq, %gather3A_1639, %eq3A_1876 : vector<16xi32>
          %and3A_1878 = arith.andi %broadcast_in_dim3A_1807, %eq3A_1877 : vector<16xi1>
          %jit3A_1879 = arith.constant -5 : i32
          %broadcast_in_dim3A_1880 = vector.broadcast %jit3A_1879 : i32 to vector<16xi32>
          %select_n3A_1881 = arith.select %and3A_1878, %broadcast_in_dim3A_1880, %select_n3A_1875 : vector<16xi1>, vector<16xi32>
          %max3A_1882 = arith.maximumf %gather3A_1810, %gather3A_1668 : vector<16xf32>
          %max3A_1883 = arith.maximumf %gather3A_1811, %gather3A_1676 : vector<16xf32>
          %min3A_1884 = arith.minimumf %gather3A_1812, %gather3A_1684 : vector<16xf32>
          %min3A_1885 = arith.minimumf %gather3A_1813, %gather3A_1692 : vector<16xf32>
          %sub3A_1886 = arith.subf %min3A_1884, %max3A_1882 : vector<16xf32>
          %max3A_1887 = arith.constant 0.000000e+00 : f32
          %max3A_1888 = vector.broadcast %max3A_1887 : f32 to vector<16xf32>
          %max3A_1889 = arith.maximumf %sub3A_1886, %max3A_1888 : vector<16xf32>
          %sub3A_1890 = arith.subf %min3A_1885, %max3A_1883 : vector<16xf32>
          %max3A_1891 = arith.constant 0.000000e+00 : f32
          %max3A_1892 = vector.broadcast %max3A_1891 : f32 to vector<16xf32>
          %max3A_1893 = arith.maximumf %sub3A_1890, %max3A_1892 : vector<16xf32>
          %mul3A_1894 = arith.mulf %max3A_1889, %max3A_1893 : vector<16xf32>
          %add3A_1895 = arith.addf %gather3A_1814, %gather3A_1700 : vector<16xf32>
          %sub3A_1896 = arith.subf %add3A_1895, %mul3A_1894 : vector<16xf32>
          %add3A_1897 = arith.constant 9.99999971E-10 : f32
          %add3A_1898 = vector.broadcast %add3A_1897 : f32 to vector<16xf32>
          %add3A_1899 = arith.addf %sub3A_1896, %add3A_1898 : vector<16xf32>
          %div3A_1900 = arith.divf %mul3A_1894, %add3A_1899 : vector<16xf32>
          %gt3A_1901 = arith.constant 5.000000e-01 : f32
          %gt3A_1902 = vector.broadcast %gt3A_1901 : f32 to vector<16xf32>
          %gt3A_1903 = arith.cmpf ogt, %div3A_1900, %gt3A_1902 : vector<16xf32>
          %and3A_1904 = arith.andi %and3A, %gt3A_1903 : vector<16xi1>
          %ge3A_1905 = arith.constant 1073741824 : i32
          %ge3A_1906 = vector.broadcast %ge3A_1905 : i32 to vector<16xi32>
          %ge3A_1907 = arith.cmpi sge, %while3A_1725, %ge3A_1906 : vector<16xi32>
          %and3A_1908 = arith.andi %and3A_1904, %ge3A_1907 : vector<16xi1>
          %select_n3A_1909 = arith.select %and3A_1908, %gather3A_1660, %while3A_1725 : vector<16xi1>, vector<16xi32>
          %eq3A_1910 = vector.broadcast %reduce_min3A_1802 : i32 to vector<16xi32>
          %eq3A_1911 = arith.cmpi eq, %gather3A_1642, %eq3A_1910 : vector<16xi32>
          %and3A_1912 = arith.andi %broadcast_in_dim3A_1807, %eq3A_1911 : vector<16xi1>
          %jit3A_1913 = arith.constant -5 : i32
          %broadcast_in_dim3A_1914 = vector.broadcast %jit3A_1913 : i32 to vector<16xi32>
          %select_n3A_1915 = arith.select %and3A_1912, %broadcast_in_dim3A_1914, %select_n3A_1909 : vector<16xi1>, vector<16xi32>
          %max3A_1916 = arith.maximumf %gather3A_1810, %gather3A_1669 : vector<16xf32>
          %max3A_1917 = arith.maximumf %gather3A_1811, %gather3A_1677 : vector<16xf32>
          %min3A_1918 = arith.minimumf %gather3A_1812, %gather3A_1685 : vector<16xf32>
          %min3A_1919 = arith.minimumf %gather3A_1813, %gather3A_1693 : vector<16xf32>
          %sub3A_1920 = arith.subf %min3A_1918, %max3A_1916 : vector<16xf32>
          %max3A_1921 = arith.constant 0.000000e+00 : f32
          %max3A_1922 = vector.broadcast %max3A_1921 : f32 to vector<16xf32>
          %max3A_1923 = arith.maximumf %sub3A_1920, %max3A_1922 : vector<16xf32>
          %sub3A_1924 = arith.subf %min3A_1919, %max3A_1917 : vector<16xf32>
          %max3A_1925 = arith.constant 0.000000e+00 : f32
          %max3A_1926 = vector.broadcast %max3A_1925 : f32 to vector<16xf32>
          %max3A_1927 = arith.maximumf %sub3A_1924, %max3A_1926 : vector<16xf32>
          %mul3A_1928 = arith.mulf %max3A_1923, %max3A_1927 : vector<16xf32>
          %add3A_1929 = arith.addf %gather3A_1814, %gather3A_1701 : vector<16xf32>
          %sub3A_1930 = arith.subf %add3A_1929, %mul3A_1928 : vector<16xf32>
          %add3A_1931 = arith.constant 9.99999971E-10 : f32
          %add3A_1932 = vector.broadcast %add3A_1931 : f32 to vector<16xf32>
          %add3A_1933 = arith.addf %sub3A_1930, %add3A_1932 : vector<16xf32>
          %div3A_1934 = arith.divf %mul3A_1928, %add3A_1933 : vector<16xf32>
          %gt3A_1935 = arith.constant 5.000000e-01 : f32
          %gt3A_1936 = vector.broadcast %gt3A_1935 : f32 to vector<16xf32>
          %gt3A_1937 = arith.cmpf ogt, %div3A_1934, %gt3A_1936 : vector<16xf32>
          %and3A_1938 = arith.andi %and3A, %gt3A_1937 : vector<16xi1>
          %ge3A_1939 = arith.constant 1073741824 : i32
          %ge3A_1940 = vector.broadcast %ge3A_1939 : i32 to vector<16xi32>
          %ge3A_1941 = arith.cmpi sge, %while3A_1726, %ge3A_1940 : vector<16xi32>
          %and3A_1942 = arith.andi %and3A_1938, %ge3A_1941 : vector<16xi1>
          %select_n3A_1943 = arith.select %and3A_1942, %gather3A_1661, %while3A_1726 : vector<16xi1>, vector<16xi32>
          %eq3A_1944 = vector.broadcast %reduce_min3A_1802 : i32 to vector<16xi32>
          %eq3A_1945 = arith.cmpi eq, %gather3A_1645, %eq3A_1944 : vector<16xi32>
          %and3A_1946 = arith.andi %broadcast_in_dim3A_1807, %eq3A_1945 : vector<16xi1>
          %jit3A_1947 = arith.constant -5 : i32
          %broadcast_in_dim3A_1948 = vector.broadcast %jit3A_1947 : i32 to vector<16xi32>
          %select_n3A_1949 = arith.select %and3A_1946, %broadcast_in_dim3A_1948, %select_n3A_1943 : vector<16xi1>, vector<16xi32>
          %max3A_1950 = arith.maximumf %gather3A_1810, %gather3A_1670 : vector<16xf32>
          %max3A_1951 = arith.maximumf %gather3A_1811, %gather3A_1678 : vector<16xf32>
          %min3A_1952 = arith.minimumf %gather3A_1812, %gather3A_1686 : vector<16xf32>
          %min3A_1953 = arith.minimumf %gather3A_1813, %gather3A_1694 : vector<16xf32>
          %sub3A_1954 = arith.subf %min3A_1952, %max3A_1950 : vector<16xf32>
          %max3A_1955 = arith.constant 0.000000e+00 : f32
          %max3A_1956 = vector.broadcast %max3A_1955 : f32 to vector<16xf32>
          %max3A_1957 = arith.maximumf %sub3A_1954, %max3A_1956 : vector<16xf32>
          %sub3A_1958 = arith.subf %min3A_1953, %max3A_1951 : vector<16xf32>
          %max3A_1959 = arith.constant 0.000000e+00 : f32
          %max3A_1960 = vector.broadcast %max3A_1959 : f32 to vector<16xf32>
          %max3A_1961 = arith.maximumf %sub3A_1958, %max3A_1960 : vector<16xf32>
          %mul3A_1962 = arith.mulf %max3A_1957, %max3A_1961 : vector<16xf32>
          %add3A_1963 = arith.addf %gather3A_1814, %gather3A_1702 : vector<16xf32>
          %sub3A_1964 = arith.subf %add3A_1963, %mul3A_1962 : vector<16xf32>
          %add3A_1965 = arith.constant 9.99999971E-10 : f32
          %add3A_1966 = vector.broadcast %add3A_1965 : f32 to vector<16xf32>
          %add3A_1967 = arith.addf %sub3A_1964, %add3A_1966 : vector<16xf32>
          %div3A_1968 = arith.divf %mul3A_1962, %add3A_1967 : vector<16xf32>
          %gt3A_1969 = arith.constant 5.000000e-01 : f32
          %gt3A_1970 = vector.broadcast %gt3A_1969 : f32 to vector<16xf32>
          %gt3A_1971 = arith.cmpf ogt, %div3A_1968, %gt3A_1970 : vector<16xf32>
          %and3A_1972 = arith.andi %and3A, %gt3A_1971 : vector<16xi1>
          %ge3A_1973 = arith.constant 1073741824 : i32
          %ge3A_1974 = vector.broadcast %ge3A_1973 : i32 to vector<16xi32>
          %ge3A_1975 = arith.cmpi sge, %while3A_1727, %ge3A_1974 : vector<16xi32>
          %and3A_1976 = arith.andi %and3A_1972, %ge3A_1975 : vector<16xi1>
          %select_n3A_1977 = arith.select %and3A_1976, %gather3A_1662, %while3A_1727 : vector<16xi1>, vector<16xi32>
          %eq3A_1978 = vector.broadcast %reduce_min3A_1802 : i32 to vector<16xi32>
          %eq3A_1979 = arith.cmpi eq, %gather3A_1648, %eq3A_1978 : vector<16xi32>
          %and3A_1980 = arith.andi %broadcast_in_dim3A_1807, %eq3A_1979 : vector<16xi1>
          %jit3A_1981 = arith.constant -5 : i32
          %broadcast_in_dim3A_1982 = vector.broadcast %jit3A_1981 : i32 to vector<16xi32>
          %select_n3A_1983 = arith.select %and3A_1980, %broadcast_in_dim3A_1982, %select_n3A_1977 : vector<16xi1>, vector<16xi32>
          %max3A_1984 = arith.maximumf %gather3A_1810, %gather3A_1671 : vector<16xf32>
          %max3A_1985 = arith.maximumf %gather3A_1811, %gather3A_1679 : vector<16xf32>
          %min3A_1986 = arith.minimumf %gather3A_1812, %gather3A_1687 : vector<16xf32>
          %min3A_1987 = arith.minimumf %gather3A_1813, %gather3A_1695 : vector<16xf32>
          %sub3A_1988 = arith.subf %min3A_1986, %max3A_1984 : vector<16xf32>
          %max3A_1989 = arith.constant 0.000000e+00 : f32
          %max3A_1990 = vector.broadcast %max3A_1989 : f32 to vector<16xf32>
          %max3A_1991 = arith.maximumf %sub3A_1988, %max3A_1990 : vector<16xf32>
          %sub3A_1992 = arith.subf %min3A_1987, %max3A_1985 : vector<16xf32>
          %max3A_1993 = arith.constant 0.000000e+00 : f32
          %max3A_1994 = vector.broadcast %max3A_1993 : f32 to vector<16xf32>
          %max3A_1995 = arith.maximumf %sub3A_1992, %max3A_1994 : vector<16xf32>
          %mul3A_1996 = arith.mulf %max3A_1991, %max3A_1995 : vector<16xf32>
          %add3A_1997 = arith.addf %gather3A_1814, %gather3A_1703 : vector<16xf32>
          %sub3A_1998 = arith.subf %add3A_1997, %mul3A_1996 : vector<16xf32>
          %add3A_1999 = arith.constant 9.99999971E-10 : f32
          %add3A_2000 = vector.broadcast %add3A_1999 : f32 to vector<16xf32>
          %add3A_2001 = arith.addf %sub3A_1998, %add3A_2000 : vector<16xf32>
          %div3A_2002 = arith.divf %mul3A_1996, %add3A_2001 : vector<16xf32>
          %gt3A_2003 = arith.constant 5.000000e-01 : f32
          %gt3A_2004 = vector.broadcast %gt3A_2003 : f32 to vector<16xf32>
          %gt3A_2005 = arith.cmpf ogt, %div3A_2002, %gt3A_2004 : vector<16xf32>
          %and3A_2006 = arith.andi %and3A, %gt3A_2005 : vector<16xi1>
          %ge3A_2007 = arith.constant 1073741824 : i32
          %ge3A_2008 = vector.broadcast %ge3A_2007 : i32 to vector<16xi32>
          %ge3A_2009 = arith.cmpi sge, %while3A_1728, %ge3A_2008 : vector<16xi32>
          %and3A_2010 = arith.andi %and3A_2006, %ge3A_2009 : vector<16xi1>
          %select_n3A_2011 = arith.select %and3A_2010, %gather3A_1663, %while3A_1728 : vector<16xi1>, vector<16xi32>
          %eq3A_2012 = vector.broadcast %reduce_min3A_1802 : i32 to vector<16xi32>
          %eq3A_2013 = arith.cmpi eq, %gather3A_1651, %eq3A_2012 : vector<16xi32>
          %and3A_2014 = arith.andi %broadcast_in_dim3A_1807, %eq3A_2013 : vector<16xi1>
          %jit3A_2015 = arith.constant -5 : i32
          %broadcast_in_dim3A_2016 = vector.broadcast %jit3A_2015 : i32 to vector<16xi32>
          %select_n3A_2017 = arith.select %and3A_2014, %broadcast_in_dim3A_2016, %select_n3A_2011 : vector<16xi1>, vector<16xi32>
          %max3A_2018 = arith.maximumf %gather3A_1810, %gather3A_1672 : vector<16xf32>
          %max3A_2019 = arith.maximumf %gather3A_1811, %gather3A_1680 : vector<16xf32>
          %min3A_2020 = arith.minimumf %gather3A_1812, %gather3A_1688 : vector<16xf32>
          %min3A_2021 = arith.minimumf %gather3A_1813, %gather3A_1696 : vector<16xf32>
          %sub3A_2022 = arith.subf %min3A_2020, %max3A_2018 : vector<16xf32>
          %max3A_2023 = arith.constant 0.000000e+00 : f32
          %max3A_2024 = vector.broadcast %max3A_2023 : f32 to vector<16xf32>
          %max3A_2025 = arith.maximumf %sub3A_2022, %max3A_2024 : vector<16xf32>
          %sub3A_2026 = arith.subf %min3A_2021, %max3A_2019 : vector<16xf32>
          %max3A_2027 = arith.constant 0.000000e+00 : f32
          %max3A_2028 = vector.broadcast %max3A_2027 : f32 to vector<16xf32>
          %max3A_2029 = arith.maximumf %sub3A_2026, %max3A_2028 : vector<16xf32>
          %mul3A_2030 = arith.mulf %max3A_2025, %max3A_2029 : vector<16xf32>
          %add3A_2031 = arith.addf %gather3A_1814, %gather3A_1704 : vector<16xf32>
          %sub3A_2032 = arith.subf %add3A_2031, %mul3A_2030 : vector<16xf32>
          %add3A_2033 = arith.constant 9.99999971E-10 : f32
          %add3A_2034 = vector.broadcast %add3A_2033 : f32 to vector<16xf32>
          %add3A_2035 = arith.addf %sub3A_2032, %add3A_2034 : vector<16xf32>
          %div3A_2036 = arith.divf %mul3A_2030, %add3A_2035 : vector<16xf32>
          %gt3A_2037 = arith.constant 5.000000e-01 : f32
          %gt3A_2038 = vector.broadcast %gt3A_2037 : f32 to vector<16xf32>
          %gt3A_2039 = arith.cmpf ogt, %div3A_2036, %gt3A_2038 : vector<16xf32>
          %and3A_2040 = arith.andi %and3A, %gt3A_2039 : vector<16xi1>
          %ge3A_2041 = arith.constant 1073741824 : i32
          %ge3A_2042 = vector.broadcast %ge3A_2041 : i32 to vector<16xi32>
          %ge3A_2043 = arith.cmpi sge, %while3A_1729, %ge3A_2042 : vector<16xi32>
          %and3A_2044 = arith.andi %and3A_2040, %ge3A_2043 : vector<16xi1>
          %select_n3A_2045 = arith.select %and3A_2044, %gather3A_1664, %while3A_1729 : vector<16xi1>, vector<16xi32>
          %eq3A_2046 = vector.broadcast %reduce_min3A_1802 : i32 to vector<16xi32>
          %eq3A_2047 = arith.cmpi eq, %gather3A_1654, %eq3A_2046 : vector<16xi32>
          %and3A_2048 = arith.andi %broadcast_in_dim3A_1807, %eq3A_2047 : vector<16xi1>
          %jit3A_2049 = arith.constant -5 : i32
          %broadcast_in_dim3A_2050 = vector.broadcast %jit3A_2049 : i32 to vector<16xi32>
          %select_n3A_2051 = arith.select %and3A_2048, %broadcast_in_dim3A_2050, %select_n3A_2045 : vector<16xi1>, vector<16xi32>
          %max3A_2052 = arith.maximumf %gather3A_1810, %gather3A_1673 : vector<16xf32>
          %max3A_2053 = arith.maximumf %gather3A_1811, %gather3A_1681 : vector<16xf32>
          %min3A_2054 = arith.minimumf %gather3A_1812, %gather3A_1689 : vector<16xf32>
          %min3A_2055 = arith.minimumf %gather3A_1813, %gather3A_1697 : vector<16xf32>
          %sub3A_2056 = arith.subf %min3A_2054, %max3A_2052 : vector<16xf32>
          %max3A_2057 = arith.constant 0.000000e+00 : f32
          %max3A_2058 = vector.broadcast %max3A_2057 : f32 to vector<16xf32>
          %max3A_2059 = arith.maximumf %sub3A_2056, %max3A_2058 : vector<16xf32>
          %sub3A_2060 = arith.subf %min3A_2055, %max3A_2053 : vector<16xf32>
          %max3A_2061 = arith.constant 0.000000e+00 : f32
          %max3A_2062 = vector.broadcast %max3A_2061 : f32 to vector<16xf32>
          %max3A_2063 = arith.maximumf %sub3A_2060, %max3A_2062 : vector<16xf32>
          %mul3A_2064 = arith.mulf %max3A_2059, %max3A_2063 : vector<16xf32>
          %add3A_2065 = arith.addf %gather3A_1814, %gather3A_1705 : vector<16xf32>
          %sub3A_2066 = arith.subf %add3A_2065, %mul3A_2064 : vector<16xf32>
          %add3A_2067 = arith.constant 9.99999971E-10 : f32
          %add3A_2068 = vector.broadcast %add3A_2067 : f32 to vector<16xf32>
          %add3A_2069 = arith.addf %sub3A_2066, %add3A_2068 : vector<16xf32>
          %div3A_2070 = arith.divf %mul3A_2064, %add3A_2069 : vector<16xf32>
          %gt3A_2071 = arith.constant 5.000000e-01 : f32
          %gt3A_2072 = vector.broadcast %gt3A_2071 : f32 to vector<16xf32>
          %gt3A_2073 = arith.cmpf ogt, %div3A_2070, %gt3A_2072 : vector<16xf32>
          %and3A_2074 = arith.andi %and3A, %gt3A_2073 : vector<16xi1>
          %ge3A_2075 = arith.constant 1073741824 : i32
          %ge3A_2076 = vector.broadcast %ge3A_2075 : i32 to vector<16xi32>
          %ge3A_2077 = arith.cmpi sge, %while3A_1730, %ge3A_2076 : vector<16xi32>
          %and3A_2078 = arith.andi %and3A_2074, %ge3A_2077 : vector<16xi1>
          %select_n3A_2079 = arith.select %and3A_2078, %gather3A_1665, %while3A_1730 : vector<16xi1>, vector<16xi32>
          %eq3A_2080 = vector.broadcast %reduce_min3A_1802 : i32 to vector<16xi32>
          %eq3A_2081 = arith.cmpi eq, %gather3A_1657, %eq3A_2080 : vector<16xi32>
          %and3A_2082 = arith.andi %broadcast_in_dim3A_1807, %eq3A_2081 : vector<16xi1>
          %jit3A_2083 = arith.constant -5 : i32
          %broadcast_in_dim3A_2084 = vector.broadcast %jit3A_2083 : i32 to vector<16xi32>
          %select_n3A_2085 = arith.select %and3A_2082, %broadcast_in_dim3A_2084, %select_n3A_2079 : vector<16xi1>, vector<16xi32>
          %sub3A_2086 = arith.subi %reduce_min3A_1802, %mul3A_2 : i32
          %ge3A_2087 = arith.constant 0 : i32
          %ge3A_2088 = arith.cmpi sge, %sub3A_2086, %ge3A_2087 : i32
          %lt3A_2089 = arith.constant 320 : i32
          %lt3A_2090 = arith.cmpi slt, %sub3A_2086, %lt3A_2089 : i32
          %and3A_2091 = arith.andi %ge3A_2088, %lt3A_2090 : i1
          %and3A_2092 = arith.andi %and3A_2091, %or3A : i1
          %max3A_2093 = arith.constant 0 : i32
          %max3A_2094 = arith.maxsi %sub3A_2086, %max3A_2093 : i32
          %min3A_2095 = arith.constant 319 : i32
          %min3A_2096 = arith.minsi %max3A_2094, %min3A_2095 : i32
          %broadcast_in_dim3A_2097 = vector.broadcast %min3A_2096 : i32 to vector<16xi32>
          %and3A_2098 = vector.broadcast %and3A_2092 : i1 to vector<16xi1>
          %and3A_2099 = arith.andi %eq3A_19, %and3A_2098 : vector<16xi1>
          tpu.vector_store_idx %arg23[%broadcast_in_dim3A_2097], %broadcast_in_dim3A_16 masked %and3A_2099 : memref<320xi32, #tpu.memory_space<vmem>>[vector<16xi32>], vector<16xi32>, vector<16xi1>
          %get3A_2100 = arith.constant 0 : index
          %get3A_2101 = tpu.vector_load %arg23[%get3A_2100] {strides = array<i32>} : memref<320xi32, #tpu.memory_space<vmem>>, vector<16xi32>,
          %get3A_2102 = arith.constant 0 : index
          %get3A_2103 = tpu.vector_load %arg25[%get3A_2102] {strides = array<i32>} : memref<320xf32, #tpu.memory_space<vmem>>, vector<16xf32>,
          %max3A_2104 = arith.maximumf %gather3A_1810, %get3A_2103 : vector<16xf32>
          %get3A_2105 = arith.constant 0 : index
          %get3A_2106 = tpu.vector_load %arg26[%get3A_2105] {strides = array<i32>} : memref<320xf32, #tpu.memory_space<vmem>>, vector<16xf32>,
          %max3A_2107 = arith.maximumf %gather3A_1811, %get3A_2106 : vector<16xf32>
          %get3A_2108 = arith.constant 0 : index
          %get3A_2109 = tpu.vector_load %arg27[%get3A_2108] {strides = array<i32>} : memref<320xf32, #tpu.memory_space<vmem>>, vector<16xf32>,
          %min3A_2110 = arith.minimumf %gather3A_1812, %get3A_2109 : vector<16xf32>
          %get3A_2111 = arith.constant 0 : index
          %get3A_2112 = tpu.vector_load %arg28[%get3A_2111] {strides = array<i32>} : memref<320xf32, #tpu.memory_space<vmem>>, vector<16xf32>,
          %min3A_2113 = arith.minimumf %gather3A_1813, %get3A_2112 : vector<16xf32>
          %sub3A_2114 = arith.subf %min3A_2110, %max3A_2104 : vector<16xf32>
          %max3A_2115 = arith.constant 0.000000e+00 : f32
          %max3A_2116 = vector.broadcast %max3A_2115 : f32 to vector<16xf32>
          %max3A_2117 = arith.maximumf %sub3A_2114, %max3A_2116 : vector<16xf32>
          %sub3A_2118 = arith.subf %min3A_2113, %max3A_2107 : vector<16xf32>
          %max3A_2119 = arith.constant 0.000000e+00 : f32
          %max3A_2120 = vector.broadcast %max3A_2119 : f32 to vector<16xf32>
          %max3A_2121 = arith.maximumf %sub3A_2118, %max3A_2120 : vector<16xf32>
          %mul3A_2122 = arith.mulf %max3A_2117, %max3A_2121 : vector<16xf32>
          %get3A_2123 = arith.constant 0 : index
          %get3A_2124 = tpu.vector_load %arg29[%get3A_2123] {strides = array<i32>} : memref<320xf32, #tpu.memory_space<vmem>>, vector<16xf32>,
          %add3A_2125 = arith.addf %gather3A_1814, %get3A_2124 : vector<16xf32>
          %sub3A_2126 = arith.subf %add3A_2125, %mul3A_2122 : vector<16xf32>
          %add3A_2127 = arith.constant 9.99999971E-10 : f32
          %add3A_2128 = vector.broadcast %add3A_2127 : f32 to vector<16xf32>
          %add3A_2129 = arith.addf %sub3A_2126, %add3A_2128 : vector<16xf32>
          %div3A_2130 = arith.divf %mul3A_2122, %add3A_2129 : vector<16xf32>
          %gt3A_2131 = arith.constant 5.000000e-01 : f32
          %gt3A_2132 = vector.broadcast %gt3A_2131 : f32 to vector<16xf32>
          %gt3A_2133 = arith.cmpf ogt, %div3A_2130, %gt3A_2132 : vector<16xf32>
          %and3A_2134 = arith.andi %and3A, %gt3A_2133 : vector<16xi1>
          %ge3A_2135 = arith.constant 1073741824 : i32
          %ge3A_2136 = vector.broadcast %ge3A_2135 : i32 to vector<16xi32>
          %ge3A_2137 = arith.cmpi sge, %get3A_2101, %ge3A_2136 : vector<16xi32>
          %and3A_2138 = arith.andi %and3A_2134, %ge3A_2137 : vector<16xi1>
          %get3A_2139 = arith.constant 0 : index
          %get3A_2140 = tpu.vector_load %arg24[%get3A_2139] {strides = array<i32>} : memref<320xi32, #tpu.memory_space<vmem>>, vector<16xi32>,
          %select_n3A_2141 = arith.select %and3A_2138, %get3A_2140, %get3A_2101 : vector<16xi1>, vector<16xi32>
          %swap3A_2142 = arith.constant 0 : index
          %swap3A_2143 = tpu.vector_load %arg23[%swap3A_2142] {strides = array<i32>} : memref<320xi32, #tpu.memory_space<vmem>>, vector<16xi32>,
          tpu.vector_store %arg23[%swap3A_2142], %select_n3A_2141 {strides = array<i32>} : memref<320xi32, #tpu.memory_space<vmem>>, vector<16xi32>,
          %get3A_2144 = arith.constant 16 : index
          %get3A_2145 = tpu.vector_load %arg23[%get3A_2144] {strides = array<i32>} : memref<320xi32, #tpu.memory_space<vmem>>, vector<16xi32>,
          %get3A_2146 = arith.constant 16 : index
          %get3A_2147 = tpu.vector_load %arg25[%get3A_2146] {strides = array<i32>} : memref<320xf32, #tpu.memory_space<vmem>>, vector<16xf32>,
          %max3A_2148 = arith.maximumf %gather3A_1810, %get3A_2147 : vector<16xf32>
          %get3A_2149 = arith.constant 16 : index
          %get3A_2150 = tpu.vector_load %arg26[%get3A_2149] {strides = array<i32>} : memref<320xf32, #tpu.memory_space<vmem>>, vector<16xf32>,
          %max3A_2151 = arith.maximumf %gather3A_1811, %get3A_2150 : vector<16xf32>
          %get3A_2152 = arith.constant 16 : index
          %get3A_2153 = tpu.vector_load %arg27[%get3A_2152] {strides = array<i32>} : memref<320xf32, #tpu.memory_space<vmem>>, vector<16xf32>,
          %min3A_2154 = arith.minimumf %gather3A_1812, %get3A_2153 : vector<16xf32>
          %get3A_2155 = arith.constant 16 : index
          %get3A_2156 = tpu.vector_load %arg28[%get3A_2155] {strides = array<i32>} : memref<320xf32, #tpu.memory_space<vmem>>, vector<16xf32>,
          %min3A_2157 = arith.minimumf %gather3A_1813, %get3A_2156 : vector<16xf32>
          %sub3A_2158 = arith.subf %min3A_2154, %max3A_2148 : vector<16xf32>
          %max3A_2159 = arith.constant 0.000000e+00 : f32
          %max3A_2160 = vector.broadcast %max3A_2159 : f32 to vector<16xf32>
          %max3A_2161 = arith.maximumf %sub3A_2158, %max3A_2160 : vector<16xf32>
          %sub3A_2162 = arith.subf %min3A_2157, %max3A_2151 : vector<16xf32>
          %max3A_2163 = arith.constant 0.000000e+00 : f32
          %max3A_2164 = vector.broadcast %max3A_2163 : f32 to vector<16xf32>
          %max3A_2165 = arith.maximumf %sub3A_2162, %max3A_2164 : vector<16xf32>
          %mul3A_2166 = arith.mulf %max3A_2161, %max3A_2165 : vector<16xf32>
          %get3A_2167 = arith.constant 16 : index
          %get3A_2168 = tpu.vector_load %arg29[%get3A_2167] {strides = array<i32>} : memref<320xf32, #tpu.memory_space<vmem>>, vector<16xf32>,
          %add3A_2169 = arith.addf %gather3A_1814, %get3A_2168 : vector<16xf32>
          %sub3A_2170 = arith.subf %add3A_2169, %mul3A_2166 : vector<16xf32>
          %add3A_2171 = arith.constant 9.99999971E-10 : f32
          %add3A_2172 = vector.broadcast %add3A_2171 : f32 to vector<16xf32>
          %add3A_2173 = arith.addf %sub3A_2170, %add3A_2172 : vector<16xf32>
          %div3A_2174 = arith.divf %mul3A_2166, %add3A_2173 : vector<16xf32>
          %gt3A_2175 = arith.constant 5.000000e-01 : f32
          %gt3A_2176 = vector.broadcast %gt3A_2175 : f32 to vector<16xf32>
          %gt3A_2177 = arith.cmpf ogt, %div3A_2174, %gt3A_2176 : vector<16xf32>
          %and3A_2178 = arith.andi %and3A, %gt3A_2177 : vector<16xi1>
          %ge3A_2179 = arith.constant 1073741824 : i32
          %ge3A_2180 = vector.broadcast %ge3A_2179 : i32 to vector<16xi32>
          %ge3A_2181 = arith.cmpi sge, %get3A_2145, %ge3A_2180 : vector<16xi32>
          %and3A_2182 = arith.andi %and3A_2178, %ge3A_2181 : vector<16xi1>
          %get3A_2183 = arith.constant 16 : index
          %get3A_2184 = tpu.vector_load %arg24[%get3A_2183] {strides = array<i32>} : memref<320xi32, #tpu.memory_space<vmem>>, vector<16xi32>,
          %select_n3A_2185 = arith.select %and3A_2182, %get3A_2184, %get3A_2145 : vector<16xi1>, vector<16xi32>
          %swap3A_2186 = arith.constant 16 : index
          %swap3A_2187 = tpu.vector_load %arg23[%swap3A_2186] {strides = array<i32>} : memref<320xi32, #tpu.memory_space<vmem>>, vector<16xi32>,
          tpu.vector_store %arg23[%swap3A_2186], %select_n3A_2185 {strides = array<i32>} : memref<320xi32, #tpu.memory_space<vmem>>, vector<16xi32>,
          %get3A_2188 = arith.constant 32 : index
          %get3A_2189 = tpu.vector_load %arg23[%get3A_2188] {strides = array<i32>} : memref<320xi32, #tpu.memory_space<vmem>>, vector<16xi32>,
          %get3A_2190 = arith.constant 32 : index
          %get3A_2191 = tpu.vector_load %arg25[%get3A_2190] {strides = array<i32>} : memref<320xf32, #tpu.memory_space<vmem>>, vector<16xf32>,
          %max3A_2192 = arith.maximumf %gather3A_1810, %get3A_2191 : vector<16xf32>
          %get3A_2193 = arith.constant 32 : index
          %get3A_2194 = tpu.vector_load %arg26[%get3A_2193] {strides = array<i32>} : memref<320xf32, #tpu.memory_space<vmem>>, vector<16xf32>,
          %max3A_2195 = arith.maximumf %gather3A_1811, %get3A_2194 : vector<16xf32>
          %get3A_2196 = arith.constant 32 : index
          %get3A_2197 = tpu.vector_load %arg27[%get3A_2196] {strides = array<i32>} : memref<320xf32, #tpu.memory_space<vmem>>, vector<16xf32>,
          %min3A_2198 = arith.minimumf %gather3A_1812, %get3A_2197 : vector<16xf32>
          %get3A_2199 = arith.constant 32 : index
          %get3A_2200 = tpu.vector_load %arg28[%get3A_2199] {strides = array<i32>} : memref<320xf32, #tpu.memory_space<vmem>>, vector<16xf32>,
          %min3A_2201 = arith.minimumf %gather3A_1813, %get3A_2200 : vector<16xf32>
          %sub3A_2202 = arith.subf %min3A_2198, %max3A_2192 : vector<16xf32>
          %max3A_2203 = arith.constant 0.000000e+00 : f32
          %max3A_2204 = vector.broadcast %max3A_2203 : f32 to vector<16xf32>
          %max3A_2205 = arith.maximumf %sub3A_2202, %max3A_2204 : vector<16xf32>
          %sub3A_2206 = arith.subf %min3A_2201, %max3A_2195 : vector<16xf32>
          %max3A_2207 = arith.constant 0.000000e+00 : f32
          %max3A_2208 = vector.broadcast %max3A_2207 : f32 to vector<16xf32>
          %max3A_2209 = arith.maximumf %sub3A_2206, %max3A_2208 : vector<16xf32>
          %mul3A_2210 = arith.mulf %max3A_2205, %max3A_2209 : vector<16xf32>
          %get3A_2211 = arith.constant 32 : index
          %get3A_2212 = tpu.vector_load %arg29[%get3A_2211] {strides = array<i32>} : memref<320xf32, #tpu.memory_space<vmem>>, vector<16xf32>,
          %add3A_2213 = arith.addf %gather3A_1814, %get3A_2212 : vector<16xf32>
          %sub3A_2214 = arith.subf %add3A_2213, %mul3A_2210 : vector<16xf32>
          %add3A_2215 = arith.constant 9.99999971E-10 : f32
          %add3A_2216 = vector.broadcast %add3A_2215 : f32 to vector<16xf32>
          %add3A_2217 = arith.addf %sub3A_2214, %add3A_2216 : vector<16xf32>
          %div3A_2218 = arith.divf %mul3A_2210, %add3A_2217 : vector<16xf32>
          %gt3A_2219 = arith.constant 5.000000e-01 : f32
          %gt3A_2220 = vector.broadcast %gt3A_2219 : f32 to vector<16xf32>
          %gt3A_2221 = arith.cmpf ogt, %div3A_2218, %gt3A_2220 : vector<16xf32>
          %and3A_2222 = arith.andi %and3A, %gt3A_2221 : vector<16xi1>
          %ge3A_2223 = arith.constant 1073741824 : i32
          %ge3A_2224 = vector.broadcast %ge3A_2223 : i32 to vector<16xi32>
          %ge3A_2225 = arith.cmpi sge, %get3A_2189, %ge3A_2224 : vector<16xi32>
          %and3A_2226 = arith.andi %and3A_2222, %ge3A_2225 : vector<16xi1>
          %get3A_2227 = arith.constant 32 : index
          %get3A_2228 = tpu.vector_load %arg24[%get3A_2227] {strides = array<i32>} : memref<320xi32, #tpu.memory_space<vmem>>, vector<16xi32>,
          %select_n3A_2229 = arith.select %and3A_2226, %get3A_2228, %get3A_2189 : vector<16xi1>, vector<16xi32>
          %swap3A_2230 = arith.constant 32 : index
          %swap3A_2231 = tpu.vector_load %arg23[%swap3A_2230] {strides = array<i32>} : memref<320xi32, #tpu.memory_space<vmem>>, vector<16xi32>,
          tpu.vector_store %arg23[%swap3A_2230], %select_n3A_2229 {strides = array<i32>} : memref<320xi32, #tpu.memory_space<vmem>>, vector<16xi32>,
          %get3A_2232 = arith.constant 48 : index
          %get3A_2233 = tpu.vector_load %arg23[%get3A_2232] {strides = array<i32>} : memref<320xi32, #tpu.memory_space<vmem>>, vector<16xi32>,
          %get3A_2234 = arith.constant 48 : index
          %get3A_2235 = tpu.vector_load %arg25[%get3A_2234] {strides = array<i32>} : memref<320xf32, #tpu.memory_space<vmem>>, vector<16xf32>,
          %max3A_2236 = arith.maximumf %gather3A_1810, %get3A_2235 : vector<16xf32>
          %get3A_2237 = arith.constant 48 : index
          %get3A_2238 = tpu.vector_load %arg26[%get3A_2237] {strides = array<i32>} : memref<320xf32, #tpu.memory_space<vmem>>, vector<16xf32>,
          %max3A_2239 = arith.maximumf %gather3A_1811, %get3A_2238 : vector<16xf32>
          %get3A_2240 = arith.constant 48 : index
          %get3A_2241 = tpu.vector_load %arg27[%get3A_2240] {strides = array<i32>} : memref<320xf32, #tpu.memory_space<vmem>>, vector<16xf32>,
          %min3A_2242 = arith.minimumf %gather3A_1812, %get3A_2241 : vector<16xf32>
          %get3A_2243 = arith.constant 48 : index
          %get3A_2244 = tpu.vector_load %arg28[%get3A_2243] {strides = array<i32>} : memref<320xf32, #tpu.memory_space<vmem>>, vector<16xf32>,
          %min3A_2245 = arith.minimumf %gather3A_1813, %get3A_2244 : vector<16xf32>
          %sub3A_2246 = arith.subf %min3A_2242, %max3A_2236 : vector<16xf32>
          %max3A_2247 = arith.constant 0.000000e+00 : f32
          %max3A_2248 = vector.broadcast %max3A_2247 : f32 to vector<16xf32>
          %max3A_2249 = arith.maximumf %sub3A_2246, %max3A_2248 : vector<16xf32>
          %sub3A_2250 = arith.subf %min3A_2245, %max3A_2239 : vector<16xf32>
          %max3A_2251 = arith.constant 0.000000e+00 : f32
          %max3A_2252 = vector.broadcast %max3A_2251 : f32 to vector<16xf32>
          %max3A_2253 = arith.maximumf %sub3A_2250, %max3A_2252 : vector<16xf32>
          %mul3A_2254 = arith.mulf %max3A_2249, %max3A_2253 : vector<16xf32>
          %get3A_2255 = arith.constant 48 : index
          %get3A_2256 = tpu.vector_load %arg29[%get3A_2255] {strides = array<i32>} : memref<320xf32, #tpu.memory_space<vmem>>, vector<16xf32>,
          %add3A_2257 = arith.addf %gather3A_1814, %get3A_2256 : vector<16xf32>
          %sub3A_2258 = arith.subf %add3A_2257, %mul3A_2254 : vector<16xf32>
          %add3A_2259 = arith.constant 9.99999971E-10 : f32
          %add3A_2260 = vector.broadcast %add3A_2259 : f32 to vector<16xf32>
          %add3A_2261 = arith.addf %sub3A_2258, %add3A_2260 : vector<16xf32>
          %div3A_2262 = arith.divf %mul3A_2254, %add3A_2261 : vector<16xf32>
          %gt3A_2263 = arith.constant 5.000000e-01 : f32
          %gt3A_2264 = vector.broadcast %gt3A_2263 : f32 to vector<16xf32>
          %gt3A_2265 = arith.cmpf ogt, %div3A_2262, %gt3A_2264 : vector<16xf32>
          %and3A_2266 = arith.andi %and3A, %gt3A_2265 : vector<16xi1>
          %ge3A_2267 = arith.constant 1073741824 : i32
          %ge3A_2268 = vector.broadcast %ge3A_2267 : i32 to vector<16xi32>
          %ge3A_2269 = arith.cmpi sge, %get3A_2233, %ge3A_2268 : vector<16xi32>
          %and3A_2270 = arith.andi %and3A_2266, %ge3A_2269 : vector<16xi1>
          %get3A_2271 = arith.constant 48 : index
          %get3A_2272 = tpu.vector_load %arg24[%get3A_2271] {strides = array<i32>} : memref<320xi32, #tpu.memory_space<vmem>>, vector<16xi32>,
          %select_n3A_2273 = arith.select %and3A_2270, %get3A_2272, %get3A_2233 : vector<16xi1>, vector<16xi32>
          %swap3A_2274 = arith.constant 48 : index
          %swap3A_2275 = tpu.vector_load %arg23[%swap3A_2274] {strides = array<i32>} : memref<320xi32, #tpu.memory_space<vmem>>, vector<16xi32>,
          tpu.vector_store %arg23[%swap3A_2274], %select_n3A_2273 {strides = array<i32>} : memref<320xi32, #tpu.memory_space<vmem>>, vector<16xi32>,
          %get3A_2276 = arith.constant 64 : index
          %get3A_2277 = tpu.vector_load %arg23[%get3A_2276] {strides = array<i32>} : memref<320xi32, #tpu.memory_space<vmem>>, vector<16xi32>,
          %get3A_2278 = arith.constant 64 : index
          %get3A_2279 = tpu.vector_load %arg25[%get3A_2278] {strides = array<i32>} : memref<320xf32, #tpu.memory_space<vmem>>, vector<16xf32>,
          %max3A_2280 = arith.maximumf %gather3A_1810, %get3A_2279 : vector<16xf32>
          %get3A_2281 = arith.constant 64 : index
          %get3A_2282 = tpu.vector_load %arg26[%get3A_2281] {strides = array<i32>} : memref<320xf32, #tpu.memory_space<vmem>>, vector<16xf32>,
          %max3A_2283 = arith.maximumf %gather3A_1811, %get3A_2282 : vector<16xf32>
          %get3A_2284 = arith.constant 64 : index
          %get3A_2285 = tpu.vector_load %arg27[%get3A_2284] {strides = array<i32>} : memref<320xf32, #tpu.memory_space<vmem>>, vector<16xf32>,
          %min3A_2286 = arith.minimumf %gather3A_1812, %get3A_2285 : vector<16xf32>
          %get3A_2287 = arith.constant 64 : index
          %get3A_2288 = tpu.vector_load %arg28[%get3A_2287] {strides = array<i32>} : memref<320xf32, #tpu.memory_space<vmem>>, vector<16xf32>,
          %min3A_2289 = arith.minimumf %gather3A_1813, %get3A_2288 : vector<16xf32>
          %sub3A_2290 = arith.subf %min3A_2286, %max3A_2280 : vector<16xf32>
          %max3A_2291 = arith.constant 0.000000e+00 : f32
          %max3A_2292 = vector.broadcast %max3A_2291 : f32 to vector<16xf32>
          %max3A_2293 = arith.maximumf %sub3A_2290, %max3A_2292 : vector<16xf32>
          %sub3A_2294 = arith.subf %min3A_2289, %max3A_2283 : vector<16xf32>
          %max3A_2295 = arith.constant 0.000000e+00 : f32
          %max3A_2296 = vector.broadcast %max3A_2295 : f32 to vector<16xf32>
          %max3A_2297 = arith.maximumf %sub3A_2294, %max3A_2296 : vector<16xf32>
          %mul3A_2298 = arith.mulf %max3A_2293, %max3A_2297 : vector<16xf32>
          %get3A_2299 = arith.constant 64 : index
          %get3A_2300 = tpu.vector_load %arg29[%get3A_2299] {strides = array<i32>} : memref<320xf32, #tpu.memory_space<vmem>>, vector<16xf32>,
          %add3A_2301 = arith.addf %gather3A_1814, %get3A_2300 : vector<16xf32>
          %sub3A_2302 = arith.subf %add3A_2301, %mul3A_2298 : vector<16xf32>
          %add3A_2303 = arith.constant 9.99999971E-10 : f32
          %add3A_2304 = vector.broadcast %add3A_2303 : f32 to vector<16xf32>
          %add3A_2305 = arith.addf %sub3A_2302, %add3A_2304 : vector<16xf32>
          %div3A_2306 = arith.divf %mul3A_2298, %add3A_2305 : vector<16xf32>
          %gt3A_2307 = arith.constant 5.000000e-01 : f32
          %gt3A_2308 = vector.broadcast %gt3A_2307 : f32 to vector<16xf32>
          %gt3A_2309 = arith.cmpf ogt, %div3A_2306, %gt3A_2308 : vector<16xf32>
          %and3A_2310 = arith.andi %and3A, %gt3A_2309 : vector<16xi1>
          %ge3A_2311 = arith.constant 1073741824 : i32
          %ge3A_2312 = vector.broadcast %ge3A_2311 : i32 to vector<16xi32>
          %ge3A_2313 = arith.cmpi sge, %get3A_2277, %ge3A_2312 : vector<16xi32>
          %and3A_2314 = arith.andi %and3A_2310, %ge3A_2313 : vector<16xi1>
          %get3A_2315 = arith.constant 64 : index
          %get3A_2316 = tpu.vector_load %arg24[%get3A_2315] {strides = array<i32>} : memref<320xi32, #tpu.memory_space<vmem>>, vector<16xi32>,
          %select_n3A_2317 = arith.select %and3A_2314, %get3A_2316, %get3A_2277 : vector<16xi1>, vector<16xi32>
          %swap3A_2318 = arith.constant 64 : index
          %swap3A_2319 = tpu.vector_load %arg23[%swap3A_2318] {strides = array<i32>} : memref<320xi32, #tpu.memory_space<vmem>>, vector<16xi32>,
          tpu.vector_store %arg23[%swap3A_2318], %select_n3A_2317 {strides = array<i32>} : memref<320xi32, #tpu.memory_space<vmem>>, vector<16xi32>,
          %get3A_2320 = arith.constant 80 : index
          %get3A_2321 = tpu.vector_load %arg23[%get3A_2320] {strides = array<i32>} : memref<320xi32, #tpu.memory_space<vmem>>, vector<16xi32>,
          %get3A_2322 = arith.constant 80 : index
          %get3A_2323 = tpu.vector_load %arg25[%get3A_2322] {strides = array<i32>} : memref<320xf32, #tpu.memory_space<vmem>>, vector<16xf32>,
          %max3A_2324 = arith.maximumf %gather3A_1810, %get3A_2323 : vector<16xf32>
          %get3A_2325 = arith.constant 80 : index
          %get3A_2326 = tpu.vector_load %arg26[%get3A_2325] {strides = array<i32>} : memref<320xf32, #tpu.memory_space<vmem>>, vector<16xf32>,
          %max3A_2327 = arith.maximumf %gather3A_1811, %get3A_2326 : vector<16xf32>
          %get3A_2328 = arith.constant 80 : index
          %get3A_2329 = tpu.vector_load %arg27[%get3A_2328] {strides = array<i32>} : memref<320xf32, #tpu.memory_space<vmem>>, vector<16xf32>,
          %min3A_2330 = arith.minimumf %gather3A_1812, %get3A_2329 : vector<16xf32>
          %get3A_2331 = arith.constant 80 : index
          %get3A_2332 = tpu.vector_load %arg28[%get3A_2331] {strides = array<i32>} : memref<320xf32, #tpu.memory_space<vmem>>, vector<16xf32>,
          %min3A_2333 = arith.minimumf %gather3A_1813, %get3A_2332 : vector<16xf32>
          %sub3A_2334 = arith.subf %min3A_2330, %max3A_2324 : vector<16xf32>
          %max3A_2335 = arith.constant 0.000000e+00 : f32
          %max3A_2336 = vector.broadcast %max3A_2335 : f32 to vector<16xf32>
          %max3A_2337 = arith.maximumf %sub3A_2334, %max3A_2336 : vector<16xf32>
          %sub3A_2338 = arith.subf %min3A_2333, %max3A_2327 : vector<16xf32>
          %max3A_2339 = arith.constant 0.000000e+00 : f32
          %max3A_2340 = vector.broadcast %max3A_2339 : f32 to vector<16xf32>
          %max3A_2341 = arith.maximumf %sub3A_2338, %max3A_2340 : vector<16xf32>
          %mul3A_2342 = arith.mulf %max3A_2337, %max3A_2341 : vector<16xf32>
          %get3A_2343 = arith.constant 80 : index
          %get3A_2344 = tpu.vector_load %arg29[%get3A_2343] {strides = array<i32>} : memref<320xf32, #tpu.memory_space<vmem>>, vector<16xf32>,
          %add3A_2345 = arith.addf %gather3A_1814, %get3A_2344 : vector<16xf32>
          %sub3A_2346 = arith.subf %add3A_2345, %mul3A_2342 : vector<16xf32>
          %add3A_2347 = arith.constant 9.99999971E-10 : f32
          %add3A_2348 = vector.broadcast %add3A_2347 : f32 to vector<16xf32>
          %add3A_2349 = arith.addf %sub3A_2346, %add3A_2348 : vector<16xf32>
          %div3A_2350 = arith.divf %mul3A_2342, %add3A_2349 : vector<16xf32>
          %gt3A_2351 = arith.constant 5.000000e-01 : f32
          %gt3A_2352 = vector.broadcast %gt3A_2351 : f32 to vector<16xf32>
          %gt3A_2353 = arith.cmpf ogt, %div3A_2350, %gt3A_2352 : vector<16xf32>
          %and3A_2354 = arith.andi %and3A, %gt3A_2353 : vector<16xi1>
          %ge3A_2355 = arith.constant 1073741824 : i32
          %ge3A_2356 = vector.broadcast %ge3A_2355 : i32 to vector<16xi32>
          %ge3A_2357 = arith.cmpi sge, %get3A_2321, %ge3A_2356 : vector<16xi32>
          %and3A_2358 = arith.andi %and3A_2354, %ge3A_2357 : vector<16xi1>
          %get3A_2359 = arith.constant 80 : index
          %get3A_2360 = tpu.vector_load %arg24[%get3A_2359] {strides = array<i32>} : memref<320xi32, #tpu.memory_space<vmem>>, vector<16xi32>,
          %select_n3A_2361 = arith.select %and3A_2358, %get3A_2360, %get3A_2321 : vector<16xi1>, vector<16xi32>
          %swap3A_2362 = arith.constant 80 : index
          %swap3A_2363 = tpu.vector_load %arg23[%swap3A_2362] {strides = array<i32>} : memref<320xi32, #tpu.memory_space<vmem>>, vector<16xi32>,
          tpu.vector_store %arg23[%swap3A_2362], %select_n3A_2361 {strides = array<i32>} : memref<320xi32, #tpu.memory_space<vmem>>, vector<16xi32>,
          %get3A_2364 = arith.constant 96 : index
          %get3A_2365 = tpu.vector_load %arg23[%get3A_2364] {strides = array<i32>} : memref<320xi32, #tpu.memory_space<vmem>>, vector<16xi32>,
          %get3A_2366 = arith.constant 96 : index
          %get3A_2367 = tpu.vector_load %arg25[%get3A_2366] {strides = array<i32>} : memref<320xf32, #tpu.memory_space<vmem>>, vector<16xf32>,
          %max3A_2368 = arith.maximumf %gather3A_1810, %get3A_2367 : vector<16xf32>
          %get3A_2369 = arith.constant 96 : index
          %get3A_2370 = tpu.vector_load %arg26[%get3A_2369] {strides = array<i32>} : memref<320xf32, #tpu.memory_space<vmem>>, vector<16xf32>,
          %max3A_2371 = arith.maximumf %gather3A_1811, %get3A_2370 : vector<16xf32>
          %get3A_2372 = arith.constant 96 : index
          %get3A_2373 = tpu.vector_load %arg27[%get3A_2372] {strides = array<i32>} : memref<320xf32, #tpu.memory_space<vmem>>, vector<16xf32>,
          %min3A_2374 = arith.minimumf %gather3A_1812, %get3A_2373 : vector<16xf32>
          %get3A_2375 = arith.constant 96 : index
          %get3A_2376 = tpu.vector_load %arg28[%get3A_2375] {strides = array<i32>} : memref<320xf32, #tpu.memory_space<vmem>>, vector<16xf32>,
          %min3A_2377 = arith.minimumf %gather3A_1813, %get3A_2376 : vector<16xf32>
          %sub3A_2378 = arith.subf %min3A_2374, %max3A_2368 : vector<16xf32>
          %max3A_2379 = arith.constant 0.000000e+00 : f32
          %max3A_2380 = vector.broadcast %max3A_2379 : f32 to vector<16xf32>
          %max3A_2381 = arith.maximumf %sub3A_2378, %max3A_2380 : vector<16xf32>
          %sub3A_2382 = arith.subf %min3A_2377, %max3A_2371 : vector<16xf32>
          %max3A_2383 = arith.constant 0.000000e+00 : f32
          %max3A_2384 = vector.broadcast %max3A_2383 : f32 to vector<16xf32>
          %max3A_2385 = arith.maximumf %sub3A_2382, %max3A_2384 : vector<16xf32>
          %mul3A_2386 = arith.mulf %max3A_2381, %max3A_2385 : vector<16xf32>
          %get3A_2387 = arith.constant 96 : index
          %get3A_2388 = tpu.vector_load %arg29[%get3A_2387] {strides = array<i32>} : memref<320xf32, #tpu.memory_space<vmem>>, vector<16xf32>,
          %add3A_2389 = arith.addf %gather3A_1814, %get3A_2388 : vector<16xf32>
          %sub3A_2390 = arith.subf %add3A_2389, %mul3A_2386 : vector<16xf32>
          %add3A_2391 = arith.constant 9.99999971E-10 : f32
          %add3A_2392 = vector.broadcast %add3A_2391 : f32 to vector<16xf32>
          %add3A_2393 = arith.addf %sub3A_2390, %add3A_2392 : vector<16xf32>
          %div3A_2394 = arith.divf %mul3A_2386, %add3A_2393 : vector<16xf32>
          %gt3A_2395 = arith.constant 5.000000e-01 : f32
          %gt3A_2396 = vector.broadcast %gt3A_2395 : f32 to vector<16xf32>
          %gt3A_2397 = arith.cmpf ogt, %div3A_2394, %gt3A_2396 : vector<16xf32>
          %and3A_2398 = arith.andi %and3A, %gt3A_2397 : vector<16xi1>
          %ge3A_2399 = arith.constant 1073741824 : i32
          %ge3A_2400 = vector.broadcast %ge3A_2399 : i32 to vector<16xi32>
          %ge3A_2401 = arith.cmpi sge, %get3A_2365, %ge3A_2400 : vector<16xi32>
          %and3A_2402 = arith.andi %and3A_2398, %ge3A_2401 : vector<16xi1>
          %get3A_2403 = arith.constant 96 : index
          %get3A_2404 = tpu.vector_load %arg24[%get3A_2403] {strides = array<i32>} : memref<320xi32, #tpu.memory_space<vmem>>, vector<16xi32>,
          %select_n3A_2405 = arith.select %and3A_2402, %get3A_2404, %get3A_2365 : vector<16xi1>, vector<16xi32>
          %swap3A_2406 = arith.constant 96 : index
          %swap3A_2407 = tpu.vector_load %arg23[%swap3A_2406] {strides = array<i32>} : memref<320xi32, #tpu.memory_space<vmem>>, vector<16xi32>,
          tpu.vector_store %arg23[%swap3A_2406], %select_n3A_2405 {strides = array<i32>} : memref<320xi32, #tpu.memory_space<vmem>>, vector<16xi32>,
          %get3A_2408 = arith.constant 112 : index
          %get3A_2409 = tpu.vector_load %arg23[%get3A_2408] {strides = array<i32>} : memref<320xi32, #tpu.memory_space<vmem>>, vector<16xi32>,
          %get3A_2410 = arith.constant 112 : index
          %get3A_2411 = tpu.vector_load %arg25[%get3A_2410] {strides = array<i32>} : memref<320xf32, #tpu.memory_space<vmem>>, vector<16xf32>,
          %max3A_2412 = arith.maximumf %gather3A_1810, %get3A_2411 : vector<16xf32>
          %get3A_2413 = arith.constant 112 : index
          %get3A_2414 = tpu.vector_load %arg26[%get3A_2413] {strides = array<i32>} : memref<320xf32, #tpu.memory_space<vmem>>, vector<16xf32>,
          %max3A_2415 = arith.maximumf %gather3A_1811, %get3A_2414 : vector<16xf32>
          %get3A_2416 = arith.constant 112 : index
          %get3A_2417 = tpu.vector_load %arg27[%get3A_2416] {strides = array<i32>} : memref<320xf32, #tpu.memory_space<vmem>>, vector<16xf32>,
          %min3A_2418 = arith.minimumf %gather3A_1812, %get3A_2417 : vector<16xf32>
          %get3A_2419 = arith.constant 112 : index
          %get3A_2420 = tpu.vector_load %arg28[%get3A_2419] {strides = array<i32>} : memref<320xf32, #tpu.memory_space<vmem>>, vector<16xf32>,
          %min3A_2421 = arith.minimumf %gather3A_1813, %get3A_2420 : vector<16xf32>
          %sub3A_2422 = arith.subf %min3A_2418, %max3A_2412 : vector<16xf32>
          %max3A_2423 = arith.constant 0.000000e+00 : f32
          %max3A_2424 = vector.broadcast %max3A_2423 : f32 to vector<16xf32>
          %max3A_2425 = arith.maximumf %sub3A_2422, %max3A_2424 : vector<16xf32>
          %sub3A_2426 = arith.subf %min3A_2421, %max3A_2415 : vector<16xf32>
          %max3A_2427 = arith.constant 0.000000e+00 : f32
          %max3A_2428 = vector.broadcast %max3A_2427 : f32 to vector<16xf32>
          %max3A_2429 = arith.maximumf %sub3A_2426, %max3A_2428 : vector<16xf32>
          %mul3A_2430 = arith.mulf %max3A_2425, %max3A_2429 : vector<16xf32>
          %get3A_2431 = arith.constant 112 : index
          %get3A_2432 = tpu.vector_load %arg29[%get3A_2431] {strides = array<i32>} : memref<320xf32, #tpu.memory_space<vmem>>, vector<16xf32>,
          %add3A_2433 = arith.addf %gather3A_1814, %get3A_2432 : vector<16xf32>
          %sub3A_2434 = arith.subf %add3A_2433, %mul3A_2430 : vector<16xf32>
          %add3A_2435 = arith.constant 9.99999971E-10 : f32
          %add3A_2436 = vector.broadcast %add3A_2435 : f32 to vector<16xf32>
          %add3A_2437 = arith.addf %sub3A_2434, %add3A_2436 : vector<16xf32>
          %div3A_2438 = arith.divf %mul3A_2430, %add3A_2437 : vector<16xf32>
          %gt3A_2439 = arith.constant 5.000000e-01 : f32
          %gt3A_2440 = vector.broadcast %gt3A_2439 : f32 to vector<16xf32>
          %gt3A_2441 = arith.cmpf ogt, %div3A_2438, %gt3A_2440 : vector<16xf32>
          %and3A_2442 = arith.andi %and3A, %gt3A_2441 : vector<16xi1>
          %ge3A_2443 = arith.constant 1073741824 : i32
          %ge3A_2444 = vector.broadcast %ge3A_2443 : i32 to vector<16xi32>
          %ge3A_2445 = arith.cmpi sge, %get3A_2409, %ge3A_2444 : vector<16xi32>
          %and3A_2446 = arith.andi %and3A_2442, %ge3A_2445 : vector<16xi1>
          %get3A_2447 = arith.constant 112 : index
          %get3A_2448 = tpu.vector_load %arg24[%get3A_2447] {strides = array<i32>} : memref<320xi32, #tpu.memory_space<vmem>>, vector<16xi32>,
          %select_n3A_2449 = arith.select %and3A_2446, %get3A_2448, %get3A_2409 : vector<16xi1>, vector<16xi32>
          %swap3A_2450 = arith.constant 112 : index
          %swap3A_2451 = tpu.vector_load %arg23[%swap3A_2450] {strides = array<i32>} : memref<320xi32, #tpu.memory_space<vmem>>, vector<16xi32>,
          tpu.vector_store %arg23[%swap3A_2450], %select_n3A_2449 {strides = array<i32>} : memref<320xi32, #tpu.memory_space<vmem>>, vector<16xi32>,
          %get3A_2452 = arith.constant 128 : index
          %get3A_2453 = tpu.vector_load %arg23[%get3A_2452] {strides = array<i32>} : memref<320xi32, #tpu.memory_space<vmem>>, vector<16xi32>,
          %get3A_2454 = arith.constant 128 : index
          %get3A_2455 = tpu.vector_load %arg25[%get3A_2454] {strides = array<i32>} : memref<320xf32, #tpu.memory_space<vmem>>, vector<16xf32>,
          %max3A_2456 = arith.maximumf %gather3A_1810, %get3A_2455 : vector<16xf32>
          %get3A_2457 = arith.constant 128 : index
          %get3A_2458 = tpu.vector_load %arg26[%get3A_2457] {strides = array<i32>} : memref<320xf32, #tpu.memory_space<vmem>>, vector<16xf32>,
          %max3A_2459 = arith.maximumf %gather3A_1811, %get3A_2458 : vector<16xf32>
          %get3A_2460 = arith.constant 128 : index
          %get3A_2461 = tpu.vector_load %arg27[%get3A_2460] {strides = array<i32>} : memref<320xf32, #tpu.memory_space<vmem>>, vector<16xf32>,
          %min3A_2462 = arith.minimumf %gather3A_1812, %get3A_2461 : vector<16xf32>
          %get3A_2463 = arith.constant 128 : index
          %get3A_2464 = tpu.vector_load %arg28[%get3A_2463] {strides = array<i32>} : memref<320xf32, #tpu.memory_space<vmem>>, vector<16xf32>,
          %min3A_2465 = arith.minimumf %gather3A_1813, %get3A_2464 : vector<16xf32>
          %sub3A_2466 = arith.subf %min3A_2462, %max3A_2456 : vector<16xf32>
          %max3A_2467 = arith.constant 0.000000e+00 : f32
          %max3A_2468 = vector.broadcast %max3A_2467 : f32 to vector<16xf32>
          %max3A_2469 = arith.maximumf %sub3A_2466, %max3A_2468 : vector<16xf32>
          %sub3A_2470 = arith.subf %min3A_2465, %max3A_2459 : vector<16xf32>
          %max3A_2471 = arith.constant 0.000000e+00 : f32
          %max3A_2472 = vector.broadcast %max3A_2471 : f32 to vector<16xf32>
          %max3A_2473 = arith.maximumf %sub3A_2470, %max3A_2472 : vector<16xf32>
          %mul3A_2474 = arith.mulf %max3A_2469, %max3A_2473 : vector<16xf32>
          %get3A_2475 = arith.constant 128 : index
          %get3A_2476 = tpu.vector_load %arg29[%get3A_2475] {strides = array<i32>} : memref<320xf32, #tpu.memory_space<vmem>>, vector<16xf32>,
          %add3A_2477 = arith.addf %gather3A_1814, %get3A_2476 : vector<16xf32>
          %sub3A_2478 = arith.subf %add3A_2477, %mul3A_2474 : vector<16xf32>
          %add3A_2479 = arith.constant 9.99999971E-10 : f32
          %add3A_2480 = vector.broadcast %add3A_2479 : f32 to vector<16xf32>
          %add3A_2481 = arith.addf %sub3A_2478, %add3A_2480 : vector<16xf32>
          %div3A_2482 = arith.divf %mul3A_2474, %add3A_2481 : vector<16xf32>
          %gt3A_2483 = arith.constant 5.000000e-01 : f32
          %gt3A_2484 = vector.broadcast %gt3A_2483 : f32 to vector<16xf32>
          %gt3A_2485 = arith.cmpf ogt, %div3A_2482, %gt3A_2484 : vector<16xf32>
          %and3A_2486 = arith.andi %and3A, %gt3A_2485 : vector<16xi1>
          %ge3A_2487 = arith.constant 1073741824 : i32
          %ge3A_2488 = vector.broadcast %ge3A_2487 : i32 to vector<16xi32>
          %ge3A_2489 = arith.cmpi sge, %get3A_2453, %ge3A_2488 : vector<16xi32>
          %and3A_2490 = arith.andi %and3A_2486, %ge3A_2489 : vector<16xi1>
          %get3A_2491 = arith.constant 128 : index
          %get3A_2492 = tpu.vector_load %arg24[%get3A_2491] {strides = array<i32>} : memref<320xi32, #tpu.memory_space<vmem>>, vector<16xi32>,
          %select_n3A_2493 = arith.select %and3A_2490, %get3A_2492, %get3A_2453 : vector<16xi1>, vector<16xi32>
          %swap3A_2494 = arith.constant 128 : index
          %swap3A_2495 = tpu.vector_load %arg23[%swap3A_2494] {strides = array<i32>} : memref<320xi32, #tpu.memory_space<vmem>>, vector<16xi32>,
          tpu.vector_store %arg23[%swap3A_2494], %select_n3A_2493 {strides = array<i32>} : memref<320xi32, #tpu.memory_space<vmem>>, vector<16xi32>,
          %get3A_2496 = arith.constant 144 : index
          %get3A_2497 = tpu.vector_load %arg23[%get3A_2496] {strides = array<i32>} : memref<320xi32, #tpu.memory_space<vmem>>, vector<16xi32>,
          %get3A_2498 = arith.constant 144 : index
          %get3A_2499 = tpu.vector_load %arg25[%get3A_2498] {strides = array<i32>} : memref<320xf32, #tpu.memory_space<vmem>>, vector<16xf32>,
          %max3A_2500 = arith.maximumf %gather3A_1810, %get3A_2499 : vector<16xf32>
          %get3A_2501 = arith.constant 144 : index
          %get3A_2502 = tpu.vector_load %arg26[%get3A_2501] {strides = array<i32>} : memref<320xf32, #tpu.memory_space<vmem>>, vector<16xf32>,
          %max3A_2503 = arith.maximumf %gather3A_1811, %get3A_2502 : vector<16xf32>
          %get3A_2504 = arith.constant 144 : index
          %get3A_2505 = tpu.vector_load %arg27[%get3A_2504] {strides = array<i32>} : memref<320xf32, #tpu.memory_space<vmem>>, vector<16xf32>,
          %min3A_2506 = arith.minimumf %gather3A_1812, %get3A_2505 : vector<16xf32>
          %get3A_2507 = arith.constant 144 : index
          %get3A_2508 = tpu.vector_load %arg28[%get3A_2507] {strides = array<i32>} : memref<320xf32, #tpu.memory_space<vmem>>, vector<16xf32>,
          %min3A_2509 = arith.minimumf %gather3A_1813, %get3A_2508 : vector<16xf32>
          %sub3A_2510 = arith.subf %min3A_2506, %max3A_2500 : vector<16xf32>
          %max3A_2511 = arith.constant 0.000000e+00 : f32
          %max3A_2512 = vector.broadcast %max3A_2511 : f32 to vector<16xf32>
          %max3A_2513 = arith.maximumf %sub3A_2510, %max3A_2512 : vector<16xf32>
          %sub3A_2514 = arith.subf %min3A_2509, %max3A_2503 : vector<16xf32>
          %max3A_2515 = arith.constant 0.000000e+00 : f32
          %max3A_2516 = vector.broadcast %max3A_2515 : f32 to vector<16xf32>
          %max3A_2517 = arith.maximumf %sub3A_2514, %max3A_2516 : vector<16xf32>
          %mul3A_2518 = arith.mulf %max3A_2513, %max3A_2517 : vector<16xf32>
          %get3A_2519 = arith.constant 144 : index
          %get3A_2520 = tpu.vector_load %arg29[%get3A_2519] {strides = array<i32>} : memref<320xf32, #tpu.memory_space<vmem>>, vector<16xf32>,
          %add3A_2521 = arith.addf %gather3A_1814, %get3A_2520 : vector<16xf32>
          %sub3A_2522 = arith.subf %add3A_2521, %mul3A_2518 : vector<16xf32>
          %add3A_2523 = arith.constant 9.99999971E-10 : f32
          %add3A_2524 = vector.broadcast %add3A_2523 : f32 to vector<16xf32>
          %add3A_2525 = arith.addf %sub3A_2522, %add3A_2524 : vector<16xf32>
          %div3A_2526 = arith.divf %mul3A_2518, %add3A_2525 : vector<16xf32>
          %gt3A_2527 = arith.constant 5.000000e-01 : f32
          %gt3A_2528 = vector.broadcast %gt3A_2527 : f32 to vector<16xf32>
          %gt3A_2529 = arith.cmpf ogt, %div3A_2526, %gt3A_2528 : vector<16xf32>
          %and3A_2530 = arith.andi %and3A, %gt3A_2529 : vector<16xi1>
          %ge3A_2531 = arith.constant 1073741824 : i32
          %ge3A_2532 = vector.broadcast %ge3A_2531 : i32 to vector<16xi32>
          %ge3A_2533 = arith.cmpi sge, %get3A_2497, %ge3A_2532 : vector<16xi32>
          %and3A_2534 = arith.andi %and3A_2530, %ge3A_2533 : vector<16xi1>
          %get3A_2535 = arith.constant 144 : index
          %get3A_2536 = tpu.vector_load %arg24[%get3A_2535] {strides = array<i32>} : memref<320xi32, #tpu.memory_space<vmem>>, vector<16xi32>,
          %select_n3A_2537 = arith.select %and3A_2534, %get3A_2536, %get3A_2497 : vector<16xi1>, vector<16xi32>
          %swap3A_2538 = arith.constant 144 : index
          %swap3A_2539 = tpu.vector_load %arg23[%swap3A_2538] {strides = array<i32>} : memref<320xi32, #tpu.memory_space<vmem>>, vector<16xi32>,
          tpu.vector_store %arg23[%swap3A_2538], %select_n3A_2537 {strides = array<i32>} : memref<320xi32, #tpu.memory_space<vmem>>, vector<16xi32>,
          %get3A_2540 = arith.constant 160 : index
          %get3A_2541 = tpu.vector_load %arg23[%get3A_2540] {strides = array<i32>} : memref<320xi32, #tpu.memory_space<vmem>>, vector<16xi32>,
          %get3A_2542 = arith.constant 160 : index
          %get3A_2543 = tpu.vector_load %arg25[%get3A_2542] {strides = array<i32>} : memref<320xf32, #tpu.memory_space<vmem>>, vector<16xf32>,
          %max3A_2544 = arith.maximumf %gather3A_1810, %get3A_2543 : vector<16xf32>
          %get3A_2545 = arith.constant 160 : index
          %get3A_2546 = tpu.vector_load %arg26[%get3A_2545] {strides = array<i32>} : memref<320xf32, #tpu.memory_space<vmem>>, vector<16xf32>,
          %max3A_2547 = arith.maximumf %gather3A_1811, %get3A_2546 : vector<16xf32>
          %get3A_2548 = arith.constant 160 : index
          %get3A_2549 = tpu.vector_load %arg27[%get3A_2548] {strides = array<i32>} : memref<320xf32, #tpu.memory_space<vmem>>, vector<16xf32>,
          %min3A_2550 = arith.minimumf %gather3A_1812, %get3A_2549 : vector<16xf32>
          %get3A_2551 = arith.constant 160 : index
          %get3A_2552 = tpu.vector_load %arg28[%get3A_2551] {strides = array<i32>} : memref<320xf32, #tpu.memory_space<vmem>>, vector<16xf32>,
          %min3A_2553 = arith.minimumf %gather3A_1813, %get3A_2552 : vector<16xf32>
          %sub3A_2554 = arith.subf %min3A_2550, %max3A_2544 : vector<16xf32>
          %max3A_2555 = arith.constant 0.000000e+00 : f32
          %max3A_2556 = vector.broadcast %max3A_2555 : f32 to vector<16xf32>
          %max3A_2557 = arith.maximumf %sub3A_2554, %max3A_2556 : vector<16xf32>
          %sub3A_2558 = arith.subf %min3A_2553, %max3A_2547 : vector<16xf32>
          %max3A_2559 = arith.constant 0.000000e+00 : f32
          %max3A_2560 = vector.broadcast %max3A_2559 : f32 to vector<16xf32>
          %max3A_2561 = arith.maximumf %sub3A_2558, %max3A_2560 : vector<16xf32>
          %mul3A_2562 = arith.mulf %max3A_2557, %max3A_2561 : vector<16xf32>
          %get3A_2563 = arith.constant 160 : index
          %get3A_2564 = tpu.vector_load %arg29[%get3A_2563] {strides = array<i32>} : memref<320xf32, #tpu.memory_space<vmem>>, vector<16xf32>,
          %add3A_2565 = arith.addf %gather3A_1814, %get3A_2564 : vector<16xf32>
          %sub3A_2566 = arith.subf %add3A_2565, %mul3A_2562 : vector<16xf32>
          %add3A_2567 = arith.constant 9.99999971E-10 : f32
          %add3A_2568 = vector.broadcast %add3A_2567 : f32 to vector<16xf32>
          %add3A_2569 = arith.addf %sub3A_2566, %add3A_2568 : vector<16xf32>
          %div3A_2570 = arith.divf %mul3A_2562, %add3A_2569 : vector<16xf32>
          %gt3A_2571 = arith.constant 5.000000e-01 : f32
          %gt3A_2572 = vector.broadcast %gt3A_2571 : f32 to vector<16xf32>
          %gt3A_2573 = arith.cmpf ogt, %div3A_2570, %gt3A_2572 : vector<16xf32>
          %and3A_2574 = arith.andi %and3A, %gt3A_2573 : vector<16xi1>
          %ge3A_2575 = arith.constant 1073741824 : i32
          %ge3A_2576 = vector.broadcast %ge3A_2575 : i32 to vector<16xi32>
          %ge3A_2577 = arith.cmpi sge, %get3A_2541, %ge3A_2576 : vector<16xi32>
          %and3A_2578 = arith.andi %and3A_2574, %ge3A_2577 : vector<16xi1>
          %get3A_2579 = arith.constant 160 : index
          %get3A_2580 = tpu.vector_load %arg24[%get3A_2579] {strides = array<i32>} : memref<320xi32, #tpu.memory_space<vmem>>, vector<16xi32>,
          %select_n3A_2581 = arith.select %and3A_2578, %get3A_2580, %get3A_2541 : vector<16xi1>, vector<16xi32>
          %swap3A_2582 = arith.constant 160 : index
          %swap3A_2583 = tpu.vector_load %arg23[%swap3A_2582] {strides = array<i32>} : memref<320xi32, #tpu.memory_space<vmem>>, vector<16xi32>,
          tpu.vector_store %arg23[%swap3A_2582], %select_n3A_2581 {strides = array<i32>} : memref<320xi32, #tpu.memory_space<vmem>>, vector<16xi32>,
          %get3A_2584 = arith.constant 176 : index
          %get3A_2585 = tpu.vector_load %arg23[%get3A_2584] {strides = array<i32>} : memref<320xi32, #tpu.memory_space<vmem>>, vector<16xi32>,
          %get3A_2586 = arith.constant 176 : index
          %get3A_2587 = tpu.vector_load %arg25[%get3A_2586] {strides = array<i32>} : memref<320xf32, #tpu.memory_space<vmem>>, vector<16xf32>,
          %max3A_2588 = arith.maximumf %gather3A_1810, %get3A_2587 : vector<16xf32>
          %get3A_2589 = arith.constant 176 : index
          %get3A_2590 = tpu.vector_load %arg26[%get3A_2589] {strides = array<i32>} : memref<320xf32, #tpu.memory_space<vmem>>, vector<16xf32>,
          %max3A_2591 = arith.maximumf %gather3A_1811, %get3A_2590 : vector<16xf32>
          %get3A_2592 = arith.constant 176 : index
          %get3A_2593 = tpu.vector_load %arg27[%get3A_2592] {strides = array<i32>} : memref<320xf32, #tpu.memory_space<vmem>>, vector<16xf32>,
          %min3A_2594 = arith.minimumf %gather3A_1812, %get3A_2593 : vector<16xf32>
          %get3A_2595 = arith.constant 176 : index
          %get3A_2596 = tpu.vector_load %arg28[%get3A_2595] {strides = array<i32>} : memref<320xf32, #tpu.memory_space<vmem>>, vector<16xf32>,
          %min3A_2597 = arith.minimumf %gather3A_1813, %get3A_2596 : vector<16xf32>
          %sub3A_2598 = arith.subf %min3A_2594, %max3A_2588 : vector<16xf32>
          %max3A_2599 = arith.constant 0.000000e+00 : f32
          %max3A_2600 = vector.broadcast %max3A_2599 : f32 to vector<16xf32>
          %max3A_2601 = arith.maximumf %sub3A_2598, %max3A_2600 : vector<16xf32>
          %sub3A_2602 = arith.subf %min3A_2597, %max3A_2591 : vector<16xf32>
          %max3A_2603 = arith.constant 0.000000e+00 : f32
          %max3A_2604 = vector.broadcast %max3A_2603 : f32 to vector<16xf32>
          %max3A_2605 = arith.maximumf %sub3A_2602, %max3A_2604 : vector<16xf32>
          %mul3A_2606 = arith.mulf %max3A_2601, %max3A_2605 : vector<16xf32>
          %get3A_2607 = arith.constant 176 : index
          %get3A_2608 = tpu.vector_load %arg29[%get3A_2607] {strides = array<i32>} : memref<320xf32, #tpu.memory_space<vmem>>, vector<16xf32>,
          %add3A_2609 = arith.addf %gather3A_1814, %get3A_2608 : vector<16xf32>
          %sub3A_2610 = arith.subf %add3A_2609, %mul3A_2606 : vector<16xf32>
          %add3A_2611 = arith.constant 9.99999971E-10 : f32
          %add3A_2612 = vector.broadcast %add3A_2611 : f32 to vector<16xf32>
          %add3A_2613 = arith.addf %sub3A_2610, %add3A_2612 : vector<16xf32>
          %div3A_2614 = arith.divf %mul3A_2606, %add3A_2613 : vector<16xf32>
          %gt3A_2615 = arith.constant 5.000000e-01 : f32
          %gt3A_2616 = vector.broadcast %gt3A_2615 : f32 to vector<16xf32>
          %gt3A_2617 = arith.cmpf ogt, %div3A_2614, %gt3A_2616 : vector<16xf32>
          %and3A_2618 = arith.andi %and3A, %gt3A_2617 : vector<16xi1>
          %ge3A_2619 = arith.constant 1073741824 : i32
          %ge3A_2620 = vector.broadcast %ge3A_2619 : i32 to vector<16xi32>
          %ge3A_2621 = arith.cmpi sge, %get3A_2585, %ge3A_2620 : vector<16xi32>
          %and3A_2622 = arith.andi %and3A_2618, %ge3A_2621 : vector<16xi1>
          %get3A_2623 = arith.constant 176 : index
          %get3A_2624 = tpu.vector_load %arg24[%get3A_2623] {strides = array<i32>} : memref<320xi32, #tpu.memory_space<vmem>>, vector<16xi32>,
          %select_n3A_2625 = arith.select %and3A_2622, %get3A_2624, %get3A_2585 : vector<16xi1>, vector<16xi32>
          %swap3A_2626 = arith.constant 176 : index
          %swap3A_2627 = tpu.vector_load %arg23[%swap3A_2626] {strides = array<i32>} : memref<320xi32, #tpu.memory_space<vmem>>, vector<16xi32>,
          tpu.vector_store %arg23[%swap3A_2626], %select_n3A_2625 {strides = array<i32>} : memref<320xi32, #tpu.memory_space<vmem>>, vector<16xi32>,
          %get3A_2628 = arith.constant 192 : index
          %get3A_2629 = tpu.vector_load %arg23[%get3A_2628] {strides = array<i32>} : memref<320xi32, #tpu.memory_space<vmem>>, vector<16xi32>,
          %get3A_2630 = arith.constant 192 : index
          %get3A_2631 = tpu.vector_load %arg25[%get3A_2630] {strides = array<i32>} : memref<320xf32, #tpu.memory_space<vmem>>, vector<16xf32>,
          %max3A_2632 = arith.maximumf %gather3A_1810, %get3A_2631 : vector<16xf32>
          %get3A_2633 = arith.constant 192 : index
          %get3A_2634 = tpu.vector_load %arg26[%get3A_2633] {strides = array<i32>} : memref<320xf32, #tpu.memory_space<vmem>>, vector<16xf32>,
          %max3A_2635 = arith.maximumf %gather3A_1811, %get3A_2634 : vector<16xf32>
          %get3A_2636 = arith.constant 192 : index
          %get3A_2637 = tpu.vector_load %arg27[%get3A_2636] {strides = array<i32>} : memref<320xf32, #tpu.memory_space<vmem>>, vector<16xf32>,
          %min3A_2638 = arith.minimumf %gather3A_1812, %get3A_2637 : vector<16xf32>
          %get3A_2639 = arith.constant 192 : index
          %get3A_2640 = tpu.vector_load %arg28[%get3A_2639] {strides = array<i32>} : memref<320xf32, #tpu.memory_space<vmem>>, vector<16xf32>,
          %min3A_2641 = arith.minimumf %gather3A_1813, %get3A_2640 : vector<16xf32>
          %sub3A_2642 = arith.subf %min3A_2638, %max3A_2632 : vector<16xf32>
          %max3A_2643 = arith.constant 0.000000e+00 : f32
          %max3A_2644 = vector.broadcast %max3A_2643 : f32 to vector<16xf32>
          %max3A_2645 = arith.maximumf %sub3A_2642, %max3A_2644 : vector<16xf32>
          %sub3A_2646 = arith.subf %min3A_2641, %max3A_2635 : vector<16xf32>
          %max3A_2647 = arith.constant 0.000000e+00 : f32
          %max3A_2648 = vector.broadcast %max3A_2647 : f32 to vector<16xf32>
          %max3A_2649 = arith.maximumf %sub3A_2646, %max3A_2648 : vector<16xf32>
          %mul3A_2650 = arith.mulf %max3A_2645, %max3A_2649 : vector<16xf32>
          %get3A_2651 = arith.constant 192 : index
          %get3A_2652 = tpu.vector_load %arg29[%get3A_2651] {strides = array<i32>} : memref<320xf32, #tpu.memory_space<vmem>>, vector<16xf32>,
          %add3A_2653 = arith.addf %gather3A_1814, %get3A_2652 : vector<16xf32>
          %sub3A_2654 = arith.subf %add3A_2653, %mul3A_2650 : vector<16xf32>
          %add3A_2655 = arith.constant 9.99999971E-10 : f32
          %add3A_2656 = vector.broadcast %add3A_2655 : f32 to vector<16xf32>
          %add3A_2657 = arith.addf %sub3A_2654, %add3A_2656 : vector<16xf32>
          %div3A_2658 = arith.divf %mul3A_2650, %add3A_2657 : vector<16xf32>
          %gt3A_2659 = arith.constant 5.000000e-01 : f32
          %gt3A_2660 = vector.broadcast %gt3A_2659 : f32 to vector<16xf32>
          %gt3A_2661 = arith.cmpf ogt, %div3A_2658, %gt3A_2660 : vector<16xf32>
          %and3A_2662 = arith.andi %and3A, %gt3A_2661 : vector<16xi1>
          %ge3A_2663 = arith.constant 1073741824 : i32
          %ge3A_2664 = vector.broadcast %ge3A_2663 : i32 to vector<16xi32>
          %ge3A_2665 = arith.cmpi sge, %get3A_2629, %ge3A_2664 : vector<16xi32>
          %and3A_2666 = arith.andi %and3A_2662, %ge3A_2665 : vector<16xi1>
          %get3A_2667 = arith.constant 192 : index
          %get3A_2668 = tpu.vector_load %arg24[%get3A_2667] {strides = array<i32>} : memref<320xi32, #tpu.memory_space<vmem>>, vector<16xi32>,
          %select_n3A_2669 = arith.select %and3A_2666, %get3A_2668, %get3A_2629 : vector<16xi1>, vector<16xi32>
          %swap3A_2670 = arith.constant 192 : index
          %swap3A_2671 = tpu.vector_load %arg23[%swap3A_2670] {strides = array<i32>} : memref<320xi32, #tpu.memory_space<vmem>>, vector<16xi32>,
          tpu.vector_store %arg23[%swap3A_2670], %select_n3A_2669 {strides = array<i32>} : memref<320xi32, #tpu.memory_space<vmem>>, vector<16xi32>,
          %get3A_2672 = arith.constant 208 : index
          %get3A_2673 = tpu.vector_load %arg23[%get3A_2672] {strides = array<i32>} : memref<320xi32, #tpu.memory_space<vmem>>, vector<16xi32>,
          %get3A_2674 = arith.constant 208 : index
          %get3A_2675 = tpu.vector_load %arg25[%get3A_2674] {strides = array<i32>} : memref<320xf32, #tpu.memory_space<vmem>>, vector<16xf32>,
          %max3A_2676 = arith.maximumf %gather3A_1810, %get3A_2675 : vector<16xf32>
          %get3A_2677 = arith.constant 208 : index
          %get3A_2678 = tpu.vector_load %arg26[%get3A_2677] {strides = array<i32>} : memref<320xf32, #tpu.memory_space<vmem>>, vector<16xf32>,
          %max3A_2679 = arith.maximumf %gather3A_1811, %get3A_2678 : vector<16xf32>
          %get3A_2680 = arith.constant 208 : index
          %get3A_2681 = tpu.vector_load %arg27[%get3A_2680] {strides = array<i32>} : memref<320xf32, #tpu.memory_space<vmem>>, vector<16xf32>,
          %min3A_2682 = arith.minimumf %gather3A_1812, %get3A_2681 : vector<16xf32>
          %get3A_2683 = arith.constant 208 : index
          %get3A_2684 = tpu.vector_load %arg28[%get3A_2683] {strides = array<i32>} : memref<320xf32, #tpu.memory_space<vmem>>, vector<16xf32>,
          %min3A_2685 = arith.minimumf %gather3A_1813, %get3A_2684 : vector<16xf32>
          %sub3A_2686 = arith.subf %min3A_2682, %max3A_2676 : vector<16xf32>
          %max3A_2687 = arith.constant 0.000000e+00 : f32
          %max3A_2688 = vector.broadcast %max3A_2687 : f32 to vector<16xf32>
          %max3A_2689 = arith.maximumf %sub3A_2686, %max3A_2688 : vector<16xf32>
          %sub3A_2690 = arith.subf %min3A_2685, %max3A_2679 : vector<16xf32>
          %max3A_2691 = arith.constant 0.000000e+00 : f32
          %max3A_2692 = vector.broadcast %max3A_2691 : f32 to vector<16xf32>
          %max3A_2693 = arith.maximumf %sub3A_2690, %max3A_2692 : vector<16xf32>
          %mul3A_2694 = arith.mulf %max3A_2689, %max3A_2693 : vector<16xf32>
          %get3A_2695 = arith.constant 208 : index
          %get3A_2696 = tpu.vector_load %arg29[%get3A_2695] {strides = array<i32>} : memref<320xf32, #tpu.memory_space<vmem>>, vector<16xf32>,
          %add3A_2697 = arith.addf %gather3A_1814, %get3A_2696 : vector<16xf32>
          %sub3A_2698 = arith.subf %add3A_2697, %mul3A_2694 : vector<16xf32>
          %add3A_2699 = arith.constant 9.99999971E-10 : f32
          %add3A_2700 = vector.broadcast %add3A_2699 : f32 to vector<16xf32>
          %add3A_2701 = arith.addf %sub3A_2698, %add3A_2700 : vector<16xf32>
          %div3A_2702 = arith.divf %mul3A_2694, %add3A_2701 : vector<16xf32>
          %gt3A_2703 = arith.constant 5.000000e-01 : f32
          %gt3A_2704 = vector.broadcast %gt3A_2703 : f32 to vector<16xf32>
          %gt3A_2705 = arith.cmpf ogt, %div3A_2702, %gt3A_2704 : vector<16xf32>
          %and3A_2706 = arith.andi %and3A, %gt3A_2705 : vector<16xi1>
          %ge3A_2707 = arith.constant 1073741824 : i32
          %ge3A_2708 = vector.broadcast %ge3A_2707 : i32 to vector<16xi32>
          %ge3A_2709 = arith.cmpi sge, %get3A_2673, %ge3A_2708 : vector<16xi32>
          %and3A_2710 = arith.andi %and3A_2706, %ge3A_2709 : vector<16xi1>
          %get3A_2711 = arith.constant 208 : index
          %get3A_2712 = tpu.vector_load %arg24[%get3A_2711] {strides = array<i32>} : memref<320xi32, #tpu.memory_space<vmem>>, vector<16xi32>,
          %select_n3A_2713 = arith.select %and3A_2710, %get3A_2712, %get3A_2673 : vector<16xi1>, vector<16xi32>
          %swap3A_2714 = arith.constant 208 : index
          %swap3A_2715 = tpu.vector_load %arg23[%swap3A_2714] {strides = array<i32>} : memref<320xi32, #tpu.memory_space<vmem>>, vector<16xi32>,
          tpu.vector_store %arg23[%swap3A_2714], %select_n3A_2713 {strides = array<i32>} : memref<320xi32, #tpu.memory_space<vmem>>, vector<16xi32>,
          %get3A_2716 = arith.constant 224 : index
          %get3A_2717 = tpu.vector_load %arg23[%get3A_2716] {strides = array<i32>} : memref<320xi32, #tpu.memory_space<vmem>>, vector<16xi32>,
          %get3A_2718 = arith.constant 224 : index
          %get3A_2719 = tpu.vector_load %arg25[%get3A_2718] {strides = array<i32>} : memref<320xf32, #tpu.memory_space<vmem>>, vector<16xf32>,
          %max3A_2720 = arith.maximumf %gather3A_1810, %get3A_2719 : vector<16xf32>
          %get3A_2721 = arith.constant 224 : index
          %get3A_2722 = tpu.vector_load %arg26[%get3A_2721] {strides = array<i32>} : memref<320xf32, #tpu.memory_space<vmem>>, vector<16xf32>,
          %max3A_2723 = arith.maximumf %gather3A_1811, %get3A_2722 : vector<16xf32>
          %get3A_2724 = arith.constant 224 : index
          %get3A_2725 = tpu.vector_load %arg27[%get3A_2724] {strides = array<i32>} : memref<320xf32, #tpu.memory_space<vmem>>, vector<16xf32>,
          %min3A_2726 = arith.minimumf %gather3A_1812, %get3A_2725 : vector<16xf32>
          %get3A_2727 = arith.constant 224 : index
          %get3A_2728 = tpu.vector_load %arg28[%get3A_2727] {strides = array<i32>} : memref<320xf32, #tpu.memory_space<vmem>>, vector<16xf32>,
          %min3A_2729 = arith.minimumf %gather3A_1813, %get3A_2728 : vector<16xf32>
          %sub3A_2730 = arith.subf %min3A_2726, %max3A_2720 : vector<16xf32>
          %max3A_2731 = arith.constant 0.000000e+00 : f32
          %max3A_2732 = vector.broadcast %max3A_2731 : f32 to vector<16xf32>
          %max3A_2733 = arith.maximumf %sub3A_2730, %max3A_2732 : vector<16xf32>
          %sub3A_2734 = arith.subf %min3A_2729, %max3A_2723 : vector<16xf32>
          %max3A_2735 = arith.constant 0.000000e+00 : f32
          %max3A_2736 = vector.broadcast %max3A_2735 : f32 to vector<16xf32>
          %max3A_2737 = arith.maximumf %sub3A_2734, %max3A_2736 : vector<16xf32>
          %mul3A_2738 = arith.mulf %max3A_2733, %max3A_2737 : vector<16xf32>
          %get3A_2739 = arith.constant 224 : index
          %get3A_2740 = tpu.vector_load %arg29[%get3A_2739] {strides = array<i32>} : memref<320xf32, #tpu.memory_space<vmem>>, vector<16xf32>,
          %add3A_2741 = arith.addf %gather3A_1814, %get3A_2740 : vector<16xf32>
          %sub3A_2742 = arith.subf %add3A_2741, %mul3A_2738 : vector<16xf32>
          %add3A_2743 = arith.constant 9.99999971E-10 : f32
          %add3A_2744 = vector.broadcast %add3A_2743 : f32 to vector<16xf32>
          %add3A_2745 = arith.addf %sub3A_2742, %add3A_2744 : vector<16xf32>
          %div3A_2746 = arith.divf %mul3A_2738, %add3A_2745 : vector<16xf32>
          %gt3A_2747 = arith.constant 5.000000e-01 : f32
          %gt3A_2748 = vector.broadcast %gt3A_2747 : f32 to vector<16xf32>
          %gt3A_2749 = arith.cmpf ogt, %div3A_2746, %gt3A_2748 : vector<16xf32>
          %and3A_2750 = arith.andi %and3A, %gt3A_2749 : vector<16xi1>
          %ge3A_2751 = arith.constant 1073741824 : i32
          %ge3A_2752 = vector.broadcast %ge3A_2751 : i32 to vector<16xi32>
          %ge3A_2753 = arith.cmpi sge, %get3A_2717, %ge3A_2752 : vector<16xi32>
          %and3A_2754 = arith.andi %and3A_2750, %ge3A_2753 : vector<16xi1>
          %get3A_2755 = arith.constant 224 : index
          %get3A_2756 = tpu.vector_load %arg24[%get3A_2755] {strides = array<i32>} : memref<320xi32, #tpu.memory_space<vmem>>, vector<16xi32>,
          %select_n3A_2757 = arith.select %and3A_2754, %get3A_2756, %get3A_2717 : vector<16xi1>, vector<16xi32>
          %swap3A_2758 = arith.constant 224 : index
          %swap3A_2759 = tpu.vector_load %arg23[%swap3A_2758] {strides = array<i32>} : memref<320xi32, #tpu.memory_space<vmem>>, vector<16xi32>,
          tpu.vector_store %arg23[%swap3A_2758], %select_n3A_2757 {strides = array<i32>} : memref<320xi32, #tpu.memory_space<vmem>>, vector<16xi32>,
          %get3A_2760 = arith.constant 240 : index
          %get3A_2761 = tpu.vector_load %arg23[%get3A_2760] {strides = array<i32>} : memref<320xi32, #tpu.memory_space<vmem>>, vector<16xi32>,
          %get3A_2762 = arith.constant 240 : index
          %get3A_2763 = tpu.vector_load %arg25[%get3A_2762] {strides = array<i32>} : memref<320xf32, #tpu.memory_space<vmem>>, vector<16xf32>,
          %max3A_2764 = arith.maximumf %gather3A_1810, %get3A_2763 : vector<16xf32>
          %get3A_2765 = arith.constant 240 : index
          %get3A_2766 = tpu.vector_load %arg26[%get3A_2765] {strides = array<i32>} : memref<320xf32, #tpu.memory_space<vmem>>, vector<16xf32>,
          %max3A_2767 = arith.maximumf %gather3A_1811, %get3A_2766 : vector<16xf32>
          %get3A_2768 = arith.constant 240 : index
          %get3A_2769 = tpu.vector_load %arg27[%get3A_2768] {strides = array<i32>} : memref<320xf32, #tpu.memory_space<vmem>>, vector<16xf32>,
          %min3A_2770 = arith.minimumf %gather3A_1812, %get3A_2769 : vector<16xf32>
          %get3A_2771 = arith.constant 240 : index
          %get3A_2772 = tpu.vector_load %arg28[%get3A_2771] {strides = array<i32>} : memref<320xf32, #tpu.memory_space<vmem>>, vector<16xf32>,
          %min3A_2773 = arith.minimumf %gather3A_1813, %get3A_2772 : vector<16xf32>
          %sub3A_2774 = arith.subf %min3A_2770, %max3A_2764 : vector<16xf32>
          %max3A_2775 = arith.constant 0.000000e+00 : f32
          %max3A_2776 = vector.broadcast %max3A_2775 : f32 to vector<16xf32>
          %max3A_2777 = arith.maximumf %sub3A_2774, %max3A_2776 : vector<16xf32>
          %sub3A_2778 = arith.subf %min3A_2773, %max3A_2767 : vector<16xf32>
          %max3A_2779 = arith.constant 0.000000e+00 : f32
          %max3A_2780 = vector.broadcast %max3A_2779 : f32 to vector<16xf32>
          %max3A_2781 = arith.maximumf %sub3A_2778, %max3A_2780 : vector<16xf32>
          %mul3A_2782 = arith.mulf %max3A_2777, %max3A_2781 : vector<16xf32>
          %get3A_2783 = arith.constant 240 : index
          %get3A_2784 = tpu.vector_load %arg29[%get3A_2783] {strides = array<i32>} : memref<320xf32, #tpu.memory_space<vmem>>, vector<16xf32>,
          %add3A_2785 = arith.addf %gather3A_1814, %get3A_2784 : vector<16xf32>
          %sub3A_2786 = arith.subf %add3A_2785, %mul3A_2782 : vector<16xf32>
          %add3A_2787 = arith.constant 9.99999971E-10 : f32
          %add3A_2788 = vector.broadcast %add3A_2787 : f32 to vector<16xf32>
          %add3A_2789 = arith.addf %sub3A_2786, %add3A_2788 : vector<16xf32>
          %div3A_2790 = arith.divf %mul3A_2782, %add3A_2789 : vector<16xf32>
          %gt3A_2791 = arith.constant 5.000000e-01 : f32
          %gt3A_2792 = vector.broadcast %gt3A_2791 : f32 to vector<16xf32>
          %gt3A_2793 = arith.cmpf ogt, %div3A_2790, %gt3A_2792 : vector<16xf32>
          %and3A_2794 = arith.andi %and3A, %gt3A_2793 : vector<16xi1>
          %ge3A_2795 = arith.constant 1073741824 : i32
          %ge3A_2796 = vector.broadcast %ge3A_2795 : i32 to vector<16xi32>
          %ge3A_2797 = arith.cmpi sge, %get3A_2761, %ge3A_2796 : vector<16xi32>
          %and3A_2798 = arith.andi %and3A_2794, %ge3A_2797 : vector<16xi1>
          %get3A_2799 = arith.constant 240 : index
          %get3A_2800 = tpu.vector_load %arg24[%get3A_2799] {strides = array<i32>} : memref<320xi32, #tpu.memory_space<vmem>>, vector<16xi32>,
          %select_n3A_2801 = arith.select %and3A_2798, %get3A_2800, %get3A_2761 : vector<16xi1>, vector<16xi32>
          %swap3A_2802 = arith.constant 240 : index
          %swap3A_2803 = tpu.vector_load %arg23[%swap3A_2802] {strides = array<i32>} : memref<320xi32, #tpu.memory_space<vmem>>, vector<16xi32>,
          tpu.vector_store %arg23[%swap3A_2802], %select_n3A_2801 {strides = array<i32>} : memref<320xi32, #tpu.memory_space<vmem>>, vector<16xi32>,
          %get3A_2804 = arith.constant 256 : index
          %get3A_2805 = tpu.vector_load %arg23[%get3A_2804] {strides = array<i32>} : memref<320xi32, #tpu.memory_space<vmem>>, vector<16xi32>,
          %get3A_2806 = arith.constant 256 : index
          %get3A_2807 = tpu.vector_load %arg25[%get3A_2806] {strides = array<i32>} : memref<320xf32, #tpu.memory_space<vmem>>, vector<16xf32>,
          %max3A_2808 = arith.maximumf %gather3A_1810, %get3A_2807 : vector<16xf32>
          %get3A_2809 = arith.constant 256 : index
          %get3A_2810 = tpu.vector_load %arg26[%get3A_2809] {strides = array<i32>} : memref<320xf32, #tpu.memory_space<vmem>>, vector<16xf32>,
          %max3A_2811 = arith.maximumf %gather3A_1811, %get3A_2810 : vector<16xf32>
          %get3A_2812 = arith.constant 256 : index
          %get3A_2813 = tpu.vector_load %arg27[%get3A_2812] {strides = array<i32>} : memref<320xf32, #tpu.memory_space<vmem>>, vector<16xf32>,
          %min3A_2814 = arith.minimumf %gather3A_1812, %get3A_2813 : vector<16xf32>
          %get3A_2815 = arith.constant 256 : index
          %get3A_2816 = tpu.vector_load %arg28[%get3A_2815] {strides = array<i32>} : memref<320xf32, #tpu.memory_space<vmem>>, vector<16xf32>,
          %min3A_2817 = arith.minimumf %gather3A_1813, %get3A_2816 : vector<16xf32>
          %sub3A_2818 = arith.subf %min3A_2814, %max3A_2808 : vector<16xf32>
          %max3A_2819 = arith.constant 0.000000e+00 : f32
          %max3A_2820 = vector.broadcast %max3A_2819 : f32 to vector<16xf32>
          %max3A_2821 = arith.maximumf %sub3A_2818, %max3A_2820 : vector<16xf32>
          %sub3A_2822 = arith.subf %min3A_2817, %max3A_2811 : vector<16xf32>
          %max3A_2823 = arith.constant 0.000000e+00 : f32
          %max3A_2824 = vector.broadcast %max3A_2823 : f32 to vector<16xf32>
          %max3A_2825 = arith.maximumf %sub3A_2822, %max3A_2824 : vector<16xf32>
          %mul3A_2826 = arith.mulf %max3A_2821, %max3A_2825 : vector<16xf32>
          %get3A_2827 = arith.constant 256 : index
          %get3A_2828 = tpu.vector_load %arg29[%get3A_2827] {strides = array<i32>} : memref<320xf32, #tpu.memory_space<vmem>>, vector<16xf32>,
          %add3A_2829 = arith.addf %gather3A_1814, %get3A_2828 : vector<16xf32>
          %sub3A_2830 = arith.subf %add3A_2829, %mul3A_2826 : vector<16xf32>
          %add3A_2831 = arith.constant 9.99999971E-10 : f32
          %add3A_2832 = vector.broadcast %add3A_2831 : f32 to vector<16xf32>
          %add3A_2833 = arith.addf %sub3A_2830, %add3A_2832 : vector<16xf32>
          %div3A_2834 = arith.divf %mul3A_2826, %add3A_2833 : vector<16xf32>
          %gt3A_2835 = arith.constant 5.000000e-01 : f32
          %gt3A_2836 = vector.broadcast %gt3A_2835 : f32 to vector<16xf32>
          %gt3A_2837 = arith.cmpf ogt, %div3A_2834, %gt3A_2836 : vector<16xf32>
          %and3A_2838 = arith.andi %and3A, %gt3A_2837 : vector<16xi1>
          %ge3A_2839 = arith.constant 1073741824 : i32
          %ge3A_2840 = vector.broadcast %ge3A_2839 : i32 to vector<16xi32>
          %ge3A_2841 = arith.cmpi sge, %get3A_2805, %ge3A_2840 : vector<16xi32>
          %and3A_2842 = arith.andi %and3A_2838, %ge3A_2841 : vector<16xi1>
          %get3A_2843 = arith.constant 256 : index
          %get3A_2844 = tpu.vector_load %arg24[%get3A_2843] {strides = array<i32>} : memref<320xi32, #tpu.memory_space<vmem>>, vector<16xi32>,
          %select_n3A_2845 = arith.select %and3A_2842, %get3A_2844, %get3A_2805 : vector<16xi1>, vector<16xi32>
          %swap3A_2846 = arith.constant 256 : index
          %swap3A_2847 = tpu.vector_load %arg23[%swap3A_2846] {strides = array<i32>} : memref<320xi32, #tpu.memory_space<vmem>>, vector<16xi32>,
          tpu.vector_store %arg23[%swap3A_2846], %select_n3A_2845 {strides = array<i32>} : memref<320xi32, #tpu.memory_space<vmem>>, vector<16xi32>,
          %get3A_2848 = arith.constant 272 : index
          %get3A_2849 = tpu.vector_load %arg23[%get3A_2848] {strides = array<i32>} : memref<320xi32, #tpu.memory_space<vmem>>, vector<16xi32>,
          %get3A_2850 = arith.constant 272 : index
          %get3A_2851 = tpu.vector_load %arg25[%get3A_2850] {strides = array<i32>} : memref<320xf32, #tpu.memory_space<vmem>>, vector<16xf32>,
          %max3A_2852 = arith.maximumf %gather3A_1810, %get3A_2851 : vector<16xf32>
          %get3A_2853 = arith.constant 272 : index
          %get3A_2854 = tpu.vector_load %arg26[%get3A_2853] {strides = array<i32>} : memref<320xf32, #tpu.memory_space<vmem>>, vector<16xf32>,
          %max3A_2855 = arith.maximumf %gather3A_1811, %get3A_2854 : vector<16xf32>
          %get3A_2856 = arith.constant 272 : index
          %get3A_2857 = tpu.vector_load %arg27[%get3A_2856] {strides = array<i32>} : memref<320xf32, #tpu.memory_space<vmem>>, vector<16xf32>,
          %min3A_2858 = arith.minimumf %gather3A_1812, %get3A_2857 : vector<16xf32>
          %get3A_2859 = arith.constant 272 : index
          %get3A_2860 = tpu.vector_load %arg28[%get3A_2859] {strides = array<i32>} : memref<320xf32, #tpu.memory_space<vmem>>, vector<16xf32>,
          %min3A_2861 = arith.minimumf %gather3A_1813, %get3A_2860 : vector<16xf32>
          %sub3A_2862 = arith.subf %min3A_2858, %max3A_2852 : vector<16xf32>
          %max3A_2863 = arith.constant 0.000000e+00 : f32
          %max3A_2864 = vector.broadcast %max3A_2863 : f32 to vector<16xf32>
          %max3A_2865 = arith.maximumf %sub3A_2862, %max3A_2864 : vector<16xf32>
          %sub3A_2866 = arith.subf %min3A_2861, %max3A_2855 : vector<16xf32>
          %max3A_2867 = arith.constant 0.000000e+00 : f32
          %max3A_2868 = vector.broadcast %max3A_2867 : f32 to vector<16xf32>
          %max3A_2869 = arith.maximumf %sub3A_2866, %max3A_2868 : vector<16xf32>
          %mul3A_2870 = arith.mulf %max3A_2865, %max3A_2869 : vector<16xf32>
          %get3A_2871 = arith.constant 272 : index
          %get3A_2872 = tpu.vector_load %arg29[%get3A_2871] {strides = array<i32>} : memref<320xf32, #tpu.memory_space<vmem>>, vector<16xf32>,
          %add3A_2873 = arith.addf %gather3A_1814, %get3A_2872 : vector<16xf32>
          %sub3A_2874 = arith.subf %add3A_2873, %mul3A_2870 : vector<16xf32>
          %add3A_2875 = arith.constant 9.99999971E-10 : f32
          %add3A_2876 = vector.broadcast %add3A_2875 : f32 to vector<16xf32>
          %add3A_2877 = arith.addf %sub3A_2874, %add3A_2876 : vector<16xf32>
          %div3A_2878 = arith.divf %mul3A_2870, %add3A_2877 : vector<16xf32>
          %gt3A_2879 = arith.constant 5.000000e-01 : f32
          %gt3A_2880 = vector.broadcast %gt3A_2879 : f32 to vector<16xf32>
          %gt3A_2881 = arith.cmpf ogt, %div3A_2878, %gt3A_2880 : vector<16xf32>
          %and3A_2882 = arith.andi %and3A, %gt3A_2881 : vector<16xi1>
          %ge3A_2883 = arith.constant 1073741824 : i32
          %ge3A_2884 = vector.broadcast %ge3A_2883 : i32 to vector<16xi32>
          %ge3A_2885 = arith.cmpi sge, %get3A_2849, %ge3A_2884 : vector<16xi32>
          %and3A_2886 = arith.andi %and3A_2882, %ge3A_2885 : vector<16xi1>
          %get3A_2887 = arith.constant 272 : index
          %get3A_2888 = tpu.vector_load %arg24[%get3A_2887] {strides = array<i32>} : memref<320xi32, #tpu.memory_space<vmem>>, vector<16xi32>,
          %select_n3A_2889 = arith.select %and3A_2886, %get3A_2888, %get3A_2849 : vector<16xi1>, vector<16xi32>
          %swap3A_2890 = arith.constant 272 : index
          %swap3A_2891 = tpu.vector_load %arg23[%swap3A_2890] {strides = array<i32>} : memref<320xi32, #tpu.memory_space<vmem>>, vector<16xi32>,
          tpu.vector_store %arg23[%swap3A_2890], %select_n3A_2889 {strides = array<i32>} : memref<320xi32, #tpu.memory_space<vmem>>, vector<16xi32>,
          %get3A_2892 = arith.constant 288 : index
          %get3A_2893 = tpu.vector_load %arg23[%get3A_2892] {strides = array<i32>} : memref<320xi32, #tpu.memory_space<vmem>>, vector<16xi32>,
          %get3A_2894 = arith.constant 288 : index
          %get3A_2895 = tpu.vector_load %arg25[%get3A_2894] {strides = array<i32>} : memref<320xf32, #tpu.memory_space<vmem>>, vector<16xf32>,
          %max3A_2896 = arith.maximumf %gather3A_1810, %get3A_2895 : vector<16xf32>
          %get3A_2897 = arith.constant 288 : index
          %get3A_2898 = tpu.vector_load %arg26[%get3A_2897] {strides = array<i32>} : memref<320xf32, #tpu.memory_space<vmem>>, vector<16xf32>,
          %max3A_2899 = arith.maximumf %gather3A_1811, %get3A_2898 : vector<16xf32>
          %get3A_2900 = arith.constant 288 : index
          %get3A_2901 = tpu.vector_load %arg27[%get3A_2900] {strides = array<i32>} : memref<320xf32, #tpu.memory_space<vmem>>, vector<16xf32>,
          %min3A_2902 = arith.minimumf %gather3A_1812, %get3A_2901 : vector<16xf32>
          %get3A_2903 = arith.constant 288 : index
          %get3A_2904 = tpu.vector_load %arg28[%get3A_2903] {strides = array<i32>} : memref<320xf32, #tpu.memory_space<vmem>>, vector<16xf32>,
          %min3A_2905 = arith.minimumf %gather3A_1813, %get3A_2904 : vector<16xf32>
          %sub3A_2906 = arith.subf %min3A_2902, %max3A_2896 : vector<16xf32>
          %max3A_2907 = arith.constant 0.000000e+00 : f32
          %max3A_2908 = vector.broadcast %max3A_2907 : f32 to vector<16xf32>
          %max3A_2909 = arith.maximumf %sub3A_2906, %max3A_2908 : vector<16xf32>
          %sub3A_2910 = arith.subf %min3A_2905, %max3A_2899 : vector<16xf32>
          %max3A_2911 = arith.constant 0.000000e+00 : f32
          %max3A_2912 = vector.broadcast %max3A_2911 : f32 to vector<16xf32>
          %max3A_2913 = arith.maximumf %sub3A_2910, %max3A_2912 : vector<16xf32>
          %mul3A_2914 = arith.mulf %max3A_2909, %max3A_2913 : vector<16xf32>
          %get3A_2915 = arith.constant 288 : index
          %get3A_2916 = tpu.vector_load %arg29[%get3A_2915] {strides = array<i32>} : memref<320xf32, #tpu.memory_space<vmem>>, vector<16xf32>,
          %add3A_2917 = arith.addf %gather3A_1814, %get3A_2916 : vector<16xf32>
          %sub3A_2918 = arith.subf %add3A_2917, %mul3A_2914 : vector<16xf32>
          %add3A_2919 = arith.constant 9.99999971E-10 : f32
          %add3A_2920 = vector.broadcast %add3A_2919 : f32 to vector<16xf32>
          %add3A_2921 = arith.addf %sub3A_2918, %add3A_2920 : vector<16xf32>
          %div3A_2922 = arith.divf %mul3A_2914, %add3A_2921 : vector<16xf32>
          %gt3A_2923 = arith.constant 5.000000e-01 : f32
          %gt3A_2924 = vector.broadcast %gt3A_2923 : f32 to vector<16xf32>
          %gt3A_2925 = arith.cmpf ogt, %div3A_2922, %gt3A_2924 : vector<16xf32>
          %and3A_2926 = arith.andi %and3A, %gt3A_2925 : vector<16xi1>
          %ge3A_2927 = arith.constant 1073741824 : i32
          %ge3A_2928 = vector.broadcast %ge3A_2927 : i32 to vector<16xi32>
          %ge3A_2929 = arith.cmpi sge, %get3A_2893, %ge3A_2928 : vector<16xi32>
          %and3A_2930 = arith.andi %and3A_2926, %ge3A_2929 : vector<16xi1>
          %get3A_2931 = arith.constant 288 : index
          %get3A_2932 = tpu.vector_load %arg24[%get3A_2931] {strides = array<i32>} : memref<320xi32, #tpu.memory_space<vmem>>, vector<16xi32>,
          %select_n3A_2933 = arith.select %and3A_2930, %get3A_2932, %get3A_2893 : vector<16xi1>, vector<16xi32>
          %swap3A_2934 = arith.constant 288 : index
          %swap3A_2935 = tpu.vector_load %arg23[%swap3A_2934] {strides = array<i32>} : memref<320xi32, #tpu.memory_space<vmem>>, vector<16xi32>,
          tpu.vector_store %arg23[%swap3A_2934], %select_n3A_2933 {strides = array<i32>} : memref<320xi32, #tpu.memory_space<vmem>>, vector<16xi32>,
          %get3A_2936 = arith.constant 304 : index
          %get3A_2937 = tpu.vector_load %arg23[%get3A_2936] {strides = array<i32>} : memref<320xi32, #tpu.memory_space<vmem>>, vector<16xi32>,
          %get3A_2938 = arith.constant 304 : index
          %get3A_2939 = tpu.vector_load %arg25[%get3A_2938] {strides = array<i32>} : memref<320xf32, #tpu.memory_space<vmem>>, vector<16xf32>,
          %max3A_2940 = arith.maximumf %gather3A_1810, %get3A_2939 : vector<16xf32>
          %get3A_2941 = arith.constant 304 : index
          %get3A_2942 = tpu.vector_load %arg26[%get3A_2941] {strides = array<i32>} : memref<320xf32, #tpu.memory_space<vmem>>, vector<16xf32>,
          %max3A_2943 = arith.maximumf %gather3A_1811, %get3A_2942 : vector<16xf32>
          %get3A_2944 = arith.constant 304 : index
          %get3A_2945 = tpu.vector_load %arg27[%get3A_2944] {strides = array<i32>} : memref<320xf32, #tpu.memory_space<vmem>>, vector<16xf32>,
          %min3A_2946 = arith.minimumf %gather3A_1812, %get3A_2945 : vector<16xf32>
          %get3A_2947 = arith.constant 304 : index
          %get3A_2948 = tpu.vector_load %arg28[%get3A_2947] {strides = array<i32>} : memref<320xf32, #tpu.memory_space<vmem>>, vector<16xf32>,
          %min3A_2949 = arith.minimumf %gather3A_1813, %get3A_2948 : vector<16xf32>
          %sub3A_2950 = arith.subf %min3A_2946, %max3A_2940 : vector<16xf32>
          %max3A_2951 = arith.constant 0.000000e+00 : f32
          %max3A_2952 = vector.broadcast %max3A_2951 : f32 to vector<16xf32>
          %max3A_2953 = arith.maximumf %sub3A_2950, %max3A_2952 : vector<16xf32>
          %sub3A_2954 = arith.subf %min3A_2949, %max3A_2943 : vector<16xf32>
          %max3A_2955 = arith.constant 0.000000e+00 : f32
          %max3A_2956 = vector.broadcast %max3A_2955 : f32 to vector<16xf32>
          %max3A_2957 = arith.maximumf %sub3A_2954, %max3A_2956 : vector<16xf32>
          %mul3A_2958 = arith.mulf %max3A_2953, %max3A_2957 : vector<16xf32>
          %get3A_2959 = arith.constant 304 : index
          %get3A_2960 = tpu.vector_load %arg29[%get3A_2959] {strides = array<i32>} : memref<320xf32, #tpu.memory_space<vmem>>, vector<16xf32>,
          %add3A_2961 = arith.addf %gather3A_1814, %get3A_2960 : vector<16xf32>
          %sub3A_2962 = arith.subf %add3A_2961, %mul3A_2958 : vector<16xf32>
          %add3A_2963 = arith.constant 9.99999971E-10 : f32
          %add3A_2964 = vector.broadcast %add3A_2963 : f32 to vector<16xf32>
          %add3A_2965 = arith.addf %sub3A_2962, %add3A_2964 : vector<16xf32>
          %div3A_2966 = arith.divf %mul3A_2958, %add3A_2965 : vector<16xf32>
          %gt3A_2967 = arith.constant 5.000000e-01 : f32
          %gt3A_2968 = vector.broadcast %gt3A_2967 : f32 to vector<16xf32>
          %gt3A_2969 = arith.cmpf ogt, %div3A_2966, %gt3A_2968 : vector<16xf32>
          %and3A_2970 = arith.andi %and3A, %gt3A_2969 : vector<16xi1>
          %ge3A_2971 = arith.constant 1073741824 : i32
          %ge3A_2972 = vector.broadcast %ge3A_2971 : i32 to vector<16xi32>
          %ge3A_2973 = arith.cmpi sge, %get3A_2937, %ge3A_2972 : vector<16xi32>
          %and3A_2974 = arith.andi %and3A_2970, %ge3A_2973 : vector<16xi1>
          %get3A_2975 = arith.constant 304 : index
          %get3A_2976 = tpu.vector_load %arg24[%get3A_2975] {strides = array<i32>} : memref<320xi32, #tpu.memory_space<vmem>>, vector<16xi32>,
          %select_n3A_2977 = arith.select %and3A_2974, %get3A_2976, %get3A_2937 : vector<16xi1>, vector<16xi32>
          %swap3A_2978 = arith.constant 304 : index
          %swap3A_2979 = tpu.vector_load %arg23[%swap3A_2978] {strides = array<i32>} : memref<320xi32, #tpu.memory_space<vmem>>, vector<16xi32>,
          tpu.vector_store %arg23[%swap3A_2978], %select_n3A_2977 {strides = array<i32>} : memref<320xi32, #tpu.memory_space<vmem>>, vector<16xi32>,
          %eq3A_2980 = arith.constant 0 : i32
          %eq3A_2981 = arith.cmpi eq, %arg1, %eq3A_2980 : i32
          %convert_element_type3A_2982 = arith.extui %eq3A_2981 : i1 to i32
          %cond3A_2983 = arith.constant 0 : i32
          %cond3A_2984 = arith.cmpi ne, %convert_element_type3A_2982, %cond3A_2983 : i32
          scf.if %cond3A_2984 {
            %gather3A_2993 = tpu.vector_load_idx %arg10[%broadcast_in_dim3A_1809] : memref<5120xf32, #tpu.memory_space<vmem>>[vector<16xi32>], vector<16xf32>,
            %gather3A_2994 = tpu.vector_load_idx %arg11[%broadcast_in_dim3A_1809] : memref<5120xf32, #tpu.memory_space<vmem>>[vector<16xi32>], vector<16xf32>,
            %gather3A_2995 = tpu.vector_load_idx %arg12[%broadcast_in_dim3A_1809] : memref<5120xf32, #tpu.memory_space<vmem>>[vector<16xi32>], vector<16xf32>,
            %gather3A_2996 = tpu.vector_load_idx %arg13[%broadcast_in_dim3A_1809] : memref<5120xf32, #tpu.memory_space<vmem>>[vector<16xi32>], vector<16xf32>,
            %gather3A_2997 = tpu.vector_load_idx %arg20[%broadcast_in_dim3A_1809] : memref<5120xf32, #tpu.memory_space<vmem>>[vector<16xi32>], vector<16xf32>,
            %gather3A_2998 = tpu.vector_load_idx %arg14[%broadcast_in_dim3A_1809] : memref<5120xf32, #tpu.memory_space<vmem>>[vector<16xi32>], vector<16xf32>,
            %jit3A_2999 = arith.constant -1.000000e+00 : f32
            %broadcast_in_dim3A_3000 = vector.broadcast %jit3A_2999 : f32 to vector<16xf32>
            %select_n3A_3001 = arith.select %and3A, %gather3A_2997, %broadcast_in_dim3A_3000 : vector<16xi1>, vector<16xf32>
            %eq3A_3002 = arith.constant 0 : i32
            %eq3A_3003 = vector.broadcast %eq3A_3002 : i32 to vector<16xi32>
            %eq3A_3004 = arith.cmpi eq, %iota3A, %eq3A_3003 : vector<16xi32>
            %eq3A_3005 = arith.constant 1 : i32
            %eq3A_3006 = vector.broadcast %eq3A_3005 : i32 to vector<16xi32>
            %eq3A_3007 = arith.cmpi eq, %iota3A, %eq3A_3006 : vector<16xi32>
            %eq3A_3008 = arith.constant 2 : i32
            %eq3A_3009 = vector.broadcast %eq3A_3008 : i32 to vector<16xi32>
            %eq3A_3010 = arith.cmpi eq, %iota3A, %eq3A_3009 : vector<16xi32>
            %eq3A_3011 = arith.constant 3 : i32
            %eq3A_3012 = vector.broadcast %eq3A_3011 : i32 to vector<16xi32>
            %eq3A_3013 = arith.cmpi eq, %iota3A, %eq3A_3012 : vector<16xi32>
            %eq3A_3014 = arith.constant 4 : i32
            %eq3A_3015 = vector.broadcast %eq3A_3014 : i32 to vector<16xi32>
            %eq3A_3016 = arith.cmpi eq, %iota3A, %eq3A_3015 : vector<16xi32>
            %select_n3A_3017 = arith.select %eq3A_3016, %select_n3A_3001, %gather3A_2998 : vector<16xi1>, vector<16xf32>
            %select_n3A_3018 = arith.select %eq3A_3013, %gather3A_2996, %select_n3A_3017 : vector<16xi1>, vector<16xf32>
            %select_n3A_3019 = arith.select %eq3A_3010, %gather3A_2995, %select_n3A_3018 : vector<16xi1>, vector<16xf32>
            %select_n3A_3020 = arith.select %eq3A_3007, %gather3A_2994, %select_n3A_3019 : vector<16xi1>, vector<16xf32>
            %select_n3A_3021 = arith.select %eq3A_3004, %gather3A_2993, %select_n3A_3020 : vector<16xi1>, vector<16xf32>
            %broadcast_in_dim3A_3022 = vector.broadcast %while3A_1720 : i32 to vector<16xi32>
            %lt3A_3023 = arith.constant 6 : i32
            %lt3A_3024 = vector.broadcast %lt3A_3023 : i32 to vector<16xi32>
            %lt3A_3025 = arith.cmpi slt, %iota3A, %lt3A_3024 : vector<16xi32>
            %and3A_3026 = arith.andi %lt3A_3025, %broadcast_in_dim3A_1807 : vector<16xi1>
            tpu.vector_store_idx %arg33[%broadcast_in_dim3A_3022, %iota3A], %select_n3A_3021 masked %and3A_3026 : memref<100x16xf32, #tpu.memory_space<vmem>>[vector<16xi32>, vector<16xi32>], vector<16xf32>, vector<16xi1>
          } else {
          }
          %add3A_2985 = arith.constant 1 : i32
          %add3A_2986 = arith.addi %while3A_1720, %add3A_2985 : i32
          %select_n3A_2987 = arith.select %or3A, %add3A_2986, %while3A_1720 : i32
          %lt3A_2988 = arith.constant 100 : i32
          %lt3A_2989 = arith.cmpi slt, %select_n3A_2987, %lt3A_2988 : i32
          %and3A_2990 = arith.andi %or3A, %lt3A_2989 : i1
          %add3A_2991 = arith.constant 1 : i32
          %add3A_2992 = arith.addi %while3A_1721, %add3A_2991 : i32
          scf.yield %select_n3A_2987, %add3A_2992, %and3A_2990, %select_n3A_1847, %select_n3A_1881, %select_n3A_1915, %select_n3A_1949, %select_n3A_1983, %select_n3A_2017, %select_n3A_2051, %select_n3A_2085 : i32, i32, i1, vector<16xi32>, vector<16xi32>, vector<16xi32>, vector<16xi32>, vector<16xi32>, vector<16xi32>, vector<16xi32>, vector<16xi32>
        }
        %add3A_1718 = arith.constant 1 : i32
        %add3A_1719 = arith.addi %while3A_28, %add3A_1718 : i32
        scf.yield %while3A_1717#0, %add3A_1719 : i32, i32
      }
      %eq3A_22 = arith.constant 0 : i32
      %eq3A_23 = arith.cmpi eq, %arg1, %eq3A_22 : i32
      %convert_element_type3A_24 = arith.extui %eq3A_23 : i1 to i32
      %cond3A_25 = arith.constant 0 : i32
      %cond3A_26 = arith.cmpi ne, %convert_element_type3A_24, %cond3A_25 : i32
      scf.if %cond3A_26 {
        "tpu.region"() ({
          %run_scoped3A = tpu.sem_alloc : memref<!tpu.dma_semaphore, #tpu.memory_space<semaphore_mem>>
          tpu.enqueue_dma source(%arg33 : memref<100x16xf32, #tpu.memory_space<vmem>>) target(%arg5 : memref<100x16xf32, #tpu.memory_space<hbm>>) target_semaphore(%run_scoped3A : memref<!tpu.dma_semaphore, #tpu.memory_space<semaphore_mem>>)
          tpu.wait_dma2 semaphore(%run_scoped3A : memref<!tpu.dma_semaphore, #tpu.memory_space<semaphore_mem>>) src(%arg33 : memref<100x16xf32, #tpu.memory_space<vmem>>) dst(%arg5 : memref<100x16xf32, #tpu.memory_space<hbm>>)
          tpu.yield
        }) : () -> ()
      } else {
      }
    } else {
    }
    return
  }
}

</mosaic_0001>

<sc_bundles>
// kernel: kernel.3.cloned.1.call-start
scs
__scs_entry_jumppad:
0x0: {  	(pc) =	sbr.rel $0x88, $3  }
0x1: {  	(tag) =	ssettag $0x0;
	lr =	simm.s32 $0x1  }
0x2: {  	[smem:$0x3F9E] =	sst lr;
	_ =	strace $0xD0000000  }
0x3: {  	_ = 	snop  }
0x4: {  	_ = 	snop  }
0x5: {  	_ = 	snop  }
0x6: {  	_ = 	snop  }
0x7: {  	_ = 	snop  }
__scs_overlays_trampoline_lowered:
0x8: {  	[smem:$0x3FAD] =	sst s0  }
0x9: {  	[smem:$0x3FAE] =	sst s1  }
0xa: {  	[smem:$0x3FAF] =	sst s2  }
0xb: {  	[smem:$0x3FB0] =	sst s3  }
0xc: {  	[smem:$0x3FB1] =	sst s4  }
0xd: {  	[smem:$0x3FB2] =	sst s5  }
0xe: {  	[smem:$0x3FB3] =	sst s6  }
0xf: {  	[smem:$0x3FB4] =	sst s7  }
0x10: {  	[smem:$0x3FB5] =	sst s8  }
0x11: {  	[smem:$0x3FB6] =	sst s9;
	s0 =	simm.s32 @!p0 $0x0  }
0x12: {  	s1 =	sld [smem:$0x3F9C];
	s0 =	simm.s32 @p0 $0x1  }
0x13: {  	[smem:$0x3FB7] =	sst s0;
	s0 =	simm.s32 @!p1 $0x0  }
0x14: {  	s2 =	sld [smem:$0x3F9B];
	s0 =	simm.s32 @p1 $0x1  }
0x15: {  	[smem:$0x3FB8] =	sst s0;
	s0 =	simm.s32 @!p2 $0x0  }
0x16: {  	s3 =	sld [smem:$0x3FDB];
	s0 =	simm.s32 @p2 $0x1  }
0x17: {  	s4 =	simm.s32 $0x1BF5;
	[smem:$0x3FBA] =	sst s0  }
0x18: {  	s0 =	sld [smem:$0x3F9D];
	_ =	swait.ge [sflag:s4], $0x0  }
0x19: {  	s7 =	sld [smem:$0x3F9E]  }
0x1a: {  	s8 =	sadd.s32 $0xFFFFE003, lr  }
0x1b: {  	s9 =	sadd.s32 $0xFFFFFEF7, lr;
	s5 =	simm.s32 $0xFFFFFFFF;
	p2 =	slt.u32 s8, $0xFFFFF086  }
0x1c: {  	p1 =	slt.u32 s9, $0xF7A;
	s5 =	simm.s32 @!p2 $0x0  }
0x1d: {  	s5 =	simm.s32 @p1 $0x1;
	p0 =	seq.s32 s7, s2  }
0x1e: {  	s7 =	smul.u32 @!p0 $0xF7A, s2;
	p2 =	seq.s32 @!p0 s5, $0x0  }
0x1f: {  	s9 =	smul.u32 $0xF7A, s1;
	s8 =	simm.s32 @!p0 $0x1BF5;
	p2 =	por !p2, p0  }
0x20: {  	[sflag:s8] =	ssyncset.s32 @!p0 $0xFFFFF086;
	s6 =	sadd.s32 @!p0 s3, s7;
	s7 =	simm.s32 @!p0 $0x108  }
0x21: {  	s3 =	sadd.s32 s3, s9;
	s6 =	sadd.s32 @!p0 $0x88, s6;
	s7 =	simm.s32 @p2 $0x1082  }
0x22: {  	[simem:s7], [sflag:s8] =	dma.local @!p0 [hbm:s6], $0xF7A  }
0x23: {  	s9 =	sor.u32 $0xD0000000, s2;
	s6 =	simm.s32 $0x108;
	_ =	swait.ge @!p0 [sflag:s8], $0x0  }
0x24: {  	s3 =	sadd.s32 $0x88, s3;
	s6 =	simm.s32 @!p1 $0x1082;
	[sflag:s4] =	ssyncset.s32 $0xFFFFF086  }
0x25: {  	[simem:s6], [sflag:s4] =	dma.local [hbm:s3], $0xF7A  }
0x26: {  	[smem:$0x3F9E] =	sst s1;
	(tag) =	ssettag s2;
	_ =	strace s9  }
0x27: {  	s1 =	sld [smem:$0x3FAE]  }
0x28: {  	s2 =	sld [smem:$0x3FAF]  }
0x29: {  	s4 =	sld [smem:$0x3FB1]  }
0x2a: {  	p0 =	seq.s32 s5, $0x0;
	s5 =	sld [smem:$0x3FB2]  }
0x2b: {  	s6 =	sld [smem:$0x3FB3]  }
0x2c: {  	s7 =	sld [smem:$0x3FB4]  }
0x2d: {  	s3 =	simm.s32 $0x108;
	s8 =	sld [smem:$0x3FB5]  }
0x2e: {  	s3 =	simm.s32 @!p0 $0x1082;
	s9 =	sld [smem:$0x3FB6]  }
0x2f: {  	lr =	sadd.s32 s0, s3;
	s0 =	sld [smem:$0x3FAD]  }
0x30: {  	s3 =	sld [smem:$0x3FB0]  }
0x31: {  	[smem:$0x3FB9] =	sst s10  }
0x32: {  	s10 =	sld [smem:$0x3FB7];
	_ =	sdelay $0x3  }
0x33: {  	p0 =	seq.s32 s10, $0x1;
	s10 =	sld [smem:$0x3FB9];
	_ =	sdelay $0x3  }
0x34: {  	[smem:$0x3FB9] =	sst s10  }
0x35: {  	s10 =	sld [smem:$0x3FB8];
	_ =	sdelay $0x3  }
0x36: {  	p1 =	seq.s32 s10, $0x1;
	s10 =	sld [smem:$0x3FB9];
	_ =	sdelay $0x3  }
0x37: {  	[smem:$0x3FB9] =	sst s10  }
0x38: {  	s10 =	sld [smem:$0x3FBA]  }
0x39: {  	_ = 	snop;
	(pc) =	sbr.ind lr, $3  }
0x3a: {  	_ = 	snop  }
0x3b: {  	_ = 	snop  }
0x3c: {  	p2 =	seq.s32 s10, $0x1;
	s10 =	sld [smem:$0x3FB9]  }
0x3d: {  	_ =	shalt  }
0x3e: {  	_ =	shalt  }
0x3f: {  	_ =	shalt  }
0x40: {  	_ =	shalt  }
0x41: {  	_ =	shalt  }
0x42: {  	_ =	shalt  }
0x43: {  	_ =	shalt  }
0x44: {  	_ =	shalt  }
0x45: {  	_ =	shalt  }
0x46: {  	_ =	shalt  }
0x47: {  	_ =	shalt  }
0x48: {  	_ =	shalt  }
0x49: {  	_ =	shalt  }
0x4a: {  	_ =	shalt  }
0x4b: {  	_ =	shalt  }
0x4c: {  	_ =	shalt  }
0x4d: {  	_ =	shalt  }
0x4e: {  	_ =	shalt  }
0x4f: {  	_ =	shalt  }
0x50: {  	_ =	shalt  }
0x51: {  	_ =	shalt  }
0x52: {  	_ =	shalt  }
0x53: {  	_ =	shalt  }
0x54: {  	_ =	shalt  }
0x55: {  	_ =	shalt  }
0x56: {  	_ =	shalt  }
0x57: {  	_ =	shalt  }
0x58: {  	_ =	shalt  }
0x59: {  	_ =	shalt  }
0x5a: {  	_ =	shalt  }
0x5b: {  	_ =	shalt  }
0x5c: {  	_ =	shalt  }
0x5d: {  	_ =	shalt  }
0x5e: {  	_ =	shalt  }
0x5f: {  	_ =	shalt  }
0x60: {  	_ =	shalt  }
0x61: {  	_ =	shalt  }
0x62: {  	_ =	shalt  }
0x63: {  	_ =	shalt  }
0x64: {  	_ =	shalt  }
0x65: {  	_ =	shalt  }
0x66: {  	_ =	shalt  }
0x67: {  	_ =	shalt  }
0x68: {  	_ =	shalt  }
0x69: {  	_ =	shalt  }
0x6a: {  	_ =	shalt  }
0x6b: {  	_ =	shalt  }
0x6c: {  	_ =	shalt  }
0x6d: {  	_ =	shalt  }
0x6e: {  	_ =	shalt  }
0x6f: {  	_ =	shalt  }
0x70: {  	_ =	shalt  }
0x71: {  	_ =	shalt  }
0x72: {  	_ =	shalt  }
0x73: {  	_ =	shalt  }
0x74: {  	_ =	shalt  }
0x75: {  	_ =	shalt  }
0x76: {  	_ =	shalt  }
0x77: {  	_ =	shalt  }
0x78: {  	_ =	shalt  }
0x79: {  	_ =	shalt  }
0x7a: {  	_ =	shalt  }
0x7b: {  	_ =	shalt  }
0x7c: {  	_ =	shalt  }
0x7d: {  	_ =	shalt  }
0x7e: {  	_ =	shalt  }
0x7f: {  	_ =	shalt  }
0x80: {  	_ =	shalt  }
0x81: {  	_ =	shalt  }
0x82: {  	_ =	shalt  }
0x83: {  	_ =	shalt  }
0x84: {  	_ =	shalt  }
0x85: {  	_ =	shalt  }
0x86: {  	_ =	shalt  }
0x87: {  	_ =	shalt  }
.Lfunc_end0:
.L_simem_size_0:
called_computation_lowered:
.L_overlay_start_0:
0x88: {  	s0 =	sld [smem:$0x3FD9]  }
0x89: {  	s1 =	sld [smem:$0x3FFE];
	_ =	sdelay $0x3  }
0x8a: {  	s0 =	sadd.s32 s1, s0  }
0x8b: {  	[smem:$0x3FC5] =	sst s0  }
0x8c: {  	_ = 	snop  }
0x8d: {  	s0 =	sld [smem:$0x3FC8]  }
0x8e: {  	s16 =	sld [smem:$0x3FC7];
	(tm) =	ssettm $0x1  }
0x8f: {  	s2 =	sld [smem:$0x3FFB];
	_ =	sdelay $0x3  }
0x90: {  	_ =	strace s2  }
0x91: {  	s2 =	sld [smem:$0x3FFC];
	_ =	sdelay $0x3  }
0x92: {  	_ =	strace s2  }
0x93: {  	s2 =	sld [smem:$0x3FFD];
	_ =	sdelay $0x3  }
0x94: {  	_ =	strace s2  }
0x95: {  	_ =	strace $0x8FFFFFFF  }
0x96: {  	s17 =	sld [smem:$0x3FDB];
	_ =	sdelay $0x1  }
0x97: {  	s3 =	simm.s32 $_scs_section_size  }
0x98: {  	s4 =	simm.s32 $_size__tile_overlayer_lowered;
	s5 =	simm.s32 $_tile_overlayer_lowered  }
0x99: {  	s20 =	simm.s32 $0x1BFF;
	s19 =	sshll.u32 s5, $0x1;
	s2 =	sadd.s32 s3, s17  }
0x9a: {  	s6 =	simm.s32 $0x0;
	s18 =	sshll.u32 s4, $0x1;
	s4 =	sadd.s32 s19, s2  }
0x9b: {  	[timem:s6], [sflag:s20] =	dma.local [hbm:s4], s18  }
0x9c: {  	_ =	swait.ge [sflag:s20], s18  }
0x9d: {  	s3 =	ssub.s32 $0x0, s18;
	[sflag:s20] =	ssyncset.done $0x0  }
0x9e: {  	[sflag:s20] =	ssyncadd.s32 s3;
	_ =	sdelay $0x1  }
0x9f: {  	s21 =	simm.s32 $0x1B8B  }
0xa0: {  	_ =	swait.ge [sflag:s21], $0x1  }
0xa1: {  	[sflag:s21] =	ssyncset.done $0x0  }
0xa2: {  	s23 =	simm.s32 $0x1B8E;
	s22 =	sld [smem:$0x3FFE];
	[sflag:s21] =	ssyncadd.s32 $0xFFFFFFFF  }
0xa3: {  	s24 =	simm.s32 $execute0_lowered;
	[smem:$0x3FD2] =	sst s23  }
0xa4: {  	s4 =	sshll.u32 s24, $0x1;
	_ =	strace $0x80000046;
	[dreg:$0x1] =	wrdreg $0xFFFFFFFF  }
0xa5: {  	s25 =	simm.s32 $_size_execute0_lowered;
	s2 =	sadd.s32 s2, s4;
	[dreg:$0x0] =	wrdreg $0x0  }
0xa6: {  	s4 =	sshll.u32 s25, $0x1;
	[dreg:$0x2] =	wrdreg s2  }
0xa7: {  	[dreg:$0x3] =	wrdreg s4  }
0xa8: {  	[dreg:$0x4] =	wrdreg $0xC0  }
0xa9: {  	_ =	task [dreg:s6], $0x5FFFF  }
0xaa: {  	[dreg:$0x1] =	wrdreg $0xFFFFFFFF  }
0xab: {  	[dreg:$0x0] =	wrdreg $0x60  }
0xac: {  	[dreg:$0x2] =	wrdreg s22  }
0xad: {  	[dreg:$0x3] =	wrdreg s0  }
0xae: {  	[dreg:$0x4] =	wrdreg s16  }
0xaf: {  	[dreg:$0x5] =	wrdreg $0x9  }
0xb0: {  	_ =	task.clear_ibuf [dreg:s6], $0x6FFFF;
	_ =	strace $0x90000046  }
0xb1: {  	s26 =	simm.s32 $0x9;
	_ =	strace $0x80000048  }
0xb2: {  	_ =	swait.ge [sflag:s26], $0x1  }
0xb3: {  	[sflag:s26] =	ssyncadd.s32 $0xFFFFFFFF  }
0xb4: {  	_ =	strace $0x90000048  }
0xb5: {  	_ =	sfence  }
0xb6: {  	s28 =	sld [smem:$0x0];
	_ =	sdelay $0x1  }
0xb7: {  	s29 =	srdreg.scid  }
0xb8: {  	s30 =	sshll.u32 s29, $0xD;
	s31 =	sshrl.u32 s29, $0x2  }
0xb9: {  	s1 =	sand.u32 $0x1, s29;
	s2 =	sand.u32 $0x4000, s30;
	s0 =	sadd.s32 s31, s28  }
0xba: {  	s1 =	sor.u32 s2, s1;
	s0 =	sshll.u32 s0, $0x11  }
0xbb: {  	s0 =	sor.u32 s0, s1  }
0xbc: {  	s0 =	sadd.s32 $0x8F2B, s0  }
0xbd: {  	[sflag:s0] =	ssyncadd.remote.s32 $0x1  }
0xbe: {  	_ =	sfence.sel $0xFFFF  }
0xbf: {  	[dreg:$0x0] =	wrdreg $0xFFFFFFFF;
	(pc) =	sbr.abs _section_cstart, $3  }
0xc0: {  	[dreg:$0x1] =	wrdreg $0xFFFFFFFF  }
0xc1: {  	_ =	task.clear_ibuf [dreg:s6], $0x2FFFF;
	_ =	strace $0x9FFFFFFF  }
0xc2: {  	(tm) =	ssettm $0x7FFFFFFF  }
0xc3: {  	_ =	shalt  }
tec
execute0_lowered:
.L_overlay_start_1:
0x0: {  	(tag) =	ssettag $0x1  }
0x1: {  	s0 =	rddreg [dreg:$0x0]  }
0x2: {  	s1 =	rddreg [dreg:$0x1]  }
0x3: {  	s2 =	rddreg [dreg:$0x2];
	s3 =	simm.s32 $0x0  }
0x4: {  	[smem:$0x7FF] =	sst s3  }
0x5: {  	s6 =	simm.s32 $0x1;
	s4 =	sadd.s32 $0x800, s0;
	_ =	strace $0x80000047  }
0x6: {  	[tilespmem:s3], [sflag:$0x1] =	stream.linear.gather [hbm4b:s4+s3], $0x4E80, $0x38;
	[tilespmem:$0x1C200] =	vst v63  }
0x7: {  	_ =	swait.ge [sflag:s6], $0x4E80  }
0x8: {  	[sflag:s6] =	ssyncset.done $0x0  }
0x9: {  	v1 =	vlaneseq.u32;
	s4 =	simm.s32 $0x4E80;
	[sflag:s6] =	ssyncadd.s32 $0xFFFFB180  }
0xa: {  	v0 =	vor.u32 s3, v1;
	[tilespmem:s4], [sflag:$0x1] =	stream.linear.gather [hbm4b:s1+s3], $0x1400, $0x38;
	[tilespmem:$0x1C200] =	vst v63  }
0xb: {  	vm0 =	vlt.s32 v0, $0x1387;
	_ =	swait.ge [sflag:s6], $0x1400  }
0xc: {  	v2 =	vnsel vm0, $0x1387, v0;
	[sflag:s6] =	ssyncset.done $0x0  }
0xd: {  	s5 =	simm.s32 $0x6280;
	v3 =	vshll.u32 v2, $0x2;
	[sflag:s6] =	ssyncadd.s32 $0xFFFFEC00  }
0xe: {  	v4 =	vor.u32 $0x3, v3;
	[tilespmem:s5], [sflag:$0x1] =	stream.linear.gather [hbm4b:s2+s3], $0x1400, $0x38;
	[tilespmem:$0x1C200] =	vst v63  }
0xf: {  	v5 =	vor.u32 $0x1, v3;
	_ =	swait.ge [sflag:s6], $0x1400  }
0x10: {  	v6 =	vor.u32 $0x2, v3;
	[sflag:s6] =	ssyncset.done $0x0  }
0x11: {  	[sflag:s6] =	ssyncadd.s32 $0xFFFFEC00  }
0x12: {  	v3 =	vld.idx.msk [tilespmem:v3+s3+$0x0], $0xffff  }
0x13: {  	v4 =	vld.idx.msk [tilespmem:v4+s3+$0x0], $0xffff  }
0x14: {  	v5 =	vld.idx.msk [tilespmem:v5+s3+$0x0], $0xffff  }
0x15: {  	v6 =	vld.idx.msk [tilespmem:v6+s3+$0x0], $0xffff;
	_ =	sdelay $0x2  }
0x16: {  	v7 =	vld.idx.msk [tilespmem:v2+s5+$0x0], $0xffff  }
0x17: {  	v3 =	vmax.f32 v3, $0.0e+00;
	v4 =	vmax.f32 v4, $0.0e+00  }
0x18: {  	v2 =	vld.idx.msk [tilespmem:v2+s4+$0x0], $0xffff;
	v5 =	vmax.f32 v5, $0.0e+00;
	v6 =	vmax.f32 v6, $0.0e+00;
	v3 =	vmin.f32 v3, $1.000000000e+03  }
0x19: {  	v5 =	vmin.f32 v5, $1.000000000e+03;
	v4 =	vmin.f32 v4, $1.000000000e+03;
	v6 =	vmin.f32 v6, $1.000000000e+03  }
0x1a: {  	v8 =	vsub.f32 v4, v5;
	v9 =	vsub.f32 v6, v3  }
0x1b: {  	s8 =	simm.s32 $0x7680;
	v7 =	vcvt.s32.f32 v7  }
0x1c: {  	s6 =	simm.s32 $0x8A80;
	[tilespmem:v0+s8+$0x0] =	vst.idx.msk $0xffff, v3;
	vm0 =	vge.f32 v8, $9.999999770e-03;
	vm1 =	vge.f32 v9, $9.999999770e-03  }
0x1d: {  	s7 =	simm.s32 $0x9E80;
	vm2 =	vgt.f32 v2, $5.000000070e-02;
	[tilespmem:v0+s6+$0x0] =	vst.idx.msk $0xffff, v5;
	v8 =	vmul.f32 $1.001000000e+03, v7;
	vm0 =	vmand vm1, vm0  }
0x1e: {  	s9 =	simm.s32 $0xB280;
	[tilespmem:v0+s7+$0x0] =	vst.idx.msk $0xffff, v6;
	vm1 =	vlt.u32 v0, $0x1388;
	vm0 =	vmand vm2, vm0  }
0x1f: {  	s10 =	simm.s32 $0xC680;
	[tilespmem:v0+s9+$0x0] =	vst.idx.msk $0xffff, v4;
	v3 =	vadd.f32 v8, v3;
	v6 =	vadd.f32 v8, v6;
	vm0 =	vmand vm1, vm0  }
0x20: {  	s11 =	simm.s32 $0x13E80;
	s30 =	simm.s32 $0x10;
	[tilespmem:v0+s10+$0x0] =	vst.idx.msk $0xffff, v7;
	v5 =	vadd.f32 v8, v5;
	v11 =	vadd.f32 v8, v4;
	v7 =	vnsel vm0, $0xBF800000, v2  }
0x21: {  	s12 =	simm.s32 $0xDA80;
	v2 =	vor.u32 s30, v1;
	v8 =	vsub.f32 v6, v3;
	[tilespmem:v0+s11+$0x0] =	vst.idx.msk $0xffff, v7  }
0x22: {  	s13 =	simm.s32 $0xEE80;
	s14 =	simm.s32 $0x10280;
	v9 =	vsub.f32 v11, v5;
	vm2 =	vgt.f32 v7, $0.0e+00;
	vm3 =	vlt.s32 v2, $0x1387;
	[tilespmem:v0+s12+$0x0] =	vst.idx.msk $0xffff, v3  }
0x23: {  	s17 =	stileid.u32;
	s15 =	simm.s32 $0x11680;
	s16 =	simm.s32 $0x12A80;
	v10 =	vadd.s32 $0x40000000, v7;
	v4 =	vnsel vm2, $0x0, v7;
	v3 =	vnsel vm3, $0x1387, v2;
	[tilespmem:v0+s13+$0x0] =	vst.idx.msk $0xffff, v5  }
0x24: {  	s18 =	simm.s32 $0x15280;
	s19 =	simm.s32 $0x16680;
	s31 =	sadd.s32 $0x1400, s0;
	v9 =	vmul.f32 v9, v8;
	v4 =	vnsel vm1, $0xFFFFFFFF, v4;
	v5 =	vshll.u32 v3, $0x2;
	[tilespmem:v0+s14+$0x0] =	vst.idx.msk $0xffff, v6  }
0x25: {  	s2 =	sadd.s32 $0x1200, s0;
	s0 =	simm.s32 $0x20;
	[dreg:$0x4] =	wrdreg s31;
	v7 =	vor.u32 $0x1, v5;
	v6 =	vor.u32 $0x2, v5;
	v8 =	vor.u32 $0x3, v5;
	[tilespmem:v0+s15+$0x0] =	vst.idx.msk $0xffff, v11  }
.LBB2_1:
0x26: {  	p0 =	sne.s32 s0, $0x13F0;
	[tilespmem:v0+s16+$0x0] =	vst.idx.msk $0xffff, v9;
	v9 =	vsel vm0, v10, v4;
	s20 =	smov.u32 s0;
	s0 =	sadd.s32 $0x10, s0  }
0x27: {  	[tilespmem:v0+s18+$0x0] =	vst.idx.msk $0xffff, v9  }
0x28: {  	[tilespmem:v0+s19+$0x0] =	vst.idx.msk $0xffff, v4;
	v0 =	vmov v2  }
0x29: {  	v2 =	vld.idx.msk [tilespmem:v5+s3+$0x0], $0xffff  }
0x2a: {  	v4 =	vld.idx.msk [tilespmem:v8+s3+$0x0], $0xffff  }
0x2b: {  	v5 =	vld.idx.msk [tilespmem:v7+s3+$0x0], $0xffff  }
0x2c: {  	v6 =	vld.idx.msk [tilespmem:v6+s3+$0x0], $0xffff;
	_ =	sdelay $0x2  }
0x2d: {  	v2 =	vmax.f32 v2, $0.0e+00;
	v7 =	vld.idx.msk [tilespmem:v3+s5+$0x0], $0xffff  }
0x2e: {  	v4 =	vmax.f32 v4, $0.0e+00;
	v3 =	vld.idx.msk [tilespmem:v3+s4+$0x0], $0xffff  }
0x2f: {  	v2 =	vmin.f32 v2, $1.000000000e+03;
	v5 =	vmax.f32 v5, $0.0e+00  }
0x30: {  	v4 =	vmin.f32 v4, $1.000000000e+03;
	v5 =	vmin.f32 v5, $1.000000000e+03;
	v6 =	vmax.f32 v6, $0.0e+00  }
0x31: {  	v6 =	vmin.f32 v6, $1.000000000e+03;
	v8 =	vsub.f32 v4, v5  }
0x32: {  	v9 =	vsub.f32 v6, v2  }
0x33: {  	v7 =	vcvt.s32.f32 v7;
	vm0 =	vge.f32 v8, $9.999999770e-03;
	[tilespmem:v0+s8+$0x0] =	vst.idx.msk $0xffff, v2  }
0x34: {  	vm1 =	vge.f32 v9, $9.999999770e-03;
	vm2 =	vgt.f32 v3, $5.000000070e-02;
	[tilespmem:v0+s6+$0x0] =	vst.idx.msk $0xffff, v5  }
0x35: {  	vm0 =	vmand vm1, vm0;
	v8 =	vmul.f32 $1.001000000e+03, v7;
	[tilespmem:v0+s7+$0x0] =	vst.idx.msk $0xffff, v6  }
0x36: {  	vm1 =	vlt.u32 v0, $0x1388;
	vm0 =	vmand vm2, vm0;
	[tilespmem:v0+s9+$0x0] =	vst.idx.msk $0xffff, v4  }
0x37: {  	vm0 =	vmand vm1, vm0;
	v6 =	vadd.f32 v8, v6;
	[tilespmem:v0+s10+$0x0] =	vst.idx.msk $0xffff, v7;
	v7 =	vadd.f32 v8, v2  }
0x38: {  	v5 =	vadd.f32 v8, v5;
	v11 =	vadd.f32 v8, v4;
	v10 =	vnsel vm0, $0xBF800000, v3  }
.Ltmp0:
0x39: {  	v2 =	vor.u32 s20, v1;
	vm2 =	vgt.f32 v10, $0.0e+00;
	[tilespmem:v0+s11+$0x0] =	vst.idx.msk $0xffff, v10;
	v8 =	vsub.f32 v6, v7;
	(pc) =	sbr.rel @p0 .LBB2_1-.Ltmp0, $4  }
0x3a: {  	vm3 =	vlt.s32 v2, $0x1387;
	v4 =	vnsel vm2, $0x0, v10;
	[tilespmem:v0+s12+$0x0] =	vst.idx.msk $0xffff, v7;
	v7 =	vsub.f32 v11, v5  }
0x3b: {  	v3 =	vnsel vm3, $0x1387, v2;
	v4 =	vnsel vm1, $0xFFFFFFFF, v4;
	[tilespmem:v0+s13+$0x0] =	vst.idx.msk $0xffff, v5  }
0x3c: {  	v10 =	vadd.s32 $0x40000000, v10;
	v5 =	vshll.u32 v3, $0x2;
	[tilespmem:v0+s14+$0x0] =	vst.idx.msk $0xffff, v6;
	v9 =	vmul.f32 v7, v8  }
0x3d: {  	v7 =	vor.u32 $0x1, v5;
	v6 =	vor.u32 $0x2, v5;
	v8 =	vor.u32 $0x3, v5;
	[tilespmem:v0+s15+$0x0] =	vst.idx.msk $0xffff, v11  }
0x3e: {  	_ =	sdelay $0x3  }
0x3f: {  	[tilespmem:v0+s16+$0x0] =	vst.idx.msk $0xffff, v9;
	v1 =	vsel vm0, v10, v4  }
0x40: {  	[tilespmem:v0+s18+$0x0] =	vst.idx.msk $0xffff, v1  }
0x41: {  	[tilespmem:v0+s19+$0x0] =	vst.idx.msk $0xffff, v4  }
0x42: {  	v0 =	vld.idx.msk [tilespmem:v5+s3+$0x0], $0xffff  }
0x43: {  	v1 =	vld.idx.msk [tilespmem:v8+s3+$0x0], $0xffff  }
0x44: {  	v4 =	vld.idx.msk [tilespmem:v7+s3+$0x0], $0xffff  }
0x45: {  	v55 =	vld.idx.msk [tilespmem:v6+s3+$0x0], $0xffff;
	_ =	sdelay $0x2  }
0x46: {  	v56 =	vld.idx.msk [tilespmem:v3+s5+$0x0], $0xffff  }
0x47: {  	v0 =	vmax.f32 v0, $0.0e+00;
	v1 =	vmax.f32 v1, $0.0e+00  }
0x48: {  	v3 =	vld.idx.msk [tilespmem:v3+s4+$0x0], $0xffff;
	v4 =	vmax.f32 v4, $0.0e+00;
	v5 =	vmax.f32 v55, $0.0e+00;
	v0 =	vmin.f32 v0, $1.000000000e+03  }
0x49: {  	v4 =	vmin.f32 v4, $1.000000000e+03;
	v1 =	vmin.f32 v1, $1.000000000e+03;
	v5 =	vmin.f32 v5, $1.000000000e+03  }
0x4a: {  	v57 =	vsub.f32 v1, v4;
	v58 =	vsub.f32 v5, v0  }
0x4b: {  	v6 =	vcvt.s32.f32 v56  }
0x4c: {  	[tilespmem:v2+s8+$0x0] =	vst.idx.msk $0xffff, v0;
	vm13 =	vge.f32 v57, $9.999999770e-03;
	vm1 =	vge.f32 v58, $9.999999770e-03  }
0x4d: {  	vm2 =	vgt.f32 v3, $5.000000070e-02;
	v59 =	vmul.f32 $1.001000000e+03, v6;
	[tilespmem:v2+s6+$0x0] =	vst.idx.msk $0xffff, v4;
	vm0 =	vmand vm1, vm13  }
0x4e: {  	vm14 =	vlt.u32 v2, $0x1388;
	[tilespmem:v2+s7+$0x0] =	vst.idx.msk $0xffff, v5;
	vm0 =	vmand vm2, vm0  }
0x4f: {  	v0 =	vadd.f32 v59, v0;
	v5 =	vadd.f32 v59, v5;
	[tilespmem:v2+s9+$0x0] =	vst.idx.msk $0xffff, v1;
	vm0 =	vmand vm14, vm0  }
0x50: {  	v4 =	vadd.f32 v59, v4;
	v1 =	vadd.f32 v59, v1;
	[tilespmem:v2+s10+$0x0] =	vst.idx.msk $0xffff, v6;
	v3 =	vnsel vm0, $0xBF800000, v3  }
0x51: {  	s3 =	smul.u32 $0x140, s17;
	[tilespmem:v2+s11+$0x0] =	vst.idx.msk $0xffff, v3  }
0x52: {  	v60 =	vsub.f32 v5, v0;
	v7 =	vsub.f32 v1, v4;
	[tilespmem:v2+s12+$0x0] =	vst.idx.msk $0xffff, v0  }
0x53: {  	s0 =	sadd.s32 $0x0, s3;
	vm15 =	vgt.f32 v3, $0.0e+00;
	v0 =	vlaneseq.u32;
	[tilespmem:v2+s13+$0x0] =	vst.idx.msk $0xffff, v4  }
0x54: {  	v62 =	vmul.f32 v7, v60;
	v61 =	vnsel vm15, $0x0, v3;
	v63 =	vor.u32 s0, v0;
	[tilespmem:v2+s14+$0x0] =	vst.idx.msk $0xffff, v5  }
0x55: {  	v3 =	vadd.s32 $0x40000000, v3;
	v4 =	vnsel vm14, $0xFFFFFFFF, v61;
	[tilespmem:v2+s15+$0x0] =	vst.idx.msk $0xffff, v1  }
0x56: {  	v1 =	vsel vm0, v3, v4;
	[tilespmem:v2+s16+$0x0] =	vst.idx.msk $0xffff, v62  }
0x57: {  	[tilespmem:v2+s18+$0x0] =	vst.idx.msk $0xffff, v1  }
0x58: {  	s31 =	simm.s32 $0x0;
	s8 =	simm.s32 $0x15280;
	[tilespmem:v2+s19+$0x0] =	vst.idx.msk $0xffff, v4  }
0x59: {  	v1 =	vor.u32 s31, v0;
	v2 =	vld.idx.msk [tilespmem:v63+s8+$0x0], $0xffff;
	_ =	sdelay $0x3  }
0x5a: {  	s0 =	simm.s32 $0x17A80  }
0x5b: {  	s9 =	simm.s32 $0x16680;
	[tilespmem:v1+s0+$0x0] =	vst.idx.msk $0xffff, v2  }
0x5c: {  	v2 =	vld.idx.msk [tilespmem:v63+s9+$0x0], $0xffff;
	_ =	sdelay $0x3  }
0x5d: {  	s10 =	simm.s32 $0x17C00  }
0x5e: {  	s11 =	simm.s32 $0xDA80;
	[tilespmem:v1+s10+$0x0] =	vst.idx.msk $0xffff, v2  }
0x5f: {  	v2 =	vld.idx.msk [tilespmem:v63+s11+$0x0], $0xffff;
	_ =	sdelay $0x3  }
0x60: {  	s13 =	simm.s32 $0x17D80  }
0x61: {  	s14 =	simm.s32 $0xEE80;
	[tilespmem:v1+s13+$0x0] =	vst.idx.msk $0xffff, v2  }
0x62: {  	v2 =	vld.idx.msk [tilespmem:v63+s14+$0x0], $0xffff;
	_ =	sdelay $0x3  }
0x63: {  	s15 =	simm.s32 $0x17F00  }
0x64: {  	s12 =	simm.s32 $0x10280;
	[tilespmem:v1+s15+$0x0] =	vst.idx.msk $0xffff, v2  }
0x65: {  	v2 =	vld.idx.msk [tilespmem:v63+s12+$0x0], $0xffff;
	_ =	sdelay $0x3  }
0x66: {  	s7 =	simm.s32 $0x18080  }
0x67: {  	s6 =	simm.s32 $0x11680;
	[tilespmem:v1+s7+$0x0] =	vst.idx.msk $0xffff, v2  }
0x68: {  	v2 =	vld.idx.msk [tilespmem:v63+s6+$0x0], $0xffff;
	_ =	sdelay $0x3  }
0x69: {  	s5 =	simm.s32 $0x18200  }
0x6a: {  	s4 =	simm.s32 $0x12A80;
	s20 =	sadd.s32 $0x10, s3;
	[tilespmem:v1+s5+$0x0] =	vst.idx.msk $0xffff, v2  }
0x6b: {  	s16 =	simm.s32 $0x10;
	s18 =	simm.s32 $0x18380;
	s19 =	simm.s32 $0x20;
	v2 =	vld.idx.msk [tilespmem:v63+s4+$0x0], $0xffff  }
.LBB2_3:
0x6c: {  	p0 =	sne.s32 s19, $0x130;
	v3 =	vor.u32 s20, v0;
	_ =	sdelay $0x3  }
0x6d: {  	[tilespmem:v1+s18+$0x0] =	vst.idx.msk $0xffff, v2  }
0x6e: {  	v2 =	vld.idx.msk [tilespmem:v3+s8+$0x0], $0xffff  }
0x6f: {  	v1 =	vor.u32 s16, v0;
	s16 =	smov.u32 s19;
	_ =	sdelay $0x4  }
0x70: {  	[tilespmem:v1+s0+$0x0] =	vst.idx.msk $0xffff, v2  }
0x71: {  	v2 =	vld.idx.msk [tilespmem:v3+s9+$0x0], $0xffff;
	_ =	sdelay $0x5  }
0x72: {  	[tilespmem:v1+s10+$0x0] =	vst.idx.msk $0xffff, v2  }
0x73: {  	v2 =	vld.idx.msk [tilespmem:v3+s11+$0x0], $0xffff;
	_ =	sdelay $0x5  }
0x74: {  	[tilespmem:v1+s13+$0x0] =	vst.idx.msk $0xffff, v2  }
0x75: {  	v2 =	vld.idx.msk [tilespmem:v3+s14+$0x0], $0xffff;
	_ =	sdelay $0x5  }
0x76: {  	[tilespmem:v1+s15+$0x0] =	vst.idx.msk $0xffff, v2  }
0x77: {  	v2 =	vld.idx.msk [tilespmem:v3+s12+$0x0], $0xffff;
	_ =	sdelay $0x5  }
0x78: {  	[tilespmem:v1+s7+$0x0] =	vst.idx.msk $0xffff, v2  }
0x79: {  	v2 =	vld.idx.msk [tilespmem:v3+s6+$0x0], $0xffff;
	_ =	sdelay $0x3  }
.Ltmp1:
0x7a: {  	(pc) =	sbr.rel @p0 .LBB2_3-.Ltmp1, $4  }
0x7b: {  	_ = 	snop  }
0x7c: {  	[tilespmem:v1+s5+$0x0] =	vst.idx.msk $0xffff, v2  }
0x7d: {  	v2 =	vld.idx.msk [tilespmem:v3+s4+$0x0], $0xffff  }
0x7e: {  	s19 =	sadd.s32 $0x10, s19;
	s20 =	sadd.s32 s16, s3  }
0x7f: {  	v5 =	vlaneseq.u32;
	v18 =	vmov s3  }
0x80: {  	v3 =	vor.u32 s20, v0;
	[tilespmem:$0x1FD90] =	vst v18;
	v19 =	vor.u32 $0x80000000, v5  }
0x81: {  	v21 =	vor.u32 $0x80000010, v5;
	[tilespmem:$0x1FDA0] =	vst v19  }
0x82: {  	v22 =	vor.u32 $0x80000020, v5;
	[tilespmem:$0x1FDB0] =	vst v21  }
0x83: {  	[tilespmem:$0x1FDC0] =	vst v22  }
0x84: {  	v23 =	vor.u32 $0x80000030, v5;
	[tilespmem:v1+s18+$0x0] =	vst.idx.msk $0xffff, v2  }
0x85: {  	v17 =	vor.u32 s16, v0;
	v24 =	vor.u32 $0x80000040, v5;
	[tilespmem:$0x1FDD0] =	vst v23;
	v1 =	vld.idx.msk [tilespmem:v3+s8+$0x0], $0xffff  }
0x86: {  	v25 =	vor.u32 $0x80000050, v5;
	[tilespmem:$0x1FDE0] =	vst v24  }
0x87: {  	v26 =	vor.u32 $0x80000060, v5;
	[tilespmem:$0x1FDF0] =	vst v25  }
0x88: {  	v32 =	vor.u32 $0x80000070, v5;
	[tilespmem:$0x1FE00] =	vst v26  }
0x89: {  	[tilespmem:$0x1FE10] =	vst v32  }
0x8a: {  	v33 =	vor.u32 $0x80000080, v5;
	[tilespmem:v17+s0+$0x0] =	vst.idx.msk $0xffff, v1  }
0x8b: {  	v34 =	vor.u32 $0x80000090, v5;
	[tilespmem:$0x1FE20] =	vst v33;
	v1 =	vld.idx.msk [tilespmem:v3+s9+$0x0], $0xffff  }
0x8c: {  	v35 =	vor.u32 $0x800000A0, v5;
	[tilespmem:$0x1FE30] =	vst v34  }
0x8d: {  	v36 =	vor.u32 $0x800000B0, v5;
	[tilespmem:$0x1FE40] =	vst v35  }
0x8e: {  	v37 =	vor.u32 $0x800000C0, v5;
	[tilespmem:$0x1FE50] =	vst v36  }
0x8f: {  	[tilespmem:$0x1FE60] =	vst v37  }
0x90: {  	v38 =	vor.u32 $0x800000D0, v5;
	[tilespmem:v17+s10+$0x0] =	vst.idx.msk $0xffff, v1  }
0x91: {  	v39 =	vor.u32 $0x800000E0, v5;
	[tilespmem:$0x1FE70] =	vst v38;
	v1 =	vld.idx.msk [tilespmem:v3+s11+$0x0], $0xffff  }
0x92: {  	v41 =	vor.u32 $0x800000F0, v5;
	[tilespmem:$0x1FE80] =	vst v39  }
0x93: {  	v42 =	vor.u32 $0x80000100, v5;
	[tilespmem:$0x1FE90] =	vst v41  }
0x94: {  	v4 =	vor.u32 $0x80000110, v5;
	[tilespmem:$0x1FEA0] =	vst v42  }
0x95: {  	[tilespmem:$0x1FEB0] =	vst v4  }
0x96: {  	v45 =	vor.u32 $0x80000120, v5;
	[tilespmem:v17+s13+$0x0] =	vst.idx.msk $0xffff, v1  }
0x97: {  	v46 =	vor.u32 $0x80000130, v5;
	v5 =	vmul.u32 $0x80, v5;
	[tilespmem:$0x1FEC0] =	vst v45;
	v1 =	vld.idx.msk [tilespmem:v3+s14+$0x0], $0xffff  }
0x98: {  	[tilespmem:$0x1FED0] =	vst v46  }
0x99: {  	v49 =	vor.u32 $0x1, v5;
	[tilespmem:$0x1FFE0] =	vst v5  }
0x9a: {  	v50 =	vor.u32 $0x2, v5;
	[tilespmem:$0x1FF00] =	vst v49  }
0x9b: {  	[tilespmem:$0x1FF10] =	vst v50  }
0x9c: {  	v51 =	vor.u32 $0x3, v5;
	[tilespmem:v17+s15+$0x0] =	vst.idx.msk $0xffff, v1  }
0x9d: {  	v52 =	vor.u32 $0x4, v5;
	[tilespmem:$0x1FF20] =	vst v51;
	v20 =	vld.idx.msk [tilespmem:v3+s12+$0x0], $0xffff  }
0x9e: {  	v53 =	vor.u32 $0x5, v5;
	[tilespmem:$0x1FF30] =	vst v52  }
0x9f: {  	v54 =	vor.u32 $0x6, v5;
	[tilespmem:$0x1FF40] =	vst v53  }
0xa0: {  	v55 =	vor.u32 $0x7, v5;
	[tilespmem:$0x1FF50] =	vst v54  }
0xa1: {  	[tilespmem:$0x1FF60] =	vst v55  }
0xa2: {  	v56 =	vor.u32 $0x8, v5;
	[tilespmem:v17+s7+$0x0] =	vst.idx.msk $0xffff, v20  }
0xa3: {  	v40 =	vimm.s32 $0xE40000;
	v57 =	vor.u32 $0x9, v5;
	[tilespmem:$0x1FF70] =	vst v56;
	v44 =	vld.idx.msk [tilespmem:v3+s6+$0x0], $0xffff  }
0xa4: {  	v43 =	vunpack.c.l.s2.s4 v40;
	v58 =	vor.u32 $0xA, v5;
	[tilespmem:$0x1FF80] =	vst v57  }
0xa5: {  	v59 =	vor.u32 $0xB, v5;
	[tilespmem:$0x1FF90] =	vst v58  }
0xa6: {  	v60 =	vor.u32 $0xC, v5;
	[tilespmem:$0x1FFA0] =	vst v59;
	v1 =	vunpack.c.l.s4.s8 v43  }
0xa7: {  	[tilespmem:$0x1FFB0] =	vst v60  }
0xa8: {  	v47 =	vimm.s32 $0x7060504;
	v61 =	vor.u32 $0xD, v5;
	v1 =	vunpack.c.0.s8.s32 v1;
	[tilespmem:v17+s5+$0x0] =	vst.idx.msk $0xffff, v44  }
0xa9: {  	s16 =	simm.s32 $0x12A80;
	v4 =	vunpack.c.0.s8.s32 v47;
	v62 =	vor.u32 $0xE, v5;
	[tilespmem:$0x1FFC0] =	vst v61;
	v2 =	vld.idx.msk [tilespmem:v3+s4+$0x0], $0xffff  }
0xaa: {  	vm0 =	vcmask $0x3F30;
	p0 =	sne.s32 s17, $0x0;
	v63 =	vor.u32 $0xF, v5;
	[tilespmem:$0x1FFD0] =	vst v62;
	s8 =	simm.s32 $0x18500;
	s9 =	simm.s32 $0x1;
	v1 =	vand.u32 $0x3, v1  }
0xab: {  	vm1 =	vmmov $0xff;
	v48 =	vimm.s32 $0x0;
	[tilespmem:$0x1FFF0] =	vst v63;
	s10 =	simm.s32 $0x18600;
	s11 =	simm.s32 $0x16680;
	s13 =	simm.s32 $0xEE80;
	v1 =	vsel vm0, v4, v1  }
0xac: {  	s14 =	simm.s32 $0x10280;
	s15 =	simm.s32 $0x11680;
	s12 =	simm.s32 $0xDA80;
	[tilespmem:$0x1FEF0] =	vst v1;
	v3 =	vsel vm1, $0xFFFFFFFF, v48  }
0xad: {  	s7 =	simm.s32 $0x18580;
	s6 =	simm.s32 $0x17A80;
	s5 =	simm.s32 $0x0;
	[tilespmem:$0x1FEE0] =	vst v3  }
0xae: {  	v29 =	vimm.s32 $0xFFFFFFFB;
	s4 =	sshll.u32 s17, $0x7;
	s17 =	simm.s32 $0x0;
	[tilespmem:v17+s18+$0x0] =	vst.idx.msk $0xffff, v2;
	s18 =	simm.s32 $0x0  }
.LBB2_5:
0xaf: {  	v0 =	vld [tilespmem:$0x17A80]  }
0xb0: {  	v1 =	vld [tilespmem:$0x17A90];
	_ =	sdelay $0x1  }
0xb1: {  	v2 =	vld [tilespmem:$0x17AA0];
	_ =	sdelay $0x1  }
0xb2: {  	v3 =	vld [tilespmem:$0x17AB0]  }
0xb3: {  	vm0 =	vgt.s32 v1, v0  }
0xb4: {  	v4 =	vimm.s32 $0x0;
	v25 =	vld [tilespmem:$0x17AC0];
	v1 =	vsel vm0, v1, v0  }
0xb5: {  	v4 =	vsel vm0, $0xFFFFFFFF, v4;
	vm0 =	vgt.s32 v2, v1  }
0xb6: {  	v5 =	vimm.s32 $0x0;
	v26 =	vld [tilespmem:$0x17AD0];
	v1 =	vsel vm0, v2, v1  }
0xb7: {  	v5 =	vsel vm0, $0xFFFFFFFF, v5;
	vm0 =	vgt.s32 v3, v1  }
0xb8: {  	v32 =	vimm.s32 $0x0;
	v33 =	vld [tilespmem:$0x17AE0];
	v1 =	vsel vm0, v3, v1  }
0xb9: {  	[tilespmem:$0x1F810] =	vst v5;
	v5 =	vsel vm0, $0xFFFFFFFF, v32;
	vm0 =	vgt.s32 v25, v1  }
0xba: {  	v35 =	vld [tilespmem:$0x17AF0];
	v1 =	vsel vm0, v25, v1  }
0xbb: {  	vm13 =	vgt.s32 v26, v1  }
0xbc: {  	v36 =	vld [tilespmem:$0x17B00];
	v1 =	vsel vm13, v26, v1  }
0xbd: {  	vm14 =	vgt.s32 v33, v1  }
0xbe: {  	v37 =	vld [tilespmem:$0x17B10];
	v1 =	vsel vm14, v33, v1  }
0xbf: {  	vm15 =	vgt.s32 v35, v1  }
0xc0: {  	v38 =	vld [tilespmem:$0x17B20];
	v1 =	vsel vm15, v35, v1  }
0xc1: {  	vm11 =	vgt.s32 v36, v1  }
0xc2: {  	v39 =	vld [tilespmem:$0x17B30];
	v1 =	vsel vm11, v36, v1  }
0xc3: {  	vm10 =	vgt.s32 v37, v1  }
0xc4: {  	v40 =	vld [tilespmem:$0x17B40];
	v1 =	vsel vm10, v37, v1  }
0xc5: {  	vm9 =	vgt.s32 v38, v1  }
0xc6: {  	v41 =	vld [tilespmem:$0x17B50];
	v1 =	vsel vm9, v38, v1  }
0xc7: {  	vm3 =	vgt.s32 v39, v1  }
0xc8: {  	v42 =	vld [tilespmem:$0x17B60];
	v1 =	vsel vm3, v39, v1  }
0xc9: {  	vm4 =	vgt.s32 v40, v1  }
0xca: {  	v43 =	vld [tilespmem:$0x17B70];
	v1 =	vsel vm4, v40, v1  }
0xcb: {  	vm5 =	vgt.s32 v41, v1  }
0xcc: {  	v44 =	vld [tilespmem:$0x17B80];
	v1 =	vsel vm5, v41, v1  }
0xcd: {  	vm6 =	vgt.s32 v42, v1  }
0xce: {  	v45 =	vld [tilespmem:$0x17B90];
	v1 =	vsel vm6, v42, v1  }
0xcf: {  	vm7 =	vgt.s32 v43, v1  }
0xd0: {  	v46 =	vld [tilespmem:$0x17BA0];
	v1 =	vsel vm7, v43, v1  }
0xd1: {  	vm8 =	vgt.s32 v44, v1  }
0xd2: {  	v34 =	vimm.s32 $0x0;
	v47 =	vld [tilespmem:$0x17BB0];
	v1 =	vsel vm8, v44, v1  }
0xd3: {  	[tilespmem:$0x1F820] =	vst v5;
	v5 =	vsel vm0, $0xFFFFFFFF, v34;
	vm0 =	vgt.s32 v45, v1  }
0xd4: {  	v1 =	vsel vm0, v45, v1  }
0xd5: {  	vm1 =	vgt.s32 v46, v1  }
0xd6: {  	v6 =	vld [tilespmem:$0x1FDA0];
	v1 =	vsel vm1, v46, v1  }
0xd7: {  	v7 =	vld [tilespmem:$0x1FDB0];
	vm2 =	vgt.s32 v47, v1  }
0xd8: {  	v8 =	vld [tilespmem:$0x1FDC0];
	v1 =	vsel vm2, v47, v1  }
0xd9: {  	v9 =	vld [tilespmem:$0x1FDD0];
	[tilespmem:$0x1F800] =	vst v4;
	v48 =	vxor.u32 $0x80000000, v1  }
0xda: {  	v49 =	vld [tilespmem:$0x1F800];
	(xrf0) =	vmax.scan.msk.u32 $0xffff, v48  }
0xdb: {  	v51 =	vld [tilespmem:$0x1F810]  }
0xdc: {  	v52 =	vld [tilespmem:$0x1F820];
	[tilespmem:$0x1F830] =	vst v5  }
0xdd: {  	v53 =	vld [tilespmem:$0x1F830]  }
0xde: {  	v10 =	vld [tilespmem:$0x1FDE0];
	vm12 =	veq.s32 v0, $0x80000000  }
0xdf: {  	v11 =	vld [tilespmem:$0x1FDF0];
	v0 =	vsel vm12, $0x80000000, v6;
	vm12 =	vnez.u8 v49  }
0xe0: {  	v12 =	vld [tilespmem:$0x1FE00];
	v0 =	vsel vm12, v7, v0;
	vm12 =	vnez.u8 v51;
	v50, _, _ =	vpop (xrf0)  }
0xe1: {  	v13 =	vld [tilespmem:$0x1FE10];
	v0 =	vsel vm12, v8, v0;
	vm12 =	vnez.u8 v52;
	(v2sf) =	vpush v50, $0xF  }
0xe2: {  	v14 =	vld [tilespmem:$0x1FE20];
	v0 =	vsel vm12, v9, v0;
	vm12 =	vnez.u8 v53  }
0xe3: {  	v15 =	vld [tilespmem:$0x1FE30];
	v0 =	vsel vm12, v10, v0  }
0xe4: {  	v16 =	vld [tilespmem:$0x1FE40];
	v0 =	vsel vm13, v11, v0  }
0xe5: {  	v17 =	vld [tilespmem:$0x1FE50];
	v0 =	vsel vm14, v12, v0  }
0xe6: {  	v18 =	vld [tilespmem:$0x1FE60];
	v0 =	vsel vm15, v13, v0  }
0xe7: {  	v19 =	vld [tilespmem:$0x1FE70];
	v0 =	vsel vm11, v14, v0  }
0xe8: {  	v20 =	vld [tilespmem:$0x1FE80];
	v0 =	vsel vm10, v15, v0  }
0xe9: {  	v21 =	vld [tilespmem:$0x1FE90];
	v0 =	vsel vm9, v16, v0  }
0xea: {  	v22 =	vld [tilespmem:$0x1FEA0];
	v0 =	vsel vm3, v17, v0  }
0xeb: {  	v23 =	vld [tilespmem:$0x1FEB0];
	v0 =	vsel vm4, v18, v0  }
0xec: {  	v24 =	vld [tilespmem:$0x1FEC0];
	v0 =	vsel vm5, v19, v0  }
0xed: {  	v25 =	vld [tilespmem:$0x1FED0];
	v0 =	vsel vm6, v20, v0  }
0xee: {  	v0 =	vsel vm7, v21, v0  }
0xef: {  	v0 =	vsel vm8, v22, v0  }
0xf0: {  	v0 =	vsel vm0, v23, v0;
	s0 =	spop (v2sf)  }
0xf1: {  	v0 =	vsel vm1, v24, v0;
	s19 =	sxor.u32 $0x80000000, s0  }
0xf2: {  	v0 =	vsel vm2, v25, v0;
	vm5 =	veq.s32 v1, s19  }
0xf3: {  	v0 =	vnsel vm5, $0xC0000000, v0  }
0xf4: {  	(xrf0) =	vmin.scan.msk.u32 $0xffff, v0;
	_ =	sdelay $0x5  }
0xf5: {  	v0, _, _ =	vpop (xrf0)  }
0xf6: {  	(v2sf) =	vpush v0, $0xF;
	_ =	sdelay $0xe  }
0xf7: {  	s1 =	spop (v2sf)  }
0xf8: {  	s0 =	sxor.u32 $0x80000000, s1  }
0xf9: {  	v0 =	vmov s0;
	_ =	sdelay $0x4  }
0xfa: {  	[tilespmem:v0+s6+$0x0] =	vst.idx.msk $0x1, v29  }
0xfb: {  	v54 =	vld [tilespmem:$0x17A80]  }
0xfc: {  	v55 =	vld [tilespmem:$0x17A90];
	_ =	sdelay $0x1  }
0xfd: {  	v56 =	vld [tilespmem:$0x17AA0];
	_ =	sdelay $0x1  }
0xfe: {  	v57 =	vld [tilespmem:$0x17AB0]  }
0xff: {  	vm12 =	vgt.s32 v55, v54  }
0x100: {  	v59 =	vld [tilespmem:$0x17AC0];
	v2 =	vsel vm12, v55, v54  }
0x101: {  	vm0 =	vgt.s32 v56, v2  }
0x102: {  	v26 =	vimm.s32 $0x0;
	v60 =	vld [tilespmem:$0x17AD0];
	v2 =	vsel vm0, v56, v2  }
0x103: {  	v26 =	vsel vm0, $0xFFFFFFFF, v26;
	vm0 =	vgt.s32 v57, v2  }
0x104: {  	v61 =	vimm.s32 $0x0;
	v62 =	vld [tilespmem:$0x17AE0];
	v2 =	vsel vm0, v57, v2  }
0x105: {  	[tilespmem:$0x1F850] =	vst v26;
	v26 =	vsel vm0, $0xFFFFFFFF, v61;
	vm0 =	vgt.s32 v59, v2  }
0x106: {  	v32 =	vld [tilespmem:$0x17AF0];
	v2 =	vsel vm0, v59, v2  }
0x107: {  	vm13 =	vgt.s32 v60, v2  }
0x108: {  	v33 =	vld [tilespmem:$0x17B00];
	v2 =	vsel vm13, v60, v2  }
0x109: {  	vm14 =	vgt.s32 v62, v2  }
0x10a: {  	v34 =	vld [tilespmem:$0x17B10];
	v2 =	vsel vm14, v62, v2  }
0x10b: {  	vm15 =	vgt.s32 v32, v2  }
0x10c: {  	v35 =	vld [tilespmem:$0x17B20];
	v2 =	vsel vm15, v32, v2  }
0x10d: {  	vm11 =	vgt.s32 v33, v2  }
0x10e: {  	v36 =	vld [tilespmem:$0x17B30];
	v2 =	vsel vm11, v33, v2  }
0x10f: {  	vm10 =	vgt.s32 v34, v2  }
0x110: {  	v37 =	vld [tilespmem:$0x17B40];
	v2 =	vsel vm10, v34, v2  }
0x111: {  	vm9 =	vgt.s32 v35, v2  }
0x112: {  	v38 =	vld [tilespmem:$0x17B50];
	v2 =	vsel vm9, v35, v2  }
0x113: {  	vm3 =	vgt.s32 v36, v2  }
0x114: {  	v39 =	vld [tilespmem:$0x17B60];
	v2 =	vsel vm3, v36, v2  }
0x115: {  	vm4 =	vgt.s32 v37, v2  }
0x116: {  	v40 =	vld [tilespmem:$0x17B70];
	v2 =	vsel vm4, v37, v2  }
0x117: {  	vm5 =	vgt.s32 v38, v2  }
0x118: {  	v41 =	vld [tilespmem:$0x17B80];
	v2 =	vsel vm5, v38, v2  }
0x119: {  	vm6 =	vgt.s32 v39, v2  }
0x11a: {  	v42 =	vld [tilespmem:$0x17B90];
	v2 =	vsel vm6, v39, v2  }
0x11b: {  	vm7 =	vgt.s32 v40, v2  }
0x11c: {  	v43 =	vld [tilespmem:$0x17BA0];
	v2 =	vsel vm7, v40, v2  }
0x11d: {  	vm8 =	vgt.s32 v41, v2  }
0x11e: {  	v63 =	vimm.s32 $0x0;
	v44 =	vld [tilespmem:$0x17BB0];
	v2 =	vsel vm8, v41, v2  }
0x11f: {  	[tilespmem:$0x1F860] =	vst v26;
	v26 =	vsel vm0, $0xFFFFFFFF, v63;
	vm0 =	vgt.s32 v42, v2  }
0x120: {  	v2 =	vsel vm0, v42, v2  }
0x121: {  	vm1 =	vgt.s32 v43, v2  }
0x122: {  	v2 =	vsel vm1, v43, v2  }
0x123: {  	v58 =	vimm.s32 $0x0;
	vm2 =	vgt.s32 v44, v2  }
0x124: {  	v5 =	vsel vm12, $0xFFFFFFFF, v58;
	v2 =	vsel vm2, v44, v2  }
0x125: {  	[tilespmem:$0x1F840] =	vst v5;
	v45 =	vxor.u32 $0x80000000, v2  }
0x126: {  	v46 =	vld [tilespmem:$0x1F840];
	(xrf0) =	vmax.scan.msk.u32 $0xffff, v45  }
0x127: {  	v48 =	vld [tilespmem:$0x1F850]  }
0x128: {  	v49 =	vld [tilespmem:$0x1F860];
	[tilespmem:$0x1F870] =	vst v26  }
0x129: {  	v50 =	vld [tilespmem:$0x1F870]  }
0x12a: {  	vm12 =	veq.s32 v54, $0x80000000  }
0x12b: {  	v1 =	vsel vm12, $0x80000000, v6;
	vm12 =	vnez.u8 v46  }
0x12c: {  	v1 =	vsel vm12, v7, v1;
	vm12 =	vnez.u8 v48;
	v47, _, _ =	vpop (xrf0)  }
0x12d: {  	v1 =	vsel vm12, v8, v1;
	vm12 =	vnez.u8 v49;
	(v2sf) =	vpush v47, $0xF  }
0x12e: {  	v1 =	vsel vm12, v9, v1;
	vm12 =	vnez.u8 v50  }
0x12f: {  	v1 =	vsel vm12, v10, v1  }
0x130: {  	v1 =	vsel vm13, v11, v1  }
0x131: {  	v1 =	vsel vm14, v12, v1  }
0x132: {  	v1 =	vsel vm15, v13, v1  }
0x133: {  	v1 =	vsel vm11, v14, v1  }
0x134: {  	v1 =	vsel vm10, v15, v1  }
0x135: {  	v1 =	vsel vm9, v16, v1  }
0x136: {  	v1 =	vsel vm3, v17, v1  }
0x137: {  	v1 =	vsel vm4, v18, v1  }
0x138: {  	v1 =	vsel vm5, v19, v1  }
0x139: {  	v1 =	vsel vm6, v20, v1  }
0x13a: {  	v1 =	vsel vm7, v21, v1  }
0x13b: {  	v1 =	vsel vm8, v22, v1  }
0x13c: {  	v1 =	vsel vm0, v23, v1;
	s20 =	spop (v2sf)  }
0x13d: {  	v1 =	vsel vm1, v24, v1;
	s20 =	sxor.u32 $0x80000000, s20  }
0x13e: {  	v1 =	vsel vm2, v25, v1;
	vm13 =	veq.s32 v2, s20  }
0x13f: {  	v1 =	vnsel vm13, $0xC0000000, v1  }
0x140: {  	(xrf0) =	vmin.scan.msk.u32 $0xffff, v1;
	_ =	sdelay $0x5  }
0x141: {  	v1, _, _ =	vpop (xrf0)  }
0x142: {  	(v2sf) =	vpush v1, $0xF;
	_ =	sdelay $0xe  }
0x143: {  	s21 =	spop (v2sf)  }
0x144: {  	s21 =	sxor.u32 $0x80000000, s21  }
0x145: {  	v51 =	vmov s21;
	_ =	sdelay $0x4  }
0x146: {  	[tilespmem:v51+s6+$0x0] =	vst.idx.msk $0x1, v29  }
0x147: {  	v1 =	vld [tilespmem:$0x17A80]  }
0x148: {  	v52 =	vld [tilespmem:$0x17A90];
	_ =	sdelay $0x1  }
0x149: {  	v53 =	vld [tilespmem:$0x17AA0];
	_ =	sdelay $0x1  }
0x14a: {  	v54 =	vld [tilespmem:$0x17AB0]  }
0x14b: {  	vm14 =	vgt.s32 v52, v1  }
0x14c: {  	v56 =	vld [tilespmem:$0x17AC0];
	v2 =	vsel vm14, v52, v1  }
0x14d: {  	vm0 =	vgt.s32 v53, v2  }
0x14e: {  	v57 =	vimm.s32 $0x0;
	v58 =	vld [tilespmem:$0x17AD0];
	v2 =	vsel vm0, v53, v2  }
0x14f: {  	v26 =	vsel vm0, $0xFFFFFFFF, v57;
	vm0 =	vgt.s32 v54, v2  }
0x150: {  	v59 =	vimm.s32 $0x0;
	v60 =	vld [tilespmem:$0x17AE0];
	v2 =	vsel vm0, v54, v2  }
0x151: {  	[tilespmem:$0x1F890] =	vst v26;
	v26 =	vsel vm0, $0xFFFFFFFF, v59;
	vm0 =	vgt.s32 v56, v2  }
0x152: {  	v62 =	vld [tilespmem:$0x17AF0];
	v2 =	vsel vm0, v56, v2  }
0x153: {  	vm13 =	vgt.s32 v58, v2  }
0x154: {  	v55 =	vimm.s32 $0x0;
	v61 =	vimm.s32 $0x0;
	v63 =	vld [tilespmem:$0x17B00];
	v2 =	vsel vm13, v58, v2  }
0x155: {  	v5 =	vsel vm14, $0xFFFFFFFF, v55;
	[tilespmem:$0x1F8A0] =	vst v26;
	v26 =	vsel vm0, $0xFFFFFFFF, v61;
	vm14 =	vgt.s32 v60, v2  }
0x156: {  	[tilespmem:$0x1F8B0] =	vst v26;
	v26 =	vld [tilespmem:$0x17B10];
	v2 =	vsel vm14, v60, v2  }
0x157: {  	vm15 =	vgt.s32 v62, v2  }
0x158: {  	v32 =	vld [tilespmem:$0x17B20];
	v2 =	vsel vm15, v62, v2  }
0x159: {  	vm11 =	vgt.s32 v63, v2  }
0x15a: {  	v33 =	vld [tilespmem:$0x17B30];
	v2 =	vsel vm11, v63, v2  }
0x15b: {  	vm10 =	vgt.s32 v26, v2  }
0x15c: {  	v34 =	vld [tilespmem:$0x17B40];
	v2 =	vsel vm10, v26, v2  }
0x15d: {  	vm9 =	vgt.s32 v32, v2  }
0x15e: {  	v35 =	vld [tilespmem:$0x17B50];
	v2 =	vsel vm9, v32, v2  }
0x15f: {  	vm3 =	vgt.s32 v33, v2  }
0x160: {  	v36 =	vld [tilespmem:$0x17B60];
	v2 =	vsel vm3, v33, v2  }
0x161: {  	vm4 =	vgt.s32 v34, v2  }
0x162: {  	v37 =	vld [tilespmem:$0x17B70];
	v2 =	vsel vm4, v34, v2  }
0x163: {  	vm5 =	vgt.s32 v35, v2  }
0x164: {  	v38 =	vld [tilespmem:$0x17B80];
	v2 =	vsel vm5, v35, v2  }
0x165: {  	vm6 =	vgt.s32 v36, v2  }
0x166: {  	v39 =	vld [tilespmem:$0x17B90];
	v2 =	vsel vm6, v36, v2  }
0x167: {  	vm7 =	vgt.s32 v37, v2  }
0x168: {  	v40 =	vld [tilespmem:$0x17BA0];
	v2 =	vsel vm7, v37, v2  }
0x169: {  	vm8 =	vgt.s32 v38, v2  }
0x16a: {  	v41 =	vld [tilespmem:$0x17BB0];
	v2 =	vsel vm8, v38, v2  }
0x16b: {  	vm0 =	vgt.s32 v39, v2  }
0x16c: {  	v2 =	vsel vm0, v39, v2  }
0x16d: {  	vm1 =	vgt.s32 v40, v2  }
0x16e: {  	v2 =	vsel vm1, v40, v2  }
0x16f: {  	vm2 =	vgt.s32 v41, v2  }
0x170: {  	v2 =	vsel vm2, v41, v2  }
0x171: {  	[tilespmem:$0x1F880] =	vst v5;
	v42 =	vxor.u32 $0x80000000, v2  }
0x172: {  	v43 =	vld [tilespmem:$0x1F880];
	(xrf0) =	vmax.scan.msk.u32 $0xffff, v42  }
0x173: {  	v45 =	vld [tilespmem:$0x1F890]  }
0x174: {  	v46 =	vld [tilespmem:$0x1F8A0]  }
0x175: {  	v47 =	vld [tilespmem:$0x1F8B0]  }
0x176: {  	vm12 =	veq.s32 v1, $0x80000000  }
0x177: {  	v1 =	vsel vm12, $0x80000000, v6;
	vm12 =	vnez.u8 v43  }
0x178: {  	v1 =	vsel vm12, v7, v1;
	vm12 =	vnez.u8 v45;
	v44, _, _ =	vpop (xrf0)  }
0x179: {  	v1 =	vsel vm12, v8, v1;
	vm12 =	vnez.u8 v46;
	(v2sf) =	vpush v44, $0xF  }
0x17a: {  	v1 =	vsel vm12, v9, v1;
	vm12 =	vnez.u8 v47  }
0x17b: {  	v1 =	vsel vm12, v10, v1  }
0x17c: {  	v1 =	vsel vm13, v11, v1  }
0x17d: {  	v1 =	vsel vm14, v12, v1  }
0x17e: {  	v1 =	vsel vm15, v13, v1  }
0x17f: {  	v1 =	vsel vm11, v14, v1  }
0x180: {  	v1 =	vsel vm10, v15, v1  }
0x181: {  	v1 =	vsel vm9, v16, v1  }
0x182: {  	v1 =	vsel vm3, v17, v1  }
0x183: {  	v1 =	vsel vm4, v18, v1  }
0x184: {  	v1 =	vsel vm5, v19, v1  }
0x185: {  	v1 =	vsel vm6, v20, v1  }
0x186: {  	v1 =	vsel vm7, v21, v1  }
0x187: {  	v1 =	vsel vm8, v22, v1  }
0x188: {  	v1 =	vsel vm0, v23, v1;
	s22 =	spop (v2sf)  }
0x189: {  	v1 =	vsel vm1, v24, v1;
	s22 =	sxor.u32 $0x80000000, s22  }
0x18a: {  	v1 =	vsel vm2, v25, v1;
	vm15 =	veq.s32 v2, s22  }
0x18b: {  	v1 =	vnsel vm15, $0xC0000000, v1  }
0x18c: {  	(xrf0) =	vmin.scan.msk.u32 $0xffff, v1;
	_ =	sdelay $0x5  }
0x18d: {  	v1, _, _ =	vpop (xrf0)  }
0x18e: {  	(v2sf) =	vpush v1, $0xF;
	_ =	sdelay $0xe  }
0x18f: {  	s23 =	spop (v2sf)  }
0x190: {  	s23 =	sxor.u32 $0x80000000, s23  }
0x191: {  	v48 =	vmov s23;
	_ =	sdelay $0x4  }
0x192: {  	[tilespmem:v48+s6+$0x0] =	vst.idx.msk $0x1, v29  }
0x193: {  	v1 =	vld [tilespmem:$0x17A80]  }
0x194: {  	v49 =	vld [tilespmem:$0x17A90];
	_ =	sdelay $0x1  }
0x195: {  	v50 =	vld [tilespmem:$0x17AA0];
	_ =	sdelay $0x1  }
0x196: {  	v51 =	vld [tilespmem:$0x17AB0]  }
0x197: {  	vm4 =	vgt.s32 v49, v1  }
0x198: {  	v53 =	vld [tilespmem:$0x17AC0];
	v2 =	vsel vm4, v49, v1  }
0x199: {  	vm0 =	vgt.s32 v50, v2  }
0x19a: {  	v54 =	vimm.s32 $0x0;
	v55 =	vld [tilespmem:$0x17AD0];
	v2 =	vsel vm0, v50, v2  }
0x19b: {  	v26 =	vsel vm0, $0xFFFFFFFF, v54;
	vm0 =	vgt.s32 v51, v2  }
0x19c: {  	v56 =	vimm.s32 $0x0;
	v57 =	vld [tilespmem:$0x17AE0];
	v2 =	vsel vm0, v51, v2  }
0x19d: {  	[tilespmem:$0x1F8D0] =	vst v26;
	v26 =	vsel vm0, $0xFFFFFFFF, v56;
	vm0 =	vgt.s32 v53, v2  }
0x19e: {  	v59 =	vld [tilespmem:$0x17AF0];
	v2 =	vsel vm0, v53, v2  }
0x19f: {  	vm13 =	vgt.s32 v55, v2  }
0x1a0: {  	v60 =	vld [tilespmem:$0x17B00];
	v2 =	vsel vm13, v55, v2  }
0x1a1: {  	vm14 =	vgt.s32 v57, v2  }
0x1a2: {  	v61 =	vld [tilespmem:$0x17B10];
	v2 =	vsel vm14, v57, v2  }
0x1a3: {  	vm15 =	vgt.s32 v59, v2  }
0x1a4: {  	v62 =	vld [tilespmem:$0x17B20];
	v2 =	vsel vm15, v59, v2  }
0x1a5: {  	vm11 =	vgt.s32 v60, v2  }
0x1a6: {  	v58 =	vimm.s32 $0x0;
	v63 =	vld [tilespmem:$0x17B30];
	v2 =	vsel vm11, v60, v2  }
0x1a7: {  	[tilespmem:$0x1F8E0] =	vst v26;
	v26 =	vsel vm0, $0xFFFFFFFF, v58;
	vm10 =	vgt.s32 v61, v2  }
0x1a8: {  	[tilespmem:$0x1F8F0] =	vst v26;
	v26 =	vld [tilespmem:$0x17B40];
	v2 =	vsel vm10, v61, v2  }
0x1a9: {  	vm9 =	vgt.s32 v62, v2  }
0x1aa: {  	v32 =	vld [tilespmem:$0x17B50];
	v2 =	vsel vm9, v62, v2  }
0x1ab: {  	vm3 =	vgt.s32 v63, v2  }
0x1ac: {  	v52 =	vimm.s32 $0x0;
	v33 =	vld [tilespmem:$0x17B60];
	v2 =	vsel vm3, v63, v2  }
0x1ad: {  	v5 =	vsel vm4, $0xFFFFFFFF, v52;
	vm4 =	vgt.s32 v26, v2  }
0x1ae: {  	v34 =	vld [tilespmem:$0x17B70];
	v2 =	vsel vm4, v26, v2  }
0x1af: {  	vm5 =	vgt.s32 v32, v2  }
0x1b0: {  	v35 =	vld [tilespmem:$0x17B80];
	v2 =	vsel vm5, v32, v2  }
0x1b1: {  	vm6 =	vgt.s32 v33, v2  }
0x1b2: {  	v36 =	vld [tilespmem:$0x17B90];
	v2 =	vsel vm6, v33, v2  }
0x1b3: {  	vm7 =	vgt.s32 v34, v2  }
0x1b4: {  	v37 =	vld [tilespmem:$0x17BA0];
	v2 =	vsel vm7, v34, v2  }
0x1b5: {  	vm8 =	vgt.s32 v35, v2  }
0x1b6: {  	v38 =	vld [tilespmem:$0x17BB0];
	v2 =	vsel vm8, v35, v2  }
0x1b7: {  	vm0 =	vgt.s32 v36, v2  }
0x1b8: {  	v2 =	vsel vm0, v36, v2  }
0x1b9: {  	vm1 =	vgt.s32 v37, v2  }
0x1ba: {  	v2 =	vsel vm1, v37, v2  }
0x1bb: {  	vm2 =	vgt.s32 v38, v2  }
0x1bc: {  	v2 =	vsel vm2, v38, v2  }
0x1bd: {  	[tilespmem:$0x1F8C0] =	vst v5;
	v39 =	vxor.u32 $0x80000000, v2  }
0x1be: {  	v40 =	vld [tilespmem:$0x1F8C0];
	(xrf0) =	vmax.scan.msk.u32 $0xffff, v39  }
0x1bf: {  	v42 =	vld [tilespmem:$0x1F8D0]  }
0x1c0: {  	v43 =	vld [tilespmem:$0x1F8E0]  }
0x1c1: {  	v44 =	vld [tilespmem:$0x1F8F0]  }
0x1c2: {  	vm12 =	veq.s32 v1, $0x80000000  }
0x1c3: {  	v1 =	vsel vm12, $0x80000000, v6;
	vm12 =	vnez.u8 v40  }
0x1c4: {  	v1 =	vsel vm12, v7, v1;
	vm12 =	vnez.u8 v42;
	v41, _, _ =	vpop (xrf0)  }
0x1c5: {  	v1 =	vsel vm12, v8, v1;
	vm12 =	vnez.u8 v43;
	(v2sf) =	vpush v41, $0xF  }
0x1c6: {  	v1 =	vsel vm12, v9, v1;
	vm12 =	vnez.u8 v44  }
0x1c7: {  	v1 =	vsel vm12, v10, v1  }
0x1c8: {  	v1 =	vsel vm13, v11, v1  }
0x1c9: {  	v1 =	vsel vm14, v12, v1  }
0x1ca: {  	v1 =	vsel vm15, v13, v1  }
0x1cb: {  	v1 =	vsel vm11, v14, v1  }
0x1cc: {  	v1 =	vsel vm10, v15, v1  }
0x1cd: {  	v1 =	vsel vm9, v16, v1  }
0x1ce: {  	v1 =	vsel vm3, v17, v1  }
0x1cf: {  	v1 =	vsel vm4, v18, v1  }
0x1d0: {  	v1 =	vsel vm5, v19, v1  }
0x1d1: {  	v1 =	vsel vm6, v20, v1  }
0x1d2: {  	v1 =	vsel vm7, v21, v1  }
0x1d3: {  	v1 =	vsel vm8, v22, v1  }
0x1d4: {  	v1 =	vsel vm0, v23, v1;
	s24 =	spop (v2sf)  }
0x1d5: {  	v1 =	vsel vm1, v24, v1;
	s24 =	sxor.u32 $0x80000000, s24  }
0x1d6: {  	v1 =	vsel vm2, v25, v1;
	vm5 =	veq.s32 v2, s24  }
0x1d7: {  	v1 =	vnsel vm5, $0xC0000000, v1  }
0x1d8: {  	(xrf0) =	vmin.scan.msk.u32 $0xffff, v1;
	_ =	sdelay $0x5  }
0x1d9: {  	v1, _, _ =	vpop (xrf0)  }
0x1da: {  	(v2sf) =	vpush v1, $0xF;
	_ =	sdelay $0xe  }
0x1db: {  	s25 =	spop (v2sf)  }
0x1dc: {  	s25 =	sxor.u32 $0x80000000, s25  }
0x1dd: {  	v45 =	vmov s25;
	_ =	sdelay $0x4  }
0x1de: {  	[tilespmem:v45+s6+$0x0] =	vst.idx.msk $0x1, v29  }
0x1df: {  	v1 =	vld [tilespmem:$0x17A80]  }
0x1e0: {  	v46 =	vld [tilespmem:$0x17A90];
	_ =	sdelay $0x1  }
0x1e1: {  	v47 =	vld [tilespmem:$0x17AA0];
	_ =	sdelay $0x1  }
0x1e2: {  	v48 =	vld [tilespmem:$0x17AB0]  }
0x1e3: {  	vm12 =	vgt.s32 v46, v1  }
0x1e4: {  	v50 =	vld [tilespmem:$0x17AC0];
	v2 =	vsel vm12, v46, v1  }
0x1e5: {  	vm0 =	vgt.s32 v47, v2  }
0x1e6: {  	v51 =	vimm.s32 $0x0;
	v52 =	vld [tilespmem:$0x17AD0];
	v2 =	vsel vm0, v47, v2  }
0x1e7: {  	v26 =	vsel vm0, $0xFFFFFFFF, v51;
	vm0 =	vgt.s32 v48, v2  }
0x1e8: {  	v53 =	vimm.s32 $0x0;
	v54 =	vld [tilespmem:$0x17AE0];
	v2 =	vsel vm0, v48, v2  }
0x1e9: {  	[tilespmem:$0x1F910] =	vst v26;
	v26 =	vsel vm0, $0xFFFFFFFF, v53;
	vm0 =	vgt.s32 v50, v2  }
0x1ea: {  	v56 =	vld [tilespmem:$0x17AF0];
	v2 =	vsel vm0, v50, v2  }
0x1eb: {  	vm13 =	vgt.s32 v52, v2  }
0x1ec: {  	v57 =	vld [tilespmem:$0x17B00];
	v2 =	vsel vm13, v52, v2  }
0x1ed: {  	vm14 =	vgt.s32 v54, v2  }
0x1ee: {  	v58 =	vld [tilespmem:$0x17B10];
	v2 =	vsel vm14, v54, v2  }
0x1ef: {  	vm15 =	vgt.s32 v56, v2  }
0x1f0: {  	v59 =	vld [tilespmem:$0x17B20];
	v2 =	vsel vm15, v56, v2  }
0x1f1: {  	vm11 =	vgt.s32 v57, v2  }
0x1f2: {  	v60 =	vld [tilespmem:$0x17B30];
	v2 =	vsel vm11, v57, v2  }
0x1f3: {  	vm10 =	vgt.s32 v58, v2  }
0x1f4: {  	v61 =	vld [tilespmem:$0x17B40];
	v2 =	vsel vm10, v58, v2  }
0x1f5: {  	vm9 =	vgt.s32 v59, v2  }
0x1f6: {  	v62 =	vld [tilespmem:$0x17B50];
	v2 =	vsel vm9, v59, v2  }
0x1f7: {  	vm3 =	vgt.s32 v60, v2  }
0x1f8: {  	v55 =	vimm.s32 $0x0;
	v63 =	vld [tilespmem:$0x17B60];
	v2 =	vsel vm3, v60, v2  }
0x1f9: {  	[tilespmem:$0x1F920] =	vst v26;
	v26 =	vsel vm0, $0xFFFFFFFF, v55;
	vm4 =	vgt.s32 v61, v2  }
0x1fa: {  	[tilespmem:$0x1F930] =	vst v26;
	v26 =	vld [tilespmem:$0x17B70];
	v2 =	vsel vm4, v61, v2  }
0x1fb: {  	vm5 =	vgt.s32 v62, v2  }
0x1fc: {  	v32 =	vld [tilespmem:$0x17B80];
	v2 =	vsel vm5, v62, v2  }
0x1fd: {  	vm6 =	vgt.s32 v63, v2  }
0x1fe: {  	v33 =	vld [tilespmem:$0x17B90];
	v2 =	vsel vm6, v63, v2  }
0x1ff: {  	vm7 =	vgt.s32 v26, v2  }
0x200: {  	v34 =	vld [tilespmem:$0x17BA0];
	v2 =	vsel vm7, v26, v2  }
0x201: {  	vm8 =	vgt.s32 v32, v2  }
0x202: {  	v35 =	vld [tilespmem:$0x17BB0];
	v2 =	vsel vm8, v32, v2  }
0x203: {  	vm0 =	vgt.s32 v33, v2  }
0x204: {  	v2 =	vsel vm0, v33, v2  }
0x205: {  	vm1 =	vgt.s32 v34, v2  }
0x206: {  	v2 =	vsel vm1, v34, v2  }
0x207: {  	v49 =	vimm.s32 $0x0;
	vm2 =	vgt.s32 v35, v2  }
0x208: {  	v5 =	vsel vm12, $0xFFFFFFFF, v49;
	v2 =	vsel vm2, v35, v2  }
0x209: {  	[tilespmem:$0x1F900] =	vst v5;
	v36 =	vxor.u32 $0x80000000, v2  }
0x20a: {  	v37 =	vld [tilespmem:$0x1F900];
	(xrf0) =	vmax.scan.msk.u32 $0xffff, v36  }
0x20b: {  	v39 =	vld [tilespmem:$0x1F910]  }
0x20c: {  	v40 =	vld [tilespmem:$0x1F920]  }
0x20d: {  	v41 =	vld [tilespmem:$0x1F930]  }
0x20e: {  	vm12 =	veq.s32 v1, $0x80000000  }
0x20f: {  	v1 =	vsel vm12, $0x80000000, v6;
	vm12 =	vnez.u8 v37  }
0x210: {  	v1 =	vsel vm12, v7, v1;
	vm12 =	vnez.u8 v39;
	v38, _, _ =	vpop (xrf0)  }
0x211: {  	v1 =	vsel vm12, v8, v1;
	vm12 =	vnez.u8 v40;
	(v2sf) =	vpush v38, $0xF  }
0x212: {  	v1 =	vsel vm12, v9, v1;
	vm12 =	vnez.u8 v41  }
0x213: {  	v1 =	vsel vm12, v10, v1  }
0x214: {  	v1 =	vsel vm13, v11, v1  }
0x215: {  	v1 =	vsel vm14, v12, v1  }
0x216: {  	v1 =	vsel vm15, v13, v1  }
0x217: {  	v1 =	vsel vm11, v14, v1  }
0x218: {  	v1 =	vsel vm10, v15, v1  }
0x219: {  	v1 =	vsel vm9, v16, v1  }
0x21a: {  	v1 =	vsel vm3, v17, v1  }
0x21b: {  	v1 =	vsel vm4, v18, v1  }
0x21c: {  	v1 =	vsel vm5, v19, v1  }
0x21d: {  	v1 =	vsel vm6, v20, v1  }
0x21e: {  	v1 =	vsel vm7, v21, v1  }
0x21f: {  	v1 =	vsel vm8, v22, v1  }
0x220: {  	v1 =	vsel vm0, v23, v1;
	s26 =	spop (v2sf)  }
0x221: {  	v1 =	vsel vm1, v24, v1;
	s26 =	sxor.u32 $0x80000000, s26  }
0x222: {  	v1 =	vsel vm2, v25, v1;
	vm13 =	veq.s32 v2, s26  }
0x223: {  	v1 =	vnsel vm13, $0xC0000000, v1  }
0x224: {  	(xrf0) =	vmin.scan.msk.u32 $0xffff, v1;
	_ =	sdelay $0x5  }
0x225: {  	v1, _, _ =	vpop (xrf0)  }
0x226: {  	(v2sf) =	vpush v1, $0xF;
	_ =	sdelay $0xe  }
0x227: {  	s28 =	spop (v2sf)  }
0x228: {  	s28 =	sxor.u32 $0x80000000, s28  }
0x229: {  	v42 =	vmov s28;
	_ =	sdelay $0x4  }
0x22a: {  	[tilespmem:v42+s6+$0x0] =	vst.idx.msk $0x1, v29  }
0x22b: {  	v1 =	vld [tilespmem:$0x17A80]  }
0x22c: {  	v43 =	vld [tilespmem:$0x17A90];
	_ =	sdelay $0x1  }
0x22d: {  	v44 =	vld [tilespmem:$0x17AA0];
	_ =	sdelay $0x1  }
0x22e: {  	v45 =	vld [tilespmem:$0x17AB0]  }
0x22f: {  	vm14 =	vgt.s32 v43, v1  }
0x230: {  	v47 =	vld [tilespmem:$0x17AC0];
	v2 =	vsel vm14, v43, v1  }
0x231: {  	vm0 =	vgt.s32 v44, v2  }
0x232: {  	v48 =	vimm.s32 $0x0;
	v49 =	vld [tilespmem:$0x17AD0];
	v2 =	vsel vm0, v44, v2  }
0x233: {  	v26 =	vsel vm0, $0xFFFFFFFF, v48;
	vm0 =	vgt.s32 v45, v2  }
0x234: {  	v50 =	vimm.s32 $0x0;
	v51 =	vld [tilespmem:$0x17AE0];
	v2 =	vsel vm0, v45, v2  }
0x235: {  	[tilespmem:$0x1F950] =	vst v26;
	v26 =	vsel vm0, $0xFFFFFFFF, v50;
	vm0 =	vgt.s32 v47, v2  }
0x236: {  	v53 =	vld [tilespmem:$0x17AF0];
	v2 =	vsel vm0, v47, v2  }
0x237: {  	vm13 =	vgt.s32 v49, v2  }
0x238: {  	v46 =	vimm.s32 $0x0;
	v54 =	vld [tilespmem:$0x17B00];
	v2 =	vsel vm13, v49, v2  }
0x239: {  	v5 =	vsel vm14, $0xFFFFFFFF, v46;
	vm14 =	vgt.s32 v51, v2  }
0x23a: {  	v55 =	vld [tilespmem:$0x17B10];
	v2 =	vsel vm14, v51, v2  }
0x23b: {  	vm15 =	vgt.s32 v53, v2  }
0x23c: {  	v56 =	vld [tilespmem:$0x17B20];
	v2 =	vsel vm15, v53, v2  }
0x23d: {  	vm11 =	vgt.s32 v54, v2  }
0x23e: {  	v57 =	vld [tilespmem:$0x17B30];
	v2 =	vsel vm11, v54, v2  }
0x23f: {  	vm10 =	vgt.s32 v55, v2  }
0x240: {  	v58 =	vld [tilespmem:$0x17B40];
	v2 =	vsel vm10, v55, v2  }
0x241: {  	vm9 =	vgt.s32 v56, v2  }
0x242: {  	v59 =	vld [tilespmem:$0x17B50];
	v2 =	vsel vm9, v56, v2  }
0x243: {  	vm3 =	vgt.s32 v57, v2  }
0x244: {  	v60 =	vld [tilespmem:$0x17B60];
	v2 =	vsel vm3, v57, v2  }
0x245: {  	vm4 =	vgt.s32 v58, v2  }
0x246: {  	v61 =	vld [tilespmem:$0x17B70];
	v2 =	vsel vm4, v58, v2  }
0x247: {  	vm5 =	vgt.s32 v59, v2  }
0x248: {  	v62 =	vld [tilespmem:$0x17B80];
	v2 =	vsel vm5, v59, v2  }
0x249: {  	vm6 =	vgt.s32 v60, v2  }
0x24a: {  	v52 =	vimm.s32 $0x0;
	v63 =	vld [tilespmem:$0x17B90];
	v2 =	vsel vm6, v60, v2  }
0x24b: {  	[tilespmem:$0x1F960] =	vst v26;
	v26 =	vsel vm0, $0xFFFFFFFF, v52;
	vm7 =	vgt.s32 v61, v2  }
0x24c: {  	[tilespmem:$0x1F970] =	vst v26;
	v26 =	vld [tilespmem:$0x17BA0];
	v2 =	vsel vm7, v61, v2  }
0x24d: {  	vm8 =	vgt.s32 v62, v2  }
0x24e: {  	v32 =	vld [tilespmem:$0x17BB0];
	v2 =	vsel vm8, v62, v2  }
0x24f: {  	vm0 =	vgt.s32 v63, v2  }
0x250: {  	v2 =	vsel vm0, v63, v2  }
0x251: {  	vm1 =	vgt.s32 v26, v2  }
0x252: {  	v2 =	vsel vm1, v26, v2  }
0x253: {  	vm2 =	vgt.s32 v32, v2  }
0x254: {  	v2 =	vsel vm2, v32, v2  }
0x255: {  	[tilespmem:$0x1F940] =	vst v5;
	v33 =	vxor.u32 $0x80000000, v2  }
0x256: {  	v34 =	vld [tilespmem:$0x1F940];
	(xrf0) =	vmax.scan.msk.u32 $0xffff, v33  }
0x257: {  	v36 =	vld [tilespmem:$0x1F950]  }
0x258: {  	v37 =	vld [tilespmem:$0x1F960]  }
0x259: {  	v38 =	vld [tilespmem:$0x1F970]  }
0x25a: {  	vm12 =	veq.s32 v1, $0x80000000  }
0x25b: {  	v1 =	vsel vm12, $0x80000000, v6;
	vm12 =	vnez.u8 v34  }
0x25c: {  	v1 =	vsel vm12, v7, v1;
	vm12 =	vnez.u8 v36;
	v35, _, _ =	vpop (xrf0)  }
0x25d: {  	v1 =	vsel vm12, v8, v1;
	vm12 =	vnez.u8 v37;
	(v2sf) =	vpush v35, $0xF  }
0x25e: {  	v1 =	vsel vm12, v9, v1;
	vm12 =	vnez.u8 v38  }
0x25f: {  	v1 =	vsel vm12, v10, v1  }
0x260: {  	v1 =	vsel vm13, v11, v1  }
0x261: {  	v1 =	vsel vm14, v12, v1  }
0x262: {  	v1 =	vsel vm15, v13, v1  }
0x263: {  	v1 =	vsel vm11, v14, v1  }
0x264: {  	v1 =	vsel vm10, v15, v1  }
0x265: {  	v1 =	vsel vm9, v16, v1  }
0x266: {  	v1 =	vsel vm3, v17, v1  }
0x267: {  	v1 =	vsel vm4, v18, v1  }
0x268: {  	v1 =	vsel vm5, v19, v1  }
0x269: {  	v1 =	vsel vm6, v20, v1  }
0x26a: {  	v1 =	vsel vm7, v21, v1  }
0x26b: {  	v1 =	vsel vm8, v22, v1  }
0x26c: {  	v1 =	vsel vm0, v23, v1;
	s29 =	spop (v2sf)  }
0x26d: {  	v1 =	vsel vm1, v24, v1;
	s29 =	sxor.u32 $0x80000000, s29  }
0x26e: {  	v1 =	vsel vm2, v25, v1;
	vm15 =	veq.s32 v2, s29  }
0x26f: {  	v1 =	vnsel vm15, $0xC0000000, v1  }
0x270: {  	(xrf0) =	vmin.scan.msk.u32 $0xffff, v1;
	_ =	sdelay $0x5  }
0x271: {  	v1, _, _ =	vpop (xrf0)  }
0x272: {  	(v2sf) =	vpush v1, $0xF;
	_ =	sdelay $0xe  }
0x273: {  	s30 =	spop (v2sf)  }
0x274: {  	s30 =	sxor.u32 $0x80000000, s30  }
0x275: {  	v39 =	vmov s30;
	_ =	sdelay $0x4  }
0x276: {  	[tilespmem:v39+s6+$0x0] =	vst.idx.msk $0x1, v29  }
0x277: {  	v1 =	vld [tilespmem:$0x17A80]  }
0x278: {  	v40 =	vld [tilespmem:$0x17A90];
	_ =	sdelay $0x1  }
0x279: {  	v41 =	vld [tilespmem:$0x17AA0];
	_ =	sdelay $0x1  }
0x27a: {  	v42 =	vld [tilespmem:$0x17AB0]  }
0x27b: {  	vm4 =	vgt.s32 v40, v1  }
0x27c: {  	v44 =	vld [tilespmem:$0x17AC0];
	v2 =	vsel vm4, v40, v1  }
0x27d: {  	vm0 =	vgt.s32 v41, v2  }
0x27e: {  	v45 =	vimm.s32 $0x0;
	v46 =	vld [tilespmem:$0x17AD0];
	v2 =	vsel vm0, v41, v2  }
0x27f: {  	v26 =	vsel vm0, $0xFFFFFFFF, v45;
	vm0 =	vgt.s32 v42, v2  }
0x280: {  	v47 =	vimm.s32 $0x0;
	v48 =	vld [tilespmem:$0x17AE0];
	v2 =	vsel vm0, v42, v2  }
0x281: {  	[tilespmem:$0x1F990] =	vst v26;
	v26 =	vsel vm0, $0xFFFFFFFF, v47;
	vm0 =	vgt.s32 v44, v2  }
0x282: {  	v50 =	vld [tilespmem:$0x17AF0];
	v2 =	vsel vm0, v44, v2  }
0x283: {  	vm13 =	vgt.s32 v46, v2  }
0x284: {  	v51 =	vld [tilespmem:$0x17B00];
	v2 =	vsel vm13, v46, v2  }
0x285: {  	vm14 =	vgt.s32 v48, v2  }
0x286: {  	v52 =	vld [tilespmem:$0x17B10];
	v2 =	vsel vm14, v48, v2  }
0x287: {  	vm15 =	vgt.s32 v50, v2  }
0x288: {  	v53 =	vld [tilespmem:$0x17B20];
	v2 =	vsel vm15, v50, v2  }
0x289: {  	vm11 =	vgt.s32 v51, v2  }
0x28a: {  	v54 =	vld [tilespmem:$0x17B30];
	v2 =	vsel vm11, v51, v2  }
0x28b: {  	vm10 =	vgt.s32 v52, v2  }
0x28c: {  	v55 =	vld [tilespmem:$0x17B40];
	v2 =	vsel vm10, v52, v2  }
0x28d: {  	vm9 =	vgt.s32 v53, v2  }
0x28e: {  	v56 =	vld [tilespmem:$0x17B50];
	v2 =	vsel vm9, v53, v2  }
0x28f: {  	vm3 =	vgt.s32 v54, v2  }
0x290: {  	v43 =	vimm.s32 $0x0;
	v57 =	vld [tilespmem:$0x17B60];
	v2 =	vsel vm3, v54, v2  }
0x291: {  	v5 =	vsel vm4, $0xFFFFFFFF, v43;
	vm4 =	vgt.s32 v55, v2  }
0x292: {  	v58 =	vld [tilespmem:$0x17B70];
	v2 =	vsel vm4, v55, v2  }
0x293: {  	vm5 =	vgt.s32 v56, v2  }
0x294: {  	v59 =	vld [tilespmem:$0x17B80];
	v2 =	vsel vm5, v56, v2  }
0x295: {  	vm6 =	vgt.s32 v57, v2  }
0x296: {  	v60 =	vld [tilespmem:$0x17B90];
	v2 =	vsel vm6, v57, v2  }
0x297: {  	vm7 =	vgt.s32 v58, v2  }
0x298: {  	v61 =	vld [tilespmem:$0x17BA0];
	v2 =	vsel vm7, v58, v2  }
0x299: {  	vm8 =	vgt.s32 v59, v2  }
0x29a: {  	v49 =	vimm.s32 $0x0;
	v62 =	vld [tilespmem:$0x17BB0];
	v2 =	vsel vm8, v59, v2  }
0x29b: {  	[tilespmem:$0x1F9A0] =	vst v26;
	v26 =	vsel vm0, $0xFFFFFFFF, v49;
	vm0 =	vgt.s32 v60, v2  }
0x29c: {  	v2 =	vsel vm0, v60, v2  }
0x29d: {  	vm1 =	vgt.s32 v61, v2  }
0x29e: {  	v2 =	vsel vm1, v61, v2  }
0x29f: {  	vm2 =	vgt.s32 v62, v2  }
0x2a0: {  	v2 =	vsel vm2, v62, v2  }
0x2a1: {  	[tilespmem:$0x1F980] =	vst v5;
	v63 =	vxor.u32 $0x80000000, v2  }
0x2a2: {  	[tilespmem:$0x1F9B0] =	vst v26;
	v26 =	vld [tilespmem:$0x1F980];
	(xrf0) =	vmax.scan.msk.u32 $0xffff, v63  }
0x2a3: {  	v33 =	vld [tilespmem:$0x1F990]  }
0x2a4: {  	v34 =	vld [tilespmem:$0x1F9A0]  }
0x2a5: {  	v35 =	vld [tilespmem:$0x1F9B0]  }
0x2a6: {  	vm12 =	veq.s32 v1, $0x80000000  }
0x2a7: {  	v1 =	vsel vm12, $0x80000000, v6;
	vm12 =	vnez.u8 v26  }
0x2a8: {  	v1 =	vsel vm12, v7, v1;
	vm12 =	vnez.u8 v33;
	v32, _, _ =	vpop (xrf0)  }
0x2a9: {  	v1 =	vsel vm12, v8, v1;
	vm12 =	vnez.u8 v34;
	(v2sf) =	vpush v32, $0xF  }
0x2aa: {  	v1 =	vsel vm12, v9, v1;
	vm12 =	vnez.u8 v35  }
0x2ab: {  	v1 =	vsel vm12, v10, v1  }
0x2ac: {  	v1 =	vsel vm13, v11, v1  }
0x2ad: {  	v1 =	vsel vm14, v12, v1  }
0x2ae: {  	v1 =	vsel vm15, v13, v1  }
0x2af: {  	v1 =	vsel vm11, v14, v1  }
0x2b0: {  	v1 =	vsel vm10, v15, v1  }
0x2b1: {  	v1 =	vsel vm9, v16, v1  }
0x2b2: {  	v1 =	vsel vm3, v17, v1  }
0x2b3: {  	v1 =	vsel vm4, v18, v1  }
0x2b4: {  	v1 =	vsel vm5, v19, v1  }
0x2b5: {  	v1 =	vsel vm6, v20, v1  }
0x2b6: {  	v1 =	vsel vm7, v21, v1  }
0x2b7: {  	v1 =	vsel vm8, v22, v1  }
0x2b8: {  	v1 =	vsel vm0, v23, v1;
	s31 =	spop (v2sf)  }
0x2b9: {  	v1 =	vsel vm1, v24, v1;
	s31 =	sxor.u32 $0x80000000, s31  }
0x2ba: {  	v1 =	vsel vm2, v25, v1;
	vm5 =	veq.s32 v2, s31  }
0x2bb: {  	v1 =	vnsel vm5, $0xC0000000, v1  }
0x2bc: {  	(xrf0) =	vmin.scan.msk.u32 $0xffff, v1;
	_ =	sdelay $0x5  }
0x2bd: {  	v1, _, _ =	vpop (xrf0)  }
0x2be: {  	(v2sf) =	vpush v1, $0xF;
	_ =	sdelay $0xe  }
0x2bf: {  	s1 =	spop (v2sf)  }
0x2c0: {  	s0 =	sxor.u32 $0x80000000, s1  }
0x2c1: {  	v36 =	vmov s0;
	_ =	sdelay $0x4  }
0x2c2: {  	[tilespmem:v36+s6+$0x0] =	vst.idx.msk $0x1, v29  }
0x2c3: {  	v1 =	vld [tilespmem:$0x17A80]  }
0x2c4: {  	v37 =	vld [tilespmem:$0x17A90];
	_ =	sdelay $0x1  }
0x2c5: {  	v38 =	vld [tilespmem:$0x17AA0];
	_ =	sdelay $0x1  }
0x2c6: {  	v39 =	vld [tilespmem:$0x17AB0]  }
0x2c7: {  	vm12 =	vgt.s32 v37, v1  }
0x2c8: {  	v41 =	vld [tilespmem:$0x17AC0];
	v2 =	vsel vm12, v37, v1  }
0x2c9: {  	vm0 =	vgt.s32 v38, v2  }
0x2ca: {  	v42 =	vimm.s32 $0x0;
	v43 =	vld [tilespmem:$0x17AD0];
	v2 =	vsel vm0, v38, v2  }
0x2cb: {  	v26 =	vsel vm0, $0xFFFFFFFF, v42;
	vm0 =	vgt.s32 v39, v2  }
0x2cc: {  	v44 =	vimm.s32 $0x0;
	v45 =	vld [tilespmem:$0x17AE0];
	v2 =	vsel vm0, v39, v2  }
0x2cd: {  	[tilespmem:$0x1F9D0] =	vst v26;
	v26 =	vsel vm0, $0xFFFFFFFF, v44;
	vm0 =	vgt.s32 v41, v2  }
0x2ce: {  	v47 =	vld [tilespmem:$0x17AF0];
	v2 =	vsel vm0, v41, v2  }
0x2cf: {  	vm13 =	vgt.s32 v43, v2  }
0x2d0: {  	v48 =	vld [tilespmem:$0x17B00];
	v2 =	vsel vm13, v43, v2  }
0x2d1: {  	vm14 =	vgt.s32 v45, v2  }
0x2d2: {  	v49 =	vld [tilespmem:$0x17B10];
	v2 =	vsel vm14, v45, v2  }
0x2d3: {  	vm15 =	vgt.s32 v47, v2  }
0x2d4: {  	v50 =	vld [tilespmem:$0x17B20];
	v2 =	vsel vm15, v47, v2  }
0x2d5: {  	vm11 =	vgt.s32 v48, v2  }
0x2d6: {  	v51 =	vld [tilespmem:$0x17B30];
	v2 =	vsel vm11, v48, v2  }
0x2d7: {  	vm10 =	vgt.s32 v49, v2  }
0x2d8: {  	v52 =	vld [tilespmem:$0x17B40];
	v2 =	vsel vm10, v49, v2  }
0x2d9: {  	vm9 =	vgt.s32 v50, v2  }
0x2da: {  	v53 =	vld [tilespmem:$0x17B50];
	v2 =	vsel vm9, v50, v2  }
0x2db: {  	vm3 =	vgt.s32 v51, v2  }
0x2dc: {  	v54 =	vld [tilespmem:$0x17B60];
	v2 =	vsel vm3, v51, v2  }
0x2dd: {  	vm4 =	vgt.s32 v52, v2  }
0x2de: {  	v55 =	vld [tilespmem:$0x17B70];
	v2 =	vsel vm4, v52, v2  }
0x2df: {  	vm5 =	vgt.s32 v53, v2  }
0x2e0: {  	v56 =	vld [tilespmem:$0x17B80];
	v2 =	vsel vm5, v53, v2  }
0x2e1: {  	v40 =	vimm.s32 $0x0;
	vm6 =	vgt.s32 v54, v2  }
0x2e2: {  	v57 =	vld [tilespmem:$0x17B90];
	v5 =	vsel vm12, $0xFFFFFFFF, v40;
	v2 =	vsel vm6, v54, v2  }
0x2e3: {  	v58 =	vld [tilespmem:$0x17BA0];
	[tilespmem:$0x1F9C0] =	vst v5;
	vm7 =	vgt.s32 v55, v2  }
0x2e4: {  	v61 =	vld [tilespmem:$0x1F9C0];
	v2 =	vsel vm7, v55, v2  }
0x2e5: {  	v63 =	vld [tilespmem:$0x1F9D0];
	vm8 =	vgt.s32 v56, v2  }
0x2e6: {  	v46 =	vimm.s32 $0x0;
	v59 =	vld [tilespmem:$0x17BB0];
	v2 =	vsel vm8, v56, v2  }
0x2e7: {  	[tilespmem:$0x1F9E0] =	vst v26;
	v26 =	vsel vm0, $0xFFFFFFFF, v46;
	vm0 =	vgt.s32 v57, v2  }
0x2e8: {  	vm12 =	veq.s32 v1, $0x80000000;
	v2 =	vsel vm0, v57, v2  }
0x2e9: {  	v1 =	vsel vm12, $0x80000000, v6;
	vm12 =	vnez.u8 v61;
	vm1 =	vgt.s32 v58, v2  }
0x2ea: {  	v1 =	vsel vm12, v7, v1;
	vm12 =	vnez.u8 v63;
	v2 =	vsel vm1, v58, v2  }
0x2eb: {  	v1 =	vsel vm12, v8, v1;
	v8 =	vld [tilespmem:$0x1F9E0];
	vm2 =	vgt.s32 v59, v2  }
0x2ec: {  	v2 =	vsel vm2, v59, v2  }
0x2ed: {  	v60 =	vxor.u32 $0x80000000, v2  }
0x2ee: {  	(xrf0) =	vmax.scan.msk.u32 $0xffff, v60;
	_ =	sdelay $0x1  }
0x2ef: {  	[tilespmem:$0x1F9F0] =	vst v26;
	vm12 =	vnez.u8 v8  }
0x2f0: {  	v1 =	vsel vm12, v9, v1;
	v9 =	vld [tilespmem:$0x1F9F0];
	_ =	sdelay $0x2  }
0x2f1: {  	v62, _, _ =	vpop (xrf0)  }
0x2f2: {  	(v2sf) =	vpush v62, $0xF  }
0x2f3: {  	vm12 =	vnez.u8 v9  }
0x2f4: {  	v1 =	vsel vm12, v10, v1  }
0x2f5: {  	v1 =	vsel vm13, v11, v1  }
0x2f6: {  	v1 =	vsel vm14, v12, v1  }
0x2f7: {  	v1 =	vsel vm15, v13, v1  }
0x2f8: {  	v1 =	vsel vm11, v14, v1  }
0x2f9: {  	v1 =	vsel vm10, v15, v1  }
0x2fa: {  	v1 =	vsel vm9, v16, v1  }
0x2fb: {  	v1 =	vsel vm3, v17, v1  }
0x2fc: {  	v1 =	vsel vm4, v18, v1  }
0x2fd: {  	v1 =	vsel vm5, v19, v1  }
0x2fe: {  	v1 =	vsel vm6, v20, v1  }
0x2ff: {  	v1 =	vsel vm7, v21, v1  }
0x300: {  	v1 =	vsel vm8, v22, v1  }
0x301: {  	v1 =	vsel vm0, v23, v1;
	s1 =	spop (v2sf)  }
0x302: {  	v1 =	vsel vm1, v24, v1;
	s1 =	sxor.u32 $0x80000000, s1  }
0x303: {  	v1 =	vsel vm2, v25, v1;
	vm13 =	veq.s32 v2, s1  }
0x304: {  	v1 =	vnsel vm13, $0xC0000000, v1  }
0x305: {  	(xrf0) =	vmin.scan.msk.u32 $0xffff, v1;
	_ =	sdelay $0x5  }
0x306: {  	v1, _, _ =	vpop (xrf0)  }
0x307: {  	(v2sf) =	vpush v1, $0xF;
	_ =	sdelay $0x7  }
0x308: {  	v20 =	vlaneseq.u32  }
0x309: {  	vm14 =	veq.s32 v20, $0x0  }
0x30a: {  	vm15 =	vcmask $0x704;
	v0 =	vnsel vm14, $0x0, v0  }
0x30b: {  	vm12 =	vcmask $0x720;
	v0 =	vsel vm15, s21, v0  }
0x30c: {  	v21 =	vmov s19;
	v0 =	vnsel vm12, s23, v0;
	vm13 =	vcmask $0xB20  }
0x30d: {  	v0 =	vnsel vm13, s25, v0;
	v1 =	vnsel vm14, $0x0, v21;
	vm14 =	vcmask $0xF20  }
0x30e: {  	v0 =	vnsel vm14, s28, v0;
	v1 =	vsel vm15, s20, v1;
	vm15 =	vcmask $0x1320  }
0x30f: {  	v0 =	vnsel vm15, s30, v0;
	v1 =	vnsel vm12, s22, v1;
	vm12 =	vcmask $0x1720;
	s28 =	spop (v2sf)  }
0x310: {  	v0 =	vnsel vm12, s0, v0;
	s19 =	sxor.u32 $0x80000000, s28  }
0x311: {  	v23 =	vld [tilespmem:$0x1FEF0];
	v1 =	vnsel vm13, s24, v1;
	vm13 =	vcmask $0x1B20;
	v22 =	vmov s19  }
0x312: {  	v0 =	vnsel vm13, s19, v0  }
0x313: {  	v1 =	vnsel vm14, s26, v1  }
0x314: {  	v1 =	vnsel vm15, s29, v1  }
0x315: {  	v1 =	vnsel vm12, s31, v1  }
0x316: {  	v1 =	vnsel vm13, s1, v1;
	[tilespmem:v22+s6+$0x0] =	vst.idx.msk $0x1, v29  }
0x317: {  	v24 =	vld [tilespmem:$0x1FD90];
	[tilespmem:v0+s6+$0x0] =	vst.idx.msk $0xff, v1  }
0x318: {  	v25 =	vld [tilespmem:$0x1FEE0];
	[tilespmem:$0x18580] =	vst v0  }
0x319: {  	s30 =	sshrl.u32 s17, $0x1F;
	v0 =	vld.idx.msk [tilespmem:v23+s7+$0x0], $0xffff  }
0x31a: {  	s0 =	sadd.s32 s30, s17  }
0x31b: {  	s0 =	sand.u32 $0x1FFFFE, s0  }
0x31c: {  	s0 =	ssub.s32 s17, s0  }
0x31d: {  	s0 =	sshll.u32 s0, $0xB  }
0x31e: {  	vm14 =	vnez.u8 v25;
	s31 =	sor.u32 s4, s0;
	v0 =	vadd.s32 v24, v0  }
0x31f: {  	s1 =	sshrl.u32 s31, $0x3;
	v0 =	vsel vm14, v1, v0  }
0x320: {  	s1 =	sadd.s32 s2, s1;
	[tilespmem:$0x18500] =	vst v0  }
0x321: {  	[hbm4b:s1+s5] =	stream.linear.scatter [tilespmem:s8], [sflag:$0x1], $0x80, $0x38;
	[tilespmem:$0x1C200] =	vst v63  }
0x322: {  	_ =	swait.ge [sflag:s9], $0x80  }
0x323: {  	[sflag:s9] =	ssyncset.done $0x0  }
0x324: {  	s0 =	sshrl.u32 s0, $0x3;
	[sflag:s9] =	ssyncadd.s32 $0xFFFFFF80  }
0x325: {  	s0 =	sadd.s32 s2, s0;
	[bflag:$0x0] =	sbarrier.arrive $0xFFFF  }
0x326: {  	[tilespmem:s10], [sflag:$0x1] =	stream.linear.gather [hbm4b:s0+s5], $0x800, $0x38;
	[tilespmem:$0x1C200] =	vst v63  }
0x327: {  	_ =	swait.ge [sflag:s9], $0x800  }
0x328: {  	v26 =	vld [tilespmem:$0x1FFE0]  }
0x329: {  	v32 =	vld [tilespmem:$0x1FF00]  }
0x32a: {  	v33 =	vld [tilespmem:$0x1FF10]  }
0x32b: {  	v34 =	vld [tilespmem:$0x1FF20]  }
0x32c: {  	v35 =	vld [tilespmem:$0x1FF30]  }
0x32d: {  	v36 =	vld [tilespmem:$0x1FF40]  }
0x32e: {  	v37 =	vld [tilespmem:$0x1FF50]  }
0x32f: {  	v38 =	vld [tilespmem:$0x1FF60]  }
0x330: {  	v39 =	vld [tilespmem:$0x1FF70]  }
0x331: {  	v42 =	vld [tilespmem:$0x1FF80]  }
0x332: {  	v44 =	vld [tilespmem:$0x1FF90]  }
0x333: {  	v46 =	vld [tilespmem:$0x1FFA0]  }
0x334: {  	v47 =	vld [tilespmem:$0x1FFB0]  }
0x335: {  	v48 =	vld [tilespmem:$0x1FFC0]  }
0x336: {  	[sflag:s9] =	ssyncset.done $0x0;
	v50 =	vld [tilespmem:$0x1FFD0]  }
0x337: {  	v51 =	vld [tilespmem:$0x1FFF0];
	[sflag:s9] =	ssyncadd.s32 $0xFFFFF800  }
0x338: {  	v45 =	vld.idx.msk [tilespmem:v26+s10+$0x0], $0xffff  }
0x339: {  	v41 =	vld.idx.msk [tilespmem:v32+s10+$0x0], $0xffff  }
0x33a: {  	v40 =	vld.idx.msk [tilespmem:v33+s10+$0x0], $0xffff  }
0x33b: {  	v49 =	vld.idx.msk [tilespmem:v34+s10+$0x0], $0xffff  }
0x33c: {  	v43 =	vld.idx.msk [tilespmem:v35+s10+$0x0], $0xffff  }
0x33d: {  	v63 =	vld.idx.msk [tilespmem:v36+s10+$0x0], $0xffff  }
0x33e: {  	v60 =	vld.idx.msk [tilespmem:v37+s10+$0x0], $0xffff  }
0x33f: {  	v1 =	vld.idx.msk [tilespmem:v39+s10+$0x0], $0xffff  }
0x340: {  	v4 =	vld.idx.msk [tilespmem:v42+s10+$0x0], $0xffff  }
0x341: {  	v2 =	vld.idx.msk [tilespmem:v44+s10+$0x0], $0xffff  }
0x342: {  	v3 =	vld.idx.msk [tilespmem:v46+s10+$0x0], $0xffff  }
0x343: {  	v5 =	vld.idx.msk [tilespmem:v47+s10+$0x0], $0xffff  }
0x344: {  	v6 =	vld.idx.msk [tilespmem:v48+s10+$0x0], $0xffff  }
0x345: {  	v7 =	vld.idx.msk [tilespmem:v50+s10+$0x0], $0xffff;
	[tilespmem:$0x1FC90] =	vst v4  }
0x346: {  	v56 =	vld.idx.msk [tilespmem:v38+s10+$0x0], $0xffff;
	[tilespmem:$0x1FCB0] =	vst v2  }
0x347: {  	v8 =	vld.idx.msk [tilespmem:v51+s10+$0x0], $0xffff;
	[tilespmem:$0x1FCD0] =	vst v3  }
0x348: {  	[tilespmem:$0x1FCF0] =	vst v5;
	v52 =	vld.idx.msk [tilespmem:v1+s11+$0x0], $0xffff  }
0x349: {  	[tilespmem:$0x1FD10] =	vst v6;
	v53 =	vld.idx.msk [tilespmem:v4+s11+$0x0], $0xffff  }
0x34a: {  	[tilespmem:$0x1FD30] =	vst v7;
	v54 =	vld.idx.msk [tilespmem:v2+s11+$0x0], $0xffff  }
0x34b: {  	[tilespmem:$0x1FD50] =	vst v1;
	v55 =	vld.idx.msk [tilespmem:v3+s11+$0x0], $0xffff  }
0x34c: {  	[tilespmem:$0x1FD70] =	vst v8;
	v57 =	vld.idx.msk [tilespmem:v5+s11+$0x0], $0xffff  }
0x34d: {  	v58 =	vld.idx.msk [tilespmem:v6+s11+$0x0], $0xffff;
	[tilespmem:$0x1FA00] =	vst v52  }
0x34e: {  	v59 =	vld.idx.msk [tilespmem:v7+s11+$0x0], $0xffff;
	[tilespmem:$0x1FA10] =	vst v53  }
0x34f: {  	v61 =	vld.idx.msk [tilespmem:v8+s11+$0x0], $0xffff;
	[tilespmem:$0x1FA20] =	vst v54  }
0x350: {  	v62 =	vld.idx.msk [tilespmem:v1+s12+$0x0], $0xffff;
	[tilespmem:$0x1FA30] =	vst v55  }
0x351: {  	v9 =	vld.idx.msk [tilespmem:v4+s12+$0x0], $0xffff;
	[tilespmem:$0x1FA40] =	vst v57  }
0x352: {  	v10 =	vld.idx.msk [tilespmem:v2+s12+$0x0], $0xffff;
	[tilespmem:$0x1FA50] =	vst v58  }
0x353: {  	v11 =	vld.idx.msk [tilespmem:v3+s12+$0x0], $0xffff;
	[tilespmem:$0x1FA60] =	vst v59  }
0x354: {  	v12 =	vld.idx.msk [tilespmem:v5+s12+$0x0], $0xffff;
	[tilespmem:$0x1FA70] =	vst v61  }
0x355: {  	v13 =	vld.idx.msk [tilespmem:v6+s12+$0x0], $0xffff;
	[tilespmem:$0x1FA80] =	vst v62  }
0x356: {  	v14 =	vld.idx.msk [tilespmem:v7+s12+$0x0], $0xffff;
	[tilespmem:$0x1FA90] =	vst v9  }
0x357: {  	v15 =	vld.idx.msk [tilespmem:v8+s12+$0x0], $0xffff;
	[tilespmem:$0x1FAA0] =	vst v10  }
0x358: {  	v16 =	vld.idx.msk [tilespmem:v1+s13+$0x0], $0xffff;
	[tilespmem:$0x1FAB0] =	vst v11  }
0x359: {  	v17 =	vld.idx.msk [tilespmem:v4+s13+$0x0], $0xffff;
	[tilespmem:$0x1FAC0] =	vst v12  }
0x35a: {  	v18 =	vld.idx.msk [tilespmem:v2+s13+$0x0], $0xffff;
	[tilespmem:$0x1FAD0] =	vst v13  }
0x35b: {  	v19 =	vld.idx.msk [tilespmem:v3+s13+$0x0], $0xffff;
	[tilespmem:$0x1FAE0] =	vst v14  }
0x35c: {  	v20 =	vld.idx.msk [tilespmem:v5+s13+$0x0], $0xffff;
	[tilespmem:$0x1FAF0] =	vst v15  }
0x35d: {  	v21 =	vld.idx.msk [tilespmem:v6+s13+$0x0], $0xffff;
	[tilespmem:$0x1FB00] =	vst v16  }
0x35e: {  	v22 =	vld.idx.msk [tilespmem:v7+s13+$0x0], $0xffff;
	[tilespmem:$0x1FB10] =	vst v17  }
0x35f: {  	v23 =	vld.idx.msk [tilespmem:v8+s13+$0x0], $0xffff;
	[tilespmem:$0x1FB20] =	vst v18  }
0x360: {  	v24 =	vld.idx.msk [tilespmem:v1+s14+$0x0], $0xffff;
	[tilespmem:$0x1FB30] =	vst v19  }
0x361: {  	v26 =	vld.idx.msk [tilespmem:v4+s14+$0x0], $0xffff;
	[tilespmem:$0x1FB40] =	vst v20  }
0x362: {  	v32 =	vld.idx.msk [tilespmem:v2+s14+$0x0], $0xffff;
	[tilespmem:$0x1FB50] =	vst v21  }
0x363: {  	v33 =	vld.idx.msk [tilespmem:v3+s14+$0x0], $0xffff;
	[tilespmem:$0x1FB60] =	vst v22  }
0x364: {  	v34 =	vld.idx.msk [tilespmem:v5+s14+$0x0], $0xffff;
	[tilespmem:$0x1FB70] =	vst v23  }
0x365: {  	v35 =	vld.idx.msk [tilespmem:v6+s14+$0x0], $0xffff;
	[tilespmem:$0x1FB80] =	vst v24  }
0x366: {  	v25 =	vxor.u32 $0x80000000, v56;
	v36 =	vld.idx.msk [tilespmem:v7+s14+$0x0], $0xffff;
	[tilespmem:$0x1FB90] =	vst v26  }
0x367: {  	(xrf0) =	vmax.scan.msk.u32 $0xffff, v25;
	v37 =	vld.idx.msk [tilespmem:v8+s14+$0x0], $0xffff;
	[tilespmem:$0x1FBA0] =	vst v32  }
0x368: {  	v39 =	vld.idx.msk [tilespmem:v1+s15+$0x0], $0xffff;
	[tilespmem:$0x1FBB0] =	vst v33  }
0x369: {  	v42 =	vld.idx.msk [tilespmem:v4+s15+$0x0], $0xffff;
	[tilespmem:$0x1FBC0] =	vst v34  }
0x36a: {  	v44 =	vld.idx.msk [tilespmem:v2+s15+$0x0], $0xffff;
	[tilespmem:$0x1FBD0] =	vst v35  }
0x36b: {  	v46 =	vld.idx.msk [tilespmem:v3+s15+$0x0], $0xffff;
	[tilespmem:$0x1FBE0] =	vst v36  }
0x36c: {  	v47 =	vld.idx.msk [tilespmem:v5+s15+$0x0], $0xffff;
	[tilespmem:$0x1FBF0] =	vst v37  }
0x36d: {  	v48 =	vld.idx.msk [tilespmem:v6+s15+$0x0], $0xffff;
	v38, _, _ =	vpop (xrf0);
	[tilespmem:$0x1FC00] =	vst v39  }
0x36e: {  	v50 =	vld.idx.msk [tilespmem:v7+s15+$0x0], $0xffff;
	(v2sf) =	vpush v38, $0xF;
	[tilespmem:$0x1FC10] =	vst v42  }
0x36f: {  	v51 =	vld.idx.msk [tilespmem:v8+s15+$0x0], $0xffff;
	[tilespmem:$0x1FC20] =	vst v44  }
0x370: {  	[tilespmem:$0x1FC30] =	vst v46  }
0x371: {  	[tilespmem:$0x1FC40] =	vst v47;
	v52 =	vld.idx.msk [tilespmem:v1+s16+$0x0], $0xffff  }
0x372: {  	[tilespmem:$0x1FC50] =	vst v48;
	v53 =	vld.idx.msk [tilespmem:v4+s16+$0x0], $0xffff  }
0x373: {  	vm15 =	vlt.s32 v1, $0x40000000;
	[tilespmem:$0x1FC60] =	vst v50;
	v54 =	vld.idx.msk [tilespmem:v2+s16+$0x0], $0xffff  }
0x374: {  	[tilespmem:$0x1FC70] =	vst v51;
	v55 =	vld.idx.msk [tilespmem:v3+s16+$0x0], $0xffff;
	v61 =	vnsel vm15, $0x40000000, v1  }
0x375: {  	v57 =	vld.idx.msk [tilespmem:v5+s16+$0x0], $0xffff;
	[tilespmem:$0x1FD60] =	vst v61  }
0x376: {  	v58 =	vld.idx.msk [tilespmem:v6+s16+$0x0], $0xffff;
	[tilespmem:$0x1FC80] =	vst v52  }
0x377: {  	v59 =	vld.idx.msk [tilespmem:v7+s16+$0x0], $0xffff;
	[tilespmem:$0x1FCA0] =	vst v53  }
0x378: {  	v62 =	vld.idx.msk [tilespmem:v8+s16+$0x0], $0xffff;
	[tilespmem:$0x1FCC0] =	vst v54  }
0x379: {  	[tilespmem:$0x1FCE0] =	vst v55  }
0x37a: {  	[tilespmem:$0x1FD00] =	vst v57  }
0x37b: {  	[tilespmem:$0x1FD20] =	vst v58  }
0x37c: {  	[tilespmem:$0x1FD40] =	vst v59  }
0x37d: {  	vm8 =	vmxor vm8, vm8;
	s20 =	simm.s32 $0x0;
	[tilespmem:$0x1FD80] =	vst v62;
	s19 =	spop (v2sf)  }
.LBB2_6:
0x37e: {  	vm0 =	vgt.s32 v45, v41  }
0x37f: {  	v0 =	vsel vm0, v45, v41  }
0x380: {  	vm0 =	vgt.s32 v0, v40  }
0x381: {  	v0 =	vsel vm0, v0, v40  }
0x382: {  	vm0 =	vgt.s32 v0, v49  }
0x383: {  	v0 =	vsel vm0, v0, v49  }
0x384: {  	vm0 =	vgt.s32 v0, v43  }
0x385: {  	v0 =	vsel vm0, v0, v43  }
0x386: {  	vm0 =	vgt.s32 v0, v63  }
0x387: {  	v0 =	vsel vm0, v0, v63  }
0x388: {  	vm0 =	vgt.s32 v0, v60  }
0x389: {  	v0 =	vsel vm0, v0, v60  }
0x38a: {  	vm0 =	vgt.s32 v0, v56  }
0x38b: {  	v0 =	vsel vm0, v0, v56  }
0x38c: {  	v0 =	vxor.u32 $0x80000000, v0  }
0x38d: {  	(xrf0) =	vmax.scan.msk.u32 $0xffff, v0;
	_ =	sdelay $0x5  }
0x38e: {  	v0, _, _ =	vpop (xrf0)  }
0x38f: {  	(v2sf) =	vpush v0, $0xF;
	_ =	sdelay $0xc  }
0x390: {  	v47 =	vld [tilespmem:$0x1FD60]  }
0x391: {  	v32 =	vld [tilespmem:$0x1FC90]  }
0x392: {  	s0 =	spop (v2sf)  }
0x393: {  	v52 =	vld [tilespmem:$0x1FCB0];
	s22 =	sxor.u32 $0x80000000, s0  }
0x394: {  	vm13 =	veq.s32 v45, s22  }
0x395: {  	v44 =	vld [tilespmem:$0x1FCD0];
	v0 =	vnsel vm13, $0x40000000, v47  }
0x396: {  	vm0 =	vlt.s32 v0, v32  }
0x397: {  	v33 =	vld [tilespmem:$0x1FCF0];
	vm1 =	veq.s32 v41, s22;
	vm14 =	veq.s32 v40, s22;
	v1 =	vsel vm0, v0, v32  }
0x398: {  	v48 =	vnsel vm14, $0x40000000, v52;
	v0 =	vsel vm1, v1, v0  }
0x399: {  	v53 =	vld [tilespmem:$0x1FD10];
	vm15 =	veq.s32 v49, s22;
	vm0 =	vlt.s32 v0, v48  }
0x39a: {  	v50 =	vnsel vm15, $0x40000000, v44;
	v0 =	vsel vm0, v0, v48  }
0x39b: {  	v54 =	vld [tilespmem:$0x1FD30];
	vm4 =	veq.s32 v43, s22;
	vm0 =	vlt.s32 v0, v50  }
0x39c: {  	v51 =	vnsel vm4, $0x40000000, v33;
	v0 =	vsel vm0, v0, v50  }
0x39d: {  	v55 =	vld [tilespmem:$0x1FD70];
	vm5 =	veq.s32 v63, s22;
	vm0 =	vlt.s32 v0, v51  }
0x39e: {  	v1 =	vnsel vm5, $0x40000000, v53;
	v0 =	vsel vm0, v0, v51  }
0x39f: {  	vm12 =	veq.s32 v60, s22;
	vm0 =	vlt.s32 v0, v1  }
0x3a0: {  	v0 =	vsel vm0, v0, v1;
	v1 =	vnsel vm12, $0x40000000, v54  }
0x3a1: {  	vm13 =	veq.s32 v56, s22;
	vm0 =	vlt.s32 v0, v1  }
0x3a2: {  	v0 =	vsel vm0, v0, v1;
	v1 =	vnsel vm13, $0x40000000, v55  }
0x3a3: {  	vm0 =	vlt.s32 v0, v1  }
0x3a4: {  	v0 =	vsel vm0, v0, v1  }
0x3a5: {  	v0 =	vxor.u32 $0x80000000, v0  }
0x3a6: {  	(xrf0) =	vmin.scan.msk.u32 $0xffff, v0;
	_ =	sdelay $0x5  }
0x3a7: {  	v0, _, _ =	vpop (xrf0)  }
0x3a8: {  	(v2sf) =	vpush v0, $0xF;
	_ =	sdelay $0x6  }
0x3a9: {  	v57 =	vld [tilespmem:$0x1FA80]  }
0x3aa: {  	v58 =	vld [tilespmem:$0x1FB80]  }
0x3ab: {  	v59 =	vld [tilespmem:$0x1FB00]  }
0x3ac: {  	v2 =	vld [tilespmem:$0x1FC00]  }
0x3ad: {  	v61 =	vld [tilespmem:$0x1FA90]  }
0x3ae: {  	v3 =	vld [tilespmem:$0x1FB10]  }
0x3af: {  	v4 =	vld [tilespmem:$0x1FB90]  }
0x3b0: {  	v5 =	vld [tilespmem:$0x1FC10]  }
0x3b1: {  	v62 =	vld [tilespmem:$0x1FC80];
	s1 =	spop (v2sf)  }
0x3b2: {  	v6 =	vld [tilespmem:$0x1FCA0];
	s21 =	sxor.u32 $0x80000000, s1  }
0x3b3: {  	v7 =	vld [tilespmem:$0x1FAA0];
	v54 =	vmov s21  }
0x3b4: {  	v8 =	vld [tilespmem:$0x1FBA0]  }
0x3b5: {  	v9 =	vld [tilespmem:$0x1FB20]  }
0x3b6: {  	v10 =	vld [tilespmem:$0x1FC20]  }
0x3b7: {  	v12 =	vld [tilespmem:$0x1FCC0]  }
0x3b8: {  	v27 =	vld.idx.msk [tilespmem:v54+s12+$0x0], $0xffff  }
0x3b9: {  	v25 =	vld.idx.msk [tilespmem:v54+s14+$0x0], $0xffff  }
0x3ba: {  	v28 =	vld.idx.msk [tilespmem:v54+s13+$0x0], $0xffff  }
0x3bb: {  	v26 =	vld.idx.msk [tilespmem:v54+s15+$0x0], $0xffff  }
0x3bc: {  	v13 =	vld [tilespmem:$0x1FAB0]  }
0x3bd: {  	v16 =	vld [tilespmem:$0x1FAC0]  }
0x3be: {  	v17 =	vld [tilespmem:$0x1FB40];
	vm14 =	vmmov $0x1  }
0x3bf: {  	v18 =	vld [tilespmem:$0x1FBC0];
	p2 =	sgt.u32 s0, s19;
	vm0 =	vmmov vm8;
	s0 =	ssub.s32 s21, s3;
	v0 =	vmax.f32 v27, v57;
	v1 =	vmin.f32 v25, v58  }
0x3c0: {  	p3 =	sgt.s32 s0, $0x0;
	v24 =	vld.idx.msk [tilespmem:v54+s16+$0x0], $0xffff;
	v2 =	vmin.f32 v26, v2;
	v3 =	vmax.f32 v28, v3;
	v4 =	vmin.f32 v25, v4  }
0x3c1: {  	p1 =	seq.s32 s20, $0x0;
	v22 =	vld [tilespmem:$0x1FCE0];
	p5 =	slt.u32 s0, $0x140;
	s0 =	simm.s32 @!p3 $0x0;
	v5 =	vmin.f32 v26, v5;
	v0 =	vsub.f32 v1, v0;
	v1 =	vmax.f32 v28, v59  }
0x3c2: {  	v23 =	vld [tilespmem:$0x1FD00];
	p1 =	por p1, p2;
	s0 =	smin.u32 s0, $0x13F;
	v3 =	vsub.f32 v5, v3;
	v1 =	vsub.f32 v2, v1;
	v2 =	vmax.f32 v27, v61  }
0x3c3: {  	v34 =	vld [tilespmem:$0x1FAD0];
	p2 =	por !p1, !p5;
	v19 =	vmov s0;
	v0 =	vmax.f32 v0, $0.0e+00;
	v2 =	vsub.f32 v4, v2  }
0x3c4: {  	p2 =	por !p2, !p2;
	v5 =	vmax.f32 v3, $0.0e+00;
	v3 =	vmin.f32 v25, v8;
	v8 =	vld [tilespmem:$0x1FC30];
	v1 =	vmax.f32 v1, $0.0e+00  }
0x3c5: {  	vm0 =	vmneg @p2 vm0;
	v57 =	vmul.f32 v1, v0;
	v1 =	vadd.f32 v24, v6;
	v6 =	vld [tilespmem:$0x1FB30]  }
0x3c6: {  	v0 =	vadd.f32 v24, v62;
	v4 =	vmax.f32 v2, $0.0e+00;
	v2 =	vmax.f32 v27, v7;
	v7 =	vld [tilespmem:$0x1FBB0]  }
0x3c7: {  	v35 =	vld [tilespmem:$0x1FB50];
	vm0 =	vmand vm0, vm14;
	v55 =	vmul.f32 v5, v4;
	v4 =	vmax.f32 v28, v9  }
0x3c8: {  	v36 =	vld [tilespmem:$0x1FBD0];
	v5 =	vmin.f32 v26, v10;
	v2 =	vsub.f32 v3, v2;
	v0 =	vsub.f32 v0, v57  }
0x3c9: {  	v9 =	vld [tilespmem:$0x1FC40];
	v11 =	vsub.f32 v5, v4;
	v4 =	vadd.f32 v24, v12;
	v5 =	vmax.f32 v27, v13  }
0x3ca: {  	v37 =	vld [tilespmem:$0x1FC50];
	v2 =	vmax.f32 v2, $0.0e+00;
	v8 =	vmin.f32 v26, v8;
	v0 =	vadd.f32 $9.999999710e-10, v0  }
0x3cb: {  	v42 =	vld [tilespmem:$0x1FD20];
	v3 =	vmax.f32 v11, $0.0e+00;
	v6 =	vmax.f32 v28, v6;
	v7 =	vmin.f32 v25, v7  }
0x3cc: {  	v46 =	vld [tilespmem:$0x1FAE0];
	v58 =	vmul.f32 v3, v2;
	v14 =	vsub.f32 v7, v5;
	v15 =	vsub.f32 v8, v6  }
0x3cd: {  	v10 =	vld [tilespmem:$0x1FB60];
	v5 =	vmax.f32 v27, v16;
	v6 =	vmax.f32 v28, v17;
	v8 =	vbroadcast v19, $0x0  }
0x3ce: {  	v12 =	vld [tilespmem:$0x1FC60];
	v7 =	vmin.f32 v25, v18;
	v9 =	vmin.f32 v26, v9;
	(erf) = vrcp.f32 v0  }
0x3cf: {  	v11 =	vld [tilespmem:$0x1FBE0];
	v0 =	vmin.f32 v26, v37;
	v5 =	vsub.f32 v7, v5;
	v6 =	vsub.f32 v9, v6  }
0x3d0: {  	v37 =	vld [tilespmem:$0x1FAF0];
	v7 =	vmin.f32 v25, v36;
	v2 =	vmax.f32 v14, $0.0e+00;
	v3 =	vmax.f32 v15, $0.0e+00  }
0x3d1: {  	v15 =	vld [tilespmem:$0x1FBF0];
	v59 =	vmul.f32 v3, v2;
	v20 =	vmax.f32 v5, $0.0e+00;
	v21 =	vmax.f32 v6, $0.0e+00  }
0x3d2: {  	v5 =	vadd.f32 v24, v22;
	v3 =	vmax.f32 v27, v34;
	v6 =	vmax.f32 v28, v35;
	v35 =	vld [tilespmem:$0x1FD40]  }
0x3d3: {  	v3 =	vsub.f32 v7, v3;
	v7 =	vadd.f32 v24, v42;
	v42 =	vld [tilespmem:$0x1FC70];
	[tilespmem:v8+s6+$0x0] =	vst.idx.msk vm0, v29  }
0x3d4: {  	v0 =	vsub.f32 v0, v6;
	v6 =	vld [tilespmem:$0x17A80]  }
0x3d5: {  	v39 =	vsub.f32 v5, v59;
	v5 =	vld [tilespmem:$0x17D80]  }
0x3d6: {  	v47 =	vld [tilespmem:$0x17F00]  }
0x3d7: {  	v14 =	vld [tilespmem:$0x18080]  }
0x3d8: {  	v1 =	vsub.f32 v1, v55;
	v51 =	vld [tilespmem:$0x18200]  }
0x3d9: {  	v19 =	vld [tilespmem:$0x18380]  }
0x3da: {  	v1 =	vadd.f32 $9.999999710e-10, v1;
	v13 =	vld [tilespmem:$0x17C00]  }
0x3db: {  	v10 =	vmax.f32 v28, v10;
	v53 =	vadd.f32 $9.999999710e-10, v39;
	v39 =	vld [tilespmem:$0x1FB70]  }
0x3dc: {  	v4 =	vsub.f32 v4, v58;
	(erf) = vrcp.f32 v1;
	v12 =	vmin.f32 v26, v12;
	v30 =	vld [tilespmem:$0x17D90]  }
0x3dd: {  	v2 =	vadd.f32 v24, v23;
	v61 =	vmul.f32 v21, v20;
	v8 =	vmax.f32 v27, v46;
	v46 =	vld [tilespmem:$0x17F10]  }
0x3de: {  	v50 =	vsub.f32 v12, v10;
	v38 =	vadd.f32 $9.999999710e-10, v4;
	v11 =	vmin.f32 v25, v11;
	v16 =	vld [tilespmem:$0x17DA0]  }
0x3df: {  	v2 =	vsub.f32 v2, v61;
	v3 =	vmax.f32 v3, $0.0e+00;
	v0 =	vmax.f32 v0, $0.0e+00;
	v17 =	vld [tilespmem:$0x17F20]  }
0x3e0: {  	(erf) = vrcp.f32 v38;
	v38 =	vmax.f32 v27, v37;
	v62 =	vmul.f32 v0, v3;
	v31 =	vld [tilespmem:$0x18220]  }
0x3e1: {  	v48 =	vsub.f32 v11, v8;
	v23 =	vmin.f32 v25, v15;
	v10 =	vld [tilespmem:$0x17C20];
	v18 =	vadd.f32 $9.999999710e-10, v2  }
0x3e2: {  	v34 =	vmax.f32 v50, $0.0e+00;
	v11 =	vld [tilespmem:$0x17F30];
	v36 =	vadd.f32 v24, v35;
	v4 =	vsub.f32 v23, v38  }
0x3e3: {  	v20 =	vld [tilespmem:$0x18240];
	v7 =	vsub.f32 v7, v62;
	v0 =	vmax.f32 v48, $0.0e+00;
	v29 =	vmin.f32 v26, v42  }
0x3e4: {  	v2 =	vld [tilespmem:$0x17A90];
	(erf) = vrcp.f32 v53;
	v0 =	vmul.f32 v34, v0;
	v48 =	vmax.f32 v4, $0.0e+00  }
0x3e5: {  	v53 =	vld [tilespmem:$0x1FD80];
	(erf) = vrcp.f32 v18;
	v7 =	vadd.f32 $9.999999710e-10, v7;
	v12 =	vmax.f32 v28, v39  }
0x3e6: {  	v4 =	vld [tilespmem:$0x17C10];
	v5 =	vmax.f32 v27, v5;
	v9 =	vmax.f32 v28, v47;
	v14 =	vmin.f32 v25, v14  }
0x3e7: {  	v8 =	vmin.f32 v26, v51;
	v47 =	vld [tilespmem:$0x18210];
	v3 =	vsub.f32 v36, v0;
	v15 =	vadd.f32 v19, v24  }
0x3e8: {  	v51 =	vld [tilespmem:$0x18390];
	v19 =	vmax.f32 v27, v30;
	v23 =	vmax.f32 v28, v46;
	v12 =	vsub.f32 v29, v12  }
0x3e9: {  	v29 =	vld [tilespmem:$0x18090];
	v5 =	vsub.f32 v14, v5;
	v8 =	vsub.f32 v8, v9;
	(erf) = vrcp.f32 v7  }
0x3ea: {  	v30 =	vld [tilespmem:$0x180A0];
	v14 =	vadd.f32 v24, v53;
	v3 =	vadd.f32 $9.999999710e-10, v3;
	v50 =	vmax.f32 v12, $0.0e+00  }
0x3eb: {  	v53 =	vld [tilespmem:$0x180B0];
	v5 =	vmax.f32 v5, $0.0e+00;
	v8 =	vmax.f32 v8, $0.0e+00;
	v1 =	vmul.f32 v50, v48  }
0x3ec: {  	v37 =	vmul.f32 v8, v5;
	(erf) = vrcp.f32 v3;
	v8 =	vmax.f32 v27, v16;
	v3 =	vld [tilespmem:$0x17AB0]  }
0x3ed: {  	v50 =	vmin.f32 v26, v31;
	v16 =	vld [tilespmem:$0x183B0];
	v9 =	vmin.f32 v26, v47;
	v46 =	vadd.f32 v51, v24  }
0x3ee: {  	v47 =	vmax.f32 v28, v17;
	v17 =	vld [tilespmem:$0x17DC0];
	v18 =	vsub.f32 v14, v1;
	v29 =	vmin.f32 v25, v29  }
0x3ef: {  	v48 =	vmin.f32 v25, v30;
	v9 =	vsub.f32 v9, v23;
	v23 =	vld [tilespmem:$0x17AA0];
	v34 =	vsub.f32 v29, v19  }
0x3f0: {  	v5 =	vsub.f32 v15, v37;
	v8 =	vsub.f32 v48, v8;
	v29 =	vld [tilespmem:$0x183A0];
	v12 =	vmin.f32 v25, v53  }
0x3f1: {  	v19 =	vld [tilespmem:$0x180C0];
	v35 =	vadd.f32 $9.999999710e-10, v18;
	v42 =	vmax.f32 v9, $0.0e+00;
	v39 =	vmax.f32 v34, $0.0e+00  }
0x3f2: {  	v53 =	vld [tilespmem:$0x17F50];
	v5 =	vadd.f32 $9.999999710e-10, v5;
	v9 =	vsub.f32 v50, v47;
	v38 =	vmul.f32 v42, v39  }
0x3f3: {  	v47 =	vld [tilespmem:$0x18230];
	(erf) = vrcp.f32 v35;
	v42 =	vmax.f32 v8, $0.0e+00  }
0x3f4: {  	v18 =	vld [tilespmem:$0x17F40];
	(erf) = vrcp.f32 v5;
	v51 =	vsub.f32 v46, v38;
	v46 =	vmax.f32 v9, $0.0e+00  }
0x3f5: {  	v30 =	vpop (erf);
	v39 =	vld [tilespmem:$0x17DB0];
	v21 =	vadd.f32 v29, v24;
	v50 =	vmul.f32 v46, v42  }
0x3f6: {  	v48 =	vpop (erf);
	v8 =	vld [tilespmem:$0x17C30];
	v17 =	vmax.f32 v27, v17;
	v19 =	vmin.f32 v25, v19;
	v5 =	vadd.f32 $9.999999710e-10, v51  }
0x3f7: {  	v34 =	vpop (erf);
	v9 =	vld [tilespmem:$0x17C40];
	v17 =	vsub.f32 v19, v17;
	v7 =	vsub.f32 v21, v50  }
0x3f8: {  	v11 =	vmax.f32 v28, v11;
	v35 =	vpop (erf);
	v19 =	vld [tilespmem:$0x17F60];
	(erf) = vrcp.f32 v5  }
0x3f9: {  	p6 =	sgt.s32 s22, $0x3FFFFFFF;
	v36 =	vpop (erf);
	v14 =	vmin.f32 v26, v47;
	v51 =	vmax.f32 v17, $0.0e+00;
	v17 =	vld [tilespmem:$0x18260];
	v7 =	vadd.f32 $9.999999710e-10, v7  }
0x3fa: {  	p2 =	por !p6, !p1;
	v20 =	vmin.f32 v26, v20;
	v18 =	vmax.f32 v28, v18;
	v29 =	vpop (erf);
	v11 =	vsub.f32 v14, v11;
	v14 =	vld [tilespmem:$0x180D0]  }
0x3fb: {  	vm9 =	vmmov vm8;
	p2 =	por !p2, !p2;
	[tilespmem:$0x1F7E0] =	vst v48;
	v48 =	vsub.f32 v20, v18;
	v20 =	vld [tilespmem:$0x183E0];
	v31 =	vpop (erf);
	(erf) = vrcp.f32 v7  }
0x3fc: {  	vm9 =	vmneg @p2 vm9;
	v21 =	vld [tilespmem:$0x183C0];
	v46 =	vmax.f32 v27, v39;
	v22 =	vpop (erf)  }
0x3fd: {  	vm4 =	vgt.s32 v6, $0x3FFFFFFF;
	vm2 =	vgt.s32 v2, $0x3FFFFFFF;
	v39 =	vld [tilespmem:$0x17DD0];
	v12 =	vsub.f32 v12, v46;
	v42 =	vpop (erf)  }
0x3fe: {  	v5 =	vld [tilespmem:$0x17AC0];
	v19 =	vmax.f32 v28, v19;
	v17 =	vmin.f32 v26, v17;
	v37 =	vmul.f32 v42, v37  }
0x3ff: {  	v11 =	vmax.f32 v11, $0.0e+00;
	v12 =	vmax.f32 v12, $0.0e+00;
	v17 =	vsub.f32 v17, v19;
	v19 =	vld [tilespmem:$0x183F0]  }
0x400: {  	v16 =	vadd.f32 v16, v24;
	v42 =	vmul.f32 v11, v12;
	v12 =	vld [tilespmem:$0x17AE0];
	vm15 =	vgt.f32 v37, $5.000000000e-01  }
0x401: {  	vm14 =	vgt.s32 v3, $0x3FFFFFFF;
	vm12 =	vgt.s32 v23, $0x3FFFFFFF;
	v46 =	vld [tilespmem:$0x17DE0];
	[tilespmem:$0x1F7F0] =	vst v22;
	vm0 =	vmand vm4, vm15;
	v22 =	vpop (erf)  }
0x402: {  	v7 =	vld [tilespmem:$0x17AD0];
	v14 =	vmin.f32 v25, v14;
	vm0 =	vmand vm9, vm0;
	v22 =	vmul.f32 v22, v38  }
0x403: {  	v16 =	vsub.f32 v16, v42;
	v17 =	vmax.f32 v17, $0.0e+00;
	v38 =	vld [tilespmem:$0x18250];
	v37 =	vsel vm0, v13, v6  }
0x404: {  	v13 =	vld [tilespmem:$0x180E0];
	v6 =	vmax.f32 v48, $0.0e+00;
	v19 =	vadd.f32 v19, v24;
	vm5 =	vgt.f32 v22, $5.000000000e-01;
	v47 =	vpop (erf)  }
0x405: {  	vm3 =	vgt.s32 v12, $0x3FFFFFFF;
	v22 =	vld [tilespmem:$0x183D0];
	vm1 =	vmand vm2, vm5;
	v15 =	vmul.f32 v47, v50  }
0x406: {  	v50 =	vadd.f32 $9.999999710e-10, v16;
	v47 =	vmax.f32 v27, v39;
	v16 =	vadd.f32 v21, v24;
	v21 =	vld [tilespmem:$0x17E00]  }
0x407: {  	v39 =	vld [tilespmem:$0x18280];
	vm5 =	vgt.s32 v5, $0x3FFFFFFF;
	vm10 =	vmand vm9, vm1;
	v48 =	vsub.f32 v14, v47  }
0x408: {  	vm11 =	vgt.f32 v15, $5.000000000e-01;
	v15 =	vmul.f32 v6, v51;
	v51 =	vmin.f32 v26, v38;
	v38 =	vld [tilespmem:$0x17F70]  }
0x409: {  	(erf) = vrcp.f32 v50;
	v50 =	vmax.f32 v28, v53;
	v53 =	vmax.f32 v27, v46;
	v46 =	vld [tilespmem:$0x18270]  }
0x40a: {  	v14 =	vld [tilespmem:$0x17DF0];
	v13 =	vmin.f32 v25, v13;
	v6 =	vmax.f32 v48, $0.0e+00;
	v18 =	vsub.f32 v51, v50  }
0x40b: {  	v48 =	vld [tilespmem:$0x180F0];
	v13 =	vsub.f32 v13, v53;
	v51 =	vadd.f32 v20, v24;
	vm0 =	vmand vm12, vm11  }
0x40c: {  	v53 =	vld [tilespmem:$0x18100];
	v16 =	vsub.f32 v16, v15;
	v50 =	vadd.f32 v22, v24;
	v18 =	vmax.f32 v18, $0.0e+00  }
0x40d: {  	v22 =	vld [tilespmem:$0x17F80];
	v13 =	vmax.f32 v13, $0.0e+00;
	v21 =	vmax.f32 v27, v21;
	v18 =	vmul.f32 v18, v6  }
0x40e: {  	v11 =	vld [tilespmem:$0x17C50];
	v16 =	vadd.f32 $9.999999710e-10, v16;
	v38 =	vmax.f32 v28, v38;
	v46 =	vmin.f32 v26, v46  }
0x40f: {  	v47 =	vld [tilespmem:$0x17C60];
	v39 =	vmin.f32 v26, v39;
	v6 =	vsub.f32 v50, v18;
	v50 =	vsub.f32 v46, v38  }
0x410: {  	v17 =	vmul.f32 v17, v13;
	v14 =	vmax.f32 v27, v14;
	v13 =	vld [tilespmem:$0x17B00];
	v48 =	vmin.f32 v25, v48  }
0x411: {  	(erf) = vrcp.f32 v16;
	v46 =	vld [tilespmem:$0x17C70];
	v53 =	vmin.f32 v25, v53;
	v20 =	vsub.f32 v48, v14  }
0x412: {  	v38 =	vsub.f32 v51, v17;
	v48 =	vld [tilespmem:$0x18400];
	v22 =	vmax.f32 v28, v22;
	v51 =	vsub.f32 v53, v21  }
0x413: {  	v16 =	vmax.f32 v50, $0.0e+00;
	v53 =	vsub.f32 v39, v22;
	v22 =	vld [tilespmem:$0x17E10];
	v20 =	vmax.f32 v20, $0.0e+00;
	v50 =	vpop (erf)  }
0x414: {  	v6 =	vadd.f32 $9.999999710e-10, v6;
	v16 =	vmul.f32 v16, v20;
	v39 =	vmul.f32 v50, v42;
	v42 =	vld [tilespmem:$0x17F90]  }
0x415: {  	v38 =	vadd.f32 $9.999999710e-10, v38;
	v20 =	vmax.f32 v51, $0.0e+00;
	v21 =	vmax.f32 v53, $0.0e+00;
	v50 =	vld [tilespmem:$0x18110]  }
0x416: {  	(erf) = vrcp.f32 v6;
	v20 =	vmul.f32 v21, v20;
	v21 =	vld [tilespmem:$0x18290];
	v19 =	vsub.f32 v19, v16  }
0x417: {  	(erf) = vrcp.f32 v38;
	v38 =	vsel vm10, v4, v2;
	v2 =	vld [tilespmem:$0x18410];
	v51 =	vadd.f32 v48, v24  }
0x418: {  	vm0 =	vmand vm9, vm0;
	v14 =	vld [tilespmem:$0x17AF0];
	vm13 =	vgt.f32 v39, $5.000000000e-01;
	v53 =	vadd.f32 $9.999999710e-10, v19  }
0x419: {  	v6 =	vld [tilespmem:$0x17B10];
	v39 =	vsel vm0, v10, v23;
	v22 =	vmax.f32 v27, v22;
	v48 =	vsub.f32 v51, v20  }
0x41a: {  	v10 =	vld [tilespmem:$0x17C90];
	vm15 =	vmand vm14, vm13;
	vm14 =	vgt.s32 v7, $0x3FFFFFFF;
	(erf) = vrcp.f32 v53  }
0x41b: {  	v19 =	vld [tilespmem:$0x17C80];
	v51 =	vpop (erf);
	v4 =	vadd.f32 $9.999999710e-10, v48;
	v23 =	vmax.f32 v28, v42;
	v53 =	vmin.f32 v25, v50  }
0x41c: {  	v21 =	vmin.f32 v26, v21;
	v42 =	vld [tilespmem:$0x17FA0];
	v2 =	vadd.f32 v2, v24;
	v15 =	vmul.f32 v51, v15  }
0x41d: {  	vm0 =	vmand vm9, vm15;
	v48 =	vld [tilespmem:$0x17E20];
	v22 =	vsub.f32 v53, v22;
	v21 =	vsub.f32 v21, v23  }
0x41e: {  	v23 =	vsel vm0, v8, v3;
	v8 =	vld [tilespmem:$0x17E30];
	(erf) = vrcp.f32 v4;
	vm4 =	vgt.f32 v15, $5.000000000e-01  }
0x41f: {  	v15 =	vld [tilespmem:$0x18120];
	v53 =	vpop (erf);
	v22 =	vmax.f32 v22, $0.0e+00;
	v21 =	vmax.f32 v21, $0.0e+00;
	vm1 =	vmand vm5, vm4  }
0x420: {  	v4 =	vmul.f32 v53, v18;
	v51 =	vpop (erf);
	v21 =	vmul.f32 v21, v22;
	v22 =	vld [tilespmem:$0x18420];
	vm4 =	vgt.s32 v6, $0x3FFFFFFF  }
0x421: {  	v18 =	vld [tilespmem:$0x18130];
	vm12 =	vmand vm9, vm1;
	v53 =	vmul.f32 v51, v17;
	v42 =	vmax.f32 v28, v42  }
0x422: {  	v50 =	vld [tilespmem:$0x182A0];
	vm13 =	vgt.f32 v4, $5.000000000e-01;
	v2 =	vsub.f32 v2, v21;
	v3 =	vsel vm12, v9, v5  }
0x423: {  	v17 =	vld [tilespmem:$0x17FB0];
	v8 =	vmax.f32 v27, v8;
	vm1 =	vmand vm14, vm13;
	vm15 =	vgt.f32 v53, $5.000000000e-01  }
0x424: {  	v5 =	vld [tilespmem:$0x18430];
	vm2 =	vmand vm3, vm15;
	v2 =	vadd.f32 $9.999999710e-10, v2;
	vm12 =	vmand vm9, vm1  }
0x425: {  	v9 =	vld [tilespmem:$0x17E40];
	vm15 =	vgt.s32 v14, $0x3FFFFFFF;
	v15 =	vmin.f32 v25, v15;
	vm13 =	vmand vm9, vm2  }
0x426: {  	v51 =	vpop (erf);
	v4 =	vsel vm12, v11, v7;
	v11 =	vld [tilespmem:$0x17FC0];
	v18 =	vmin.f32 v25, v18;
	v22 =	vadd.f32 v22, v24  }
0x427: {  	v53 =	vmul.f32 v51, v16;
	v16 =	vld [tilespmem:$0x182B0];
	(erf) = vrcp.f32 v2;
	v2 =	vsel vm13, v47, v12  }
0x428: {  	v12 =	vmax.f32 v27, v48;
	v48 =	vld [tilespmem:$0x182C0];
	v17 =	vmax.f32 v28, v17;
	vm13 =	vgt.s32 v13, $0x3FFFFFFF  }
0x429: {  	v47 =	vld [tilespmem:$0x17E50];
	v51 =	vpop (erf);
	v12 =	vsub.f32 v15, v12;
	vm14 =	vgt.f32 v53, $5.000000000e-01;
	v53 =	vmin.f32 v26, v50  }
0x42a: {  	v7 =	vmul.f32 v51, v20;
	v20 =	vld [tilespmem:$0x18140];
	v51 =	vsub.f32 v53, v42;
	v53 =	vsub.f32 v18, v8  }
0x42b: {  	v9 =	vmax.f32 v27, v9;
	vm5 =	vmand vm15, vm14;
	v42 =	vld [tilespmem:$0x18440];
	v12 =	vmax.f32 v12, $0.0e+00  }
0x42c: {  	vm12 =	vgt.f32 v7, $5.000000000e-01;
	v16 =	vmin.f32 v26, v16;
	v7 =	vmax.f32 v53, $0.0e+00;
	v53 =	vld [tilespmem:$0x18450]  }
0x42d: {  	vm0 =	vmand vm9, vm5;
	v11 =	vmax.f32 v28, v11;
	v50 =	vsub.f32 v16, v17;
	v16 =	vld [tilespmem:$0x17FD0]  }
0x42e: {  	v15 =	vmax.f32 v51, $0.0e+00;
	vm14 =	vmand vm13, vm12;
	v48 =	vmin.f32 v26, v48;
	v17 =	vld [tilespmem:$0x18150]  }
0x42f: {  	v12 =	vmul.f32 v15, v12;
	v15 =	vld [tilespmem:$0x182D0];
	v11 =	vsub.f32 v48, v11;
	v20 =	vmin.f32 v25, v20  }
0x430: {  	v47 =	vmax.f32 v27, v47;
	v8 =	vmax.f32 v50, $0.0e+00;
	v9 =	vsub.f32 v20, v9;
	v20 =	vld [tilespmem:$0x182E0]  }
0x431: {  	v48 =	vmax.f32 v11, $0.0e+00;
	v11 =	vld [tilespmem:$0x17E70];
	v18 =	vpop (erf);
	v50 =	vmul.f32 v8, v7;
	v7 =	vadd.f32 v5, v24  }
0x432: {  	v51 =	vsub.f32 v22, v12;
	v5 =	vsel vm0, v46, v14;
	v14 =	vld [tilespmem:$0x17E60];
	v8 =	vmul.f32 v18, v21  }
0x433: {  	v46 =	vld [tilespmem:$0x18160];
	vm0 =	vmand vm9, vm14;
	v7 =	vsub.f32 v7, v50;
	v17 =	vmin.f32 v25, v17  }
0x434: {  	v21 =	vld [tilespmem:$0x17FE0];
	v16 =	vmax.f32 v28, v16;
	v15 =	vmin.f32 v26, v15;
	vm15 =	vgt.f32 v8, $5.000000000e-01  }
0x435: {  	v18 =	vld [tilespmem:$0x18460];
	v8 =	vadd.f32 $9.999999710e-10, v51;
	v51 =	vmax.f32 v9, $0.0e+00;
	v17 =	vsub.f32 v17, v47  }
0x436: {  	v15 =	vsub.f32 v15, v16;
	v16 =	vld [tilespmem:$0x18000];
	v22 =	vadd.f32 $9.999999710e-10, v7;
	v7 =	vsel vm0, v19, v13  }
0x437: {  	v47 =	vld [tilespmem:$0x18300];
	vm5 =	vmand vm4, vm15;
	v20 =	vmin.f32 v26, v20;
	v11 =	vmax.f32 v27, v11  }
0x438: {  	v13 =	vld [tilespmem:$0x18170];
	(erf) = vrcp.f32 v8;
	v8 =	vmul.f32 v48, v51;
	v51 =	vadd.f32 v42, v24  }
0x439: {  	v19 =	vld [tilespmem:$0x18470];
	v14 =	vmax.f32 v27, v14;
	v48 =	vmin.f32 v25, v46;
	v17 =	vmax.f32 v17, $0.0e+00  }
0x43a: {  	v42 =	vld [tilespmem:$0x17FF0];
	v15 =	vmax.f32 v15, $0.0e+00;
	vm0 =	vmand vm9, vm5;
	(erf) = vrcp.f32 v22  }
0x43b: {  	v22 =	vld [tilespmem:$0x182F0];
	v21 =	vmax.f32 v28, v21;
	v14 =	vsub.f32 v48, v14;
	v15 =	vmul.f32 v15, v17  }
0x43c: {  	v46 =	vld [tilespmem:$0x17E80];
	v17 =	vadd.f32 v53, v24;
	v18 =	vadd.f32 v18, v24;
	v6 =	vsel vm0, v10, v6  }
0x43d: {  	v48 =	vld [tilespmem:$0x18480];
	v9 =	vsub.f32 v51, v8;
	v20 =	vsub.f32 v20, v21;
	v14 =	vmax.f32 v14, $0.0e+00  }
0x43e: {  	v53 =	vld [tilespmem:$0x17E90];
	v17 =	vsub.f32 v17, v15;
	v16 =	vmax.f32 v28, v16;
	v47 =	vmin.f32 v26, v47  }
0x43f: {  	v10 =	vld [tilespmem:$0x18030];
	v20 =	vmax.f32 v20, $0.0e+00;
	v13 =	vmin.f32 v25, v13;
	v9 =	vadd.f32 $9.999999710e-10, v9  }
0x440: {  	v21 =	vld [tilespmem:$0x18180];
	v16 =	vsub.f32 v47, v16;
	v42 =	vmax.f32 v28, v42;
	v22 =	vmin.f32 v26, v22  }
0x441: {  	v47 =	vld [tilespmem:$0x17EB0];
	v14 =	vmul.f32 v20, v14;
	v11 =	vsub.f32 v13, v11;
	v51 =	vsub.f32 v22, v42  }
0x442: {  	v20 =	vld [tilespmem:$0x18010];
	(erf) = vrcp.f32 v9;
	v9 =	vadd.f32 $9.999999710e-10, v17;
	v16 =	vmax.f32 v16, $0.0e+00  }
0x443: {  	v22 =	vld [tilespmem:$0x18190];
	v18 =	vsub.f32 v18, v14;
	v11 =	vmax.f32 v11, $0.0e+00;
	v42 =	vpop (erf);
	v13 =	vmax.f32 v51, $0.0e+00  }
0x444: {  	v51 =	vld [tilespmem:$0x18310];
	v12 =	vmul.f32 v42, v12;
	v11 =	vmul.f32 v13, v11;
	v42 =	vadd.f32 v19, v24  }
0x445: {  	v53 =	vmax.f32 v27, v53;
	v21 =	vmin.f32 v25, v21;
	v17 =	vadd.f32 $9.999999710e-10, v18;
	v18 =	vld [tilespmem:$0x18020]  }
0x446: {  	(erf) = vrcp.f32 v9;
	v19 =	vld [tilespmem:$0x17EA0];
	v9 =	vpop (erf);
	v13 =	vsub.f32 v42, v11;
	v42 =	vmax.f32 v27, v46  }
0x447: {  	v10 =	vmax.f32 v28, v10;
	v9 =	vmul.f32 v9, v50;
	v46 =	vld [tilespmem:$0x181A0];
	v21 =	vsub.f32 v21, v42  }
0x448: {  	v20 =	vmax.f32 v28, v20;
	(erf) = vrcp.f32 v17;
	v42 =	vld [tilespmem:$0x18320];
	v13 =	vadd.f32 $9.999999710e-10, v13  }
0x449: {  	v17 =	vld [tilespmem:$0x181B0];
	vm12 =	vgt.f32 v12, $5.000000000e-01;
	vm14 =	vgt.f32 v9, $5.000000000e-01;
	v50 =	vmax.f32 v21, $0.0e+00  }
0x44a: {  	(erf) = vrcp.f32 v13;
	v13 =	vmul.f32 v16, v50;
	v50 =	vmin.f32 v25, v22  }
0x44b: {  	v18 =	vmax.f32 v28, v18;
	v22 =	vld [tilespmem:$0x18330];
	v16 =	vsub.f32 v50, v53;
	v53 =	vmin.f32 v26, v51  }
0x44c: {  	v19 =	vmax.f32 v27, v19;
	v50 =	vmin.f32 v25, v46;
	v46 =	vld [tilespmem:$0x18490];
	v20 =	vsub.f32 v53, v20  }
0x44d: {  	v19 =	vsub.f32 v50, v19;
	v51 =	vmin.f32 v26, v42;
	v53 =	vmax.f32 v27, v47;
	v27 =	vld [tilespmem:$0x17B20]  }
0x44e: {  	v17 =	vmin.f32 v25, v17;
	v42 =	vadd.f32 v48, v24;
	v47 =	vld [tilespmem:$0x184A0];
	v18 =	vsub.f32 v51, v18  }
0x44f: {  	v48 =	vld [tilespmem:$0x184B0];
	v16 =	vmax.f32 v16, $0.0e+00;
	v17 =	vsub.f32 v17, v53;
	v20 =	vmax.f32 v20, $0.0e+00  }
0x450: {  	v19 =	vmax.f32 v19, $0.0e+00;
	v51 =	vsub.f32 v42, v13;
	v22 =	vmin.f32 v26, v22  }
0x451: {  	v18 =	vmax.f32 v18, $0.0e+00;
	v12 =	vmul.f32 v20, v16;
	v17 =	vmax.f32 v17, $0.0e+00  }
0x452: {  	v10 =	vsub.f32 v22, v10;
	v16 =	vmul.f32 v18, v19;
	v53 =	vadd.f32 v46, v24  }
0x453: {  	v50 =	vld [tilespmem:$0x17CA0];
	v19 =	vadd.f32 $9.999999710e-10, v51;
	v42 =	vpop (erf);
	vm13 =	vgt.s32 v27, $0x3FFFFFFF;
	v21 =	vadd.f32 v47, v24  }
0x454: {  	v26 =	vld [tilespmem:$0x17CB0];
	v22 =	vadd.f32 v48, v24;
	v8 =	vmul.f32 v42, v8;
	v10 =	vmax.f32 v10, $0.0e+00  }
0x455: {  	v24 =	vld [tilespmem:$0x17B40];
	vm0 =	vmand vm13, vm12;
	v20 =	vsub.f32 v53, v12;
	(erf) = vrcp.f32 v19  }
0x456: {  	v48 =	vpop (erf);
	v10 =	vmul.f32 v10, v17;
	v17 =	vld [tilespmem:$0x17B30];
	vm0 =	vmand vm9, vm0;
	v25 =	vsub.f32 v21, v16  }
0x457: {  	v46 =	vld [tilespmem:$0x17B50];
	vm4 =	vgt.f32 v8, $5.000000000e-01;
	v8 =	vmul.f32 v48, v15;
	v20 =	vadd.f32 $9.999999710e-10, v20  }
0x458: {  	v51 =	vpop (erf);
	v18 =	vsel vm0, v50, v27;
	v50 =	vld [tilespmem:$0x17B60];
	v22 =	vsub.f32 v22, v10;
	v19 =	vadd.f32 $9.999999710e-10, v25  }
0x459: {  	[tilespmem:$0x17A80] =	vst v37;
	v47 =	vld [tilespmem:$0x17CC0];
	v14 =	vmul.f32 v51, v14;
	vm13 =	vgt.f32 v8, $5.000000000e-01;
	(erf) = vrcp.f32 v20  }
0x45a: {  	[tilespmem:$0x17A90] =	vst v38;
	v53 =	vld [tilespmem:$0x17CD0];
	vm5 =	vgt.s32 v24, $0x3FFFFFFF;
	v22 =	vadd.f32 $9.999999710e-10, v22;
	(erf) = vrcp.f32 v19  }
0x45b: {  	[tilespmem:$0x17AA0] =	vst v39;
	v15 =	vld [tilespmem:$0x17B70];
	vm12 =	vmand vm5, vm4;
	v25 =	vpop (erf);
	vm4 =	vgt.f32 v14, $5.000000000e-01;
	vm15 =	vgt.s32 v17, $0x3FFFFFFF  }
0x45c: {  	v38 =	vld [tilespmem:$0x17CF0];
	[tilespmem:$0x17AB0] =	vst v23;
	v8 =	vmul.f32 v25, v11;
	vm0 =	vmand vm15, vm14;
	(erf) = vrcp.f32 v22  }
0x45d: {  	v23 =	vld [tilespmem:$0x17B80];
	[tilespmem:$0x17AC0] =	vst v3;
	vm14 =	vgt.s32 v46, $0x3FFFFFFF;
	vm5 =	vgt.s32 v50, $0x3FFFFFFF;
	vm0 =	vmand vm9, vm0  }
0x45e: {  	[tilespmem:$0x17AD0] =	vst v4;
	v42 =	vld [tilespmem:$0x17D00];
	vm15 =	vmand vm14, vm13;
	v9 =	vsel vm0, v26, v17;
	vm0 =	vmand vm9, vm12  }
0x45f: {  	[tilespmem:$0x17AE0] =	vst v2;
	vm13 =	vgt.f32 v8, $5.000000000e-01;
	v26 =	vld [tilespmem:$0x17CE0];
	v37 =	vpop (erf);
	v24 =	vsel vm0, v47, v24;
	vm0 =	vmand vm9, vm15  }
0x460: {  	[tilespmem:$0x17AF0] =	vst v5;
	vm14 =	vgt.s32 v15, $0x3FFFFFFF;
	v2 =	vmul.f32 v37, v13;
	v39 =	vsel vm0, v53, v46;
	v46 =	vld [tilespmem:$0x17B90]  }
0x461: {  	[tilespmem:$0x17B00] =	vst v7;
	vm12 =	vmand vm5, vm4;
	vm1 =	vmand vm14, vm13;
	v53 =	vld [tilespmem:$0x17BB0]  }
0x462: {  	[tilespmem:$0x17B10] =	vst v6;
	v48 =	vld [tilespmem:$0x17BA0];
	vm0 =	vmand vm9, vm12;
	vm12 =	vgt.s32 v23, $0x3FFFFFFF;
	vm15 =	vgt.f32 v2, $5.000000000e-01;
	v47 =	vpop (erf)  }
0x463: {  	[tilespmem:$0x17B20] =	vst v18;
	vm13 =	vmand vm9, vm1;
	vm14 =	vmand vm12, vm15;
	v6 =	vmul.f32 v47, v12  }
0x464: {  	v19 =	vld [tilespmem:$0x17D10];
	[tilespmem:$0x17B30] =	vst v9;
	v22 =	vsel vm13, v38, v15;
	v50 =	vsel vm0, v26, v50;
	v51 =	vpop (erf);
	vm1 =	vmand vm9, vm14  }
0x465: {  	[tilespmem:$0x17B40] =	vst v24;
	v20 =	vmul.f32 v51, v16;
	v3 =	vsel vm1, v42, v23;
	v23 =	vld [tilespmem:$0x17D20];
	v21 =	vpop (erf);
	vm15 =	vgt.f32 v6, $5.000000000e-01  }
0x466: {  	v24 =	vld [tilespmem:$0x17D30];
	[tilespmem:$0x17B50] =	vst v39;
	vm12 =	vgt.s32 v46, $0x3FFFFFFF;
	vm4 =	vgt.s32 v53, $0x3FFFFFFF;
	v10 =	vmul.f32 v21, v10  }
0x467: {  	[tilespmem:$0x17B70] =	vst v22;
	vm13 =	vgt.f32 v20, $5.000000000e-01;
	vm0 =	vmand vm12, vm15;
	vm15 =	vgt.s32 v48, $0x3FFFFFFF  }
0x468: {  	[tilespmem:$0x17B60] =	vst v50;
	vm0 =	vmand vm9, vm0;
	vm1 =	vmand vm15, vm13;
	vm14 =	vgt.f32 v10, $5.000000000e-01  }
0x469: {  	[tilespmem:$0x17B80] =	vst v3;
	v25 =	vsel vm0, v19, v46;
	vm1 =	vmand vm9, vm1;
	vm5 =	vmand vm4, vm14  }
0x46a: {  	[tilespmem:$0x17B90] =	vst v25;
	v2 =	vsel vm1, v23, v48;
	vm0 =	vmand vm9, vm5  }
0x46b: {  	[tilespmem:$0x17BA0] =	vst v2;
	v26 =	vsel vm0, v24, v53  }
0x46c: {  	s0 =	simm.s32 @!p0 $0x13E80;
	v38 =	vld [tilespmem:$0x1F7E0];
	[tilespmem:$0x17BB0] =	vst v26  }
0x46d: {  	v2 =	vld.idx.msk @!p0 [tilespmem:v54+s0+$0x0], $0xffff;
	s0 =	simm.s32 @!p0 $0xC680  }
0x46e: {  	v3 =	vld.idx.msk @!p0 [tilespmem:v54+s0+$0x0], $0xffff  }
0x46f: {  	s1 =	simm.s32 @!p0 $0xB280;
	v0 =	vmul.f32 v31, v0  }
0x470: {  	vm6 =	vcmask @!p0 $0x3F08;
	vm10 =	vmmov vm8;
	v5 =	vld.idx.msk @!p0 [tilespmem:v54+s1+$0x0], $0xffff  }
0x471: {  	vm7 =	vmmov @!p0 $0x1;
	p2 =	por !p2, p0;
	vm11 =	vgt.f32 v0, $5.000000000e-01;
	vm10 =	vmneg @p1 vm10;
	v51 =	vld [tilespmem:$0x1FD50];
	s0 =	simm.s32 @!p0 $0x9E80  }
0x472: {  	v37 =	vmul.f32 v30, v57;
	vm0 =	vcmask @!p0 $0x3F14;
	v6 =	vld.idx.msk @!p0 [tilespmem:v54+s0+$0x0], $0xffff;
	s0 =	simm.s32 @!p0 $0x8A80;
	v2 =	vpsel p2, $0xBF800000, v2  }
0x473: {  	v39 =	vmul.f32 v34, v58;
	v4 =	vmul.f32 v38, v55;
	v2 =	vsel @!p0 vm0, v3, v2;
	v3 =	vld.idx.msk @!p0 [tilespmem:v54+s0+$0x0], $0xffff  }
0x474: {  	v47 =	vmul.f32 v29, v62;
	v42 =	vmul.f32 v35, v59;
	v48 =	vld [tilespmem:$0x1F7F0];
	s1 =	simm.s32 @!p0 $0x7680;
	vm0 =	vcmask @!p0 $0x3F10  }
0x475: {  	vm12 =	vgt.f32 v37, $5.000000000e-01;
	vm13 =	vgt.f32 v4, $5.000000000e-01;
	v2 =	vsel @!p0 vm0, v2, v5;
	v5 =	vld.idx.msk @!p0 [tilespmem:v54+s1+$0x0], $0xffff  }
0x476: {  	v46 =	vmul.f32 v36, v61;
	vm4 =	vgt.f32 v39, $5.000000000e-01;
	vm0 =	vcmask @!p0 $0x3F0C  }
0x477: {  	v50 =	vld [tilespmem:$0x1FA00];
	vm14 =	veq.s32 v51, s21;
	vm5 =	vgt.f32 v42, $5.000000000e-01;
	v2 =	vsel @!p0 vm0, v2, v6  }
0x478: {  	vm1 =	vgt.f32 v46, $5.000000000e-01;
	v2 =	vsel @!p0 vm6, v2, v3;
	vm6 =	vgt.s32 v45, $0x3FFFFFFF  }
0x479: {  	v53 =	vld [tilespmem:$0x1FA10];
	v1 =	vmul.f32 v48, v1;
	vm0 =	vgt.f32 v47, $5.000000000e-01;
	vm2 =	vmand vm6, vm12  }
0x47a: {  	v0 =	vsel @!p0 vm7, v5, v2;
	vm6 =	vgt.s32 v41, $0x3FFFFFFF;
	vm2 =	vmand vm9, vm2  }
0x47b: {  	vm3 =	vmand vm6, vm13;
	vm6 =	veq.s32 v32, s21;
	vm13 =	veq.s32 v52, s21  }
0x47c: {  	v54 =	vld [tilespmem:$0x1FA20];
	v2 =	vsel vm2, v50, v45;
	vm2 =	vmand vm10, vm14;
	vm3 =	vmand vm9, vm3  }
0x47d: {  	vm15 =	vmand vm10, vm6;
	vm6 =	vgt.s32 v40, $0x3FFFFFFF;
	vm14 =	vgt.s32 v49, $0x3FFFFFFF  }
0x47e: {  	v55 =	vld [tilespmem:$0x1FA30];
	v3 =	vsel vm3, v53, v41;
	v45 =	vsel vm2, $0xFFFFFFFB, v2;
	vm12 =	vmand vm6, vm4  }
0x47f: {  	vm3 =	vmand vm10, vm13;
	vm13 =	veq.s32 v44, s21;
	v41 =	vsel vm15, $0xFFFFFFFB, v3  }
0x480: {  	v57 =	vld [tilespmem:$0x1FA40];
	vm2 =	vmand vm9, vm12;
	vm15 =	vmand vm14, vm5;
	vm12 =	vgt.s32 v43, $0x3FFFFFFF  }
0x481: {  	v58 =	vld [tilespmem:$0x1FA50];
	vm14 =	veq.s32 v33, s21;
	v2 =	vsel vm2, v54, v40;
	vm2 =	vmand vm9, vm15  }
0x482: {  	v59 =	vld [tilespmem:$0x1FA60];
	vm1 =	vmand vm12, vm1;
	vm15 =	vmand vm10, vm14;
	vm12 =	vgt.s32 v63, $0x3FFFFFFF  }
0x483: {  	v40 =	vsel vm3, $0xFFFFFFFB, v2;
	v2 =	vsel vm2, v55, v49;
	vm2 =	vmand vm10, vm13  }
0x484: {  	s1 =	simm.s32 $0x1;
	vm1 =	vmand vm9, vm1;
	vm0 =	vmand vm12, vm0;
	vm13 =	vgt.s32 v60, $0x3FFFFFFF  }
0x485: {  	v61 =	vld [tilespmem:$0x1FD30];
	s1 =	simm.s32 @!p1 $0x0;
	v3 =	vsel vm1, v57, v43;
	vm0 =	vmand vm9, vm0;
	vm1 =	vmand vm13, vm11  }
0x486: {  	s0 =	sshll.u32 @!p0 s18, $0x7;
	s18 =	sadd.s32 s1, s18;
	v49 =	vsel vm2, $0xFFFFFFFB, v2;
	v2 =	vsel vm0, v58, v63;
	vm1 =	vmand vm9, vm1;
	v63 =	vld [tilespmem:$0x1FD70]  }
0x487: {  	p2 =	slt.s32 s18, $0x64;
	vm2 =	vmmov @!p0 $0x3f;
	v43 =	vsel vm15, $0xFFFFFFFB, v3;
	v3 =	vsel vm1, v59, v60;
	v60 =	vld [tilespmem:$0x1FD10]  }
0x488: {  	v62 =	vld [tilespmem:$0x1FA70];
	p1 =	por !p1, !p2;
	vm14 =	vgt.f32 v1, $5.000000000e-01;
	v1 =	vlaneseq.u32 @!p0;
	vm2 =	vmand @!p0 vm10, vm2  }
0x489: {  	p1 =	por !p1, !p1;
	v1 =	vor.u32 @!p0 s0, v1;
	vm15 =	vgt.s32 v56, $0x3FFFFFFF  }
.Ltmp2:
0x48a: {  	vm12 =	vmand vm15, vm14;
	(pc) =	sbr.rel @p1 .LBB2_6-.Ltmp2, $4  }
0x48b: {  	v29 =	vimm.s32 $0xFFFFFFFB;
	vm14 =	veq.s32 v61, s21;
	vm0 =	vmand vm9, vm12  }
0x48c: {  	vm3 =	vmand vm10, vm14;
	vm15 =	veq.s32 v63, s21;
	vm13 =	veq.s32 v60, s21  }
0x48d: {  	s0 =	simm.s32 @!p0 $0x18E00;
	v4 =	vsel vm0, v62, v56;
	vm0 =	vmand vm10, vm15;
	vm1 =	vmand vm10, vm13  }
0x48e: {  	s20 =	sadd.s32 $0xFFFFFFFF, s20;
	[tilespmem:v1+s0+$0x0] =	vst.idx.msk @!p0 vm2, v0;
	v60 =	vsel vm3, $0xFFFFFFFB, v3;
	v56 =	vsel vm0, $0xFFFFFFFB, v4;
	v63 =	vsel vm1, $0xFFFFFFFB, v2  }
.Ltmp3:
0x48f: {  	(pc) =	sbr.rel @p2 .LBB2_5-.Ltmp3, $2  }
0x490: {  	_ =	sdelay $0x2  }
0x491: {  	s17 =	sadd.s32 $0x1, s17  }
0x492: {  	_ =	sfence.sel @p0 $0x180000  }
0x493: {  	[bflag:$0x0] =	sbarrier.arrive @p0 $0xFFFF  }
0x494: {  	_ =	strace @p0 $0x90000047  }
0x495: {  	[bflag:$0x2] =	sbarrier.arrive @p0 $0xFFFF  }
0x496: {  	s0 =	simm.s32 @!p0 $0x0;
	s1 =	simm.s32 @!p0 $0x18E00;
	s2 =	rddreg [dreg:$0x4]  }
0x497: {  	[hbm4b:s2+s0] =	stream.linear.scatter @!p0 [tilespmem:s1], [sflag:$0x1], $0x3200, $0x38;
	[tilespmem:$0x1C200] =	vst v63  }
0x498: {  	s0 =	simm.s32 @!p0 $0x1  }
0x499: {  	_ =	swait.ge @!p0 [sflag:s0], $0x3200  }
0x49a: {  	[sflag:s0] =	ssyncset.done @!p0 $0x0  }
0x49b: {  	[sflag:s0] =	ssyncadd.s32 @!p0 $0xFFFFCE00  }
0x49c: {  	_ =	sfence.sel @!p0 $0x180000  }
0x49d: {  	[bflag:$0x0] =	sbarrier.arrive @!p0 $0xFFFF  }
0x49e: {  	_ =	strace @!p0 $0x90000047  }
0x49f: {  	[bflag:$0x2] =	sbarrier.arrive @!p0 $0xFFFF  }
0x4a0: {  	s0 =	rddreg [dreg:$0x3]  }
0x4a1: {  	s0 =	sadd.s32 @!p0 $0x100000, s0  }
0x4a2: {  	[sflag:s0] =	ssyncadd.tile.s32 @!p0 $0x1;
	_ =	shalt  }
.Lfunc_end2:
_tile_overlayer_lowered:
.L_overlay_start_2:
0x4a3: {  	(tag) =	ssettag $0x2  }
0x4a4: {  	s0 =	rddreg [dreg:$0x0];
	s2 =	stileid.u32  }
0x4a5: {  	s1 =	rddreg [dreg:$0x1];
	p0 =	sne.s32 s2, $0x0  }
0x4a6: {  	s3 =	rddreg [dreg:$0x2];
	[bflag:$0x3] =	sbarrier.arrive $0xFFFF;
	s2 =	simm.s32 @!p0 $0x1C01  }
0x4a7: {  	[timem:s3], [sflag:s2] =	dma.local @!p0 [hbm:s0], s1  }
0x4a8: {  	s0 =	simm.s32 @!p0 $0x1  }
0x4a9: {  	_ =	swait.ge @!p0 [sflag:s0], s1  }
0x4aa: {  	s1 =	ssub.s32 @!p0 $0x0, s1;
	[sflag:s0] =	ssyncset.done @!p0 $0x0  }
0x4ab: {  	[sflag:s0] =	ssyncadd.s32 @!p0 s1  }
0x4ac: {  	[bflag:$0x3] =	sbarrier.arrive $0xFFFF  }
0x4ad: {  	_ =	shalt  }

</sc_bundles>
